<compile_context>
chip_gen: v7x
topology: tpu7x:2x2x1
jax: 0.10.2.dev20260603
libtpu: 0.0.44.dev20260713+nightly
codegen_flags: <defaults>
</compile_context>

<pallas_src>
import functools

import jax
import jax.numpy as jnp
from jax import lax
from jax.experimental import pallas as pl
from jax.experimental.pallas import tpu as pltpu
from jax.experimental.pallas import tpu_sc as plsc

N = 10000
NP = 10240
D = 128
H = 256
E = 320000
NTILES = 16
K = 80
NCH = 250
EPT = NCH * K
EP = EPT * NTILES
RPT = NP // NTILES


DH = D // 2


def _sc_agg_body(x_hbm, src_hbm, dst_hbm, s_hbm, cnt_hbm,
                 idx_s, idx_d, rows, rows2, rows3, rows4, rows5, rows6, ones, zbuf, cbuf,
                 acc_sh, cnt_sh, sem, sem2, sem3):
    c = lax.axis_index("c")
    s = lax.axis_index("s")

    zero16 = jnp.zeros((16,), jnp.float32)
    one16 = jnp.ones((16,), jnp.float32)

    for k in range(K // 16):
        ones[pl.ds(k * 16, 16)] = one16

    def fill_cb(i, _):
        cbuf[pl.ds(i * 16, 16)] = zero16
        return 0
    lax.fori_loop(0, RPT // 16, fill_cb, 0)
    pltpu.sync_copy(cbuf, cnt_sh.at[pl.ds(s * RPT, RPT)])

    pltpu.sync_copy(src_hbm.at[c, s], idx_s)
    pltpu.sync_copy(dst_hbm.at[c, s], idx_d)

    for p in range(2):
        def fill_z(i, _):
            for k in range(DH // 16):
                zbuf[i, pl.ds(k * 16, 16)] = zero16
            return 0
        lax.fori_loop(0, 128, fill_z, 0)
        for k in range(RPT // 128):
            pltpu.sync_copy(zbuf, acc_sh.at[pl.ds(s * RPT + k * 128, 128)])
        plsc.subcore_barrier()

        xsrc = x_hbm.at[p]
        with_counts = (p == 0)
        bufs = (rows, rows2, rows3, rows4, rows5, rows6)

        def wait_g(buf):
            pltpu.make_async_copy(xsrc.at[idx_s.at[0]], buf, sem).wait()

        def wait_s(buf):
            pltpu.make_async_copy(xsrc.at[idx_s.at[0]], buf, sem2).wait()

        def step(j, x_buf, n_buf, first=False, guard=False):
            wait_g(x_buf)
            pltpu.async_copy(x_buf, acc_sh.at[idx_d.at[j]], sem2, add=True)
            if not first:
                wait_s(x_buf)
            if guard:
                @pl.when(j + 5 < NCH)
                def _():
                    pltpu.async_copy(xsrc.at[idx_s.at[j + 5]], n_buf, sem)
            else:
                pltpu.async_copy(xsrc.at[idx_s.at[j + 5]], n_buf, sem)
            if with_counts:
                pltpu.sync_copy(ones, cnt_sh.at[idx_d.at[j]], add=True)

        for w in range(5):
            pltpu.async_copy(xsrc.at[idx_s.at[w]], bufs[w], sem)
        step(0, bufs[0], bufs[5], first=True)
        for w in range(1, 4):
            step(w, bufs[w], bufs[w - 1])

        def grp(g, _):
            for k in range(6):
                j = 4 + g * 6 + k
                step(j, bufs[(4 + k) % 6], bufs[(3 + k) % 6], guard=True)
            return 0
        lax.fori_loop(0, (NCH - 4) // 6, grp, 0)
        wait_s(bufs[0])

        plsc.subcore_barrier()

        for k in range(RPT // 128):
            pltpu.sync_copy(acc_sh.at[pl.ds(s * RPT + k * 128, 128)], zbuf)
            pltpu.sync_copy(zbuf, s_hbm.at[c, p, pl.ds(s * RPT + k * 128, 128)])

    pltpu.sync_copy(cnt_sh.at[pl.ds(s * RPT, RPT)], cbuf)
    pltpu.sync_copy(cbuf, cnt_hbm.at[c, pl.ds(s * RPT, RPT)])


@functools.lru_cache(maxsize=1)
def _make_sc_agg():
    return pl.kernel(
        _sc_agg_body,
        mesh=plsc.VectorSubcoreMesh(core_axis_name="c", subcore_axis_name="s"),
        compiler_params=pltpu.CompilerParams(use_tc_tiling_on_sc=False),
        out_type=[
            jax.ShapeDtypeStruct((2, 2, NP, DH), jnp.float32),
            jax.ShapeDtypeStruct((2, NP), jnp.float32),
        ],
        scratch_types=[
            pltpu.VMEM((NCH, K), jnp.int32),
            pltpu.VMEM((NCH, K), jnp.int32),
            pltpu.VMEM((K, DH), jnp.float32),
            pltpu.VMEM((K, DH), jnp.float32),
            pltpu.VMEM((K, DH), jnp.float32),
            pltpu.VMEM((K, DH), jnp.float32),
            pltpu.VMEM((K, DH), jnp.float32),
            pltpu.VMEM((K, DH), jnp.float32),
            pltpu.VMEM((K,), jnp.float32),
            pltpu.VMEM((128, DH), jnp.float32),
            pltpu.VMEM((RPT,), jnp.float32),
            pltpu.VMEM_SHARED((NP, DH), jnp.float32),
            pltpu.VMEM_SHARED((NP,), jnp.float32),
            pltpu.SemaphoreType.DMA,
            pltpu.SemaphoreType.DMA,
            pltpu.SemaphoreType.DMA,
        ],
    )


def _sc_agg(x, src, dst):
    return _make_sc_agg()(x, src, dst)


BR = 200


def _tc_dense_body(x_ref, s0_ref, s1_ref, c0_ref, c1_ref,
                   h1_ref, h2_ref, h3_ref,
                   wl0_ref, wr0_ref, b0_ref, wl1_ref, wr1_ref, b1_ref,
                   wih1_ref, whh1_ref, bih1_ref, bhh1_ref,
                   wih2_ref, whh2_ref, bih2_ref, bhh2_ref,
                   wih3_ref, whh3_ref, bih3_ref, bhh3_ref,
                   o1_ref, o2_ref, o3_ref):
    f32 = jnp.float32
    xv = x_ref[...]
    inv0 = 1.0 / jnp.maximum(c0_ref[...], 1.0)
    inv1 = 1.0 / jnp.maximum(c1_ref[...], 1.0)
    mean0 = s0_ref[...].astype(f32) * inv0
    mean1 = s1_ref[...].astype(f32) * inv1
    conv = (jnp.dot(mean0, wl0_ref[...], preferred_element_type=f32)
            + jnp.dot(mean1, wl1_ref[...], preferred_element_type=f32)
            + jnp.dot(xv, wr0_ref[...] + wr1_ref[...], preferred_element_type=f32)
            + b0_ref[...] + b1_ref[...])
    xa = jnp.maximum(conv, 0.0)

    def gru(xg, h, wih, whh, bih, bhh):
        gi = jnp.dot(xg, wih, preferred_element_type=f32) + bih
        gh = jnp.dot(h, whh, preferred_element_type=f32) + bhh
        r = jax.nn.sigmoid(gi[:, :H] + gh[:, :H])
        z = jax.nn.sigmoid(gi[:, H:2 * H] + gh[:, H:2 * H])
        n = jnp.tanh(gi[:, 2 * H:] + r * gh[:, 2 * H:])
        return (1.0 - z) * n + z * h

    h1v = h1_ref[...]
    h1n = gru(xa, h1v, wih1_ref[...], whh1_ref[...], bih1_ref[...], bhh1_ref[...])
    h2n = gru(h1n, h2_ref[...], wih2_ref[...], whh2_ref[...], bih2_ref[...], bhh2_ref[...])
    h3n = gru(h2n, h3_ref[...], wih3_ref[...], whh3_ref[...], bih3_ref[...], bhh3_ref[...])
    o1_ref[...] = h1n
    o2_ref[...] = h2n
    o3_ref[...] = h3n


def _row_spec(cols):
    return pl.BlockSpec((BR, cols), lambda i: (i, 0))


def _full_spec(r, cols):
    return pl.BlockSpec((r, cols), lambda i: (0, 0))


def _tc_dense(x, s0, s1, c0, c1, h1, h2, h3,
              wl0, wr0, b0, wl1, wr1, b1,
              wih1, whh1, bih1, bhh1, wih2, whh2, bih2, bhh2,
              wih3, whh3, bih3, bhh3):
    grid = (N // BR,)
    w_d = _full_spec(D, H)
    w_h = _full_spec(H, 3 * H)
    b_h = _full_spec(1, H)
    b_g = _full_spec(1, 3 * H)
    return pl.pallas_call(
        _tc_dense_body,
        grid=grid,
        in_specs=[
            _row_spec(D), _row_spec(D), _row_spec(D),
            _row_spec(1), _row_spec(1),
            _row_spec(H), _row_spec(H), _row_spec(H),
            w_d, w_d, b_h, w_d, w_d, b_h,
            w_h, w_h, b_g, b_g,
            w_h, w_h, b_g, b_g,
            w_h, w_h, b_g, b_g,
        ],
        out_specs=[_row_spec(H), _row_spec(H), _row_spec(H)],
        out_shape=[jax.ShapeDtypeStruct((N, H), jnp.float32)] * 3,
    )(x, s0, s1, c0, c1, h1, h2, h3,
      wl0, wr0, b0, wl1, wr1, b1,
      wih1, whh1, bih1, bhh1, wih2, whh2, bih2, bhh2,
      wih3, whh3, bih3, bhh3)


def kernel(x, edge_index_rel0, edge_index_rel1, h1, h2, h3,
           Wl0, Wr0, b0, Wl1, Wr1, b1,
           Wih1, Whh1, bih1, bhh1, Wih2, Whh2, bih2, bhh2,
           Wih3, Whh3, bih3, bhh3):
    src = jnp.stack([edge_index_rel0[0], edge_index_rel1[0]]).reshape(2, NTILES, NCH, K)
    dst = jnp.stack([edge_index_rel0[1], edge_index_rel1[1]]).reshape(2, NTILES, NCH, K)
    xs = jnp.stack([x[:, :DH], x[:, DH:]])
    S, CNT = _sc_agg(xs, src, dst)
    s0 = jnp.concatenate([S[0, 0, :N], S[0, 1, :N]], axis=-1)
    s1 = jnp.concatenate([S[1, 0, :N], S[1, 1, :N]], axis=-1)
    out = _tc_dense(
        x, s0, s1, CNT[0, :N, None], CNT[1, :N, None], h1, h2, h3,
        Wl0, Wr0, b0.reshape(1, H), Wl1, Wr1, b1.reshape(1, H),
        Wih1.T, Whh1.T, bih1.reshape(1, 3 * H), bhh1.reshape(1, 3 * H),
        Wih2.T, Whh2.T, bih2.reshape(1, 3 * H), bhh2.reshape(1, 3 * H),
        Wih3.T, Whh3.T, bih3.reshape(1, 3 * H), bhh3.reshape(1, 3 * H))
    return (out[0], out[1], out[2])

# --- scband reference (transcript-rebuilt; emitter-appended) ---
"""Pipeline reference for scband-deep-gcngrucell-36069135352526 (READ-ONLY COPY).

The authoritative reference and input builder live on the scoring server;
editing this copy changes nothing except your own understanding.
"""

import jax, jax.numpy as jnp
import numpy as np

N = 10000
D = 128
H = 256
E = 320000

def _init(key, shape, scale):
    return jax.random.uniform(key, shape, jnp.float32, -scale, scale)

def setup_inputs(seed: int = 0):
    key = jax.random.key(seed)
    ks = jax.random.split(key, 40)
    inp = {}
    inp["x"] = jax.random.normal(ks[0], (N, D), jnp.float32)
    inp["edge_index_rel0"] = jax.random.randint(ks[1], (2, E), 0, N, jnp.int32)
    inp["edge_index_rel1"] = jax.random.randint(ks[2], (2, E), 0, N, jnp.int32)
    inp["h1"] = jax.random.normal(ks[3], (N, H), jnp.float32)
    inp["h2"] = jax.random.normal(ks[4], (N, H), jnp.float32)
    inp["h3"] = jax.random.normal(ks[5], (N, H), jnp.float32)
    sd = 1.0 / np.sqrt(D)
    i = 6
    for r in range(2):
        inp["Wl%d" % r] = _init(ks[i], (D, H), sd); i += 1
        inp["Wr%d" % r] = _init(ks[i], (D, H), sd); i += 1
        inp["b%d" % r] = _init(ks[i], (H,), sd); i += 1
    sh = 1.0 / np.sqrt(H)
    for g in range(1, 4):
        inp["Wih%d" % g] = _init(ks[i], (3 * H, H), sh); i += 1
        inp["Whh%d" % g] = _init(ks[i], (3 * H, H), sh); i += 1
        inp["bih%d" % g] = _init(ks[i], (3 * H,), sh); i += 1
        inp["bhh%d" % g] = _init(ks[i], (3 * H,), sh); i += 1
    return inp

def _sage(x, ei, Wl, Wr, b):
    src = ei[0]
    dst = ei[1]
    msg = jnp.take(x, src, axis=0)
    summed = jax.ops.segment_sum(msg, dst, num_segments=N)
    cnt = jax.ops.segment_sum(jnp.ones((ei.shape[1],), x.dtype), dst, num_segments=N)
    mean = summed / jnp.maximum(cnt, 1.0)[:, None]
    return mean @ Wl + b + x @ Wr

def _gru(xg, h, Wih, Whh, bih, bhh):
    gi = xg @ Wih.T + bih
    gh = h @ Whh.T + bhh
    i_r, i_z, i_n = jnp.split(gi, 3, axis=1)
    h_r, h_z, h_n = jnp.split(gh, 3, axis=1)
    r = jax.nn.sigmoid(i_r + h_r)
    z = jax.nn.sigmoid(i_z + h_z)
    n = jnp.tanh(i_n + r * h_n)
    return (1.0 - z) * n + z * h

def reference(x, edge_index_rel0, edge_index_rel1, h1, h2, h3, Wl0, Wr0, b0, Wl1, Wr1, b1, Wih1, Whh1, bih1, bhh1, Wih2, Whh2, bih2, bhh2, Wih3, Whh3, bih3, bhh3):
    conv = _sage(x, edge_index_rel0, Wl0, Wr0, b0) + _sage(x, edge_index_rel1, Wl1, Wr1, b1)
    xa = jax.nn.relu(conv)
    h1n = _gru(xa, h1, Wih1, Whh1, bih1, bhh1)
    h2n = _gru(h1n, h2, Wih2, Whh2, bih2, bhh2)
    h3n = _gru(h2n, h3, Wih3, Whh3, bih3, bhh3)
    return (h1n, h2n, h3n)

if __name__ == "__main__":
    import jax
    _d = setup_inputs()
    print(jax.jit(kernel)(*tuple(_d.values())))

</pallas_src>

<mosaic_0001>
#map = affine_map<(d0, d1) -> (0, 0, 0)>
#map1 = affine_map<(d0, d1) -> (0, 0, 0, 0)>
#map2 = affine_map<(d0, d1) -> (0, 0)>
module attributes {stable_mosaic.version = 14 : i64} {
  func.func @_sc_agg_body(%arg0: i32, %arg1: i32, %arg2: memref<2x10000x64xf32, #tpu.memory_space<hbm>>, %arg3: memref<2x16x250x80xi32, #tpu.memory_space<hbm>>, %arg4: memref<2x16x250x80xi32, #tpu.memory_space<hbm>>, %arg5: memref<2x2x10240x64xf32, #tpu.memory_space<hbm>>, %arg6: memref<2x10240xf32, #tpu.memory_space<hbm>>, %arg7: memref<250x80xi32, #tpu.memory_space<vmem>>, %arg8: memref<250x80xi32, #tpu.memory_space<vmem>>, %arg9: memref<80x64xf32, #tpu.memory_space<vmem>>, %arg10: memref<80x64xf32, #tpu.memory_space<vmem>>, %arg11: memref<80x64xf32, #tpu.memory_space<vmem>>, %arg12: memref<80x64xf32, #tpu.memory_space<vmem>>, %arg13: memref<80x64xf32, #tpu.memory_space<vmem>>, %arg14: memref<80x64xf32, #tpu.memory_space<vmem>>, %arg15: memref<80xf32, #tpu.memory_space<vmem>>, %arg16: memref<128x64xf32, #tpu.memory_space<vmem>>, %arg17: memref<640xf32, #tpu.memory_space<vmem>>, %arg18: memref<10240x64xf32, #tpu.memory_space<vmem_shared>>, %arg19: memref<10240xf32, #tpu.memory_space<vmem_shared>>, %arg20: memref<!tpu.dma_semaphore, #tpu.memory_space<semaphore_mem>>, %arg21: memref<!tpu.dma_semaphore, #tpu.memory_space<semaphore_mem>>, %arg22: memref<!tpu.dma_semaphore, #tpu.memory_space<semaphore_mem>>) attributes {dimension_semantics = [#tpu.dimension_semantics<core_parallel>, #tpu.dimension_semantics<subcore_parallel>], iteration_bounds = array<i64: 2, 16>, scalar_prefetch = 0 : i64, scratch_operands = 16 : i64, tpu.core_type = #tpu.core_type<sc_vector_subcore>, window_params = [{transform_indices = #map}, {transform_indices = #map1}, {transform_indices = #map1}, {transform_indices = #map1}, {transform_indices = #map2}]} {
    %broadcast_in_dim3A = arith.constant 0.000000e+00 : f32
    %broadcast_in_dim3A_0 = vector.broadcast %broadcast_in_dim3A : f32 to vector<16xf32>
    %broadcast_in_dim3A_1 = arith.constant 1.000000e+00 : f32
    %broadcast_in_dim3A_2 = vector.broadcast %broadcast_in_dim3A_1 : f32 to vector<16xf32>
    %swap3A = arith.constant 0 : index
    %swap3A_3 = tpu.vector_load %arg15[%swap3A] {strides = array<i32>} : memref<80xf32, #tpu.memory_space<vmem>>, vector<16xf32>,
    %swap3A_4 = vector.shape_cast %swap3A_3 : vector<16xf32> to vector<16xf32>
    %swap3A_5 = vector.shape_cast %broadcast_in_dim3A_2 : vector<16xf32> to vector<16xf32>
    tpu.vector_store %arg15[%swap3A], %swap3A_5 {strides = array<i32>} : memref<80xf32, #tpu.memory_space<vmem>>, vector<16xf32>,
    %swap3A_6 = arith.constant 16 : index
    %swap3A_7 = tpu.vector_load %arg15[%swap3A_6] {strides = array<i32>} : memref<80xf32, #tpu.memory_space<vmem>>, vector<16xf32>,
    %swap3A_8 = vector.shape_cast %swap3A_7 : vector<16xf32> to vector<16xf32>
    %swap3A_9 = vector.shape_cast %broadcast_in_dim3A_2 : vector<16xf32> to vector<16xf32>
    tpu.vector_store %arg15[%swap3A_6], %swap3A_9 {strides = array<i32>} : memref<80xf32, #tpu.memory_space<vmem>>, vector<16xf32>,
    %swap3A_10 = arith.constant 32 : index
    %swap3A_11 = tpu.vector_load %arg15[%swap3A_10] {strides = array<i32>} : memref<80xf32, #tpu.memory_space<vmem>>, vector<16xf32>,
    %swap3A_12 = vector.shape_cast %swap3A_11 : vector<16xf32> to vector<16xf32>
    %swap3A_13 = vector.shape_cast %broadcast_in_dim3A_2 : vector<16xf32> to vector<16xf32>
    tpu.vector_store %arg15[%swap3A_10], %swap3A_13 {strides = array<i32>} : memref<80xf32, #tpu.memory_space<vmem>>, vector<16xf32>,
    %swap3A_14 = arith.constant 48 : index
    %swap3A_15 = tpu.vector_load %arg15[%swap3A_14] {strides = array<i32>} : memref<80xf32, #tpu.memory_space<vmem>>, vector<16xf32>,
    %swap3A_16 = vector.shape_cast %swap3A_15 : vector<16xf32> to vector<16xf32>
    %swap3A_17 = vector.shape_cast %broadcast_in_dim3A_2 : vector<16xf32> to vector<16xf32>
    tpu.vector_store %arg15[%swap3A_14], %swap3A_17 {strides = array<i32>} : memref<80xf32, #tpu.memory_space<vmem>>, vector<16xf32>,
    %swap3A_18 = arith.constant 64 : index
    %swap3A_19 = tpu.vector_load %arg15[%swap3A_18] {strides = array<i32>} : memref<80xf32, #tpu.memory_space<vmem>>, vector<16xf32>,
    %swap3A_20 = vector.shape_cast %swap3A_19 : vector<16xf32> to vector<16xf32>
    %swap3A_21 = vector.shape_cast %broadcast_in_dim3A_2 : vector<16xf32> to vector<16xf32>
    tpu.vector_store %arg15[%swap3A_18], %swap3A_21 {strides = array<i32>} : memref<80xf32, #tpu.memory_space<vmem>>, vector<16xf32>,
    %scan3A = arith.constant 0 : i32
    %scan3A_22 = arith.constant 0 : i32
    %scan3A_23 = arith.constant 40 : i32
    %scan3A_24 = arith.addi %scan3A_22, %scan3A_23 : i32
    %scan3A_25 = arith.constant 1 : i32
    %scan3A_26 = scf.for %scan3A_660 = %scan3A_22 to %scan3A_24 step %scan3A_25 iter_args(%scan3A_661 = %scan3A) -> (i32)  : i32 {
      %mul3A_662 = arith.constant 16 : i32
      %mul3A_663 = arith.muli %scan3A_660, %mul3A_662 : i32
      %swap3A_664 = arith.index_cast %mul3A_663 : i32 to index
      %swap3A_665 = tpu.vector_load %arg17[%swap3A_664] {strides = array<i32>} : memref<640xf32, #tpu.memory_space<vmem>>, vector<16xf32>,
      %swap3A_666 = vector.shape_cast %swap3A_665 : vector<16xf32> to vector<16xf32>
      %swap3A_667 = vector.shape_cast %broadcast_in_dim3A_0 : vector<16xf32> to vector<16xf32>
      tpu.vector_store %arg17[%swap3A_664], %swap3A_667 {strides = array<i32>} : memref<640xf32, #tpu.memory_space<vmem>>, vector<16xf32>,
      %scan3A_668 = arith.constant 0 : i32
      scf.yield %scan3A_668 : i32
    }
    %scan3A_27 = arith.constant 40 : i32
    %mul3A = arith.constant 640 : i32
    %mul3A_28 = arith.muli %arg1, %mul3A : i32
    "tpu.region"() ({
      %run_scoped3A_660 = tpu.sem_alloc : memref<!tpu.dma_semaphore, #tpu.memory_space<semaphore_mem>>
      %dma_start3A_661 = tpu.memref_slice %arg19[%mul3A_28] : memref<10240xf32, #tpu.memory_space<vmem_shared>> -> memref<640xf32, #tpu.memory_space<vmem_shared>>
      %dma_start3A_662 = tpu.memref_slice %arg19[%mul3A_28] : memref<10240xf32, #tpu.memory_space<vmem_shared>> -> memref<640xf32, #tpu.memory_space<vmem_shared>>
      tpu.enqueue_dma source(%arg17 : memref<640xf32, #tpu.memory_space<vmem>>) target(%dma_start3A_662 : memref<640xf32, #tpu.memory_space<vmem_shared>>) target_semaphore(%run_scoped3A_660 : memref<!tpu.dma_semaphore, #tpu.memory_space<semaphore_mem>>)
      %dma_wait3A_663 = tpu.memref_slice %arg19[%mul3A_28] : memref<10240xf32, #tpu.memory_space<vmem_shared>> -> memref<640xf32, #tpu.memory_space<vmem_shared>>
      %dma_wait3A_664 = tpu.memref_slice %arg19[%mul3A_28] : memref<10240xf32, #tpu.memory_space<vmem_shared>> -> memref<640xf32, #tpu.memory_space<vmem_shared>>
      tpu.wait_dma2 semaphore(%run_scoped3A_660 : memref<!tpu.dma_semaphore, #tpu.memory_space<semaphore_mem>>) src(%arg17 : memref<640xf32, #tpu.memory_space<vmem>>) dst(%dma_wait3A_664 : memref<640xf32, #tpu.memory_space<vmem_shared>>)
      tpu.yield
    }) : () -> ()
    "tpu.region"() ({
      %run_scoped3A_660 = tpu.sem_alloc : memref<!tpu.dma_semaphore, #tpu.memory_space<semaphore_mem>>
      %dma_start3A_661 = arith.constant 0 : i32
      %dma_start3A_662 = arith.constant 0 : i32
      %dma_start3A_663 = tpu.memref_slice %arg3[%arg0, %arg1, %dma_start3A_661, %dma_start3A_662] : memref<2x16x250x80xi32, #tpu.memory_space<hbm>> -> memref<1x1x250x80xi32, #tpu.memory_space<hbm>>
      %dma_start3A_664 = tpu.memref_squeeze %dma_start3A_663 : memref<1x1x250x80xi32, #tpu.memory_space<hbm>> -> memref<250x80xi32, #tpu.memory_space<hbm>>
      %dma_start3A_665 = arith.constant 0 : i32
      %dma_start3A_666 = arith.constant 0 : i32
      %dma_start3A_667 = tpu.memref_slice %arg3[%arg0, %arg1, %dma_start3A_665, %dma_start3A_666] : memref<2x16x250x80xi32, #tpu.memory_space<hbm>> -> memref<1x1x250x80xi32, #tpu.memory_space<hbm>>
      %dma_start3A_668 = tpu.memref_squeeze %dma_start3A_667 : memref<1x1x250x80xi32, #tpu.memory_space<hbm>> -> memref<250x80xi32, #tpu.memory_space<hbm>>
      tpu.enqueue_dma source(%dma_start3A_668 : memref<250x80xi32, #tpu.memory_space<hbm>>) target(%arg7 : memref<250x80xi32, #tpu.memory_space<vmem>>) target_semaphore(%run_scoped3A_660 : memref<!tpu.dma_semaphore, #tpu.memory_space<semaphore_mem>>)
      %dma_wait3A_669 = arith.constant 0 : i32
      %dma_wait3A_670 = arith.constant 0 : i32
      %dma_wait3A_671 = tpu.memref_slice %arg3[%arg0, %arg1, %dma_wait3A_669, %dma_wait3A_670] : memref<2x16x250x80xi32, #tpu.memory_space<hbm>> -> memref<1x1x250x80xi32, #tpu.memory_space<hbm>>
      %dma_wait3A_672 = tpu.memref_squeeze %dma_wait3A_671 : memref<1x1x250x80xi32, #tpu.memory_space<hbm>> -> memref<250x80xi32, #tpu.memory_space<hbm>>
      %dma_wait3A_673 = arith.constant 0 : i32
      %dma_wait3A_674 = arith.constant 0 : i32
      %dma_wait3A_675 = tpu.memref_slice %arg3[%arg0, %arg1, %dma_wait3A_673, %dma_wait3A_674] : memref<2x16x250x80xi32, #tpu.memory_space<hbm>> -> memref<1x1x250x80xi32, #tpu.memory_space<hbm>>
      %dma_wait3A_676 = tpu.memref_squeeze %dma_wait3A_675 : memref<1x1x250x80xi32, #tpu.memory_space<hbm>> -> memref<250x80xi32, #tpu.memory_space<hbm>>
      tpu.wait_dma2 semaphore(%run_scoped3A_660 : memref<!tpu.dma_semaphore, #tpu.memory_space<semaphore_mem>>) src(%dma_wait3A_676 : memref<250x80xi32, #tpu.memory_space<hbm>>) dst(%arg7 : memref<250x80xi32, #tpu.memory_space<vmem>>)
      tpu.yield
    }) : () -> ()
    "tpu.region"() ({
      %run_scoped3A_660 = tpu.sem_alloc : memref<!tpu.dma_semaphore, #tpu.memory_space<semaphore_mem>>
      %dma_start3A_661 = arith.constant 0 : i32
      %dma_start3A_662 = arith.constant 0 : i32
      %dma_start3A_663 = tpu.memref_slice %arg4[%arg0, %arg1, %dma_start3A_661, %dma_start3A_662] : memref<2x16x250x80xi32, #tpu.memory_space<hbm>> -> memref<1x1x250x80xi32, #tpu.memory_space<hbm>>
      %dma_start3A_664 = tpu.memref_squeeze %dma_start3A_663 : memref<1x1x250x80xi32, #tpu.memory_space<hbm>> -> memref<250x80xi32, #tpu.memory_space<hbm>>
      %dma_start3A_665 = arith.constant 0 : i32
      %dma_start3A_666 = arith.constant 0 : i32
      %dma_start3A_667 = tpu.memref_slice %arg4[%arg0, %arg1, %dma_start3A_665, %dma_start3A_666] : memref<2x16x250x80xi32, #tpu.memory_space<hbm>> -> memref<1x1x250x80xi32, #tpu.memory_space<hbm>>
      %dma_start3A_668 = tpu.memref_squeeze %dma_start3A_667 : memref<1x1x250x80xi32, #tpu.memory_space<hbm>> -> memref<250x80xi32, #tpu.memory_space<hbm>>
      tpu.enqueue_dma source(%dma_start3A_668 : memref<250x80xi32, #tpu.memory_space<hbm>>) target(%arg8 : memref<250x80xi32, #tpu.memory_space<vmem>>) target_semaphore(%run_scoped3A_660 : memref<!tpu.dma_semaphore, #tpu.memory_space<semaphore_mem>>)
      %dma_wait3A_669 = arith.constant 0 : i32
      %dma_wait3A_670 = arith.constant 0 : i32
      %dma_wait3A_671 = tpu.memref_slice %arg4[%arg0, %arg1, %dma_wait3A_669, %dma_wait3A_670] : memref<2x16x250x80xi32, #tpu.memory_space<hbm>> -> memref<1x1x250x80xi32, #tpu.memory_space<hbm>>
      %dma_wait3A_672 = tpu.memref_squeeze %dma_wait3A_671 : memref<1x1x250x80xi32, #tpu.memory_space<hbm>> -> memref<250x80xi32, #tpu.memory_space<hbm>>
      %dma_wait3A_673 = arith.constant 0 : i32
      %dma_wait3A_674 = arith.constant 0 : i32
      %dma_wait3A_675 = tpu.memref_slice %arg4[%arg0, %arg1, %dma_wait3A_673, %dma_wait3A_674] : memref<2x16x250x80xi32, #tpu.memory_space<hbm>> -> memref<1x1x250x80xi32, #tpu.memory_space<hbm>>
      %dma_wait3A_676 = tpu.memref_squeeze %dma_wait3A_675 : memref<1x1x250x80xi32, #tpu.memory_space<hbm>> -> memref<250x80xi32, #tpu.memory_space<hbm>>
      tpu.wait_dma2 semaphore(%run_scoped3A_660 : memref<!tpu.dma_semaphore, #tpu.memory_space<semaphore_mem>>) src(%dma_wait3A_676 : memref<250x80xi32, #tpu.memory_space<hbm>>) dst(%arg8 : memref<250x80xi32, #tpu.memory_space<vmem>>)
      tpu.yield
    }) : () -> ()
    %scan3A_29 = arith.constant 0 : i32
    %scan3A_30 = arith.constant 0 : i32
    %scan3A_31 = arith.constant 128 : i32
    %scan3A_32 = arith.addi %scan3A_30, %scan3A_31 : i32
    %scan3A_33 = arith.constant 1 : i32
    %scan3A_34 = scf.for %scan3A_660 = %scan3A_30 to %scan3A_32 step %scan3A_33 iter_args(%scan3A_661 = %scan3A_29) -> (i32)  : i32 {
      %swap3A_662 = arith.index_cast %scan3A_660 : i32 to index
      %swap3A_663 = arith.constant 0 : index
      %swap3A_664 = tpu.vector_load %arg16[%swap3A_662, %swap3A_663] {strides = array<i32>} : memref<128x64xf32, #tpu.memory_space<vmem>>, vector<1x16xf32>,
      %swap3A_665 = vector.shape_cast %swap3A_664 : vector<1x16xf32> to vector<16xf32>
      %swap3A_666 = vector.shape_cast %broadcast_in_dim3A_0 : vector<16xf32> to vector<1x16xf32>
      tpu.vector_store %arg16[%swap3A_662, %swap3A_663], %swap3A_666 {strides = array<i32>} : memref<128x64xf32, #tpu.memory_space<vmem>>, vector<1x16xf32>,
      %swap3A_667 = arith.index_cast %scan3A_660 : i32 to index
      %swap3A_668 = arith.constant 16 : index
      %swap3A_669 = tpu.vector_load %arg16[%swap3A_667, %swap3A_668] {strides = array<i32>} : memref<128x64xf32, #tpu.memory_space<vmem>>, vector<1x16xf32>,
      %swap3A_670 = vector.shape_cast %swap3A_669 : vector<1x16xf32> to vector<16xf32>
      %swap3A_671 = vector.shape_cast %broadcast_in_dim3A_0 : vector<16xf32> to vector<1x16xf32>
      tpu.vector_store %arg16[%swap3A_667, %swap3A_668], %swap3A_671 {strides = array<i32>} : memref<128x64xf32, #tpu.memory_space<vmem>>, vector<1x16xf32>,
      %swap3A_672 = arith.index_cast %scan3A_660 : i32 to index
      %swap3A_673 = arith.constant 32 : index
      %swap3A_674 = tpu.vector_load %arg16[%swap3A_672, %swap3A_673] {strides = array<i32>} : memref<128x64xf32, #tpu.memory_space<vmem>>, vector<1x16xf32>,
      %swap3A_675 = vector.shape_cast %swap3A_674 : vector<1x16xf32> to vector<16xf32>
      %swap3A_676 = vector.shape_cast %broadcast_in_dim3A_0 : vector<16xf32> to vector<1x16xf32>
      tpu.vector_store %arg16[%swap3A_672, %swap3A_673], %swap3A_676 {strides = array<i32>} : memref<128x64xf32, #tpu.memory_space<vmem>>, vector<1x16xf32>,
      %swap3A_677 = arith.index_cast %scan3A_660 : i32 to index
      %swap3A_678 = arith.constant 48 : index
      %swap3A_679 = tpu.vector_load %arg16[%swap3A_677, %swap3A_678] {strides = array<i32>} : memref<128x64xf32, #tpu.memory_space<vmem>>, vector<1x16xf32>,
      %swap3A_680 = vector.shape_cast %swap3A_679 : vector<1x16xf32> to vector<16xf32>
      %swap3A_681 = vector.shape_cast %broadcast_in_dim3A_0 : vector<16xf32> to vector<1x16xf32>
      tpu.vector_store %arg16[%swap3A_677, %swap3A_678], %swap3A_681 {strides = array<i32>} : memref<128x64xf32, #tpu.memory_space<vmem>>, vector<1x16xf32>,
      %scan3A_682 = arith.constant 0 : i32
      scf.yield %scan3A_682 : i32
    }
    %scan3A_35 = arith.constant 128 : i32
    %mul3A_36 = arith.constant 640 : i32
    %mul3A_37 = arith.muli %arg1, %mul3A_36 : i32
    %add3A = arith.constant 0 : i32
    %add3A_38 = arith.addi %mul3A_37, %add3A : i32
    "tpu.region"() ({
      %run_scoped3A_660 = tpu.sem_alloc : memref<!tpu.dma_semaphore, #tpu.memory_space<semaphore_mem>>
      %dma_start3A_661 = arith.constant 0 : i32
      %dma_start3A_662 = tpu.memref_slice %arg18[%add3A_38, %dma_start3A_661] : memref<10240x64xf32, #tpu.memory_space<vmem_shared>> -> memref<128x64xf32, #tpu.memory_space<vmem_shared>>
      %dma_start3A_663 = arith.constant 0 : i32
      %dma_start3A_664 = tpu.memref_slice %arg18[%add3A_38, %dma_start3A_663] : memref<10240x64xf32, #tpu.memory_space<vmem_shared>> -> memref<128x64xf32, #tpu.memory_space<vmem_shared>>
      tpu.enqueue_dma source(%arg16 : memref<128x64xf32, #tpu.memory_space<vmem>>) target(%dma_start3A_664 : memref<128x64xf32, #tpu.memory_space<vmem_shared>>) target_semaphore(%run_scoped3A_660 : memref<!tpu.dma_semaphore, #tpu.memory_space<semaphore_mem>>)
      %dma_wait3A_665 = arith.constant 0 : i32
      %dma_wait3A_666 = tpu.memref_slice %arg18[%add3A_38, %dma_wait3A_665] : memref<10240x64xf32, #tpu.memory_space<vmem_shared>> -> memref<128x64xf32, #tpu.memory_space<vmem_shared>>
      %dma_wait3A_667 = arith.constant 0 : i32
      %dma_wait3A_668 = tpu.memref_slice %arg18[%add3A_38, %dma_wait3A_667] : memref<10240x64xf32, #tpu.memory_space<vmem_shared>> -> memref<128x64xf32, #tpu.memory_space<vmem_shared>>
      tpu.wait_dma2 semaphore(%run_scoped3A_660 : memref<!tpu.dma_semaphore, #tpu.memory_space<semaphore_mem>>) src(%arg16 : memref<128x64xf32, #tpu.memory_space<vmem>>) dst(%dma_wait3A_668 : memref<128x64xf32, #tpu.memory_space<vmem_shared>>)
      tpu.yield
    }) : () -> ()
    %mul3A_39 = arith.constant 640 : i32
    %mul3A_40 = arith.muli %arg1, %mul3A_39 : i32
    %add3A_41 = arith.constant 128 : i32
    %add3A_42 = arith.addi %mul3A_40, %add3A_41 : i32
    "tpu.region"() ({
      %run_scoped3A_660 = tpu.sem_alloc : memref<!tpu.dma_semaphore, #tpu.memory_space<semaphore_mem>>
      %dma_start3A_661 = arith.constant 0 : i32
      %dma_start3A_662 = tpu.memref_slice %arg18[%add3A_42, %dma_start3A_661] : memref<10240x64xf32, #tpu.memory_space<vmem_shared>> -> memref<128x64xf32, #tpu.memory_space<vmem_shared>>
      %dma_start3A_663 = arith.constant 0 : i32
      %dma_start3A_664 = tpu.memref_slice %arg18[%add3A_42, %dma_start3A_663] : memref<10240x64xf32, #tpu.memory_space<vmem_shared>> -> memref<128x64xf32, #tpu.memory_space<vmem_shared>>
      tpu.enqueue_dma source(%arg16 : memref<128x64xf32, #tpu.memory_space<vmem>>) target(%dma_start3A_664 : memref<128x64xf32, #tpu.memory_space<vmem_shared>>) target_semaphore(%run_scoped3A_660 : memref<!tpu.dma_semaphore, #tpu.memory_space<semaphore_mem>>)
      %dma_wait3A_665 = arith.constant 0 : i32
      %dma_wait3A_666 = tpu.memref_slice %arg18[%add3A_42, %dma_wait3A_665] : memref<10240x64xf32, #tpu.memory_space<vmem_shared>> -> memref<128x64xf32, #tpu.memory_space<vmem_shared>>
      %dma_wait3A_667 = arith.constant 0 : i32
      %dma_wait3A_668 = tpu.memref_slice %arg18[%add3A_42, %dma_wait3A_667] : memref<10240x64xf32, #tpu.memory_space<vmem_shared>> -> memref<128x64xf32, #tpu.memory_space<vmem_shared>>
      tpu.wait_dma2 semaphore(%run_scoped3A_660 : memref<!tpu.dma_semaphore, #tpu.memory_space<semaphore_mem>>) src(%arg16 : memref<128x64xf32, #tpu.memory_space<vmem>>) dst(%dma_wait3A_668 : memref<128x64xf32, #tpu.memory_space<vmem_shared>>)
      tpu.yield
    }) : () -> ()
    %mul3A_43 = arith.constant 640 : i32
    %mul3A_44 = arith.muli %arg1, %mul3A_43 : i32
    %add3A_45 = arith.constant 256 : i32
    %add3A_46 = arith.addi %mul3A_44, %add3A_45 : i32
    "tpu.region"() ({
      %run_scoped3A_660 = tpu.sem_alloc : memref<!tpu.dma_semaphore, #tpu.memory_space<semaphore_mem>>
      %dma_start3A_661 = arith.constant 0 : i32
      %dma_start3A_662 = tpu.memref_slice %arg18[%add3A_46, %dma_start3A_661] : memref<10240x64xf32, #tpu.memory_space<vmem_shared>> -> memref<128x64xf32, #tpu.memory_space<vmem_shared>>
      %dma_start3A_663 = arith.constant 0 : i32
      %dma_start3A_664 = tpu.memref_slice %arg18[%add3A_46, %dma_start3A_663] : memref<10240x64xf32, #tpu.memory_space<vmem_shared>> -> memref<128x64xf32, #tpu.memory_space<vmem_shared>>
      tpu.enqueue_dma source(%arg16 : memref<128x64xf32, #tpu.memory_space<vmem>>) target(%dma_start3A_664 : memref<128x64xf32, #tpu.memory_space<vmem_shared>>) target_semaphore(%run_scoped3A_660 : memref<!tpu.dma_semaphore, #tpu.memory_space<semaphore_mem>>)
      %dma_wait3A_665 = arith.constant 0 : i32
      %dma_wait3A_666 = tpu.memref_slice %arg18[%add3A_46, %dma_wait3A_665] : memref<10240x64xf32, #tpu.memory_space<vmem_shared>> -> memref<128x64xf32, #tpu.memory_space<vmem_shared>>
      %dma_wait3A_667 = arith.constant 0 : i32
      %dma_wait3A_668 = tpu.memref_slice %arg18[%add3A_46, %dma_wait3A_667] : memref<10240x64xf32, #tpu.memory_space<vmem_shared>> -> memref<128x64xf32, #tpu.memory_space<vmem_shared>>
      tpu.wait_dma2 semaphore(%run_scoped3A_660 : memref<!tpu.dma_semaphore, #tpu.memory_space<semaphore_mem>>) src(%arg16 : memref<128x64xf32, #tpu.memory_space<vmem>>) dst(%dma_wait3A_668 : memref<128x64xf32, #tpu.memory_space<vmem_shared>>)
      tpu.yield
    }) : () -> ()
    %mul3A_47 = arith.constant 640 : i32
    %mul3A_48 = arith.muli %arg1, %mul3A_47 : i32
    %add3A_49 = arith.constant 384 : i32
    %add3A_50 = arith.addi %mul3A_48, %add3A_49 : i32
    "tpu.region"() ({
      %run_scoped3A_660 = tpu.sem_alloc : memref<!tpu.dma_semaphore, #tpu.memory_space<semaphore_mem>>
      %dma_start3A_661 = arith.constant 0 : i32
      %dma_start3A_662 = tpu.memref_slice %arg18[%add3A_50, %dma_start3A_661] : memref<10240x64xf32, #tpu.memory_space<vmem_shared>> -> memref<128x64xf32, #tpu.memory_space<vmem_shared>>
      %dma_start3A_663 = arith.constant 0 : i32
      %dma_start3A_664 = tpu.memref_slice %arg18[%add3A_50, %dma_start3A_663] : memref<10240x64xf32, #tpu.memory_space<vmem_shared>> -> memref<128x64xf32, #tpu.memory_space<vmem_shared>>
      tpu.enqueue_dma source(%arg16 : memref<128x64xf32, #tpu.memory_space<vmem>>) target(%dma_start3A_664 : memref<128x64xf32, #tpu.memory_space<vmem_shared>>) target_semaphore(%run_scoped3A_660 : memref<!tpu.dma_semaphore, #tpu.memory_space<semaphore_mem>>)
      %dma_wait3A_665 = arith.constant 0 : i32
      %dma_wait3A_666 = tpu.memref_slice %arg18[%add3A_50, %dma_wait3A_665] : memref<10240x64xf32, #tpu.memory_space<vmem_shared>> -> memref<128x64xf32, #tpu.memory_space<vmem_shared>>
      %dma_wait3A_667 = arith.constant 0 : i32
      %dma_wait3A_668 = tpu.memref_slice %arg18[%add3A_50, %dma_wait3A_667] : memref<10240x64xf32, #tpu.memory_space<vmem_shared>> -> memref<128x64xf32, #tpu.memory_space<vmem_shared>>
      tpu.wait_dma2 semaphore(%run_scoped3A_660 : memref<!tpu.dma_semaphore, #tpu.memory_space<semaphore_mem>>) src(%arg16 : memref<128x64xf32, #tpu.memory_space<vmem>>) dst(%dma_wait3A_668 : memref<128x64xf32, #tpu.memory_space<vmem_shared>>)
      tpu.yield
    }) : () -> ()
    %mul3A_51 = arith.constant 640 : i32
    %mul3A_52 = arith.muli %arg1, %mul3A_51 : i32
    %add3A_53 = arith.constant 512 : i32
    %add3A_54 = arith.addi %mul3A_52, %add3A_53 : i32
    "tpu.region"() ({
      %run_scoped3A_660 = tpu.sem_alloc : memref<!tpu.dma_semaphore, #tpu.memory_space<semaphore_mem>>
      %dma_start3A_661 = arith.constant 0 : i32
      %dma_start3A_662 = tpu.memref_slice %arg18[%add3A_54, %dma_start3A_661] : memref<10240x64xf32, #tpu.memory_space<vmem_shared>> -> memref<128x64xf32, #tpu.memory_space<vmem_shared>>
      %dma_start3A_663 = arith.constant 0 : i32
      %dma_start3A_664 = tpu.memref_slice %arg18[%add3A_54, %dma_start3A_663] : memref<10240x64xf32, #tpu.memory_space<vmem_shared>> -> memref<128x64xf32, #tpu.memory_space<vmem_shared>>
      tpu.enqueue_dma source(%arg16 : memref<128x64xf32, #tpu.memory_space<vmem>>) target(%dma_start3A_664 : memref<128x64xf32, #tpu.memory_space<vmem_shared>>) target_semaphore(%run_scoped3A_660 : memref<!tpu.dma_semaphore, #tpu.memory_space<semaphore_mem>>)
      %dma_wait3A_665 = arith.constant 0 : i32
      %dma_wait3A_666 = tpu.memref_slice %arg18[%add3A_54, %dma_wait3A_665] : memref<10240x64xf32, #tpu.memory_space<vmem_shared>> -> memref<128x64xf32, #tpu.memory_space<vmem_shared>>
      %dma_wait3A_667 = arith.constant 0 : i32
      %dma_wait3A_668 = tpu.memref_slice %arg18[%add3A_54, %dma_wait3A_667] : memref<10240x64xf32, #tpu.memory_space<vmem_shared>> -> memref<128x64xf32, #tpu.memory_space<vmem_shared>>
      tpu.wait_dma2 semaphore(%run_scoped3A_660 : memref<!tpu.dma_semaphore, #tpu.memory_space<semaphore_mem>>) src(%arg16 : memref<128x64xf32, #tpu.memory_space<vmem>>) dst(%dma_wait3A_668 : memref<128x64xf32, #tpu.memory_space<vmem_shared>>)
      tpu.yield
    }) : () -> ()
    %barrier3A = arith.constant 0 : index
    tpu.barrier barrier_id(%barrier3A)
    %dma_start3A = arith.constant 0 : i32
    %dma_start3A_55 = arith.constant 0 : i32
    %dma_start3A_56 = arith.constant 0 : i32
    %dma_start3A_57 = tpu.memref_slice %arg7[%dma_start3A_55, %dma_start3A_56] : memref<250x80xi32, #tpu.memory_space<vmem>> -> memref<1x80xi32, #tpu.memory_space<vmem>>
    %dma_start3A_58 = tpu.memref_squeeze %dma_start3A_57 : memref<1x80xi32, #tpu.memory_space<vmem>> -> memref<80xi32, #tpu.memory_space<vmem>>
    %dma_start3A_59 = arith.constant 0 : i32
    %dma_start3A_60 = arith.constant 0 : i32
    %dma_start3A_61 = tpu.memref_slice %arg2[%dma_start3A, %dma_start3A_59, %dma_start3A_60] : memref<2x10000x64xf32, #tpu.memory_space<hbm>> -> memref<1x10000x64xf32, #tpu.memory_space<hbm>>
    %dma_start3A_62 = tpu.memref_squeeze %dma_start3A_61 : memref<1x10000x64xf32, #tpu.memory_space<hbm>> -> memref<10000x64xf32, #tpu.memory_space<hbm>>
    %dma_start3A_63 = arith.constant 0 : i32
    %dma_start3A_64 = arith.constant 0 : i32
    %dma_start3A_65 = tpu.memref_slice %dma_start3A_62[%dma_start3A_63, %dma_start3A_64] : memref<10000x64xf32, #tpu.memory_space<hbm>> -> memref<10000x64xf32, #tpu.memory_space<hbm>>
    tpu.enqueue_indirect_dma source(%dma_start3A_65 : memref<10000x64xf32, #tpu.memory_space<hbm>>) target(%arg9 : memref<80x64xf32, #tpu.memory_space<vmem>>) offsets(%dma_start3A_58 : memref<80xi32, #tpu.memory_space<vmem>>) semaphore(%arg20 : memref<!tpu.dma_semaphore, #tpu.memory_space<semaphore_mem>>)
    %dma_start3A_66 = arith.constant 0 : i32
    %dma_start3A_67 = arith.constant 1 : i32
    %dma_start3A_68 = arith.constant 0 : i32
    %dma_start3A_69 = tpu.memref_slice %arg7[%dma_start3A_67, %dma_start3A_68] : memref<250x80xi32, #tpu.memory_space<vmem>> -> memref<1x80xi32, #tpu.memory_space<vmem>>
    %dma_start3A_70 = tpu.memref_squeeze %dma_start3A_69 : memref<1x80xi32, #tpu.memory_space<vmem>> -> memref<80xi32, #tpu.memory_space<vmem>>
    %dma_start3A_71 = arith.constant 0 : i32
    %dma_start3A_72 = arith.constant 0 : i32
    %dma_start3A_73 = tpu.memref_slice %arg2[%dma_start3A_66, %dma_start3A_71, %dma_start3A_72] : memref<2x10000x64xf32, #tpu.memory_space<hbm>> -> memref<1x10000x64xf32, #tpu.memory_space<hbm>>
    %dma_start3A_74 = tpu.memref_squeeze %dma_start3A_73 : memref<1x10000x64xf32, #tpu.memory_space<hbm>> -> memref<10000x64xf32, #tpu.memory_space<hbm>>
    %dma_start3A_75 = arith.constant 0 : i32
    %dma_start3A_76 = arith.constant 0 : i32
    %dma_start3A_77 = tpu.memref_slice %dma_start3A_74[%dma_start3A_75, %dma_start3A_76] : memref<10000x64xf32, #tpu.memory_space<hbm>> -> memref<10000x64xf32, #tpu.memory_space<hbm>>
    tpu.enqueue_indirect_dma source(%dma_start3A_77 : memref<10000x64xf32, #tpu.memory_space<hbm>>) target(%arg10 : memref<80x64xf32, #tpu.memory_space<vmem>>) offsets(%dma_start3A_70 : memref<80xi32, #tpu.memory_space<vmem>>) semaphore(%arg20 : memref<!tpu.dma_semaphore, #tpu.memory_space<semaphore_mem>>)
    %dma_start3A_78 = arith.constant 0 : i32
    %dma_start3A_79 = arith.constant 2 : i32
    %dma_start3A_80 = arith.constant 0 : i32
    %dma_start3A_81 = tpu.memref_slice %arg7[%dma_start3A_79, %dma_start3A_80] : memref<250x80xi32, #tpu.memory_space<vmem>> -> memref<1x80xi32, #tpu.memory_space<vmem>>
    %dma_start3A_82 = tpu.memref_squeeze %dma_start3A_81 : memref<1x80xi32, #tpu.memory_space<vmem>> -> memref<80xi32, #tpu.memory_space<vmem>>
    %dma_start3A_83 = arith.constant 0 : i32
    %dma_start3A_84 = arith.constant 0 : i32
    %dma_start3A_85 = tpu.memref_slice %arg2[%dma_start3A_78, %dma_start3A_83, %dma_start3A_84] : memref<2x10000x64xf32, #tpu.memory_space<hbm>> -> memref<1x10000x64xf32, #tpu.memory_space<hbm>>
    %dma_start3A_86 = tpu.memref_squeeze %dma_start3A_85 : memref<1x10000x64xf32, #tpu.memory_space<hbm>> -> memref<10000x64xf32, #tpu.memory_space<hbm>>
    %dma_start3A_87 = arith.constant 0 : i32
    %dma_start3A_88 = arith.constant 0 : i32
    %dma_start3A_89 = tpu.memref_slice %dma_start3A_86[%dma_start3A_87, %dma_start3A_88] : memref<10000x64xf32, #tpu.memory_space<hbm>> -> memref<10000x64xf32, #tpu.memory_space<hbm>>
    tpu.enqueue_indirect_dma source(%dma_start3A_89 : memref<10000x64xf32, #tpu.memory_space<hbm>>) target(%arg11 : memref<80x64xf32, #tpu.memory_space<vmem>>) offsets(%dma_start3A_82 : memref<80xi32, #tpu.memory_space<vmem>>) semaphore(%arg20 : memref<!tpu.dma_semaphore, #tpu.memory_space<semaphore_mem>>)
    %dma_start3A_90 = arith.constant 0 : i32
    %dma_start3A_91 = arith.constant 3 : i32
    %dma_start3A_92 = arith.constant 0 : i32
    %dma_start3A_93 = tpu.memref_slice %arg7[%dma_start3A_91, %dma_start3A_92] : memref<250x80xi32, #tpu.memory_space<vmem>> -> memref<1x80xi32, #tpu.memory_space<vmem>>
    %dma_start3A_94 = tpu.memref_squeeze %dma_start3A_93 : memref<1x80xi32, #tpu.memory_space<vmem>> -> memref<80xi32, #tpu.memory_space<vmem>>
    %dma_start3A_95 = arith.constant 0 : i32
    %dma_start3A_96 = arith.constant 0 : i32
    %dma_start3A_97 = tpu.memref_slice %arg2[%dma_start3A_90, %dma_start3A_95, %dma_start3A_96] : memref<2x10000x64xf32, #tpu.memory_space<hbm>> -> memref<1x10000x64xf32, #tpu.memory_space<hbm>>
    %dma_start3A_98 = tpu.memref_squeeze %dma_start3A_97 : memref<1x10000x64xf32, #tpu.memory_space<hbm>> -> memref<10000x64xf32, #tpu.memory_space<hbm>>
    %dma_start3A_99 = arith.constant 0 : i32
    %dma_start3A_100 = arith.constant 0 : i32
    %dma_start3A_101 = tpu.memref_slice %dma_start3A_98[%dma_start3A_99, %dma_start3A_100] : memref<10000x64xf32, #tpu.memory_space<hbm>> -> memref<10000x64xf32, #tpu.memory_space<hbm>>
    tpu.enqueue_indirect_dma source(%dma_start3A_101 : memref<10000x64xf32, #tpu.memory_space<hbm>>) target(%arg12 : memref<80x64xf32, #tpu.memory_space<vmem>>) offsets(%dma_start3A_94 : memref<80xi32, #tpu.memory_space<vmem>>) semaphore(%arg20 : memref<!tpu.dma_semaphore, #tpu.memory_space<semaphore_mem>>)
    %dma_start3A_102 = arith.constant 0 : i32
    %dma_start3A_103 = arith.constant 4 : i32
    %dma_start3A_104 = arith.constant 0 : i32
    %dma_start3A_105 = tpu.memref_slice %arg7[%dma_start3A_103, %dma_start3A_104] : memref<250x80xi32, #tpu.memory_space<vmem>> -> memref<1x80xi32, #tpu.memory_space<vmem>>
    %dma_start3A_106 = tpu.memref_squeeze %dma_start3A_105 : memref<1x80xi32, #tpu.memory_space<vmem>> -> memref<80xi32, #tpu.memory_space<vmem>>
    %dma_start3A_107 = arith.constant 0 : i32
    %dma_start3A_108 = arith.constant 0 : i32
    %dma_start3A_109 = tpu.memref_slice %arg2[%dma_start3A_102, %dma_start3A_107, %dma_start3A_108] : memref<2x10000x64xf32, #tpu.memory_space<hbm>> -> memref<1x10000x64xf32, #tpu.memory_space<hbm>>
    %dma_start3A_110 = tpu.memref_squeeze %dma_start3A_109 : memref<1x10000x64xf32, #tpu.memory_space<hbm>> -> memref<10000x64xf32, #tpu.memory_space<hbm>>
    %dma_start3A_111 = arith.constant 0 : i32
    %dma_start3A_112 = arith.constant 0 : i32
    %dma_start3A_113 = tpu.memref_slice %dma_start3A_110[%dma_start3A_111, %dma_start3A_112] : memref<10000x64xf32, #tpu.memory_space<hbm>> -> memref<10000x64xf32, #tpu.memory_space<hbm>>
    tpu.enqueue_indirect_dma source(%dma_start3A_113 : memref<10000x64xf32, #tpu.memory_space<hbm>>) target(%arg13 : memref<80x64xf32, #tpu.memory_space<vmem>>) offsets(%dma_start3A_106 : memref<80xi32, #tpu.memory_space<vmem>>) semaphore(%arg20 : memref<!tpu.dma_semaphore, #tpu.memory_space<semaphore_mem>>)
    %dma_wait3A = arith.constant 0 : i32
    %dma_wait3A_114 = arith.constant 0 : i32
    %dma_wait3A_115 = arith.constant 0 : i32
    %dma_wait3A_116 = tpu.memref_slice %arg7[%dma_wait3A_114, %dma_wait3A_115] : memref<250x80xi32, #tpu.memory_space<vmem>> -> memref<1x80xi32, #tpu.memory_space<vmem>>
    %dma_wait3A_117 = tpu.memref_squeeze %dma_wait3A_116 : memref<1x80xi32, #tpu.memory_space<vmem>> -> memref<80xi32, #tpu.memory_space<vmem>>
    %dma_wait3A_118 = arith.constant 0 : i32
    %dma_wait3A_119 = arith.constant 0 : i32
    %dma_wait3A_120 = tpu.memref_slice %arg2[%dma_wait3A, %dma_wait3A_118, %dma_wait3A_119] : memref<2x10000x64xf32, #tpu.memory_space<hbm>> -> memref<1x10000x64xf32, #tpu.memory_space<hbm>>
    %dma_wait3A_121 = tpu.memref_squeeze %dma_wait3A_120 : memref<1x10000x64xf32, #tpu.memory_space<hbm>> -> memref<10000x64xf32, #tpu.memory_space<hbm>>
    %dma_wait3A_122 = arith.constant 0 : i32
    %dma_wait3A_123 = arith.constant 0 : i32
    %dma_wait3A_124 = tpu.memref_slice %dma_wait3A_121[%dma_wait3A_122, %dma_wait3A_123] : memref<10000x64xf32, #tpu.memory_space<hbm>> -> memref<10000x64xf32, #tpu.memory_space<hbm>>
    tpu.wait_indirect_dma semaphore(%arg20 : memref<!tpu.dma_semaphore, #tpu.memory_space<semaphore_mem>>) src(%dma_wait3A_124 : memref<10000x64xf32, #tpu.memory_space<hbm>>) dst(%arg9 : memref<80x64xf32, #tpu.memory_space<vmem>>)
    %dma_start3A_125 = arith.constant 0 : i32
    %dma_start3A_126 = arith.constant 0 : i32
    %dma_start3A_127 = tpu.memref_slice %arg8[%dma_start3A_125, %dma_start3A_126] : memref<250x80xi32, #tpu.memory_space<vmem>> -> memref<1x80xi32, #tpu.memory_space<vmem>>
    %dma_start3A_128 = tpu.memref_squeeze %dma_start3A_127 : memref<1x80xi32, #tpu.memory_space<vmem>> -> memref<80xi32, #tpu.memory_space<vmem>>
    %dma_start3A_129 = arith.constant 0 : i32
    %dma_start3A_130 = arith.constant 0 : i32
    %dma_start3A_131 = tpu.memref_slice %arg18[%dma_start3A_129, %dma_start3A_130] : memref<10240x64xf32, #tpu.memory_space<vmem_shared>> -> memref<10240x64xf32, #tpu.memory_space<vmem_shared>>
    tpu.enqueue_indirect_dma source(%arg9 : memref<80x64xf32, #tpu.memory_space<vmem>>) target(%dma_start3A_131 : memref<10240x64xf32, #tpu.memory_space<vmem_shared>>) offsets(%dma_start3A_128 : memref<80xi32, #tpu.memory_space<vmem>>) semaphore(%arg21 : memref<!tpu.dma_semaphore, #tpu.memory_space<semaphore_mem>>) {add = true}
    %dma_start3A_132 = arith.constant 0 : i32
    %dma_start3A_133 = arith.constant 5 : i32
    %dma_start3A_134 = arith.constant 0 : i32
    %dma_start3A_135 = tpu.memref_slice %arg7[%dma_start3A_133, %dma_start3A_134] : memref<250x80xi32, #tpu.memory_space<vmem>> -> memref<1x80xi32, #tpu.memory_space<vmem>>
    %dma_start3A_136 = tpu.memref_squeeze %dma_start3A_135 : memref<1x80xi32, #tpu.memory_space<vmem>> -> memref<80xi32, #tpu.memory_space<vmem>>
    %dma_start3A_137 = arith.constant 0 : i32
    %dma_start3A_138 = arith.constant 0 : i32
    %dma_start3A_139 = tpu.memref_slice %arg2[%dma_start3A_132, %dma_start3A_137, %dma_start3A_138] : memref<2x10000x64xf32, #tpu.memory_space<hbm>> -> memref<1x10000x64xf32, #tpu.memory_space<hbm>>
    %dma_start3A_140 = tpu.memref_squeeze %dma_start3A_139 : memref<1x10000x64xf32, #tpu.memory_space<hbm>> -> memref<10000x64xf32, #tpu.memory_space<hbm>>
    %dma_start3A_141 = arith.constant 0 : i32
    %dma_start3A_142 = arith.constant 0 : i32
    %dma_start3A_143 = tpu.memref_slice %dma_start3A_140[%dma_start3A_141, %dma_start3A_142] : memref<10000x64xf32, #tpu.memory_space<hbm>> -> memref<10000x64xf32, #tpu.memory_space<hbm>>
    tpu.enqueue_indirect_dma source(%dma_start3A_143 : memref<10000x64xf32, #tpu.memory_space<hbm>>) target(%arg14 : memref<80x64xf32, #tpu.memory_space<vmem>>) offsets(%dma_start3A_136 : memref<80xi32, #tpu.memory_space<vmem>>) semaphore(%arg20 : memref<!tpu.dma_semaphore, #tpu.memory_space<semaphore_mem>>)
    %run_scoped3A = arith.constant 0 : i32
    "tpu.region"() ({
      %run_scoped3A_660 = tpu.sem_alloc : memref<!tpu.dma_semaphore, #tpu.memory_space<semaphore_mem>>
      %dma_start3A_661 = arith.constant 0 : i32
      %dma_start3A_662 = tpu.memref_slice %arg8[%run_scoped3A, %dma_start3A_661] : memref<250x80xi32, #tpu.memory_space<vmem>> -> memref<1x80xi32, #tpu.memory_space<vmem>>
      %dma_start3A_663 = tpu.memref_squeeze %dma_start3A_662 : memref<1x80xi32, #tpu.memory_space<vmem>> -> memref<80xi32, #tpu.memory_space<vmem>>
      %dma_start3A_664 = arith.constant 0 : i32
      %dma_start3A_665 = tpu.memref_slice %arg19[%dma_start3A_664] : memref<10240xf32, #tpu.memory_space<vmem_shared>> -> memref<10240xf32, #tpu.memory_space<vmem_shared>>
      tpu.enqueue_indirect_dma source(%arg15 : memref<80xf32, #tpu.memory_space<vmem>>) target(%dma_start3A_665 : memref<10240xf32, #tpu.memory_space<vmem_shared>>) offsets(%dma_start3A_663 : memref<80xi32, #tpu.memory_space<vmem>>) semaphore(%run_scoped3A_660 : memref<!tpu.dma_semaphore, #tpu.memory_space<semaphore_mem>>) {add = true}
      %dma_wait3A_666 = arith.constant 0 : i32
      %dma_wait3A_667 = tpu.memref_slice %arg8[%run_scoped3A, %dma_wait3A_666] : memref<250x80xi32, #tpu.memory_space<vmem>> -> memref<1x80xi32, #tpu.memory_space<vmem>>
      %dma_wait3A_668 = tpu.memref_squeeze %dma_wait3A_667 : memref<1x80xi32, #tpu.memory_space<vmem>> -> memref<80xi32, #tpu.memory_space<vmem>>
      %dma_wait3A_669 = arith.constant 0 : i32
      %dma_wait3A_670 = tpu.memref_slice %arg19[%dma_wait3A_669] : memref<10240xf32, #tpu.memory_space<vmem_shared>> -> memref<10240xf32, #tpu.memory_space<vmem_shared>>
      tpu.wait_indirect_dma semaphore(%run_scoped3A_660 : memref<!tpu.dma_semaphore, #tpu.memory_space<semaphore_mem>>) src(%arg15 : memref<80xf32, #tpu.memory_space<vmem>>) dst(%dma_wait3A_670 : memref<10240xf32, #tpu.memory_space<vmem_shared>>)
      tpu.yield
    }) : () -> ()
    %dma_wait3A_144 = arith.constant 0 : i32
    %dma_wait3A_145 = arith.constant 0 : i32
    %dma_wait3A_146 = arith.constant 0 : i32
    %dma_wait3A_147 = tpu.memref_slice %arg7[%dma_wait3A_145, %dma_wait3A_146] : memref<250x80xi32, #tpu.memory_space<vmem>> -> memref<1x80xi32, #tpu.memory_space<vmem>>
    %dma_wait3A_148 = tpu.memref_squeeze %dma_wait3A_147 : memref<1x80xi32, #tpu.memory_space<vmem>> -> memref<80xi32, #tpu.memory_space<vmem>>
    %dma_wait3A_149 = arith.constant 0 : i32
    %dma_wait3A_150 = arith.constant 0 : i32
    %dma_wait3A_151 = tpu.memref_slice %arg2[%dma_wait3A_144, %dma_wait3A_149, %dma_wait3A_150] : memref<2x10000x64xf32, #tpu.memory_space<hbm>> -> memref<1x10000x64xf32, #tpu.memory_space<hbm>>
    %dma_wait3A_152 = tpu.memref_squeeze %dma_wait3A_151 : memref<1x10000x64xf32, #tpu.memory_space<hbm>> -> memref<10000x64xf32, #tpu.memory_space<hbm>>
    %dma_wait3A_153 = arith.constant 0 : i32
    %dma_wait3A_154 = arith.constant 0 : i32
    %dma_wait3A_155 = tpu.memref_slice %dma_wait3A_152[%dma_wait3A_153, %dma_wait3A_154] : memref<10000x64xf32, #tpu.memory_space<hbm>> -> memref<10000x64xf32, #tpu.memory_space<hbm>>
    tpu.wait_indirect_dma semaphore(%arg20 : memref<!tpu.dma_semaphore, #tpu.memory_space<semaphore_mem>>) src(%dma_wait3A_155 : memref<10000x64xf32, #tpu.memory_space<hbm>>) dst(%arg10 : memref<80x64xf32, #tpu.memory_space<vmem>>)
    %dma_start3A_156 = arith.constant 1 : i32
    %dma_start3A_157 = arith.constant 0 : i32
    %dma_start3A_158 = tpu.memref_slice %arg8[%dma_start3A_156, %dma_start3A_157] : memref<250x80xi32, #tpu.memory_space<vmem>> -> memref<1x80xi32, #tpu.memory_space<vmem>>
    %dma_start3A_159 = tpu.memref_squeeze %dma_start3A_158 : memref<1x80xi32, #tpu.memory_space<vmem>> -> memref<80xi32, #tpu.memory_space<vmem>>
    %dma_start3A_160 = arith.constant 0 : i32
    %dma_start3A_161 = arith.constant 0 : i32
    %dma_start3A_162 = tpu.memref_slice %arg18[%dma_start3A_160, %dma_start3A_161] : memref<10240x64xf32, #tpu.memory_space<vmem_shared>> -> memref<10240x64xf32, #tpu.memory_space<vmem_shared>>
    tpu.enqueue_indirect_dma source(%arg10 : memref<80x64xf32, #tpu.memory_space<vmem>>) target(%dma_start3A_162 : memref<10240x64xf32, #tpu.memory_space<vmem_shared>>) offsets(%dma_start3A_159 : memref<80xi32, #tpu.memory_space<vmem>>) semaphore(%arg21 : memref<!tpu.dma_semaphore, #tpu.memory_space<semaphore_mem>>) {add = true}
    %dma_wait3A_163 = arith.constant 0 : i32
    %dma_wait3A_164 = arith.constant 0 : i32
    %dma_wait3A_165 = arith.constant 0 : i32
    %dma_wait3A_166 = tpu.memref_slice %arg7[%dma_wait3A_164, %dma_wait3A_165] : memref<250x80xi32, #tpu.memory_space<vmem>> -> memref<1x80xi32, #tpu.memory_space<vmem>>
    %dma_wait3A_167 = tpu.memref_squeeze %dma_wait3A_166 : memref<1x80xi32, #tpu.memory_space<vmem>> -> memref<80xi32, #tpu.memory_space<vmem>>
    %dma_wait3A_168 = arith.constant 0 : i32
    %dma_wait3A_169 = arith.constant 0 : i32
    %dma_wait3A_170 = tpu.memref_slice %arg2[%dma_wait3A_163, %dma_wait3A_168, %dma_wait3A_169] : memref<2x10000x64xf32, #tpu.memory_space<hbm>> -> memref<1x10000x64xf32, #tpu.memory_space<hbm>>
    %dma_wait3A_171 = tpu.memref_squeeze %dma_wait3A_170 : memref<1x10000x64xf32, #tpu.memory_space<hbm>> -> memref<10000x64xf32, #tpu.memory_space<hbm>>
    %dma_wait3A_172 = arith.constant 0 : i32
    %dma_wait3A_173 = arith.constant 0 : i32
    %dma_wait3A_174 = tpu.memref_slice %dma_wait3A_171[%dma_wait3A_172, %dma_wait3A_173] : memref<10000x64xf32, #tpu.memory_space<hbm>> -> memref<10000x64xf32, #tpu.memory_space<hbm>>
    tpu.wait_indirect_dma semaphore(%arg21 : memref<!tpu.dma_semaphore, #tpu.memory_space<semaphore_mem>>) src(%dma_wait3A_174 : memref<10000x64xf32, #tpu.memory_space<hbm>>) dst(%arg10 : memref<80x64xf32, #tpu.memory_space<vmem>>)
    %dma_start3A_175 = arith.constant 0 : i32
    %dma_start3A_176 = arith.constant 6 : i32
    %dma_start3A_177 = arith.constant 0 : i32
    %dma_start3A_178 = tpu.memref_slice %arg7[%dma_start3A_176, %dma_start3A_177] : memref<250x80xi32, #tpu.memory_space<vmem>> -> memref<1x80xi32, #tpu.memory_space<vmem>>
    %dma_start3A_179 = tpu.memref_squeeze %dma_start3A_178 : memref<1x80xi32, #tpu.memory_space<vmem>> -> memref<80xi32, #tpu.memory_space<vmem>>
    %dma_start3A_180 = arith.constant 0 : i32
    %dma_start3A_181 = arith.constant 0 : i32
    %dma_start3A_182 = tpu.memref_slice %arg2[%dma_start3A_175, %dma_start3A_180, %dma_start3A_181] : memref<2x10000x64xf32, #tpu.memory_space<hbm>> -> memref<1x10000x64xf32, #tpu.memory_space<hbm>>
    %dma_start3A_183 = tpu.memref_squeeze %dma_start3A_182 : memref<1x10000x64xf32, #tpu.memory_space<hbm>> -> memref<10000x64xf32, #tpu.memory_space<hbm>>
    %dma_start3A_184 = arith.constant 0 : i32
    %dma_start3A_185 = arith.constant 0 : i32
    %dma_start3A_186 = tpu.memref_slice %dma_start3A_183[%dma_start3A_184, %dma_start3A_185] : memref<10000x64xf32, #tpu.memory_space<hbm>> -> memref<10000x64xf32, #tpu.memory_space<hbm>>
    tpu.enqueue_indirect_dma source(%dma_start3A_186 : memref<10000x64xf32, #tpu.memory_space<hbm>>) target(%arg9 : memref<80x64xf32, #tpu.memory_space<vmem>>) offsets(%dma_start3A_179 : memref<80xi32, #tpu.memory_space<vmem>>) semaphore(%arg20 : memref<!tpu.dma_semaphore, #tpu.memory_space<semaphore_mem>>)
    %run_scoped3A_187 = arith.constant 1 : i32
    "tpu.region"() ({
      %run_scoped3A_660 = tpu.sem_alloc : memref<!tpu.dma_semaphore, #tpu.memory_space<semaphore_mem>>
      %dma_start3A_661 = arith.constant 0 : i32
      %dma_start3A_662 = tpu.memref_slice %arg8[%run_scoped3A_187, %dma_start3A_661] : memref<250x80xi32, #tpu.memory_space<vmem>> -> memref<1x80xi32, #tpu.memory_space<vmem>>
      %dma_start3A_663 = tpu.memref_squeeze %dma_start3A_662 : memref<1x80xi32, #tpu.memory_space<vmem>> -> memref<80xi32, #tpu.memory_space<vmem>>
      %dma_start3A_664 = arith.constant 0 : i32
      %dma_start3A_665 = tpu.memref_slice %arg19[%dma_start3A_664] : memref<10240xf32, #tpu.memory_space<vmem_shared>> -> memref<10240xf32, #tpu.memory_space<vmem_shared>>
      tpu.enqueue_indirect_dma source(%arg15 : memref<80xf32, #tpu.memory_space<vmem>>) target(%dma_start3A_665 : memref<10240xf32, #tpu.memory_space<vmem_shared>>) offsets(%dma_start3A_663 : memref<80xi32, #tpu.memory_space<vmem>>) semaphore(%run_scoped3A_660 : memref<!tpu.dma_semaphore, #tpu.memory_space<semaphore_mem>>) {add = true}
      %dma_wait3A_666 = arith.constant 0 : i32
      %dma_wait3A_667 = tpu.memref_slice %arg8[%run_scoped3A_187, %dma_wait3A_666] : memref<250x80xi32, #tpu.memory_space<vmem>> -> memref<1x80xi32, #tpu.memory_space<vmem>>
      %dma_wait3A_668 = tpu.memref_squeeze %dma_wait3A_667 : memref<1x80xi32, #tpu.memory_space<vmem>> -> memref<80xi32, #tpu.memory_space<vmem>>
      %dma_wait3A_669 = arith.constant 0 : i32
      %dma_wait3A_670 = tpu.memref_slice %arg19[%dma_wait3A_669] : memref<10240xf32, #tpu.memory_space<vmem_shared>> -> memref<10240xf32, #tpu.memory_space<vmem_shared>>
      tpu.wait_indirect_dma semaphore(%run_scoped3A_660 : memref<!tpu.dma_semaphore, #tpu.memory_space<semaphore_mem>>) src(%arg15 : memref<80xf32, #tpu.memory_space<vmem>>) dst(%dma_wait3A_670 : memref<10240xf32, #tpu.memory_space<vmem_shared>>)
      tpu.yield
    }) : () -> ()
    %dma_wait3A_188 = arith.constant 0 : i32
    %dma_wait3A_189 = arith.constant 0 : i32
    %dma_wait3A_190 = arith.constant 0 : i32
    %dma_wait3A_191 = tpu.memref_slice %arg7[%dma_wait3A_189, %dma_wait3A_190] : memref<250x80xi32, #tpu.memory_space<vmem>> -> memref<1x80xi32, #tpu.memory_space<vmem>>
    %dma_wait3A_192 = tpu.memref_squeeze %dma_wait3A_191 : memref<1x80xi32, #tpu.memory_space<vmem>> -> memref<80xi32, #tpu.memory_space<vmem>>
    %dma_wait3A_193 = arith.constant 0 : i32
    %dma_wait3A_194 = arith.constant 0 : i32
    %dma_wait3A_195 = tpu.memref_slice %arg2[%dma_wait3A_188, %dma_wait3A_193, %dma_wait3A_194] : memref<2x10000x64xf32, #tpu.memory_space<hbm>> -> memref<1x10000x64xf32, #tpu.memory_space<hbm>>
    %dma_wait3A_196 = tpu.memref_squeeze %dma_wait3A_195 : memref<1x10000x64xf32, #tpu.memory_space<hbm>> -> memref<10000x64xf32, #tpu.memory_space<hbm>>
    %dma_wait3A_197 = arith.constant 0 : i32
    %dma_wait3A_198 = arith.constant 0 : i32
    %dma_wait3A_199 = tpu.memref_slice %dma_wait3A_196[%dma_wait3A_197, %dma_wait3A_198] : memref<10000x64xf32, #tpu.memory_space<hbm>> -> memref<10000x64xf32, #tpu.memory_space<hbm>>
    tpu.wait_indirect_dma semaphore(%arg20 : memref<!tpu.dma_semaphore, #tpu.memory_space<semaphore_mem>>) src(%dma_wait3A_199 : memref<10000x64xf32, #tpu.memory_space<hbm>>) dst(%arg11 : memref<80x64xf32, #tpu.memory_space<vmem>>)
    %dma_start3A_200 = arith.constant 2 : i32
    %dma_start3A_201 = arith.constant 0 : i32
    %dma_start3A_202 = tpu.memref_slice %arg8[%dma_start3A_200, %dma_start3A_201] : memref<250x80xi32, #tpu.memory_space<vmem>> -> memref<1x80xi32, #tpu.memory_space<vmem>>
    %dma_start3A_203 = tpu.memref_squeeze %dma_start3A_202 : memref<1x80xi32, #tpu.memory_space<vmem>> -> memref<80xi32, #tpu.memory_space<vmem>>
    %dma_start3A_204 = arith.constant 0 : i32
    %dma_start3A_205 = arith.constant 0 : i32
    %dma_start3A_206 = tpu.memref_slice %arg18[%dma_start3A_204, %dma_start3A_205] : memref<10240x64xf32, #tpu.memory_space<vmem_shared>> -> memref<10240x64xf32, #tpu.memory_space<vmem_shared>>
    tpu.enqueue_indirect_dma source(%arg11 : memref<80x64xf32, #tpu.memory_space<vmem>>) target(%dma_start3A_206 : memref<10240x64xf32, #tpu.memory_space<vmem_shared>>) offsets(%dma_start3A_203 : memref<80xi32, #tpu.memory_space<vmem>>) semaphore(%arg21 : memref<!tpu.dma_semaphore, #tpu.memory_space<semaphore_mem>>) {add = true}
    %dma_wait3A_207 = arith.constant 0 : i32
    %dma_wait3A_208 = arith.constant 0 : i32
    %dma_wait3A_209 = arith.constant 0 : i32
    %dma_wait3A_210 = tpu.memref_slice %arg7[%dma_wait3A_208, %dma_wait3A_209] : memref<250x80xi32, #tpu.memory_space<vmem>> -> memref<1x80xi32, #tpu.memory_space<vmem>>
    %dma_wait3A_211 = tpu.memref_squeeze %dma_wait3A_210 : memref<1x80xi32, #tpu.memory_space<vmem>> -> memref<80xi32, #tpu.memory_space<vmem>>
    %dma_wait3A_212 = arith.constant 0 : i32
    %dma_wait3A_213 = arith.constant 0 : i32
    %dma_wait3A_214 = tpu.memref_slice %arg2[%dma_wait3A_207, %dma_wait3A_212, %dma_wait3A_213] : memref<2x10000x64xf32, #tpu.memory_space<hbm>> -> memref<1x10000x64xf32, #tpu.memory_space<hbm>>
    %dma_wait3A_215 = tpu.memref_squeeze %dma_wait3A_214 : memref<1x10000x64xf32, #tpu.memory_space<hbm>> -> memref<10000x64xf32, #tpu.memory_space<hbm>>
    %dma_wait3A_216 = arith.constant 0 : i32
    %dma_wait3A_217 = arith.constant 0 : i32
    %dma_wait3A_218 = tpu.memref_slice %dma_wait3A_215[%dma_wait3A_216, %dma_wait3A_217] : memref<10000x64xf32, #tpu.memory_space<hbm>> -> memref<10000x64xf32, #tpu.memory_space<hbm>>
    tpu.wait_indirect_dma semaphore(%arg21 : memref<!tpu.dma_semaphore, #tpu.memory_space<semaphore_mem>>) src(%dma_wait3A_218 : memref<10000x64xf32, #tpu.memory_space<hbm>>) dst(%arg11 : memref<80x64xf32, #tpu.memory_space<vmem>>)
    %dma_start3A_219 = arith.constant 0 : i32
    %dma_start3A_220 = arith.constant 7 : i32
    %dma_start3A_221 = arith.constant 0 : i32
    %dma_start3A_222 = tpu.memref_slice %arg7[%dma_start3A_220, %dma_start3A_221] : memref<250x80xi32, #tpu.memory_space<vmem>> -> memref<1x80xi32, #tpu.memory_space<vmem>>
    %dma_start3A_223 = tpu.memref_squeeze %dma_start3A_222 : memref<1x80xi32, #tpu.memory_space<vmem>> -> memref<80xi32, #tpu.memory_space<vmem>>
    %dma_start3A_224 = arith.constant 0 : i32
    %dma_start3A_225 = arith.constant 0 : i32
    %dma_start3A_226 = tpu.memref_slice %arg2[%dma_start3A_219, %dma_start3A_224, %dma_start3A_225] : memref<2x10000x64xf32, #tpu.memory_space<hbm>> -> memref<1x10000x64xf32, #tpu.memory_space<hbm>>
    %dma_start3A_227 = tpu.memref_squeeze %dma_start3A_226 : memref<1x10000x64xf32, #tpu.memory_space<hbm>> -> memref<10000x64xf32, #tpu.memory_space<hbm>>
    %dma_start3A_228 = arith.constant 0 : i32
    %dma_start3A_229 = arith.constant 0 : i32
    %dma_start3A_230 = tpu.memref_slice %dma_start3A_227[%dma_start3A_228, %dma_start3A_229] : memref<10000x64xf32, #tpu.memory_space<hbm>> -> memref<10000x64xf32, #tpu.memory_space<hbm>>
    tpu.enqueue_indirect_dma source(%dma_start3A_230 : memref<10000x64xf32, #tpu.memory_space<hbm>>) target(%arg10 : memref<80x64xf32, #tpu.memory_space<vmem>>) offsets(%dma_start3A_223 : memref<80xi32, #tpu.memory_space<vmem>>) semaphore(%arg20 : memref<!tpu.dma_semaphore, #tpu.memory_space<semaphore_mem>>)
    %run_scoped3A_231 = arith.constant 2 : i32
    "tpu.region"() ({
      %run_scoped3A_660 = tpu.sem_alloc : memref<!tpu.dma_semaphore, #tpu.memory_space<semaphore_mem>>
      %dma_start3A_661 = arith.constant 0 : i32
      %dma_start3A_662 = tpu.memref_slice %arg8[%run_scoped3A_231, %dma_start3A_661] : memref<250x80xi32, #tpu.memory_space<vmem>> -> memref<1x80xi32, #tpu.memory_space<vmem>>
      %dma_start3A_663 = tpu.memref_squeeze %dma_start3A_662 : memref<1x80xi32, #tpu.memory_space<vmem>> -> memref<80xi32, #tpu.memory_space<vmem>>
      %dma_start3A_664 = arith.constant 0 : i32
      %dma_start3A_665 = tpu.memref_slice %arg19[%dma_start3A_664] : memref<10240xf32, #tpu.memory_space<vmem_shared>> -> memref<10240xf32, #tpu.memory_space<vmem_shared>>
      tpu.enqueue_indirect_dma source(%arg15 : memref<80xf32, #tpu.memory_space<vmem>>) target(%dma_start3A_665 : memref<10240xf32, #tpu.memory_space<vmem_shared>>) offsets(%dma_start3A_663 : memref<80xi32, #tpu.memory_space<vmem>>) semaphore(%run_scoped3A_660 : memref<!tpu.dma_semaphore, #tpu.memory_space<semaphore_mem>>) {add = true}
      %dma_wait3A_666 = arith.constant 0 : i32
      %dma_wait3A_667 = tpu.memref_slice %arg8[%run_scoped3A_231, %dma_wait3A_666] : memref<250x80xi32, #tpu.memory_space<vmem>> -> memref<1x80xi32, #tpu.memory_space<vmem>>
      %dma_wait3A_668 = tpu.memref_squeeze %dma_wait3A_667 : memref<1x80xi32, #tpu.memory_space<vmem>> -> memref<80xi32, #tpu.memory_space<vmem>>
      %dma_wait3A_669 = arith.constant 0 : i32
      %dma_wait3A_670 = tpu.memref_slice %arg19[%dma_wait3A_669] : memref<10240xf32, #tpu.memory_space<vmem_shared>> -> memref<10240xf32, #tpu.memory_space<vmem_shared>>
      tpu.wait_indirect_dma semaphore(%run_scoped3A_660 : memref<!tpu.dma_semaphore, #tpu.memory_space<semaphore_mem>>) src(%arg15 : memref<80xf32, #tpu.memory_space<vmem>>) dst(%dma_wait3A_670 : memref<10240xf32, #tpu.memory_space<vmem_shared>>)
      tpu.yield
    }) : () -> ()
    %dma_wait3A_232 = arith.constant 0 : i32
    %dma_wait3A_233 = arith.constant 0 : i32
    %dma_wait3A_234 = arith.constant 0 : i32
    %dma_wait3A_235 = tpu.memref_slice %arg7[%dma_wait3A_233, %dma_wait3A_234] : memref<250x80xi32, #tpu.memory_space<vmem>> -> memref<1x80xi32, #tpu.memory_space<vmem>>
    %dma_wait3A_236 = tpu.memref_squeeze %dma_wait3A_235 : memref<1x80xi32, #tpu.memory_space<vmem>> -> memref<80xi32, #tpu.memory_space<vmem>>
    %dma_wait3A_237 = arith.constant 0 : i32
    %dma_wait3A_238 = arith.constant 0 : i32
    %dma_wait3A_239 = tpu.memref_slice %arg2[%dma_wait3A_232, %dma_wait3A_237, %dma_wait3A_238] : memref<2x10000x64xf32, #tpu.memory_space<hbm>> -> memref<1x10000x64xf32, #tpu.memory_space<hbm>>
    %dma_wait3A_240 = tpu.memref_squeeze %dma_wait3A_239 : memref<1x10000x64xf32, #tpu.memory_space<hbm>> -> memref<10000x64xf32, #tpu.memory_space<hbm>>
    %dma_wait3A_241 = arith.constant 0 : i32
    %dma_wait3A_242 = arith.constant 0 : i32
    %dma_wait3A_243 = tpu.memref_slice %dma_wait3A_240[%dma_wait3A_241, %dma_wait3A_242] : memref<10000x64xf32, #tpu.memory_space<hbm>> -> memref<10000x64xf32, #tpu.memory_space<hbm>>
    tpu.wait_indirect_dma semaphore(%arg20 : memref<!tpu.dma_semaphore, #tpu.memory_space<semaphore_mem>>) src(%dma_wait3A_243 : memref<10000x64xf32, #tpu.memory_space<hbm>>) dst(%arg12 : memref<80x64xf32, #tpu.memory_space<vmem>>)
    %dma_start3A_244 = arith.constant 3 : i32
    %dma_start3A_245 = arith.constant 0 : i32
    %dma_start3A_246 = tpu.memref_slice %arg8[%dma_start3A_244, %dma_start3A_245] : memref<250x80xi32, #tpu.memory_space<vmem>> -> memref<1x80xi32, #tpu.memory_space<vmem>>
    %dma_start3A_247 = tpu.memref_squeeze %dma_start3A_246 : memref<1x80xi32, #tpu.memory_space<vmem>> -> memref<80xi32, #tpu.memory_space<vmem>>
    %dma_start3A_248 = arith.constant 0 : i32
    %dma_start3A_249 = arith.constant 0 : i32
    %dma_start3A_250 = tpu.memref_slice %arg18[%dma_start3A_248, %dma_start3A_249] : memref<10240x64xf32, #tpu.memory_space<vmem_shared>> -> memref<10240x64xf32, #tpu.memory_space<vmem_shared>>
    tpu.enqueue_indirect_dma source(%arg12 : memref<80x64xf32, #tpu.memory_space<vmem>>) target(%dma_start3A_250 : memref<10240x64xf32, #tpu.memory_space<vmem_shared>>) offsets(%dma_start3A_247 : memref<80xi32, #tpu.memory_space<vmem>>) semaphore(%arg21 : memref<!tpu.dma_semaphore, #tpu.memory_space<semaphore_mem>>) {add = true}
    %dma_wait3A_251 = arith.constant 0 : i32
    %dma_wait3A_252 = arith.constant 0 : i32
    %dma_wait3A_253 = arith.constant 0 : i32
    %dma_wait3A_254 = tpu.memref_slice %arg7[%dma_wait3A_252, %dma_wait3A_253] : memref<250x80xi32, #tpu.memory_space<vmem>> -> memref<1x80xi32, #tpu.memory_space<vmem>>
    %dma_wait3A_255 = tpu.memref_squeeze %dma_wait3A_254 : memref<1x80xi32, #tpu.memory_space<vmem>> -> memref<80xi32, #tpu.memory_space<vmem>>
    %dma_wait3A_256 = arith.constant 0 : i32
    %dma_wait3A_257 = arith.constant 0 : i32
    %dma_wait3A_258 = tpu.memref_slice %arg2[%dma_wait3A_251, %dma_wait3A_256, %dma_wait3A_257] : memref<2x10000x64xf32, #tpu.memory_space<hbm>> -> memref<1x10000x64xf32, #tpu.memory_space<hbm>>
    %dma_wait3A_259 = tpu.memref_squeeze %dma_wait3A_258 : memref<1x10000x64xf32, #tpu.memory_space<hbm>> -> memref<10000x64xf32, #tpu.memory_space<hbm>>
    %dma_wait3A_260 = arith.constant 0 : i32
    %dma_wait3A_261 = arith.constant 0 : i32
    %dma_wait3A_262 = tpu.memref_slice %dma_wait3A_259[%dma_wait3A_260, %dma_wait3A_261] : memref<10000x64xf32, #tpu.memory_space<hbm>> -> memref<10000x64xf32, #tpu.memory_space<hbm>>
    tpu.wait_indirect_dma semaphore(%arg21 : memref<!tpu.dma_semaphore, #tpu.memory_space<semaphore_mem>>) src(%dma_wait3A_262 : memref<10000x64xf32, #tpu.memory_space<hbm>>) dst(%arg12 : memref<80x64xf32, #tpu.memory_space<vmem>>)
    %dma_start3A_263 = arith.constant 0 : i32
    %dma_start3A_264 = arith.constant 8 : i32
    %dma_start3A_265 = arith.constant 0 : i32
    %dma_start3A_266 = tpu.memref_slice %arg7[%dma_start3A_264, %dma_start3A_265] : memref<250x80xi32, #tpu.memory_space<vmem>> -> memref<1x80xi32, #tpu.memory_space<vmem>>
    %dma_start3A_267 = tpu.memref_squeeze %dma_start3A_266 : memref<1x80xi32, #tpu.memory_space<vmem>> -> memref<80xi32, #tpu.memory_space<vmem>>
    %dma_start3A_268 = arith.constant 0 : i32
    %dma_start3A_269 = arith.constant 0 : i32
    %dma_start3A_270 = tpu.memref_slice %arg2[%dma_start3A_263, %dma_start3A_268, %dma_start3A_269] : memref<2x10000x64xf32, #tpu.memory_space<hbm>> -> memref<1x10000x64xf32, #tpu.memory_space<hbm>>
    %dma_start3A_271 = tpu.memref_squeeze %dma_start3A_270 : memref<1x10000x64xf32, #tpu.memory_space<hbm>> -> memref<10000x64xf32, #tpu.memory_space<hbm>>
    %dma_start3A_272 = arith.constant 0 : i32
    %dma_start3A_273 = arith.constant 0 : i32
    %dma_start3A_274 = tpu.memref_slice %dma_start3A_271[%dma_start3A_272, %dma_start3A_273] : memref<10000x64xf32, #tpu.memory_space<hbm>> -> memref<10000x64xf32, #tpu.memory_space<hbm>>
    tpu.enqueue_indirect_dma source(%dma_start3A_274 : memref<10000x64xf32, #tpu.memory_space<hbm>>) target(%arg11 : memref<80x64xf32, #tpu.memory_space<vmem>>) offsets(%dma_start3A_267 : memref<80xi32, #tpu.memory_space<vmem>>) semaphore(%arg20 : memref<!tpu.dma_semaphore, #tpu.memory_space<semaphore_mem>>)
    %run_scoped3A_275 = arith.constant 3 : i32
    "tpu.region"() ({
      %run_scoped3A_660 = tpu.sem_alloc : memref<!tpu.dma_semaphore, #tpu.memory_space<semaphore_mem>>
      %dma_start3A_661 = arith.constant 0 : i32
      %dma_start3A_662 = tpu.memref_slice %arg8[%run_scoped3A_275, %dma_start3A_661] : memref<250x80xi32, #tpu.memory_space<vmem>> -> memref<1x80xi32, #tpu.memory_space<vmem>>
      %dma_start3A_663 = tpu.memref_squeeze %dma_start3A_662 : memref<1x80xi32, #tpu.memory_space<vmem>> -> memref<80xi32, #tpu.memory_space<vmem>>
      %dma_start3A_664 = arith.constant 0 : i32
      %dma_start3A_665 = tpu.memref_slice %arg19[%dma_start3A_664] : memref<10240xf32, #tpu.memory_space<vmem_shared>> -> memref<10240xf32, #tpu.memory_space<vmem_shared>>
      tpu.enqueue_indirect_dma source(%arg15 : memref<80xf32, #tpu.memory_space<vmem>>) target(%dma_start3A_665 : memref<10240xf32, #tpu.memory_space<vmem_shared>>) offsets(%dma_start3A_663 : memref<80xi32, #tpu.memory_space<vmem>>) semaphore(%run_scoped3A_660 : memref<!tpu.dma_semaphore, #tpu.memory_space<semaphore_mem>>) {add = true}
      %dma_wait3A_666 = arith.constant 0 : i32
      %dma_wait3A_667 = tpu.memref_slice %arg8[%run_scoped3A_275, %dma_wait3A_666] : memref<250x80xi32, #tpu.memory_space<vmem>> -> memref<1x80xi32, #tpu.memory_space<vmem>>
      %dma_wait3A_668 = tpu.memref_squeeze %dma_wait3A_667 : memref<1x80xi32, #tpu.memory_space<vmem>> -> memref<80xi32, #tpu.memory_space<vmem>>
      %dma_wait3A_669 = arith.constant 0 : i32
      %dma_wait3A_670 = tpu.memref_slice %arg19[%dma_wait3A_669] : memref<10240xf32, #tpu.memory_space<vmem_shared>> -> memref<10240xf32, #tpu.memory_space<vmem_shared>>
      tpu.wait_indirect_dma semaphore(%run_scoped3A_660 : memref<!tpu.dma_semaphore, #tpu.memory_space<semaphore_mem>>) src(%arg15 : memref<80xf32, #tpu.memory_space<vmem>>) dst(%dma_wait3A_670 : memref<10240xf32, #tpu.memory_space<vmem_shared>>)
      tpu.yield
    }) : () -> ()
    %scan3A_276 = arith.constant 0 : i32
    %scan3A_277 = arith.constant 0 : i32
    %scan3A_278 = arith.constant 0 : i32
    %scan3A_279 = arith.constant 41 : i32
    %scan3A_280 = arith.addi %scan3A_278, %scan3A_279 : i32
    %scan3A_281 = arith.constant 1 : i32
    %scan3A_282 = scf.for %scan3A_660 = %scan3A_278 to %scan3A_280 step %scan3A_281 iter_args(%scan3A_661 = %scan3A_277) -> (i32)  : i32 {
      %mul3A_662 = arith.constant 6 : i32
      %mul3A_663 = arith.muli %scan3A_660, %mul3A_662 : i32
      %add3A_664 = arith.constant 4 : i32
      %add3A_665 = arith.addi %add3A_664, %mul3A_663 : i32
      %add3A_666 = arith.constant 0 : i32
      %add3A_667 = arith.addi %add3A_665, %add3A_666 : i32
      %dma_wait3A_668 = arith.constant 0 : i32
      %dma_wait3A_669 = arith.constant 0 : i32
      %dma_wait3A_670 = tpu.memref_slice %arg7[%dma_wait3A_668, %dma_wait3A_669] : memref<250x80xi32, #tpu.memory_space<vmem>> -> memref<1x80xi32, #tpu.memory_space<vmem>>
      %dma_wait3A_671 = tpu.memref_squeeze %dma_wait3A_670 : memref<1x80xi32, #tpu.memory_space<vmem>> -> memref<80xi32, #tpu.memory_space<vmem>>
      %dma_wait3A_672 = arith.constant 0 : i32
      %dma_wait3A_673 = arith.constant 0 : i32
      %dma_wait3A_674 = tpu.memref_slice %arg2[%scan3A_276, %dma_wait3A_672, %dma_wait3A_673] : memref<2x10000x64xf32, #tpu.memory_space<hbm>> -> memref<1x10000x64xf32, #tpu.memory_space<hbm>>
      %dma_wait3A_675 = tpu.memref_squeeze %dma_wait3A_674 : memref<1x10000x64xf32, #tpu.memory_space<hbm>> -> memref<10000x64xf32, #tpu.memory_space<hbm>>
      %dma_wait3A_676 = arith.constant 0 : i32
      %dma_wait3A_677 = arith.constant 0 : i32
      %dma_wait3A_678 = tpu.memref_slice %dma_wait3A_675[%dma_wait3A_676, %dma_wait3A_677] : memref<10000x64xf32, #tpu.memory_space<hbm>> -> memref<10000x64xf32, #tpu.memory_space<hbm>>
      tpu.wait_indirect_dma semaphore(%arg20 : memref<!tpu.dma_semaphore, #tpu.memory_space<semaphore_mem>>) src(%dma_wait3A_678 : memref<10000x64xf32, #tpu.memory_space<hbm>>) dst(%arg13 : memref<80x64xf32, #tpu.memory_space<vmem>>)
      %dma_start3A_679 = arith.constant 0 : i32
      %dma_start3A_680 = tpu.memref_slice %arg8[%add3A_667, %dma_start3A_679] : memref<250x80xi32, #tpu.memory_space<vmem>> -> memref<1x80xi32, #tpu.memory_space<vmem>>
      %dma_start3A_681 = tpu.memref_squeeze %dma_start3A_680 : memref<1x80xi32, #tpu.memory_space<vmem>> -> memref<80xi32, #tpu.memory_space<vmem>>
      %dma_start3A_682 = arith.constant 0 : i32
      %dma_start3A_683 = arith.constant 0 : i32
      %dma_start3A_684 = tpu.memref_slice %arg18[%dma_start3A_682, %dma_start3A_683] : memref<10240x64xf32, #tpu.memory_space<vmem_shared>> -> memref<10240x64xf32, #tpu.memory_space<vmem_shared>>
      tpu.enqueue_indirect_dma source(%arg13 : memref<80x64xf32, #tpu.memory_space<vmem>>) target(%dma_start3A_684 : memref<10240x64xf32, #tpu.memory_space<vmem_shared>>) offsets(%dma_start3A_681 : memref<80xi32, #tpu.memory_space<vmem>>) semaphore(%arg21 : memref<!tpu.dma_semaphore, #tpu.memory_space<semaphore_mem>>) {add = true}
      %dma_wait3A_685 = arith.constant 0 : i32
      %dma_wait3A_686 = arith.constant 0 : i32
      %dma_wait3A_687 = tpu.memref_slice %arg7[%dma_wait3A_685, %dma_wait3A_686] : memref<250x80xi32, #tpu.memory_space<vmem>> -> memref<1x80xi32, #tpu.memory_space<vmem>>
      %dma_wait3A_688 = tpu.memref_squeeze %dma_wait3A_687 : memref<1x80xi32, #tpu.memory_space<vmem>> -> memref<80xi32, #tpu.memory_space<vmem>>
      %dma_wait3A_689 = arith.constant 0 : i32
      %dma_wait3A_690 = arith.constant 0 : i32
      %dma_wait3A_691 = tpu.memref_slice %arg2[%scan3A_276, %dma_wait3A_689, %dma_wait3A_690] : memref<2x10000x64xf32, #tpu.memory_space<hbm>> -> memref<1x10000x64xf32, #tpu.memory_space<hbm>>
      %dma_wait3A_692 = tpu.memref_squeeze %dma_wait3A_691 : memref<1x10000x64xf32, #tpu.memory_space<hbm>> -> memref<10000x64xf32, #tpu.memory_space<hbm>>
      %dma_wait3A_693 = arith.constant 0 : i32
      %dma_wait3A_694 = arith.constant 0 : i32
      %dma_wait3A_695 = tpu.memref_slice %dma_wait3A_692[%dma_wait3A_693, %dma_wait3A_694] : memref<10000x64xf32, #tpu.memory_space<hbm>> -> memref<10000x64xf32, #tpu.memory_space<hbm>>
      tpu.wait_indirect_dma semaphore(%arg21 : memref<!tpu.dma_semaphore, #tpu.memory_space<semaphore_mem>>) src(%dma_wait3A_695 : memref<10000x64xf32, #tpu.memory_space<hbm>>) dst(%arg13 : memref<80x64xf32, #tpu.memory_space<vmem>>)
      %add3A_696 = arith.constant 5 : i32
      %add3A_697 = arith.addi %add3A_667, %add3A_696 : i32
      %lt3A = arith.constant 250 : i32
      %lt3A_698 = arith.cmpi slt, %add3A_697, %lt3A : i32
      %convert_element_type3A = arith.extui %lt3A_698 : i1 to i32
      %cond3A = arith.constant 0 : i32
      %cond3A_699 = arith.cmpi ne, %convert_element_type3A, %cond3A : i32
      scf.if %cond3A_699 {
        %add3A_906 = arith.constant 5 : i32
        %add3A_907 = arith.addi %add3A_667, %add3A_906 : i32
        %dma_start3A_908 = arith.constant 0 : i32
        %dma_start3A_909 = tpu.memref_slice %arg7[%add3A_907, %dma_start3A_908] : memref<250x80xi32, #tpu.memory_space<vmem>> -> memref<1x80xi32, #tpu.memory_space<vmem>>
        %dma_start3A_910 = tpu.memref_squeeze %dma_start3A_909 : memref<1x80xi32, #tpu.memory_space<vmem>> -> memref<80xi32, #tpu.memory_space<vmem>>
        %dma_start3A_911 = arith.constant 0 : i32
        %dma_start3A_912 = arith.constant 0 : i32
        %dma_start3A_913 = tpu.memref_slice %arg2[%scan3A_276, %dma_start3A_911, %dma_start3A_912] : memref<2x10000x64xf32, #tpu.memory_space<hbm>> -> memref<1x10000x64xf32, #tpu.memory_space<hbm>>
        %dma_start3A_914 = tpu.memref_squeeze %dma_start3A_913 : memref<1x10000x64xf32, #tpu.memory_space<hbm>> -> memref<10000x64xf32, #tpu.memory_space<hbm>>
        %dma_start3A_915 = arith.constant 0 : i32
        %dma_start3A_916 = arith.constant 0 : i32
        %dma_start3A_917 = tpu.memref_slice %dma_start3A_914[%dma_start3A_915, %dma_start3A_916] : memref<10000x64xf32, #tpu.memory_space<hbm>> -> memref<10000x64xf32, #tpu.memory_space<hbm>>
        tpu.enqueue_indirect_dma source(%dma_start3A_917 : memref<10000x64xf32, #tpu.memory_space<hbm>>) target(%arg12 : memref<80x64xf32, #tpu.memory_space<vmem>>) offsets(%dma_start3A_910 : memref<80xi32, #tpu.memory_space<vmem>>) semaphore(%arg20 : memref<!tpu.dma_semaphore, #tpu.memory_space<semaphore_mem>>)
      } else {
      }
      "tpu.region"() ({
        %run_scoped3A_906 = tpu.sem_alloc : memref<!tpu.dma_semaphore, #tpu.memory_space<semaphore_mem>>
        %dma_start3A_907 = arith.constant 0 : i32
        %dma_start3A_908 = tpu.memref_slice %arg8[%add3A_667, %dma_start3A_907] : memref<250x80xi32, #tpu.memory_space<vmem>> -> memref<1x80xi32, #tpu.memory_space<vmem>>
        %dma_start3A_909 = tpu.memref_squeeze %dma_start3A_908 : memref<1x80xi32, #tpu.memory_space<vmem>> -> memref<80xi32, #tpu.memory_space<vmem>>
        %dma_start3A_910 = arith.constant 0 : i32
        %dma_start3A_911 = tpu.memref_slice %arg19[%dma_start3A_910] : memref<10240xf32, #tpu.memory_space<vmem_shared>> -> memref<10240xf32, #tpu.memory_space<vmem_shared>>
        tpu.enqueue_indirect_dma source(%arg15 : memref<80xf32, #tpu.memory_space<vmem>>) target(%dma_start3A_911 : memref<10240xf32, #tpu.memory_space<vmem_shared>>) offsets(%dma_start3A_909 : memref<80xi32, #tpu.memory_space<vmem>>) semaphore(%run_scoped3A_906 : memref<!tpu.dma_semaphore, #tpu.memory_space<semaphore_mem>>) {add = true}
        %dma_wait3A_912 = arith.constant 0 : i32
        %dma_wait3A_913 = tpu.memref_slice %arg8[%add3A_667, %dma_wait3A_912] : memref<250x80xi32, #tpu.memory_space<vmem>> -> memref<1x80xi32, #tpu.memory_space<vmem>>
        %dma_wait3A_914 = tpu.memref_squeeze %dma_wait3A_913 : memref<1x80xi32, #tpu.memory_space<vmem>> -> memref<80xi32, #tpu.memory_space<vmem>>
        %dma_wait3A_915 = arith.constant 0 : i32
        %dma_wait3A_916 = tpu.memref_slice %arg19[%dma_wait3A_915] : memref<10240xf32, #tpu.memory_space<vmem_shared>> -> memref<10240xf32, #tpu.memory_space<vmem_shared>>
        tpu.wait_indirect_dma semaphore(%run_scoped3A_906 : memref<!tpu.dma_semaphore, #tpu.memory_space<semaphore_mem>>) src(%arg15 : memref<80xf32, #tpu.memory_space<vmem>>) dst(%dma_wait3A_916 : memref<10240xf32, #tpu.memory_space<vmem_shared>>)
        tpu.yield
      }) : () -> ()
      %mul3A_700 = arith.constant 6 : i32
      %mul3A_701 = arith.muli %scan3A_660, %mul3A_700 : i32
      %add3A_702 = arith.constant 4 : i32
      %add3A_703 = arith.addi %add3A_702, %mul3A_701 : i32
      %add3A_704 = arith.constant 1 : i32
      %add3A_705 = arith.addi %add3A_703, %add3A_704 : i32
      %dma_wait3A_706 = arith.constant 0 : i32
      %dma_wait3A_707 = arith.constant 0 : i32
      %dma_wait3A_708 = tpu.memref_slice %arg7[%dma_wait3A_706, %dma_wait3A_707] : memref<250x80xi32, #tpu.memory_space<vmem>> -> memref<1x80xi32, #tpu.memory_space<vmem>>
      %dma_wait3A_709 = tpu.memref_squeeze %dma_wait3A_708 : memref<1x80xi32, #tpu.memory_space<vmem>> -> memref<80xi32, #tpu.memory_space<vmem>>
      %dma_wait3A_710 = arith.constant 0 : i32
      %dma_wait3A_711 = arith.constant 0 : i32
      %dma_wait3A_712 = tpu.memref_slice %arg2[%scan3A_276, %dma_wait3A_710, %dma_wait3A_711] : memref<2x10000x64xf32, #tpu.memory_space<hbm>> -> memref<1x10000x64xf32, #tpu.memory_space<hbm>>
      %dma_wait3A_713 = tpu.memref_squeeze %dma_wait3A_712 : memref<1x10000x64xf32, #tpu.memory_space<hbm>> -> memref<10000x64xf32, #tpu.memory_space<hbm>>
      %dma_wait3A_714 = arith.constant 0 : i32
      %dma_wait3A_715 = arith.constant 0 : i32
      %dma_wait3A_716 = tpu.memref_slice %dma_wait3A_713[%dma_wait3A_714, %dma_wait3A_715] : memref<10000x64xf32, #tpu.memory_space<hbm>> -> memref<10000x64xf32, #tpu.memory_space<hbm>>
      tpu.wait_indirect_dma semaphore(%arg20 : memref<!tpu.dma_semaphore, #tpu.memory_space<semaphore_mem>>) src(%dma_wait3A_716 : memref<10000x64xf32, #tpu.memory_space<hbm>>) dst(%arg14 : memref<80x64xf32, #tpu.memory_space<vmem>>)
      %dma_start3A_717 = arith.constant 0 : i32
      %dma_start3A_718 = tpu.memref_slice %arg8[%add3A_705, %dma_start3A_717] : memref<250x80xi32, #tpu.memory_space<vmem>> -> memref<1x80xi32, #tpu.memory_space<vmem>>
      %dma_start3A_719 = tpu.memref_squeeze %dma_start3A_718 : memref<1x80xi32, #tpu.memory_space<vmem>> -> memref<80xi32, #tpu.memory_space<vmem>>
      %dma_start3A_720 = arith.constant 0 : i32
      %dma_start3A_721 = arith.constant 0 : i32
      %dma_start3A_722 = tpu.memref_slice %arg18[%dma_start3A_720, %dma_start3A_721] : memref<10240x64xf32, #tpu.memory_space<vmem_shared>> -> memref<10240x64xf32, #tpu.memory_space<vmem_shared>>
      tpu.enqueue_indirect_dma source(%arg14 : memref<80x64xf32, #tpu.memory_space<vmem>>) target(%dma_start3A_722 : memref<10240x64xf32, #tpu.memory_space<vmem_shared>>) offsets(%dma_start3A_719 : memref<80xi32, #tpu.memory_space<vmem>>) semaphore(%arg21 : memref<!tpu.dma_semaphore, #tpu.memory_space<semaphore_mem>>) {add = true}
      %dma_wait3A_723 = arith.constant 0 : i32
      %dma_wait3A_724 = arith.constant 0 : i32
      %dma_wait3A_725 = tpu.memref_slice %arg7[%dma_wait3A_723, %dma_wait3A_724] : memref<250x80xi32, #tpu.memory_space<vmem>> -> memref<1x80xi32, #tpu.memory_space<vmem>>
      %dma_wait3A_726 = tpu.memref_squeeze %dma_wait3A_725 : memref<1x80xi32, #tpu.memory_space<vmem>> -> memref<80xi32, #tpu.memory_space<vmem>>
      %dma_wait3A_727 = arith.constant 0 : i32
      %dma_wait3A_728 = arith.constant 0 : i32
      %dma_wait3A_729 = tpu.memref_slice %arg2[%scan3A_276, %dma_wait3A_727, %dma_wait3A_728] : memref<2x10000x64xf32, #tpu.memory_space<hbm>> -> memref<1x10000x64xf32, #tpu.memory_space<hbm>>
      %dma_wait3A_730 = tpu.memref_squeeze %dma_wait3A_729 : memref<1x10000x64xf32, #tpu.memory_space<hbm>> -> memref<10000x64xf32, #tpu.memory_space<hbm>>
      %dma_wait3A_731 = arith.constant 0 : i32
      %dma_wait3A_732 = arith.constant 0 : i32
      %dma_wait3A_733 = tpu.memref_slice %dma_wait3A_730[%dma_wait3A_731, %dma_wait3A_732] : memref<10000x64xf32, #tpu.memory_space<hbm>> -> memref<10000x64xf32, #tpu.memory_space<hbm>>
      tpu.wait_indirect_dma semaphore(%arg21 : memref<!tpu.dma_semaphore, #tpu.memory_space<semaphore_mem>>) src(%dma_wait3A_733 : memref<10000x64xf32, #tpu.memory_space<hbm>>) dst(%arg14 : memref<80x64xf32, #tpu.memory_space<vmem>>)
      %add3A_734 = arith.constant 5 : i32
      %add3A_735 = arith.addi %add3A_705, %add3A_734 : i32
      %lt3A_736 = arith.constant 250 : i32
      %lt3A_737 = arith.cmpi slt, %add3A_735, %lt3A_736 : i32
      %convert_element_type3A_738 = arith.extui %lt3A_737 : i1 to i32
      %cond3A_739 = arith.constant 0 : i32
      %cond3A_740 = arith.cmpi ne, %convert_element_type3A_738, %cond3A_739 : i32
      scf.if %cond3A_740 {
        %add3A_906 = arith.constant 5 : i32
        %add3A_907 = arith.addi %add3A_705, %add3A_906 : i32
        %dma_start3A_908 = arith.constant 0 : i32
        %dma_start3A_909 = tpu.memref_slice %arg7[%add3A_907, %dma_start3A_908] : memref<250x80xi32, #tpu.memory_space<vmem>> -> memref<1x80xi32, #tpu.memory_space<vmem>>
        %dma_start3A_910 = tpu.memref_squeeze %dma_start3A_909 : memref<1x80xi32, #tpu.memory_space<vmem>> -> memref<80xi32, #tpu.memory_space<vmem>>
        %dma_start3A_911 = arith.constant 0 : i32
        %dma_start3A_912 = arith.constant 0 : i32
        %dma_start3A_913 = tpu.memref_slice %arg2[%scan3A_276, %dma_start3A_911, %dma_start3A_912] : memref<2x10000x64xf32, #tpu.memory_space<hbm>> -> memref<1x10000x64xf32, #tpu.memory_space<hbm>>
        %dma_start3A_914 = tpu.memref_squeeze %dma_start3A_913 : memref<1x10000x64xf32, #tpu.memory_space<hbm>> -> memref<10000x64xf32, #tpu.memory_space<hbm>>
        %dma_start3A_915 = arith.constant 0 : i32
        %dma_start3A_916 = arith.constant 0 : i32
        %dma_start3A_917 = tpu.memref_slice %dma_start3A_914[%dma_start3A_915, %dma_start3A_916] : memref<10000x64xf32, #tpu.memory_space<hbm>> -> memref<10000x64xf32, #tpu.memory_space<hbm>>
        tpu.enqueue_indirect_dma source(%dma_start3A_917 : memref<10000x64xf32, #tpu.memory_space<hbm>>) target(%arg13 : memref<80x64xf32, #tpu.memory_space<vmem>>) offsets(%dma_start3A_910 : memref<80xi32, #tpu.memory_space<vmem>>) semaphore(%arg20 : memref<!tpu.dma_semaphore, #tpu.memory_space<semaphore_mem>>)
      } else {
      }
      "tpu.region"() ({
        %run_scoped3A_906 = tpu.sem_alloc : memref<!tpu.dma_semaphore, #tpu.memory_space<semaphore_mem>>
        %dma_start3A_907 = arith.constant 0 : i32
        %dma_start3A_908 = tpu.memref_slice %arg8[%add3A_705, %dma_start3A_907] : memref<250x80xi32, #tpu.memory_space<vmem>> -> memref<1x80xi32, #tpu.memory_space<vmem>>
        %dma_start3A_909 = tpu.memref_squeeze %dma_start3A_908 : memref<1x80xi32, #tpu.memory_space<vmem>> -> memref<80xi32, #tpu.memory_space<vmem>>
        %dma_start3A_910 = arith.constant 0 : i32
        %dma_start3A_911 = tpu.memref_slice %arg19[%dma_start3A_910] : memref<10240xf32, #tpu.memory_space<vmem_shared>> -> memref<10240xf32, #tpu.memory_space<vmem_shared>>
        tpu.enqueue_indirect_dma source(%arg15 : memref<80xf32, #tpu.memory_space<vmem>>) target(%dma_start3A_911 : memref<10240xf32, #tpu.memory_space<vmem_shared>>) offsets(%dma_start3A_909 : memref<80xi32, #tpu.memory_space<vmem>>) semaphore(%run_scoped3A_906 : memref<!tpu.dma_semaphore, #tpu.memory_space<semaphore_mem>>) {add = true}
        %dma_wait3A_912 = arith.constant 0 : i32
        %dma_wait3A_913 = tpu.memref_slice %arg8[%add3A_705, %dma_wait3A_912] : memref<250x80xi32, #tpu.memory_space<vmem>> -> memref<1x80xi32, #tpu.memory_space<vmem>>
        %dma_wait3A_914 = tpu.memref_squeeze %dma_wait3A_913 : memref<1x80xi32, #tpu.memory_space<vmem>> -> memref<80xi32, #tpu.memory_space<vmem>>
        %dma_wait3A_915 = arith.constant 0 : i32
        %dma_wait3A_916 = tpu.memref_slice %arg19[%dma_wait3A_915] : memref<10240xf32, #tpu.memory_space<vmem_shared>> -> memref<10240xf32, #tpu.memory_space<vmem_shared>>
        tpu.wait_indirect_dma semaphore(%run_scoped3A_906 : memref<!tpu.dma_semaphore, #tpu.memory_space<semaphore_mem>>) src(%arg15 : memref<80xf32, #tpu.memory_space<vmem>>) dst(%dma_wait3A_916 : memref<10240xf32, #tpu.memory_space<vmem_shared>>)
        tpu.yield
      }) : () -> ()
      %mul3A_741 = arith.constant 6 : i32
      %mul3A_742 = arith.muli %scan3A_660, %mul3A_741 : i32
      %add3A_743 = arith.constant 4 : i32
      %add3A_744 = arith.addi %add3A_743, %mul3A_742 : i32
      %add3A_745 = arith.constant 2 : i32
      %add3A_746 = arith.addi %add3A_744, %add3A_745 : i32
      %dma_wait3A_747 = arith.constant 0 : i32
      %dma_wait3A_748 = arith.constant 0 : i32
      %dma_wait3A_749 = tpu.memref_slice %arg7[%dma_wait3A_747, %dma_wait3A_748] : memref<250x80xi32, #tpu.memory_space<vmem>> -> memref<1x80xi32, #tpu.memory_space<vmem>>
      %dma_wait3A_750 = tpu.memref_squeeze %dma_wait3A_749 : memref<1x80xi32, #tpu.memory_space<vmem>> -> memref<80xi32, #tpu.memory_space<vmem>>
      %dma_wait3A_751 = arith.constant 0 : i32
      %dma_wait3A_752 = arith.constant 0 : i32
      %dma_wait3A_753 = tpu.memref_slice %arg2[%scan3A_276, %dma_wait3A_751, %dma_wait3A_752] : memref<2x10000x64xf32, #tpu.memory_space<hbm>> -> memref<1x10000x64xf32, #tpu.memory_space<hbm>>
      %dma_wait3A_754 = tpu.memref_squeeze %dma_wait3A_753 : memref<1x10000x64xf32, #tpu.memory_space<hbm>> -> memref<10000x64xf32, #tpu.memory_space<hbm>>
      %dma_wait3A_755 = arith.constant 0 : i32
      %dma_wait3A_756 = arith.constant 0 : i32
      %dma_wait3A_757 = tpu.memref_slice %dma_wait3A_754[%dma_wait3A_755, %dma_wait3A_756] : memref<10000x64xf32, #tpu.memory_space<hbm>> -> memref<10000x64xf32, #tpu.memory_space<hbm>>
      tpu.wait_indirect_dma semaphore(%arg20 : memref<!tpu.dma_semaphore, #tpu.memory_space<semaphore_mem>>) src(%dma_wait3A_757 : memref<10000x64xf32, #tpu.memory_space<hbm>>) dst(%arg9 : memref<80x64xf32, #tpu.memory_space<vmem>>)
      %dma_start3A_758 = arith.constant 0 : i32
      %dma_start3A_759 = tpu.memref_slice %arg8[%add3A_746, %dma_start3A_758] : memref<250x80xi32, #tpu.memory_space<vmem>> -> memref<1x80xi32, #tpu.memory_space<vmem>>
      %dma_start3A_760 = tpu.memref_squeeze %dma_start3A_759 : memref<1x80xi32, #tpu.memory_space<vmem>> -> memref<80xi32, #tpu.memory_space<vmem>>
      %dma_start3A_761 = arith.constant 0 : i32
      %dma_start3A_762 = arith.constant 0 : i32
      %dma_start3A_763 = tpu.memref_slice %arg18[%dma_start3A_761, %dma_start3A_762] : memref<10240x64xf32, #tpu.memory_space<vmem_shared>> -> memref<10240x64xf32, #tpu.memory_space<vmem_shared>>
      tpu.enqueue_indirect_dma source(%arg9 : memref<80x64xf32, #tpu.memory_space<vmem>>) target(%dma_start3A_763 : memref<10240x64xf32, #tpu.memory_space<vmem_shared>>) offsets(%dma_start3A_760 : memref<80xi32, #tpu.memory_space<vmem>>) semaphore(%arg21 : memref<!tpu.dma_semaphore, #tpu.memory_space<semaphore_mem>>) {add = true}
      %dma_wait3A_764 = arith.constant 0 : i32
      %dma_wait3A_765 = arith.constant 0 : i32
      %dma_wait3A_766 = tpu.memref_slice %arg7[%dma_wait3A_764, %dma_wait3A_765] : memref<250x80xi32, #tpu.memory_space<vmem>> -> memref<1x80xi32, #tpu.memory_space<vmem>>
      %dma_wait3A_767 = tpu.memref_squeeze %dma_wait3A_766 : memref<1x80xi32, #tpu.memory_space<vmem>> -> memref<80xi32, #tpu.memory_space<vmem>>
      %dma_wait3A_768 = arith.constant 0 : i32
      %dma_wait3A_769 = arith.constant 0 : i32
      %dma_wait3A_770 = tpu.memref_slice %arg2[%scan3A_276, %dma_wait3A_768, %dma_wait3A_769] : memref<2x10000x64xf32, #tpu.memory_space<hbm>> -> memref<1x10000x64xf32, #tpu.memory_space<hbm>>
      %dma_wait3A_771 = tpu.memref_squeeze %dma_wait3A_770 : memref<1x10000x64xf32, #tpu.memory_space<hbm>> -> memref<10000x64xf32, #tpu.memory_space<hbm>>
      %dma_wait3A_772 = arith.constant 0 : i32
      %dma_wait3A_773 = arith.constant 0 : i32
      %dma_wait3A_774 = tpu.memref_slice %dma_wait3A_771[%dma_wait3A_772, %dma_wait3A_773] : memref<10000x64xf32, #tpu.memory_space<hbm>> -> memref<10000x64xf32, #tpu.memory_space<hbm>>
      tpu.wait_indirect_dma semaphore(%arg21 : memref<!tpu.dma_semaphore, #tpu.memory_space<semaphore_mem>>) src(%dma_wait3A_774 : memref<10000x64xf32, #tpu.memory_space<hbm>>) dst(%arg9 : memref<80x64xf32, #tpu.memory_space<vmem>>)
      %add3A_775 = arith.constant 5 : i32
      %add3A_776 = arith.addi %add3A_746, %add3A_775 : i32
      %lt3A_777 = arith.constant 250 : i32
      %lt3A_778 = arith.cmpi slt, %add3A_776, %lt3A_777 : i32
      %convert_element_type3A_779 = arith.extui %lt3A_778 : i1 to i32
      %cond3A_780 = arith.constant 0 : i32
      %cond3A_781 = arith.cmpi ne, %convert_element_type3A_779, %cond3A_780 : i32
      scf.if %cond3A_781 {
        %add3A_906 = arith.constant 5 : i32
        %add3A_907 = arith.addi %add3A_746, %add3A_906 : i32
        %dma_start3A_908 = arith.constant 0 : i32
        %dma_start3A_909 = tpu.memref_slice %arg7[%add3A_907, %dma_start3A_908] : memref<250x80xi32, #tpu.memory_space<vmem>> -> memref<1x80xi32, #tpu.memory_space<vmem>>
        %dma_start3A_910 = tpu.memref_squeeze %dma_start3A_909 : memref<1x80xi32, #tpu.memory_space<vmem>> -> memref<80xi32, #tpu.memory_space<vmem>>
        %dma_start3A_911 = arith.constant 0 : i32
        %dma_start3A_912 = arith.constant 0 : i32
        %dma_start3A_913 = tpu.memref_slice %arg2[%scan3A_276, %dma_start3A_911, %dma_start3A_912] : memref<2x10000x64xf32, #tpu.memory_space<hbm>> -> memref<1x10000x64xf32, #tpu.memory_space<hbm>>
        %dma_start3A_914 = tpu.memref_squeeze %dma_start3A_913 : memref<1x10000x64xf32, #tpu.memory_space<hbm>> -> memref<10000x64xf32, #tpu.memory_space<hbm>>
        %dma_start3A_915 = arith.constant 0 : i32
        %dma_start3A_916 = arith.constant 0 : i32
        %dma_start3A_917 = tpu.memref_slice %dma_start3A_914[%dma_start3A_915, %dma_start3A_916] : memref<10000x64xf32, #tpu.memory_space<hbm>> -> memref<10000x64xf32, #tpu.memory_space<hbm>>
        tpu.enqueue_indirect_dma source(%dma_start3A_917 : memref<10000x64xf32, #tpu.memory_space<hbm>>) target(%arg14 : memref<80x64xf32, #tpu.memory_space<vmem>>) offsets(%dma_start3A_910 : memref<80xi32, #tpu.memory_space<vmem>>) semaphore(%arg20 : memref<!tpu.dma_semaphore, #tpu.memory_space<semaphore_mem>>)
      } else {
      }
      "tpu.region"() ({
        %run_scoped3A_906 = tpu.sem_alloc : memref<!tpu.dma_semaphore, #tpu.memory_space<semaphore_mem>>
        %dma_start3A_907 = arith.constant 0 : i32
        %dma_start3A_908 = tpu.memref_slice %arg8[%add3A_746, %dma_start3A_907] : memref<250x80xi32, #tpu.memory_space<vmem>> -> memref<1x80xi32, #tpu.memory_space<vmem>>
        %dma_start3A_909 = tpu.memref_squeeze %dma_start3A_908 : memref<1x80xi32, #tpu.memory_space<vmem>> -> memref<80xi32, #tpu.memory_space<vmem>>
        %dma_start3A_910 = arith.constant 0 : i32
        %dma_start3A_911 = tpu.memref_slice %arg19[%dma_start3A_910] : memref<10240xf32, #tpu.memory_space<vmem_shared>> -> memref<10240xf32, #tpu.memory_space<vmem_shared>>
        tpu.enqueue_indirect_dma source(%arg15 : memref<80xf32, #tpu.memory_space<vmem>>) target(%dma_start3A_911 : memref<10240xf32, #tpu.memory_space<vmem_shared>>) offsets(%dma_start3A_909 : memref<80xi32, #tpu.memory_space<vmem>>) semaphore(%run_scoped3A_906 : memref<!tpu.dma_semaphore, #tpu.memory_space<semaphore_mem>>) {add = true}
        %dma_wait3A_912 = arith.constant 0 : i32
        %dma_wait3A_913 = tpu.memref_slice %arg8[%add3A_746, %dma_wait3A_912] : memref<250x80xi32, #tpu.memory_space<vmem>> -> memref<1x80xi32, #tpu.memory_space<vmem>>
        %dma_wait3A_914 = tpu.memref_squeeze %dma_wait3A_913 : memref<1x80xi32, #tpu.memory_space<vmem>> -> memref<80xi32, #tpu.memory_space<vmem>>
        %dma_wait3A_915 = arith.constant 0 : i32
        %dma_wait3A_916 = tpu.memref_slice %arg19[%dma_wait3A_915] : memref<10240xf32, #tpu.memory_space<vmem_shared>> -> memref<10240xf32, #tpu.memory_space<vmem_shared>>
        tpu.wait_indirect_dma semaphore(%run_scoped3A_906 : memref<!tpu.dma_semaphore, #tpu.memory_space<semaphore_mem>>) src(%arg15 : memref<80xf32, #tpu.memory_space<vmem>>) dst(%dma_wait3A_916 : memref<10240xf32, #tpu.memory_space<vmem_shared>>)
        tpu.yield
      }) : () -> ()
      %mul3A_782 = arith.constant 6 : i32
      %mul3A_783 = arith.muli %scan3A_660, %mul3A_782 : i32
      %add3A_784 = arith.constant 4 : i32
      %add3A_785 = arith.addi %add3A_784, %mul3A_783 : i32
      %add3A_786 = arith.constant 3 : i32
      %add3A_787 = arith.addi %add3A_785, %add3A_786 : i32
      %dma_wait3A_788 = arith.constant 0 : i32
      %dma_wait3A_789 = arith.constant 0 : i32
      %dma_wait3A_790 = tpu.memref_slice %arg7[%dma_wait3A_788, %dma_wait3A_789] : memref<250x80xi32, #tpu.memory_space<vmem>> -> memref<1x80xi32, #tpu.memory_space<vmem>>
      %dma_wait3A_791 = tpu.memref_squeeze %dma_wait3A_790 : memref<1x80xi32, #tpu.memory_space<vmem>> -> memref<80xi32, #tpu.memory_space<vmem>>
      %dma_wait3A_792 = arith.constant 0 : i32
      %dma_wait3A_793 = arith.constant 0 : i32
      %dma_wait3A_794 = tpu.memref_slice %arg2[%scan3A_276, %dma_wait3A_792, %dma_wait3A_793] : memref<2x10000x64xf32, #tpu.memory_space<hbm>> -> memref<1x10000x64xf32, #tpu.memory_space<hbm>>
      %dma_wait3A_795 = tpu.memref_squeeze %dma_wait3A_794 : memref<1x10000x64xf32, #tpu.memory_space<hbm>> -> memref<10000x64xf32, #tpu.memory_space<hbm>>
      %dma_wait3A_796 = arith.constant 0 : i32
      %dma_wait3A_797 = arith.constant 0 : i32
      %dma_wait3A_798 = tpu.memref_slice %dma_wait3A_795[%dma_wait3A_796, %dma_wait3A_797] : memref<10000x64xf32, #tpu.memory_space<hbm>> -> memref<10000x64xf32, #tpu.memory_space<hbm>>
      tpu.wait_indirect_dma semaphore(%arg20 : memref<!tpu.dma_semaphore, #tpu.memory_space<semaphore_mem>>) src(%dma_wait3A_798 : memref<10000x64xf32, #tpu.memory_space<hbm>>) dst(%arg10 : memref<80x64xf32, #tpu.memory_space<vmem>>)
      %dma_start3A_799 = arith.constant 0 : i32
      %dma_start3A_800 = tpu.memref_slice %arg8[%add3A_787, %dma_start3A_799] : memref<250x80xi32, #tpu.memory_space<vmem>> -> memref<1x80xi32, #tpu.memory_space<vmem>>
      %dma_start3A_801 = tpu.memref_squeeze %dma_start3A_800 : memref<1x80xi32, #tpu.memory_space<vmem>> -> memref<80xi32, #tpu.memory_space<vmem>>
      %dma_start3A_802 = arith.constant 0 : i32
      %dma_start3A_803 = arith.constant 0 : i32
      %dma_start3A_804 = tpu.memref_slice %arg18[%dma_start3A_802, %dma_start3A_803] : memref<10240x64xf32, #tpu.memory_space<vmem_shared>> -> memref<10240x64xf32, #tpu.memory_space<vmem_shared>>
      tpu.enqueue_indirect_dma source(%arg10 : memref<80x64xf32, #tpu.memory_space<vmem>>) target(%dma_start3A_804 : memref<10240x64xf32, #tpu.memory_space<vmem_shared>>) offsets(%dma_start3A_801 : memref<80xi32, #tpu.memory_space<vmem>>) semaphore(%arg21 : memref<!tpu.dma_semaphore, #tpu.memory_space<semaphore_mem>>) {add = true}
      %dma_wait3A_805 = arith.constant 0 : i32
      %dma_wait3A_806 = arith.constant 0 : i32
      %dma_wait3A_807 = tpu.memref_slice %arg7[%dma_wait3A_805, %dma_wait3A_806] : memref<250x80xi32, #tpu.memory_space<vmem>> -> memref<1x80xi32, #tpu.memory_space<vmem>>
      %dma_wait3A_808 = tpu.memref_squeeze %dma_wait3A_807 : memref<1x80xi32, #tpu.memory_space<vmem>> -> memref<80xi32, #tpu.memory_space<vmem>>
      %dma_wait3A_809 = arith.constant 0 : i32
      %dma_wait3A_810 = arith.constant 0 : i32
      %dma_wait3A_811 = tpu.memref_slice %arg2[%scan3A_276, %dma_wait3A_809, %dma_wait3A_810] : memref<2x10000x64xf32, #tpu.memory_space<hbm>> -> memref<1x10000x64xf32, #tpu.memory_space<hbm>>
      %dma_wait3A_812 = tpu.memref_squeeze %dma_wait3A_811 : memref<1x10000x64xf32, #tpu.memory_space<hbm>> -> memref<10000x64xf32, #tpu.memory_space<hbm>>
      %dma_wait3A_813 = arith.constant 0 : i32
      %dma_wait3A_814 = arith.constant 0 : i32
      %dma_wait3A_815 = tpu.memref_slice %dma_wait3A_812[%dma_wait3A_813, %dma_wait3A_814] : memref<10000x64xf32, #tpu.memory_space<hbm>> -> memref<10000x64xf32, #tpu.memory_space<hbm>>
      tpu.wait_indirect_dma semaphore(%arg21 : memref<!tpu.dma_semaphore, #tpu.memory_space<semaphore_mem>>) src(%dma_wait3A_815 : memref<10000x64xf32, #tpu.memory_space<hbm>>) dst(%arg10 : memref<80x64xf32, #tpu.memory_space<vmem>>)
      %add3A_816 = arith.constant 5 : i32
      %add3A_817 = arith.addi %add3A_787, %add3A_816 : i32
      %lt3A_818 = arith.constant 250 : i32
      %lt3A_819 = arith.cmpi slt, %add3A_817, %lt3A_818 : i32
      %convert_element_type3A_820 = arith.extui %lt3A_819 : i1 to i32
      %cond3A_821 = arith.constant 0 : i32
      %cond3A_822 = arith.cmpi ne, %convert_element_type3A_820, %cond3A_821 : i32
      scf.if %cond3A_822 {
        %add3A_906 = arith.constant 5 : i32
        %add3A_907 = arith.addi %add3A_787, %add3A_906 : i32
        %dma_start3A_908 = arith.constant 0 : i32
        %dma_start3A_909 = tpu.memref_slice %arg7[%add3A_907, %dma_start3A_908] : memref<250x80xi32, #tpu.memory_space<vmem>> -> memref<1x80xi32, #tpu.memory_space<vmem>>
        %dma_start3A_910 = tpu.memref_squeeze %dma_start3A_909 : memref<1x80xi32, #tpu.memory_space<vmem>> -> memref<80xi32, #tpu.memory_space<vmem>>
        %dma_start3A_911 = arith.constant 0 : i32
        %dma_start3A_912 = arith.constant 0 : i32
        %dma_start3A_913 = tpu.memref_slice %arg2[%scan3A_276, %dma_start3A_911, %dma_start3A_912] : memref<2x10000x64xf32, #tpu.memory_space<hbm>> -> memref<1x10000x64xf32, #tpu.memory_space<hbm>>
        %dma_start3A_914 = tpu.memref_squeeze %dma_start3A_913 : memref<1x10000x64xf32, #tpu.memory_space<hbm>> -> memref<10000x64xf32, #tpu.memory_space<hbm>>
        %dma_start3A_915 = arith.constant 0 : i32
        %dma_start3A_916 = arith.constant 0 : i32
        %dma_start3A_917 = tpu.memref_slice %dma_start3A_914[%dma_start3A_915, %dma_start3A_916] : memref<10000x64xf32, #tpu.memory_space<hbm>> -> memref<10000x64xf32, #tpu.memory_space<hbm>>
        tpu.enqueue_indirect_dma source(%dma_start3A_917 : memref<10000x64xf32, #tpu.memory_space<hbm>>) target(%arg9 : memref<80x64xf32, #tpu.memory_space<vmem>>) offsets(%dma_start3A_910 : memref<80xi32, #tpu.memory_space<vmem>>) semaphore(%arg20 : memref<!tpu.dma_semaphore, #tpu.memory_space<semaphore_mem>>)
      } else {
      }
      "tpu.region"() ({
        %run_scoped3A_906 = tpu.sem_alloc : memref<!tpu.dma_semaphore, #tpu.memory_space<semaphore_mem>>
        %dma_start3A_907 = arith.constant 0 : i32
        %dma_start3A_908 = tpu.memref_slice %arg8[%add3A_787, %dma_start3A_907] : memref<250x80xi32, #tpu.memory_space<vmem>> -> memref<1x80xi32, #tpu.memory_space<vmem>>
        %dma_start3A_909 = tpu.memref_squeeze %dma_start3A_908 : memref<1x80xi32, #tpu.memory_space<vmem>> -> memref<80xi32, #tpu.memory_space<vmem>>
        %dma_start3A_910 = arith.constant 0 : i32
        %dma_start3A_911 = tpu.memref_slice %arg19[%dma_start3A_910] : memref<10240xf32, #tpu.memory_space<vmem_shared>> -> memref<10240xf32, #tpu.memory_space<vmem_shared>>
        tpu.enqueue_indirect_dma source(%arg15 : memref<80xf32, #tpu.memory_space<vmem>>) target(%dma_start3A_911 : memref<10240xf32, #tpu.memory_space<vmem_shared>>) offsets(%dma_start3A_909 : memref<80xi32, #tpu.memory_space<vmem>>) semaphore(%run_scoped3A_906 : memref<!tpu.dma_semaphore, #tpu.memory_space<semaphore_mem>>) {add = true}
        %dma_wait3A_912 = arith.constant 0 : i32
        %dma_wait3A_913 = tpu.memref_slice %arg8[%add3A_787, %dma_wait3A_912] : memref<250x80xi32, #tpu.memory_space<vmem>> -> memref<1x80xi32, #tpu.memory_space<vmem>>
        %dma_wait3A_914 = tpu.memref_squeeze %dma_wait3A_913 : memref<1x80xi32, #tpu.memory_space<vmem>> -> memref<80xi32, #tpu.memory_space<vmem>>
        %dma_wait3A_915 = arith.constant 0 : i32
        %dma_wait3A_916 = tpu.memref_slice %arg19[%dma_wait3A_915] : memref<10240xf32, #tpu.memory_space<vmem_shared>> -> memref<10240xf32, #tpu.memory_space<vmem_shared>>
        tpu.wait_indirect_dma semaphore(%run_scoped3A_906 : memref<!tpu.dma_semaphore, #tpu.memory_space<semaphore_mem>>) src(%arg15 : memref<80xf32, #tpu.memory_space<vmem>>) dst(%dma_wait3A_916 : memref<10240xf32, #tpu.memory_space<vmem_shared>>)
        tpu.yield
      }) : () -> ()
      %mul3A_823 = arith.constant 6 : i32
      %mul3A_824 = arith.muli %scan3A_660, %mul3A_823 : i32
      %add3A_825 = arith.constant 4 : i32
      %add3A_826 = arith.addi %add3A_825, %mul3A_824 : i32
      %add3A_827 = arith.constant 4 : i32
      %add3A_828 = arith.addi %add3A_826, %add3A_827 : i32
      %dma_wait3A_829 = arith.constant 0 : i32
      %dma_wait3A_830 = arith.constant 0 : i32
      %dma_wait3A_831 = tpu.memref_slice %arg7[%dma_wait3A_829, %dma_wait3A_830] : memref<250x80xi32, #tpu.memory_space<vmem>> -> memref<1x80xi32, #tpu.memory_space<vmem>>
      %dma_wait3A_832 = tpu.memref_squeeze %dma_wait3A_831 : memref<1x80xi32, #tpu.memory_space<vmem>> -> memref<80xi32, #tpu.memory_space<vmem>>
      %dma_wait3A_833 = arith.constant 0 : i32
      %dma_wait3A_834 = arith.constant 0 : i32
      %dma_wait3A_835 = tpu.memref_slice %arg2[%scan3A_276, %dma_wait3A_833, %dma_wait3A_834] : memref<2x10000x64xf32, #tpu.memory_space<hbm>> -> memref<1x10000x64xf32, #tpu.memory_space<hbm>>
      %dma_wait3A_836 = tpu.memref_squeeze %dma_wait3A_835 : memref<1x10000x64xf32, #tpu.memory_space<hbm>> -> memref<10000x64xf32, #tpu.memory_space<hbm>>
      %dma_wait3A_837 = arith.constant 0 : i32
      %dma_wait3A_838 = arith.constant 0 : i32
      %dma_wait3A_839 = tpu.memref_slice %dma_wait3A_836[%dma_wait3A_837, %dma_wait3A_838] : memref<10000x64xf32, #tpu.memory_space<hbm>> -> memref<10000x64xf32, #tpu.memory_space<hbm>>
      tpu.wait_indirect_dma semaphore(%arg20 : memref<!tpu.dma_semaphore, #tpu.memory_space<semaphore_mem>>) src(%dma_wait3A_839 : memref<10000x64xf32, #tpu.memory_space<hbm>>) dst(%arg11 : memref<80x64xf32, #tpu.memory_space<vmem>>)
      %dma_start3A_840 = arith.constant 0 : i32
      %dma_start3A_841 = tpu.memref_slice %arg8[%add3A_828, %dma_start3A_840] : memref<250x80xi32, #tpu.memory_space<vmem>> -> memref<1x80xi32, #tpu.memory_space<vmem>>
      %dma_start3A_842 = tpu.memref_squeeze %dma_start3A_841 : memref<1x80xi32, #tpu.memory_space<vmem>> -> memref<80xi32, #tpu.memory_space<vmem>>
      %dma_start3A_843 = arith.constant 0 : i32
      %dma_start3A_844 = arith.constant 0 : i32
      %dma_start3A_845 = tpu.memref_slice %arg18[%dma_start3A_843, %dma_start3A_844] : memref<10240x64xf32, #tpu.memory_space<vmem_shared>> -> memref<10240x64xf32, #tpu.memory_space<vmem_shared>>
      tpu.enqueue_indirect_dma source(%arg11 : memref<80x64xf32, #tpu.memory_space<vmem>>) target(%dma_start3A_845 : memref<10240x64xf32, #tpu.memory_space<vmem_shared>>) offsets(%dma_start3A_842 : memref<80xi32, #tpu.memory_space<vmem>>) semaphore(%arg21 : memref<!tpu.dma_semaphore, #tpu.memory_space<semaphore_mem>>) {add = true}
      %dma_wait3A_846 = arith.constant 0 : i32
      %dma_wait3A_847 = arith.constant 0 : i32
      %dma_wait3A_848 = tpu.memref_slice %arg7[%dma_wait3A_846, %dma_wait3A_847] : memref<250x80xi32, #tpu.memory_space<vmem>> -> memref<1x80xi32, #tpu.memory_space<vmem>>
      %dma_wait3A_849 = tpu.memref_squeeze %dma_wait3A_848 : memref<1x80xi32, #tpu.memory_space<vmem>> -> memref<80xi32, #tpu.memory_space<vmem>>
      %dma_wait3A_850 = arith.constant 0 : i32
      %dma_wait3A_851 = arith.constant 0 : i32
      %dma_wait3A_852 = tpu.memref_slice %arg2[%scan3A_276, %dma_wait3A_850, %dma_wait3A_851] : memref<2x10000x64xf32, #tpu.memory_space<hbm>> -> memref<1x10000x64xf32, #tpu.memory_space<hbm>>
      %dma_wait3A_853 = tpu.memref_squeeze %dma_wait3A_852 : memref<1x10000x64xf32, #tpu.memory_space<hbm>> -> memref<10000x64xf32, #tpu.memory_space<hbm>>
      %dma_wait3A_854 = arith.constant 0 : i32
      %dma_wait3A_855 = arith.constant 0 : i32
      %dma_wait3A_856 = tpu.memref_slice %dma_wait3A_853[%dma_wait3A_854, %dma_wait3A_855] : memref<10000x64xf32, #tpu.memory_space<hbm>> -> memref<10000x64xf32, #tpu.memory_space<hbm>>
      tpu.wait_indirect_dma semaphore(%arg21 : memref<!tpu.dma_semaphore, #tpu.memory_space<semaphore_mem>>) src(%dma_wait3A_856 : memref<10000x64xf32, #tpu.memory_space<hbm>>) dst(%arg11 : memref<80x64xf32, #tpu.memory_space<vmem>>)
      %add3A_857 = arith.constant 5 : i32
      %add3A_858 = arith.addi %add3A_828, %add3A_857 : i32
      %lt3A_859 = arith.constant 250 : i32
      %lt3A_860 = arith.cmpi slt, %add3A_858, %lt3A_859 : i32
      %convert_element_type3A_861 = arith.extui %lt3A_860 : i1 to i32
      %cond3A_862 = arith.constant 0 : i32
      %cond3A_863 = arith.cmpi ne, %convert_element_type3A_861, %cond3A_862 : i32
      scf.if %cond3A_863 {
        %add3A_906 = arith.constant 5 : i32
        %add3A_907 = arith.addi %add3A_828, %add3A_906 : i32
        %dma_start3A_908 = arith.constant 0 : i32
        %dma_start3A_909 = tpu.memref_slice %arg7[%add3A_907, %dma_start3A_908] : memref<250x80xi32, #tpu.memory_space<vmem>> -> memref<1x80xi32, #tpu.memory_space<vmem>>
        %dma_start3A_910 = tpu.memref_squeeze %dma_start3A_909 : memref<1x80xi32, #tpu.memory_space<vmem>> -> memref<80xi32, #tpu.memory_space<vmem>>
        %dma_start3A_911 = arith.constant 0 : i32
        %dma_start3A_912 = arith.constant 0 : i32
        %dma_start3A_913 = tpu.memref_slice %arg2[%scan3A_276, %dma_start3A_911, %dma_start3A_912] : memref<2x10000x64xf32, #tpu.memory_space<hbm>> -> memref<1x10000x64xf32, #tpu.memory_space<hbm>>
        %dma_start3A_914 = tpu.memref_squeeze %dma_start3A_913 : memref<1x10000x64xf32, #tpu.memory_space<hbm>> -> memref<10000x64xf32, #tpu.memory_space<hbm>>
        %dma_start3A_915 = arith.constant 0 : i32
        %dma_start3A_916 = arith.constant 0 : i32
        %dma_start3A_917 = tpu.memref_slice %dma_start3A_914[%dma_start3A_915, %dma_start3A_916] : memref<10000x64xf32, #tpu.memory_space<hbm>> -> memref<10000x64xf32, #tpu.memory_space<hbm>>
        tpu.enqueue_indirect_dma source(%dma_start3A_917 : memref<10000x64xf32, #tpu.memory_space<hbm>>) target(%arg10 : memref<80x64xf32, #tpu.memory_space<vmem>>) offsets(%dma_start3A_910 : memref<80xi32, #tpu.memory_space<vmem>>) semaphore(%arg20 : memref<!tpu.dma_semaphore, #tpu.memory_space<semaphore_mem>>)
      } else {
      }
      "tpu.region"() ({
        %run_scoped3A_906 = tpu.sem_alloc : memref<!tpu.dma_semaphore, #tpu.memory_space<semaphore_mem>>
        %dma_start3A_907 = arith.constant 0 : i32
        %dma_start3A_908 = tpu.memref_slice %arg8[%add3A_828, %dma_start3A_907] : memref<250x80xi32, #tpu.memory_space<vmem>> -> memref<1x80xi32, #tpu.memory_space<vmem>>
        %dma_start3A_909 = tpu.memref_squeeze %dma_start3A_908 : memref<1x80xi32, #tpu.memory_space<vmem>> -> memref<80xi32, #tpu.memory_space<vmem>>
        %dma_start3A_910 = arith.constant 0 : i32
        %dma_start3A_911 = tpu.memref_slice %arg19[%dma_start3A_910] : memref<10240xf32, #tpu.memory_space<vmem_shared>> -> memref<10240xf32, #tpu.memory_space<vmem_shared>>
        tpu.enqueue_indirect_dma source(%arg15 : memref<80xf32, #tpu.memory_space<vmem>>) target(%dma_start3A_911 : memref<10240xf32, #tpu.memory_space<vmem_shared>>) offsets(%dma_start3A_909 : memref<80xi32, #tpu.memory_space<vmem>>) semaphore(%run_scoped3A_906 : memref<!tpu.dma_semaphore, #tpu.memory_space<semaphore_mem>>) {add = true}
        %dma_wait3A_912 = arith.constant 0 : i32
        %dma_wait3A_913 = tpu.memref_slice %arg8[%add3A_828, %dma_wait3A_912] : memref<250x80xi32, #tpu.memory_space<vmem>> -> memref<1x80xi32, #tpu.memory_space<vmem>>
        %dma_wait3A_914 = tpu.memref_squeeze %dma_wait3A_913 : memref<1x80xi32, #tpu.memory_space<vmem>> -> memref<80xi32, #tpu.memory_space<vmem>>
        %dma_wait3A_915 = arith.constant 0 : i32
        %dma_wait3A_916 = tpu.memref_slice %arg19[%dma_wait3A_915] : memref<10240xf32, #tpu.memory_space<vmem_shared>> -> memref<10240xf32, #tpu.memory_space<vmem_shared>>
        tpu.wait_indirect_dma semaphore(%run_scoped3A_906 : memref<!tpu.dma_semaphore, #tpu.memory_space<semaphore_mem>>) src(%arg15 : memref<80xf32, #tpu.memory_space<vmem>>) dst(%dma_wait3A_916 : memref<10240xf32, #tpu.memory_space<vmem_shared>>)
        tpu.yield
      }) : () -> ()
      %mul3A_864 = arith.constant 6 : i32
      %mul3A_865 = arith.muli %scan3A_660, %mul3A_864 : i32
      %add3A_866 = arith.constant 4 : i32
      %add3A_867 = arith.addi %add3A_866, %mul3A_865 : i32
      %add3A_868 = arith.constant 5 : i32
      %add3A_869 = arith.addi %add3A_867, %add3A_868 : i32
      %dma_wait3A_870 = arith.constant 0 : i32
      %dma_wait3A_871 = arith.constant 0 : i32
      %dma_wait3A_872 = tpu.memref_slice %arg7[%dma_wait3A_870, %dma_wait3A_871] : memref<250x80xi32, #tpu.memory_space<vmem>> -> memref<1x80xi32, #tpu.memory_space<vmem>>
      %dma_wait3A_873 = tpu.memref_squeeze %dma_wait3A_872 : memref<1x80xi32, #tpu.memory_space<vmem>> -> memref<80xi32, #tpu.memory_space<vmem>>
      %dma_wait3A_874 = arith.constant 0 : i32
      %dma_wait3A_875 = arith.constant 0 : i32
      %dma_wait3A_876 = tpu.memref_slice %arg2[%scan3A_276, %dma_wait3A_874, %dma_wait3A_875] : memref<2x10000x64xf32, #tpu.memory_space<hbm>> -> memref<1x10000x64xf32, #tpu.memory_space<hbm>>
      %dma_wait3A_877 = tpu.memref_squeeze %dma_wait3A_876 : memref<1x10000x64xf32, #tpu.memory_space<hbm>> -> memref<10000x64xf32, #tpu.memory_space<hbm>>
      %dma_wait3A_878 = arith.constant 0 : i32
      %dma_wait3A_879 = arith.constant 0 : i32
      %dma_wait3A_880 = tpu.memref_slice %dma_wait3A_877[%dma_wait3A_878, %dma_wait3A_879] : memref<10000x64xf32, #tpu.memory_space<hbm>> -> memref<10000x64xf32, #tpu.memory_space<hbm>>
      tpu.wait_indirect_dma semaphore(%arg20 : memref<!tpu.dma_semaphore, #tpu.memory_space<semaphore_mem>>) src(%dma_wait3A_880 : memref<10000x64xf32, #tpu.memory_space<hbm>>) dst(%arg12 : memref<80x64xf32, #tpu.memory_space<vmem>>)
      %dma_start3A_881 = arith.constant 0 : i32
      %dma_start3A_882 = tpu.memref_slice %arg8[%add3A_869, %dma_start3A_881] : memref<250x80xi32, #tpu.memory_space<vmem>> -> memref<1x80xi32, #tpu.memory_space<vmem>>
      %dma_start3A_883 = tpu.memref_squeeze %dma_start3A_882 : memref<1x80xi32, #tpu.memory_space<vmem>> -> memref<80xi32, #tpu.memory_space<vmem>>
      %dma_start3A_884 = arith.constant 0 : i32
      %dma_start3A_885 = arith.constant 0 : i32
      %dma_start3A_886 = tpu.memref_slice %arg18[%dma_start3A_884, %dma_start3A_885] : memref<10240x64xf32, #tpu.memory_space<vmem_shared>> -> memref<10240x64xf32, #tpu.memory_space<vmem_shared>>
      tpu.enqueue_indirect_dma source(%arg12 : memref<80x64xf32, #tpu.memory_space<vmem>>) target(%dma_start3A_886 : memref<10240x64xf32, #tpu.memory_space<vmem_shared>>) offsets(%dma_start3A_883 : memref<80xi32, #tpu.memory_space<vmem>>) semaphore(%arg21 : memref<!tpu.dma_semaphore, #tpu.memory_space<semaphore_mem>>) {add = true}
      %dma_wait3A_887 = arith.constant 0 : i32
      %dma_wait3A_888 = arith.constant 0 : i32
      %dma_wait3A_889 = tpu.memref_slice %arg7[%dma_wait3A_887, %dma_wait3A_888] : memref<250x80xi32, #tpu.memory_space<vmem>> -> memref<1x80xi32, #tpu.memory_space<vmem>>
      %dma_wait3A_890 = tpu.memref_squeeze %dma_wait3A_889 : memref<1x80xi32, #tpu.memory_space<vmem>> -> memref<80xi32, #tpu.memory_space<vmem>>
      %dma_wait3A_891 = arith.constant 0 : i32
      %dma_wait3A_892 = arith.constant 0 : i32
      %dma_wait3A_893 = tpu.memref_slice %arg2[%scan3A_276, %dma_wait3A_891, %dma_wait3A_892] : memref<2x10000x64xf32, #tpu.memory_space<hbm>> -> memref<1x10000x64xf32, #tpu.memory_space<hbm>>
      %dma_wait3A_894 = tpu.memref_squeeze %dma_wait3A_893 : memref<1x10000x64xf32, #tpu.memory_space<hbm>> -> memref<10000x64xf32, #tpu.memory_space<hbm>>
      %dma_wait3A_895 = arith.constant 0 : i32
      %dma_wait3A_896 = arith.constant 0 : i32
      %dma_wait3A_897 = tpu.memref_slice %dma_wait3A_894[%dma_wait3A_895, %dma_wait3A_896] : memref<10000x64xf32, #tpu.memory_space<hbm>> -> memref<10000x64xf32, #tpu.memory_space<hbm>>
      tpu.wait_indirect_dma semaphore(%arg21 : memref<!tpu.dma_semaphore, #tpu.memory_space<semaphore_mem>>) src(%dma_wait3A_897 : memref<10000x64xf32, #tpu.memory_space<hbm>>) dst(%arg12 : memref<80x64xf32, #tpu.memory_space<vmem>>)
      %add3A_898 = arith.constant 5 : i32
      %add3A_899 = arith.addi %add3A_869, %add3A_898 : i32
      %lt3A_900 = arith.constant 250 : i32
      %lt3A_901 = arith.cmpi slt, %add3A_899, %lt3A_900 : i32
      %convert_element_type3A_902 = arith.extui %lt3A_901 : i1 to i32
      %cond3A_903 = arith.constant 0 : i32
      %cond3A_904 = arith.cmpi ne, %convert_element_type3A_902, %cond3A_903 : i32
      scf.if %cond3A_904 {
        %add3A_906 = arith.constant 5 : i32
        %add3A_907 = arith.addi %add3A_869, %add3A_906 : i32
        %dma_start3A_908 = arith.constant 0 : i32
        %dma_start3A_909 = tpu.memref_slice %arg7[%add3A_907, %dma_start3A_908] : memref<250x80xi32, #tpu.memory_space<vmem>> -> memref<1x80xi32, #tpu.memory_space<vmem>>
        %dma_start3A_910 = tpu.memref_squeeze %dma_start3A_909 : memref<1x80xi32, #tpu.memory_space<vmem>> -> memref<80xi32, #tpu.memory_space<vmem>>
        %dma_start3A_911 = arith.constant 0 : i32
        %dma_start3A_912 = arith.constant 0 : i32
        %dma_start3A_913 = tpu.memref_slice %arg2[%scan3A_276, %dma_start3A_911, %dma_start3A_912] : memref<2x10000x64xf32, #tpu.memory_space<hbm>> -> memref<1x10000x64xf32, #tpu.memory_space<hbm>>
        %dma_start3A_914 = tpu.memref_squeeze %dma_start3A_913 : memref<1x10000x64xf32, #tpu.memory_space<hbm>> -> memref<10000x64xf32, #tpu.memory_space<hbm>>
        %dma_start3A_915 = arith.constant 0 : i32
        %dma_start3A_916 = arith.constant 0 : i32
        %dma_start3A_917 = tpu.memref_slice %dma_start3A_914[%dma_start3A_915, %dma_start3A_916] : memref<10000x64xf32, #tpu.memory_space<hbm>> -> memref<10000x64xf32, #tpu.memory_space<hbm>>
        tpu.enqueue_indirect_dma source(%dma_start3A_917 : memref<10000x64xf32, #tpu.memory_space<hbm>>) target(%arg11 : memref<80x64xf32, #tpu.memory_space<vmem>>) offsets(%dma_start3A_910 : memref<80xi32, #tpu.memory_space<vmem>>) semaphore(%arg20 : memref<!tpu.dma_semaphore, #tpu.memory_space<semaphore_mem>>)
      } else {
      }
      "tpu.region"() ({
        %run_scoped3A_906 = tpu.sem_alloc : memref<!tpu.dma_semaphore, #tpu.memory_space<semaphore_mem>>
        %dma_start3A_907 = arith.constant 0 : i32
        %dma_start3A_908 = tpu.memref_slice %arg8[%add3A_869, %dma_start3A_907] : memref<250x80xi32, #tpu.memory_space<vmem>> -> memref<1x80xi32, #tpu.memory_space<vmem>>
        %dma_start3A_909 = tpu.memref_squeeze %dma_start3A_908 : memref<1x80xi32, #tpu.memory_space<vmem>> -> memref<80xi32, #tpu.memory_space<vmem>>
        %dma_start3A_910 = arith.constant 0 : i32
        %dma_start3A_911 = tpu.memref_slice %arg19[%dma_start3A_910] : memref<10240xf32, #tpu.memory_space<vmem_shared>> -> memref<10240xf32, #tpu.memory_space<vmem_shared>>
        tpu.enqueue_indirect_dma source(%arg15 : memref<80xf32, #tpu.memory_space<vmem>>) target(%dma_start3A_911 : memref<10240xf32, #tpu.memory_space<vmem_shared>>) offsets(%dma_start3A_909 : memref<80xi32, #tpu.memory_space<vmem>>) semaphore(%run_scoped3A_906 : memref<!tpu.dma_semaphore, #tpu.memory_space<semaphore_mem>>) {add = true}
        %dma_wait3A_912 = arith.constant 0 : i32
        %dma_wait3A_913 = tpu.memref_slice %arg8[%add3A_869, %dma_wait3A_912] : memref<250x80xi32, #tpu.memory_space<vmem>> -> memref<1x80xi32, #tpu.memory_space<vmem>>
        %dma_wait3A_914 = tpu.memref_squeeze %dma_wait3A_913 : memref<1x80xi32, #tpu.memory_space<vmem>> -> memref<80xi32, #tpu.memory_space<vmem>>
        %dma_wait3A_915 = arith.constant 0 : i32
        %dma_wait3A_916 = tpu.memref_slice %arg19[%dma_wait3A_915] : memref<10240xf32, #tpu.memory_space<vmem_shared>> -> memref<10240xf32, #tpu.memory_space<vmem_shared>>
        tpu.wait_indirect_dma semaphore(%run_scoped3A_906 : memref<!tpu.dma_semaphore, #tpu.memory_space<semaphore_mem>>) src(%arg15 : memref<80xf32, #tpu.memory_space<vmem>>) dst(%dma_wait3A_916 : memref<10240xf32, #tpu.memory_space<vmem_shared>>)
        tpu.yield
      }) : () -> ()
      %scan3A_905 = arith.constant 0 : i32
      scf.yield %scan3A_905 : i32
    }
    %scan3A_283 = arith.constant 41 : i32
    %dma_wait3A_284 = arith.constant 0 : i32
    %dma_wait3A_285 = arith.constant 0 : i32
    %dma_wait3A_286 = arith.constant 0 : i32
    %dma_wait3A_287 = tpu.memref_slice %arg7[%dma_wait3A_285, %dma_wait3A_286] : memref<250x80xi32, #tpu.memory_space<vmem>> -> memref<1x80xi32, #tpu.memory_space<vmem>>
    %dma_wait3A_288 = tpu.memref_squeeze %dma_wait3A_287 : memref<1x80xi32, #tpu.memory_space<vmem>> -> memref<80xi32, #tpu.memory_space<vmem>>
    %dma_wait3A_289 = arith.constant 0 : i32
    %dma_wait3A_290 = arith.constant 0 : i32
    %dma_wait3A_291 = tpu.memref_slice %arg2[%dma_wait3A_284, %dma_wait3A_289, %dma_wait3A_290] : memref<2x10000x64xf32, #tpu.memory_space<hbm>> -> memref<1x10000x64xf32, #tpu.memory_space<hbm>>
    %dma_wait3A_292 = tpu.memref_squeeze %dma_wait3A_291 : memref<1x10000x64xf32, #tpu.memory_space<hbm>> -> memref<10000x64xf32, #tpu.memory_space<hbm>>
    %dma_wait3A_293 = arith.constant 0 : i32
    %dma_wait3A_294 = arith.constant 0 : i32
    %dma_wait3A_295 = tpu.memref_slice %dma_wait3A_292[%dma_wait3A_293, %dma_wait3A_294] : memref<10000x64xf32, #tpu.memory_space<hbm>> -> memref<10000x64xf32, #tpu.memory_space<hbm>>
    tpu.wait_indirect_dma semaphore(%arg21 : memref<!tpu.dma_semaphore, #tpu.memory_space<semaphore_mem>>) src(%dma_wait3A_295 : memref<10000x64xf32, #tpu.memory_space<hbm>>) dst(%arg9 : memref<80x64xf32, #tpu.memory_space<vmem>>)
    %barrier3A_296 = arith.constant 0 : index
    tpu.barrier barrier_id(%barrier3A_296)
    %mul3A_297 = arith.constant 640 : i32
    %mul3A_298 = arith.muli %arg1, %mul3A_297 : i32
    %add3A_299 = arith.constant 0 : i32
    %add3A_300 = arith.addi %mul3A_298, %add3A_299 : i32
    "tpu.region"() ({
      %run_scoped3A_660 = tpu.sem_alloc : memref<!tpu.dma_semaphore, #tpu.memory_space<semaphore_mem>>
      %dma_start3A_661 = arith.constant 0 : i32
      %dma_start3A_662 = tpu.memref_slice %arg18[%add3A_300, %dma_start3A_661] : memref<10240x64xf32, #tpu.memory_space<vmem_shared>> -> memref<128x64xf32, #tpu.memory_space<vmem_shared>>
      %dma_start3A_663 = arith.constant 0 : i32
      %dma_start3A_664 = tpu.memref_slice %arg18[%add3A_300, %dma_start3A_663] : memref<10240x64xf32, #tpu.memory_space<vmem_shared>> -> memref<128x64xf32, #tpu.memory_space<vmem_shared>>
      tpu.enqueue_dma source(%dma_start3A_664 : memref<128x64xf32, #tpu.memory_space<vmem_shared>>) target(%arg16 : memref<128x64xf32, #tpu.memory_space<vmem>>) target_semaphore(%run_scoped3A_660 : memref<!tpu.dma_semaphore, #tpu.memory_space<semaphore_mem>>)
      %dma_wait3A_665 = arith.constant 0 : i32
      %dma_wait3A_666 = tpu.memref_slice %arg18[%add3A_300, %dma_wait3A_665] : memref<10240x64xf32, #tpu.memory_space<vmem_shared>> -> memref<128x64xf32, #tpu.memory_space<vmem_shared>>
      %dma_wait3A_667 = arith.constant 0 : i32
      %dma_wait3A_668 = tpu.memref_slice %arg18[%add3A_300, %dma_wait3A_667] : memref<10240x64xf32, #tpu.memory_space<vmem_shared>> -> memref<128x64xf32, #tpu.memory_space<vmem_shared>>
      tpu.wait_dma2 semaphore(%run_scoped3A_660 : memref<!tpu.dma_semaphore, #tpu.memory_space<semaphore_mem>>) src(%dma_wait3A_668 : memref<128x64xf32, #tpu.memory_space<vmem_shared>>) dst(%arg16 : memref<128x64xf32, #tpu.memory_space<vmem>>)
      tpu.yield
    }) : () -> ()
    %mul3A_301 = arith.constant 640 : i32
    %mul3A_302 = arith.muli %arg1, %mul3A_301 : i32
    %add3A_303 = arith.constant 0 : i32
    %add3A_304 = arith.addi %mul3A_302, %add3A_303 : i32
    %run_scoped3A_305 = arith.constant 0 : i32
    "tpu.region"() ({
      %run_scoped3A_660 = tpu.sem_alloc : memref<!tpu.dma_semaphore, #tpu.memory_space<semaphore_mem>>
      %dma_start3A_661 = arith.constant 0 : i32
      %dma_start3A_662 = tpu.memref_slice %arg5[%arg0, %run_scoped3A_305, %add3A_304, %dma_start3A_661] : memref<2x2x10240x64xf32, #tpu.memory_space<hbm>> -> memref<1x1x128x64xf32, #tpu.memory_space<hbm>>
      %dma_start3A_663 = tpu.memref_squeeze %dma_start3A_662 : memref<1x1x128x64xf32, #tpu.memory_space<hbm>> -> memref<128x64xf32, #tpu.memory_space<hbm>>
      %dma_start3A_664 = arith.constant 0 : i32
      %dma_start3A_665 = tpu.memref_slice %arg5[%arg0, %run_scoped3A_305, %add3A_304, %dma_start3A_664] : memref<2x2x10240x64xf32, #tpu.memory_space<hbm>> -> memref<1x1x128x64xf32, #tpu.memory_space<hbm>>
      %dma_start3A_666 = tpu.memref_squeeze %dma_start3A_665 : memref<1x1x128x64xf32, #tpu.memory_space<hbm>> -> memref<128x64xf32, #tpu.memory_space<hbm>>
      tpu.enqueue_dma source(%arg16 : memref<128x64xf32, #tpu.memory_space<vmem>>) target(%dma_start3A_666 : memref<128x64xf32, #tpu.memory_space<hbm>>) target_semaphore(%run_scoped3A_660 : memref<!tpu.dma_semaphore, #tpu.memory_space<semaphore_mem>>)
      %dma_wait3A_667 = arith.constant 0 : i32
      %dma_wait3A_668 = tpu.memref_slice %arg5[%arg0, %run_scoped3A_305, %add3A_304, %dma_wait3A_667] : memref<2x2x10240x64xf32, #tpu.memory_space<hbm>> -> memref<1x1x128x64xf32, #tpu.memory_space<hbm>>
      %dma_wait3A_669 = tpu.memref_squeeze %dma_wait3A_668 : memref<1x1x128x64xf32, #tpu.memory_space<hbm>> -> memref<128x64xf32, #tpu.memory_space<hbm>>
      %dma_wait3A_670 = arith.constant 0 : i32
      %dma_wait3A_671 = tpu.memref_slice %arg5[%arg0, %run_scoped3A_305, %add3A_304, %dma_wait3A_670] : memref<2x2x10240x64xf32, #tpu.memory_space<hbm>> -> memref<1x1x128x64xf32, #tpu.memory_space<hbm>>
      %dma_wait3A_672 = tpu.memref_squeeze %dma_wait3A_671 : memref<1x1x128x64xf32, #tpu.memory_space<hbm>> -> memref<128x64xf32, #tpu.memory_space<hbm>>
      tpu.wait_dma2 semaphore(%run_scoped3A_660 : memref<!tpu.dma_semaphore, #tpu.memory_space<semaphore_mem>>) src(%arg16 : memref<128x64xf32, #tpu.memory_space<vmem>>) dst(%dma_wait3A_672 : memref<128x64xf32, #tpu.memory_space<hbm>>)
      tpu.yield
    }) : () -> ()
    %mul3A_306 = arith.constant 640 : i32
    %mul3A_307 = arith.muli %arg1, %mul3A_306 : i32
    %add3A_308 = arith.constant 128 : i32
    %add3A_309 = arith.addi %mul3A_307, %add3A_308 : i32
    "tpu.region"() ({
      %run_scoped3A_660 = tpu.sem_alloc : memref<!tpu.dma_semaphore, #tpu.memory_space<semaphore_mem>>
      %dma_start3A_661 = arith.constant 0 : i32
      %dma_start3A_662 = tpu.memref_slice %arg18[%add3A_309, %dma_start3A_661] : memref<10240x64xf32, #tpu.memory_space<vmem_shared>> -> memref<128x64xf32, #tpu.memory_space<vmem_shared>>
      %dma_start3A_663 = arith.constant 0 : i32
      %dma_start3A_664 = tpu.memref_slice %arg18[%add3A_309, %dma_start3A_663] : memref<10240x64xf32, #tpu.memory_space<vmem_shared>> -> memref<128x64xf32, #tpu.memory_space<vmem_shared>>
      tpu.enqueue_dma source(%dma_start3A_664 : memref<128x64xf32, #tpu.memory_space<vmem_shared>>) target(%arg16 : memref<128x64xf32, #tpu.memory_space<vmem>>) target_semaphore(%run_scoped3A_660 : memref<!tpu.dma_semaphore, #tpu.memory_space<semaphore_mem>>)
      %dma_wait3A_665 = arith.constant 0 : i32
      %dma_wait3A_666 = tpu.memref_slice %arg18[%add3A_309, %dma_wait3A_665] : memref<10240x64xf32, #tpu.memory_space<vmem_shared>> -> memref<128x64xf32, #tpu.memory_space<vmem_shared>>
      %dma_wait3A_667 = arith.constant 0 : i32
      %dma_wait3A_668 = tpu.memref_slice %arg18[%add3A_309, %dma_wait3A_667] : memref<10240x64xf32, #tpu.memory_space<vmem_shared>> -> memref<128x64xf32, #tpu.memory_space<vmem_shared>>
      tpu.wait_dma2 semaphore(%run_scoped3A_660 : memref<!tpu.dma_semaphore, #tpu.memory_space<semaphore_mem>>) src(%dma_wait3A_668 : memref<128x64xf32, #tpu.memory_space<vmem_shared>>) dst(%arg16 : memref<128x64xf32, #tpu.memory_space<vmem>>)
      tpu.yield
    }) : () -> ()
    %mul3A_310 = arith.constant 640 : i32
    %mul3A_311 = arith.muli %arg1, %mul3A_310 : i32
    %add3A_312 = arith.constant 128 : i32
    %add3A_313 = arith.addi %mul3A_311, %add3A_312 : i32
    %run_scoped3A_314 = arith.constant 0 : i32
    "tpu.region"() ({
      %run_scoped3A_660 = tpu.sem_alloc : memref<!tpu.dma_semaphore, #tpu.memory_space<semaphore_mem>>
      %dma_start3A_661 = arith.constant 0 : i32
      %dma_start3A_662 = tpu.memref_slice %arg5[%arg0, %run_scoped3A_314, %add3A_313, %dma_start3A_661] : memref<2x2x10240x64xf32, #tpu.memory_space<hbm>> -> memref<1x1x128x64xf32, #tpu.memory_space<hbm>>
      %dma_start3A_663 = tpu.memref_squeeze %dma_start3A_662 : memref<1x1x128x64xf32, #tpu.memory_space<hbm>> -> memref<128x64xf32, #tpu.memory_space<hbm>>
      %dma_start3A_664 = arith.constant 0 : i32
      %dma_start3A_665 = tpu.memref_slice %arg5[%arg0, %run_scoped3A_314, %add3A_313, %dma_start3A_664] : memref<2x2x10240x64xf32, #tpu.memory_space<hbm>> -> memref<1x1x128x64xf32, #tpu.memory_space<hbm>>
      %dma_start3A_666 = tpu.memref_squeeze %dma_start3A_665 : memref<1x1x128x64xf32, #tpu.memory_space<hbm>> -> memref<128x64xf32, #tpu.memory_space<hbm>>
      tpu.enqueue_dma source(%arg16 : memref<128x64xf32, #tpu.memory_space<vmem>>) target(%dma_start3A_666 : memref<128x64xf32, #tpu.memory_space<hbm>>) target_semaphore(%run_scoped3A_660 : memref<!tpu.dma_semaphore, #tpu.memory_space<semaphore_mem>>)
      %dma_wait3A_667 = arith.constant 0 : i32
      %dma_wait3A_668 = tpu.memref_slice %arg5[%arg0, %run_scoped3A_314, %add3A_313, %dma_wait3A_667] : memref<2x2x10240x64xf32, #tpu.memory_space<hbm>> -> memref<1x1x128x64xf32, #tpu.memory_space<hbm>>
      %dma_wait3A_669 = tpu.memref_squeeze %dma_wait3A_668 : memref<1x1x128x64xf32, #tpu.memory_space<hbm>> -> memref<128x64xf32, #tpu.memory_space<hbm>>
      %dma_wait3A_670 = arith.constant 0 : i32
      %dma_wait3A_671 = tpu.memref_slice %arg5[%arg0, %run_scoped3A_314, %add3A_313, %dma_wait3A_670] : memref<2x2x10240x64xf32, #tpu.memory_space<hbm>> -> memref<1x1x128x64xf32, #tpu.memory_space<hbm>>
      %dma_wait3A_672 = tpu.memref_squeeze %dma_wait3A_671 : memref<1x1x128x64xf32, #tpu.memory_space<hbm>> -> memref<128x64xf32, #tpu.memory_space<hbm>>
      tpu.wait_dma2 semaphore(%run_scoped3A_660 : memref<!tpu.dma_semaphore, #tpu.memory_space<semaphore_mem>>) src(%arg16 : memref<128x64xf32, #tpu.memory_space<vmem>>) dst(%dma_wait3A_672 : memref<128x64xf32, #tpu.memory_space<hbm>>)
      tpu.yield
    }) : () -> ()
    %mul3A_315 = arith.constant 640 : i32
    %mul3A_316 = arith.muli %arg1, %mul3A_315 : i32
    %add3A_317 = arith.constant 256 : i32
    %add3A_318 = arith.addi %mul3A_316, %add3A_317 : i32
    "tpu.region"() ({
      %run_scoped3A_660 = tpu.sem_alloc : memref<!tpu.dma_semaphore, #tpu.memory_space<semaphore_mem>>
      %dma_start3A_661 = arith.constant 0 : i32
      %dma_start3A_662 = tpu.memref_slice %arg18[%add3A_318, %dma_start3A_661] : memref<10240x64xf32, #tpu.memory_space<vmem_shared>> -> memref<128x64xf32, #tpu.memory_space<vmem_shared>>
      %dma_start3A_663 = arith.constant 0 : i32
      %dma_start3A_664 = tpu.memref_slice %arg18[%add3A_318, %dma_start3A_663] : memref<10240x64xf32, #tpu.memory_space<vmem_shared>> -> memref<128x64xf32, #tpu.memory_space<vmem_shared>>
      tpu.enqueue_dma source(%dma_start3A_664 : memref<128x64xf32, #tpu.memory_space<vmem_shared>>) target(%arg16 : memref<128x64xf32, #tpu.memory_space<vmem>>) target_semaphore(%run_scoped3A_660 : memref<!tpu.dma_semaphore, #tpu.memory_space<semaphore_mem>>)
      %dma_wait3A_665 = arith.constant 0 : i32
      %dma_wait3A_666 = tpu.memref_slice %arg18[%add3A_318, %dma_wait3A_665] : memref<10240x64xf32, #tpu.memory_space<vmem_shared>> -> memref<128x64xf32, #tpu.memory_space<vmem_shared>>
      %dma_wait3A_667 = arith.constant 0 : i32
      %dma_wait3A_668 = tpu.memref_slice %arg18[%add3A_318, %dma_wait3A_667] : memref<10240x64xf32, #tpu.memory_space<vmem_shared>> -> memref<128x64xf32, #tpu.memory_space<vmem_shared>>
      tpu.wait_dma2 semaphore(%run_scoped3A_660 : memref<!tpu.dma_semaphore, #tpu.memory_space<semaphore_mem>>) src(%dma_wait3A_668 : memref<128x64xf32, #tpu.memory_space<vmem_shared>>) dst(%arg16 : memref<128x64xf32, #tpu.memory_space<vmem>>)
      tpu.yield
    }) : () -> ()
    %mul3A_319 = arith.constant 640 : i32
    %mul3A_320 = arith.muli %arg1, %mul3A_319 : i32
    %add3A_321 = arith.constant 256 : i32
    %add3A_322 = arith.addi %mul3A_320, %add3A_321 : i32
    %run_scoped3A_323 = arith.constant 0 : i32
    "tpu.region"() ({
      %run_scoped3A_660 = tpu.sem_alloc : memref<!tpu.dma_semaphore, #tpu.memory_space<semaphore_mem>>
      %dma_start3A_661 = arith.constant 0 : i32
      %dma_start3A_662 = tpu.memref_slice %arg5[%arg0, %run_scoped3A_323, %add3A_322, %dma_start3A_661] : memref<2x2x10240x64xf32, #tpu.memory_space<hbm>> -> memref<1x1x128x64xf32, #tpu.memory_space<hbm>>
      %dma_start3A_663 = tpu.memref_squeeze %dma_start3A_662 : memref<1x1x128x64xf32, #tpu.memory_space<hbm>> -> memref<128x64xf32, #tpu.memory_space<hbm>>
      %dma_start3A_664 = arith.constant 0 : i32
      %dma_start3A_665 = tpu.memref_slice %arg5[%arg0, %run_scoped3A_323, %add3A_322, %dma_start3A_664] : memref<2x2x10240x64xf32, #tpu.memory_space<hbm>> -> memref<1x1x128x64xf32, #tpu.memory_space<hbm>>
      %dma_start3A_666 = tpu.memref_squeeze %dma_start3A_665 : memref<1x1x128x64xf32, #tpu.memory_space<hbm>> -> memref<128x64xf32, #tpu.memory_space<hbm>>
      tpu.enqueue_dma source(%arg16 : memref<128x64xf32, #tpu.memory_space<vmem>>) target(%dma_start3A_666 : memref<128x64xf32, #tpu.memory_space<hbm>>) target_semaphore(%run_scoped3A_660 : memref<!tpu.dma_semaphore, #tpu.memory_space<semaphore_mem>>)
      %dma_wait3A_667 = arith.constant 0 : i32
      %dma_wait3A_668 = tpu.memref_slice %arg5[%arg0, %run_scoped3A_323, %add3A_322, %dma_wait3A_667] : memref<2x2x10240x64xf32, #tpu.memory_space<hbm>> -> memref<1x1x128x64xf32, #tpu.memory_space<hbm>>
      %dma_wait3A_669 = tpu.memref_squeeze %dma_wait3A_668 : memref<1x1x128x64xf32, #tpu.memory_space<hbm>> -> memref<128x64xf32, #tpu.memory_space<hbm>>
      %dma_wait3A_670 = arith.constant 0 : i32
      %dma_wait3A_671 = tpu.memref_slice %arg5[%arg0, %run_scoped3A_323, %add3A_322, %dma_wait3A_670] : memref<2x2x10240x64xf32, #tpu.memory_space<hbm>> -> memref<1x1x128x64xf32, #tpu.memory_space<hbm>>
      %dma_wait3A_672 = tpu.memref_squeeze %dma_wait3A_671 : memref<1x1x128x64xf32, #tpu.memory_space<hbm>> -> memref<128x64xf32, #tpu.memory_space<hbm>>
      tpu.wait_dma2 semaphore(%run_scoped3A_660 : memref<!tpu.dma_semaphore, #tpu.memory_space<semaphore_mem>>) src(%arg16 : memref<128x64xf32, #tpu.memory_space<vmem>>) dst(%dma_wait3A_672 : memref<128x64xf32, #tpu.memory_space<hbm>>)
      tpu.yield
    }) : () -> ()
    %mul3A_324 = arith.constant 640 : i32
    %mul3A_325 = arith.muli %arg1, %mul3A_324 : i32
    %add3A_326 = arith.constant 384 : i32
    %add3A_327 = arith.addi %mul3A_325, %add3A_326 : i32
    "tpu.region"() ({
      %run_scoped3A_660 = tpu.sem_alloc : memref<!tpu.dma_semaphore, #tpu.memory_space<semaphore_mem>>
      %dma_start3A_661 = arith.constant 0 : i32
      %dma_start3A_662 = tpu.memref_slice %arg18[%add3A_327, %dma_start3A_661] : memref<10240x64xf32, #tpu.memory_space<vmem_shared>> -> memref<128x64xf32, #tpu.memory_space<vmem_shared>>
      %dma_start3A_663 = arith.constant 0 : i32
      %dma_start3A_664 = tpu.memref_slice %arg18[%add3A_327, %dma_start3A_663] : memref<10240x64xf32, #tpu.memory_space<vmem_shared>> -> memref<128x64xf32, #tpu.memory_space<vmem_shared>>
      tpu.enqueue_dma source(%dma_start3A_664 : memref<128x64xf32, #tpu.memory_space<vmem_shared>>) target(%arg16 : memref<128x64xf32, #tpu.memory_space<vmem>>) target_semaphore(%run_scoped3A_660 : memref<!tpu.dma_semaphore, #tpu.memory_space<semaphore_mem>>)
      %dma_wait3A_665 = arith.constant 0 : i32
      %dma_wait3A_666 = tpu.memref_slice %arg18[%add3A_327, %dma_wait3A_665] : memref<10240x64xf32, #tpu.memory_space<vmem_shared>> -> memref<128x64xf32, #tpu.memory_space<vmem_shared>>
      %dma_wait3A_667 = arith.constant 0 : i32
      %dma_wait3A_668 = tpu.memref_slice %arg18[%add3A_327, %dma_wait3A_667] : memref<10240x64xf32, #tpu.memory_space<vmem_shared>> -> memref<128x64xf32, #tpu.memory_space<vmem_shared>>
      tpu.wait_dma2 semaphore(%run_scoped3A_660 : memref<!tpu.dma_semaphore, #tpu.memory_space<semaphore_mem>>) src(%dma_wait3A_668 : memref<128x64xf32, #tpu.memory_space<vmem_shared>>) dst(%arg16 : memref<128x64xf32, #tpu.memory_space<vmem>>)
      tpu.yield
    }) : () -> ()
    %mul3A_328 = arith.constant 640 : i32
    %mul3A_329 = arith.muli %arg1, %mul3A_328 : i32
    %add3A_330 = arith.constant 384 : i32
    %add3A_331 = arith.addi %mul3A_329, %add3A_330 : i32
    %run_scoped3A_332 = arith.constant 0 : i32
    "tpu.region"() ({
      %run_scoped3A_660 = tpu.sem_alloc : memref<!tpu.dma_semaphore, #tpu.memory_space<semaphore_mem>>
      %dma_start3A_661 = arith.constant 0 : i32
      %dma_start3A_662 = tpu.memref_slice %arg5[%arg0, %run_scoped3A_332, %add3A_331, %dma_start3A_661] : memref<2x2x10240x64xf32, #tpu.memory_space<hbm>> -> memref<1x1x128x64xf32, #tpu.memory_space<hbm>>
      %dma_start3A_663 = tpu.memref_squeeze %dma_start3A_662 : memref<1x1x128x64xf32, #tpu.memory_space<hbm>> -> memref<128x64xf32, #tpu.memory_space<hbm>>
      %dma_start3A_664 = arith.constant 0 : i32
      %dma_start3A_665 = tpu.memref_slice %arg5[%arg0, %run_scoped3A_332, %add3A_331, %dma_start3A_664] : memref<2x2x10240x64xf32, #tpu.memory_space<hbm>> -> memref<1x1x128x64xf32, #tpu.memory_space<hbm>>
      %dma_start3A_666 = tpu.memref_squeeze %dma_start3A_665 : memref<1x1x128x64xf32, #tpu.memory_space<hbm>> -> memref<128x64xf32, #tpu.memory_space<hbm>>
      tpu.enqueue_dma source(%arg16 : memref<128x64xf32, #tpu.memory_space<vmem>>) target(%dma_start3A_666 : memref<128x64xf32, #tpu.memory_space<hbm>>) target_semaphore(%run_scoped3A_660 : memref<!tpu.dma_semaphore, #tpu.memory_space<semaphore_mem>>)
      %dma_wait3A_667 = arith.constant 0 : i32
      %dma_wait3A_668 = tpu.memref_slice %arg5[%arg0, %run_scoped3A_332, %add3A_331, %dma_wait3A_667] : memref<2x2x10240x64xf32, #tpu.memory_space<hbm>> -> memref<1x1x128x64xf32, #tpu.memory_space<hbm>>
      %dma_wait3A_669 = tpu.memref_squeeze %dma_wait3A_668 : memref<1x1x128x64xf32, #tpu.memory_space<hbm>> -> memref<128x64xf32, #tpu.memory_space<hbm>>
      %dma_wait3A_670 = arith.constant 0 : i32
      %dma_wait3A_671 = tpu.memref_slice %arg5[%arg0, %run_scoped3A_332, %add3A_331, %dma_wait3A_670] : memref<2x2x10240x64xf32, #tpu.memory_space<hbm>> -> memref<1x1x128x64xf32, #tpu.memory_space<hbm>>
      %dma_wait3A_672 = tpu.memref_squeeze %dma_wait3A_671 : memref<1x1x128x64xf32, #tpu.memory_space<hbm>> -> memref<128x64xf32, #tpu.memory_space<hbm>>
      tpu.wait_dma2 semaphore(%run_scoped3A_660 : memref<!tpu.dma_semaphore, #tpu.memory_space<semaphore_mem>>) src(%arg16 : memref<128x64xf32, #tpu.memory_space<vmem>>) dst(%dma_wait3A_672 : memref<128x64xf32, #tpu.memory_space<hbm>>)
      tpu.yield
    }) : () -> ()
    %mul3A_333 = arith.constant 640 : i32
    %mul3A_334 = arith.muli %arg1, %mul3A_333 : i32
    %add3A_335 = arith.constant 512 : i32
    %add3A_336 = arith.addi %mul3A_334, %add3A_335 : i32
    "tpu.region"() ({
      %run_scoped3A_660 = tpu.sem_alloc : memref<!tpu.dma_semaphore, #tpu.memory_space<semaphore_mem>>
      %dma_start3A_661 = arith.constant 0 : i32
      %dma_start3A_662 = tpu.memref_slice %arg18[%add3A_336, %dma_start3A_661] : memref<10240x64xf32, #tpu.memory_space<vmem_shared>> -> memref<128x64xf32, #tpu.memory_space<vmem_shared>>
      %dma_start3A_663 = arith.constant 0 : i32
      %dma_start3A_664 = tpu.memref_slice %arg18[%add3A_336, %dma_start3A_663] : memref<10240x64xf32, #tpu.memory_space<vmem_shared>> -> memref<128x64xf32, #tpu.memory_space<vmem_shared>>
      tpu.enqueue_dma source(%dma_start3A_664 : memref<128x64xf32, #tpu.memory_space<vmem_shared>>) target(%arg16 : memref<128x64xf32, #tpu.memory_space<vmem>>) target_semaphore(%run_scoped3A_660 : memref<!tpu.dma_semaphore, #tpu.memory_space<semaphore_mem>>)
      %dma_wait3A_665 = arith.constant 0 : i32
      %dma_wait3A_666 = tpu.memref_slice %arg18[%add3A_336, %dma_wait3A_665] : memref<10240x64xf32, #tpu.memory_space<vmem_shared>> -> memref<128x64xf32, #tpu.memory_space<vmem_shared>>
      %dma_wait3A_667 = arith.constant 0 : i32
      %dma_wait3A_668 = tpu.memref_slice %arg18[%add3A_336, %dma_wait3A_667] : memref<10240x64xf32, #tpu.memory_space<vmem_shared>> -> memref<128x64xf32, #tpu.memory_space<vmem_shared>>
      tpu.wait_dma2 semaphore(%run_scoped3A_660 : memref<!tpu.dma_semaphore, #tpu.memory_space<semaphore_mem>>) src(%dma_wait3A_668 : memref<128x64xf32, #tpu.memory_space<vmem_shared>>) dst(%arg16 : memref<128x64xf32, #tpu.memory_space<vmem>>)
      tpu.yield
    }) : () -> ()
    %mul3A_337 = arith.constant 640 : i32
    %mul3A_338 = arith.muli %arg1, %mul3A_337 : i32
    %add3A_339 = arith.constant 512 : i32
    %add3A_340 = arith.addi %mul3A_338, %add3A_339 : i32
    %run_scoped3A_341 = arith.constant 0 : i32
    "tpu.region"() ({
      %run_scoped3A_660 = tpu.sem_alloc : memref<!tpu.dma_semaphore, #tpu.memory_space<semaphore_mem>>
      %dma_start3A_661 = arith.constant 0 : i32
      %dma_start3A_662 = tpu.memref_slice %arg5[%arg0, %run_scoped3A_341, %add3A_340, %dma_start3A_661] : memref<2x2x10240x64xf32, #tpu.memory_space<hbm>> -> memref<1x1x128x64xf32, #tpu.memory_space<hbm>>
      %dma_start3A_663 = tpu.memref_squeeze %dma_start3A_662 : memref<1x1x128x64xf32, #tpu.memory_space<hbm>> -> memref<128x64xf32, #tpu.memory_space<hbm>>
      %dma_start3A_664 = arith.constant 0 : i32
      %dma_start3A_665 = tpu.memref_slice %arg5[%arg0, %run_scoped3A_341, %add3A_340, %dma_start3A_664] : memref<2x2x10240x64xf32, #tpu.memory_space<hbm>> -> memref<1x1x128x64xf32, #tpu.memory_space<hbm>>
      %dma_start3A_666 = tpu.memref_squeeze %dma_start3A_665 : memref<1x1x128x64xf32, #tpu.memory_space<hbm>> -> memref<128x64xf32, #tpu.memory_space<hbm>>
      tpu.enqueue_dma source(%arg16 : memref<128x64xf32, #tpu.memory_space<vmem>>) target(%dma_start3A_666 : memref<128x64xf32, #tpu.memory_space<hbm>>) target_semaphore(%run_scoped3A_660 : memref<!tpu.dma_semaphore, #tpu.memory_space<semaphore_mem>>)
      %dma_wait3A_667 = arith.constant 0 : i32
      %dma_wait3A_668 = tpu.memref_slice %arg5[%arg0, %run_scoped3A_341, %add3A_340, %dma_wait3A_667] : memref<2x2x10240x64xf32, #tpu.memory_space<hbm>> -> memref<1x1x128x64xf32, #tpu.memory_space<hbm>>
      %dma_wait3A_669 = tpu.memref_squeeze %dma_wait3A_668 : memref<1x1x128x64xf32, #tpu.memory_space<hbm>> -> memref<128x64xf32, #tpu.memory_space<hbm>>
      %dma_wait3A_670 = arith.constant 0 : i32
      %dma_wait3A_671 = tpu.memref_slice %arg5[%arg0, %run_scoped3A_341, %add3A_340, %dma_wait3A_670] : memref<2x2x10240x64xf32, #tpu.memory_space<hbm>> -> memref<1x1x128x64xf32, #tpu.memory_space<hbm>>
      %dma_wait3A_672 = tpu.memref_squeeze %dma_wait3A_671 : memref<1x1x128x64xf32, #tpu.memory_space<hbm>> -> memref<128x64xf32, #tpu.memory_space<hbm>>
      tpu.wait_dma2 semaphore(%run_scoped3A_660 : memref<!tpu.dma_semaphore, #tpu.memory_space<semaphore_mem>>) src(%arg16 : memref<128x64xf32, #tpu.memory_space<vmem>>) dst(%dma_wait3A_672 : memref<128x64xf32, #tpu.memory_space<hbm>>)
      tpu.yield
    }) : () -> ()
    %scan3A_342 = arith.constant 0 : i32
    %scan3A_343 = arith.constant 0 : i32
    %scan3A_344 = arith.constant 128 : i32
    %scan3A_345 = arith.addi %scan3A_343, %scan3A_344 : i32
    %scan3A_346 = arith.constant 1 : i32
    %scan3A_347 = scf.for %scan3A_660 = %scan3A_343 to %scan3A_345 step %scan3A_346 iter_args(%scan3A_661 = %scan3A_342) -> (i32)  : i32 {
      %swap3A_662 = arith.index_cast %scan3A_660 : i32 to index
      %swap3A_663 = arith.constant 0 : index
      %swap3A_664 = tpu.vector_load %arg16[%swap3A_662, %swap3A_663] {strides = array<i32>} : memref<128x64xf32, #tpu.memory_space<vmem>>, vector<1x16xf32>,
      %swap3A_665 = vector.shape_cast %swap3A_664 : vector<1x16xf32> to vector<16xf32>
      %swap3A_666 = vector.shape_cast %broadcast_in_dim3A_0 : vector<16xf32> to vector<1x16xf32>
      tpu.vector_store %arg16[%swap3A_662, %swap3A_663], %swap3A_666 {strides = array<i32>} : memref<128x64xf32, #tpu.memory_space<vmem>>, vector<1x16xf32>,
      %swap3A_667 = arith.index_cast %scan3A_660 : i32 to index
      %swap3A_668 = arith.constant 16 : index
      %swap3A_669 = tpu.vector_load %arg16[%swap3A_667, %swap3A_668] {strides = array<i32>} : memref<128x64xf32, #tpu.memory_space<vmem>>, vector<1x16xf32>,
      %swap3A_670 = vector.shape_cast %swap3A_669 : vector<1x16xf32> to vector<16xf32>
      %swap3A_671 = vector.shape_cast %broadcast_in_dim3A_0 : vector<16xf32> to vector<1x16xf32>
      tpu.vector_store %arg16[%swap3A_667, %swap3A_668], %swap3A_671 {strides = array<i32>} : memref<128x64xf32, #tpu.memory_space<vmem>>, vector<1x16xf32>,
      %swap3A_672 = arith.index_cast %scan3A_660 : i32 to index
      %swap3A_673 = arith.constant 32 : index
      %swap3A_674 = tpu.vector_load %arg16[%swap3A_672, %swap3A_673] {strides = array<i32>} : memref<128x64xf32, #tpu.memory_space<vmem>>, vector<1x16xf32>,
      %swap3A_675 = vector.shape_cast %swap3A_674 : vector<1x16xf32> to vector<16xf32>
      %swap3A_676 = vector.shape_cast %broadcast_in_dim3A_0 : vector<16xf32> to vector<1x16xf32>
      tpu.vector_store %arg16[%swap3A_672, %swap3A_673], %swap3A_676 {strides = array<i32>} : memref<128x64xf32, #tpu.memory_space<vmem>>, vector<1x16xf32>,
      %swap3A_677 = arith.index_cast %scan3A_660 : i32 to index
      %swap3A_678 = arith.constant 48 : index
      %swap3A_679 = tpu.vector_load %arg16[%swap3A_677, %swap3A_678] {strides = array<i32>} : memref<128x64xf32, #tpu.memory_space<vmem>>, vector<1x16xf32>,
      %swap3A_680 = vector.shape_cast %swap3A_679 : vector<1x16xf32> to vector<16xf32>
      %swap3A_681 = vector.shape_cast %broadcast_in_dim3A_0 : vector<16xf32> to vector<1x16xf32>
      tpu.vector_store %arg16[%swap3A_677, %swap3A_678], %swap3A_681 {strides = array<i32>} : memref<128x64xf32, #tpu.memory_space<vmem>>, vector<1x16xf32>,
      %scan3A_682 = arith.constant 0 : i32
      scf.yield %scan3A_682 : i32
    }
    %scan3A_348 = arith.constant 128 : i32
    %mul3A_349 = arith.constant 640 : i32
    %mul3A_350 = arith.muli %arg1, %mul3A_349 : i32
    %add3A_351 = arith.constant 0 : i32
    %add3A_352 = arith.addi %mul3A_350, %add3A_351 : i32
    "tpu.region"() ({
      %run_scoped3A_660 = tpu.sem_alloc : memref<!tpu.dma_semaphore, #tpu.memory_space<semaphore_mem>>
      %dma_start3A_661 = arith.constant 0 : i32
      %dma_start3A_662 = tpu.memref_slice %arg18[%add3A_352, %dma_start3A_661] : memref<10240x64xf32, #tpu.memory_space<vmem_shared>> -> memref<128x64xf32, #tpu.memory_space<vmem_shared>>
      %dma_start3A_663 = arith.constant 0 : i32
      %dma_start3A_664 = tpu.memref_slice %arg18[%add3A_352, %dma_start3A_663] : memref<10240x64xf32, #tpu.memory_space<vmem_shared>> -> memref<128x64xf32, #tpu.memory_space<vmem_shared>>
      tpu.enqueue_dma source(%arg16 : memref<128x64xf32, #tpu.memory_space<vmem>>) target(%dma_start3A_664 : memref<128x64xf32, #tpu.memory_space<vmem_shared>>) target_semaphore(%run_scoped3A_660 : memref<!tpu.dma_semaphore, #tpu.memory_space<semaphore_mem>>)
      %dma_wait3A_665 = arith.constant 0 : i32
      %dma_wait3A_666 = tpu.memref_slice %arg18[%add3A_352, %dma_wait3A_665] : memref<10240x64xf32, #tpu.memory_space<vmem_shared>> -> memref<128x64xf32, #tpu.memory_space<vmem_shared>>
      %dma_wait3A_667 = arith.constant 0 : i32
      %dma_wait3A_668 = tpu.memref_slice %arg18[%add3A_352, %dma_wait3A_667] : memref<10240x64xf32, #tpu.memory_space<vmem_shared>> -> memref<128x64xf32, #tpu.memory_space<vmem_shared>>
      tpu.wait_dma2 semaphore(%run_scoped3A_660 : memref<!tpu.dma_semaphore, #tpu.memory_space<semaphore_mem>>) src(%arg16 : memref<128x64xf32, #tpu.memory_space<vmem>>) dst(%dma_wait3A_668 : memref<128x64xf32, #tpu.memory_space<vmem_shared>>)
      tpu.yield
    }) : () -> ()
    %mul3A_353 = arith.constant 640 : i32
    %mul3A_354 = arith.muli %arg1, %mul3A_353 : i32
    %add3A_355 = arith.constant 128 : i32
    %add3A_356 = arith.addi %mul3A_354, %add3A_355 : i32
    "tpu.region"() ({
      %run_scoped3A_660 = tpu.sem_alloc : memref<!tpu.dma_semaphore, #tpu.memory_space<semaphore_mem>>
      %dma_start3A_661 = arith.constant 0 : i32
      %dma_start3A_662 = tpu.memref_slice %arg18[%add3A_356, %dma_start3A_661] : memref<10240x64xf32, #tpu.memory_space<vmem_shared>> -> memref<128x64xf32, #tpu.memory_space<vmem_shared>>
      %dma_start3A_663 = arith.constant 0 : i32
      %dma_start3A_664 = tpu.memref_slice %arg18[%add3A_356, %dma_start3A_663] : memref<10240x64xf32, #tpu.memory_space<vmem_shared>> -> memref<128x64xf32, #tpu.memory_space<vmem_shared>>
      tpu.enqueue_dma source(%arg16 : memref<128x64xf32, #tpu.memory_space<vmem>>) target(%dma_start3A_664 : memref<128x64xf32, #tpu.memory_space<vmem_shared>>) target_semaphore(%run_scoped3A_660 : memref<!tpu.dma_semaphore, #tpu.memory_space<semaphore_mem>>)
      %dma_wait3A_665 = arith.constant 0 : i32
      %dma_wait3A_666 = tpu.memref_slice %arg18[%add3A_356, %dma_wait3A_665] : memref<10240x64xf32, #tpu.memory_space<vmem_shared>> -> memref<128x64xf32, #tpu.memory_space<vmem_shared>>
      %dma_wait3A_667 = arith.constant 0 : i32
      %dma_wait3A_668 = tpu.memref_slice %arg18[%add3A_356, %dma_wait3A_667] : memref<10240x64xf32, #tpu.memory_space<vmem_shared>> -> memref<128x64xf32, #tpu.memory_space<vmem_shared>>
      tpu.wait_dma2 semaphore(%run_scoped3A_660 : memref<!tpu.dma_semaphore, #tpu.memory_space<semaphore_mem>>) src(%arg16 : memref<128x64xf32, #tpu.memory_space<vmem>>) dst(%dma_wait3A_668 : memref<128x64xf32, #tpu.memory_space<vmem_shared>>)
      tpu.yield
    }) : () -> ()
    %mul3A_357 = arith.constant 640 : i32
    %mul3A_358 = arith.muli %arg1, %mul3A_357 : i32
    %add3A_359 = arith.constant 256 : i32
    %add3A_360 = arith.addi %mul3A_358, %add3A_359 : i32
    "tpu.region"() ({
      %run_scoped3A_660 = tpu.sem_alloc : memref<!tpu.dma_semaphore, #tpu.memory_space<semaphore_mem>>
      %dma_start3A_661 = arith.constant 0 : i32
      %dma_start3A_662 = tpu.memref_slice %arg18[%add3A_360, %dma_start3A_661] : memref<10240x64xf32, #tpu.memory_space<vmem_shared>> -> memref<128x64xf32, #tpu.memory_space<vmem_shared>>
      %dma_start3A_663 = arith.constant 0 : i32
      %dma_start3A_664 = tpu.memref_slice %arg18[%add3A_360, %dma_start3A_663] : memref<10240x64xf32, #tpu.memory_space<vmem_shared>> -> memref<128x64xf32, #tpu.memory_space<vmem_shared>>
      tpu.enqueue_dma source(%arg16 : memref<128x64xf32, #tpu.memory_space<vmem>>) target(%dma_start3A_664 : memref<128x64xf32, #tpu.memory_space<vmem_shared>>) target_semaphore(%run_scoped3A_660 : memref<!tpu.dma_semaphore, #tpu.memory_space<semaphore_mem>>)
      %dma_wait3A_665 = arith.constant 0 : i32
      %dma_wait3A_666 = tpu.memref_slice %arg18[%add3A_360, %dma_wait3A_665] : memref<10240x64xf32, #tpu.memory_space<vmem_shared>> -> memref<128x64xf32, #tpu.memory_space<vmem_shared>>
      %dma_wait3A_667 = arith.constant 0 : i32
      %dma_wait3A_668 = tpu.memref_slice %arg18[%add3A_360, %dma_wait3A_667] : memref<10240x64xf32, #tpu.memory_space<vmem_shared>> -> memref<128x64xf32, #tpu.memory_space<vmem_shared>>
      tpu.wait_dma2 semaphore(%run_scoped3A_660 : memref<!tpu.dma_semaphore, #tpu.memory_space<semaphore_mem>>) src(%arg16 : memref<128x64xf32, #tpu.memory_space<vmem>>) dst(%dma_wait3A_668 : memref<128x64xf32, #tpu.memory_space<vmem_shared>>)
      tpu.yield
    }) : () -> ()
    %mul3A_361 = arith.constant 640 : i32
    %mul3A_362 = arith.muli %arg1, %mul3A_361 : i32
    %add3A_363 = arith.constant 384 : i32
    %add3A_364 = arith.addi %mul3A_362, %add3A_363 : i32
    "tpu.region"() ({
      %run_scoped3A_660 = tpu.sem_alloc : memref<!tpu.dma_semaphore, #tpu.memory_space<semaphore_mem>>
      %dma_start3A_661 = arith.constant 0 : i32
      %dma_start3A_662 = tpu.memref_slice %arg18[%add3A_364, %dma_start3A_661] : memref<10240x64xf32, #tpu.memory_space<vmem_shared>> -> memref<128x64xf32, #tpu.memory_space<vmem_shared>>
      %dma_start3A_663 = arith.constant 0 : i32
      %dma_start3A_664 = tpu.memref_slice %arg18[%add3A_364, %dma_start3A_663] : memref<10240x64xf32, #tpu.memory_space<vmem_shared>> -> memref<128x64xf32, #tpu.memory_space<vmem_shared>>
      tpu.enqueue_dma source(%arg16 : memref<128x64xf32, #tpu.memory_space<vmem>>) target(%dma_start3A_664 : memref<128x64xf32, #tpu.memory_space<vmem_shared>>) target_semaphore(%run_scoped3A_660 : memref<!tpu.dma_semaphore, #tpu.memory_space<semaphore_mem>>)
      %dma_wait3A_665 = arith.constant 0 : i32
      %dma_wait3A_666 = tpu.memref_slice %arg18[%add3A_364, %dma_wait3A_665] : memref<10240x64xf32, #tpu.memory_space<vmem_shared>> -> memref<128x64xf32, #tpu.memory_space<vmem_shared>>
      %dma_wait3A_667 = arith.constant 0 : i32
      %dma_wait3A_668 = tpu.memref_slice %arg18[%add3A_364, %dma_wait3A_667] : memref<10240x64xf32, #tpu.memory_space<vmem_shared>> -> memref<128x64xf32, #tpu.memory_space<vmem_shared>>
      tpu.wait_dma2 semaphore(%run_scoped3A_660 : memref<!tpu.dma_semaphore, #tpu.memory_space<semaphore_mem>>) src(%arg16 : memref<128x64xf32, #tpu.memory_space<vmem>>) dst(%dma_wait3A_668 : memref<128x64xf32, #tpu.memory_space<vmem_shared>>)
      tpu.yield
    }) : () -> ()
    %mul3A_365 = arith.constant 640 : i32
    %mul3A_366 = arith.muli %arg1, %mul3A_365 : i32
    %add3A_367 = arith.constant 512 : i32
    %add3A_368 = arith.addi %mul3A_366, %add3A_367 : i32
    "tpu.region"() ({
      %run_scoped3A_660 = tpu.sem_alloc : memref<!tpu.dma_semaphore, #tpu.memory_space<semaphore_mem>>
      %dma_start3A_661 = arith.constant 0 : i32
      %dma_start3A_662 = tpu.memref_slice %arg18[%add3A_368, %dma_start3A_661] : memref<10240x64xf32, #tpu.memory_space<vmem_shared>> -> memref<128x64xf32, #tpu.memory_space<vmem_shared>>
      %dma_start3A_663 = arith.constant 0 : i32
      %dma_start3A_664 = tpu.memref_slice %arg18[%add3A_368, %dma_start3A_663] : memref<10240x64xf32, #tpu.memory_space<vmem_shared>> -> memref<128x64xf32, #tpu.memory_space<vmem_shared>>
      tpu.enqueue_dma source(%arg16 : memref<128x64xf32, #tpu.memory_space<vmem>>) target(%dma_start3A_664 : memref<128x64xf32, #tpu.memory_space<vmem_shared>>) target_semaphore(%run_scoped3A_660 : memref<!tpu.dma_semaphore, #tpu.memory_space<semaphore_mem>>)
      %dma_wait3A_665 = arith.constant 0 : i32
      %dma_wait3A_666 = tpu.memref_slice %arg18[%add3A_368, %dma_wait3A_665] : memref<10240x64xf32, #tpu.memory_space<vmem_shared>> -> memref<128x64xf32, #tpu.memory_space<vmem_shared>>
      %dma_wait3A_667 = arith.constant 0 : i32
      %dma_wait3A_668 = tpu.memref_slice %arg18[%add3A_368, %dma_wait3A_667] : memref<10240x64xf32, #tpu.memory_space<vmem_shared>> -> memref<128x64xf32, #tpu.memory_space<vmem_shared>>
      tpu.wait_dma2 semaphore(%run_scoped3A_660 : memref<!tpu.dma_semaphore, #tpu.memory_space<semaphore_mem>>) src(%arg16 : memref<128x64xf32, #tpu.memory_space<vmem>>) dst(%dma_wait3A_668 : memref<128x64xf32, #tpu.memory_space<vmem_shared>>)
      tpu.yield
    }) : () -> ()
    %barrier3A_369 = arith.constant 0 : index
    tpu.barrier barrier_id(%barrier3A_369)
    %dma_start3A_370 = arith.constant 1 : i32
    %dma_start3A_371 = arith.constant 0 : i32
    %dma_start3A_372 = arith.constant 0 : i32
    %dma_start3A_373 = tpu.memref_slice %arg7[%dma_start3A_371, %dma_start3A_372] : memref<250x80xi32, #tpu.memory_space<vmem>> -> memref<1x80xi32, #tpu.memory_space<vmem>>
    %dma_start3A_374 = tpu.memref_squeeze %dma_start3A_373 : memref<1x80xi32, #tpu.memory_space<vmem>> -> memref<80xi32, #tpu.memory_space<vmem>>
    %dma_start3A_375 = arith.constant 0 : i32
    %dma_start3A_376 = arith.constant 0 : i32
    %dma_start3A_377 = tpu.memref_slice %arg2[%dma_start3A_370, %dma_start3A_375, %dma_start3A_376] : memref<2x10000x64xf32, #tpu.memory_space<hbm>> -> memref<1x10000x64xf32, #tpu.memory_space<hbm>>
    %dma_start3A_378 = tpu.memref_squeeze %dma_start3A_377 : memref<1x10000x64xf32, #tpu.memory_space<hbm>> -> memref<10000x64xf32, #tpu.memory_space<hbm>>
    %dma_start3A_379 = arith.constant 0 : i32
    %dma_start3A_380 = arith.constant 0 : i32
    %dma_start3A_381 = tpu.memref_slice %dma_start3A_378[%dma_start3A_379, %dma_start3A_380] : memref<10000x64xf32, #tpu.memory_space<hbm>> -> memref<10000x64xf32, #tpu.memory_space<hbm>>
    tpu.enqueue_indirect_dma source(%dma_start3A_381 : memref<10000x64xf32, #tpu.memory_space<hbm>>) target(%arg9 : memref<80x64xf32, #tpu.memory_space<vmem>>) offsets(%dma_start3A_374 : memref<80xi32, #tpu.memory_space<vmem>>) semaphore(%arg20 : memref<!tpu.dma_semaphore, #tpu.memory_space<semaphore_mem>>)
    %dma_start3A_382 = arith.constant 1 : i32
    %dma_start3A_383 = arith.constant 1 : i32
    %dma_start3A_384 = arith.constant 0 : i32
    %dma_start3A_385 = tpu.memref_slice %arg7[%dma_start3A_383, %dma_start3A_384] : memref<250x80xi32, #tpu.memory_space<vmem>> -> memref<1x80xi32, #tpu.memory_space<vmem>>
    %dma_start3A_386 = tpu.memref_squeeze %dma_start3A_385 : memref<1x80xi32, #tpu.memory_space<vmem>> -> memref<80xi32, #tpu.memory_space<vmem>>
    %dma_start3A_387 = arith.constant 0 : i32
    %dma_start3A_388 = arith.constant 0 : i32
    %dma_start3A_389 = tpu.memref_slice %arg2[%dma_start3A_382, %dma_start3A_387, %dma_start3A_388] : memref<2x10000x64xf32, #tpu.memory_space<hbm>> -> memref<1x10000x64xf32, #tpu.memory_space<hbm>>
    %dma_start3A_390 = tpu.memref_squeeze %dma_start3A_389 : memref<1x10000x64xf32, #tpu.memory_space<hbm>> -> memref<10000x64xf32, #tpu.memory_space<hbm>>
    %dma_start3A_391 = arith.constant 0 : i32
    %dma_start3A_392 = arith.constant 0 : i32
    %dma_start3A_393 = tpu.memref_slice %dma_start3A_390[%dma_start3A_391, %dma_start3A_392] : memref<10000x64xf32, #tpu.memory_space<hbm>> -> memref<10000x64xf32, #tpu.memory_space<hbm>>
    tpu.enqueue_indirect_dma source(%dma_start3A_393 : memref<10000x64xf32, #tpu.memory_space<hbm>>) target(%arg10 : memref<80x64xf32, #tpu.memory_space<vmem>>) offsets(%dma_start3A_386 : memref<80xi32, #tpu.memory_space<vmem>>) semaphore(%arg20 : memref<!tpu.dma_semaphore, #tpu.memory_space<semaphore_mem>>)
    %dma_start3A_394 = arith.constant 1 : i32
    %dma_start3A_395 = arith.constant 2 : i32
    %dma_start3A_396 = arith.constant 0 : i32
    %dma_start3A_397 = tpu.memref_slice %arg7[%dma_start3A_395, %dma_start3A_396] : memref<250x80xi32, #tpu.memory_space<vmem>> -> memref<1x80xi32, #tpu.memory_space<vmem>>
    %dma_start3A_398 = tpu.memref_squeeze %dma_start3A_397 : memref<1x80xi32, #tpu.memory_space<vmem>> -> memref<80xi32, #tpu.memory_space<vmem>>
    %dma_start3A_399 = arith.constant 0 : i32
    %dma_start3A_400 = arith.constant 0 : i32
    %dma_start3A_401 = tpu.memref_slice %arg2[%dma_start3A_394, %dma_start3A_399, %dma_start3A_400] : memref<2x10000x64xf32, #tpu.memory_space<hbm>> -> memref<1x10000x64xf32, #tpu.memory_space<hbm>>
    %dma_start3A_402 = tpu.memref_squeeze %dma_start3A_401 : memref<1x10000x64xf32, #tpu.memory_space<hbm>> -> memref<10000x64xf32, #tpu.memory_space<hbm>>
    %dma_start3A_403 = arith.constant 0 : i32
    %dma_start3A_404 = arith.constant 0 : i32
    %dma_start3A_405 = tpu.memref_slice %dma_start3A_402[%dma_start3A_403, %dma_start3A_404] : memref<10000x64xf32, #tpu.memory_space<hbm>> -> memref<10000x64xf32, #tpu.memory_space<hbm>>
    tpu.enqueue_indirect_dma source(%dma_start3A_405 : memref<10000x64xf32, #tpu.memory_space<hbm>>) target(%arg11 : memref<80x64xf32, #tpu.memory_space<vmem>>) offsets(%dma_start3A_398 : memref<80xi32, #tpu.memory_space<vmem>>) semaphore(%arg20 : memref<!tpu.dma_semaphore, #tpu.memory_space<semaphore_mem>>)
    %dma_start3A_406 = arith.constant 1 : i32
    %dma_start3A_407 = arith.constant 3 : i32
    %dma_start3A_408 = arith.constant 0 : i32
    %dma_start3A_409 = tpu.memref_slice %arg7[%dma_start3A_407, %dma_start3A_408] : memref<250x80xi32, #tpu.memory_space<vmem>> -> memref<1x80xi32, #tpu.memory_space<vmem>>
    %dma_start3A_410 = tpu.memref_squeeze %dma_start3A_409 : memref<1x80xi32, #tpu.memory_space<vmem>> -> memref<80xi32, #tpu.memory_space<vmem>>
    %dma_start3A_411 = arith.constant 0 : i32
    %dma_start3A_412 = arith.constant 0 : i32
    %dma_start3A_413 = tpu.memref_slice %arg2[%dma_start3A_406, %dma_start3A_411, %dma_start3A_412] : memref<2x10000x64xf32, #tpu.memory_space<hbm>> -> memref<1x10000x64xf32, #tpu.memory_space<hbm>>
    %dma_start3A_414 = tpu.memref_squeeze %dma_start3A_413 : memref<1x10000x64xf32, #tpu.memory_space<hbm>> -> memref<10000x64xf32, #tpu.memory_space<hbm>>
    %dma_start3A_415 = arith.constant 0 : i32
    %dma_start3A_416 = arith.constant 0 : i32
    %dma_start3A_417 = tpu.memref_slice %dma_start3A_414[%dma_start3A_415, %dma_start3A_416] : memref<10000x64xf32, #tpu.memory_space<hbm>> -> memref<10000x64xf32, #tpu.memory_space<hbm>>
    tpu.enqueue_indirect_dma source(%dma_start3A_417 : memref<10000x64xf32, #tpu.memory_space<hbm>>) target(%arg12 : memref<80x64xf32, #tpu.memory_space<vmem>>) offsets(%dma_start3A_410 : memref<80xi32, #tpu.memory_space<vmem>>) semaphore(%arg20 : memref<!tpu.dma_semaphore, #tpu.memory_space<semaphore_mem>>)
    %dma_start3A_418 = arith.constant 1 : i32
    %dma_start3A_419 = arith.constant 4 : i32
    %dma_start3A_420 = arith.constant 0 : i32
    %dma_start3A_421 = tpu.memref_slice %arg7[%dma_start3A_419, %dma_start3A_420] : memref<250x80xi32, #tpu.memory_space<vmem>> -> memref<1x80xi32, #tpu.memory_space<vmem>>
    %dma_start3A_422 = tpu.memref_squeeze %dma_start3A_421 : memref<1x80xi32, #tpu.memory_space<vmem>> -> memref<80xi32, #tpu.memory_space<vmem>>
    %dma_start3A_423 = arith.constant 0 : i32
    %dma_start3A_424 = arith.constant 0 : i32
    %dma_start3A_425 = tpu.memref_slice %arg2[%dma_start3A_418, %dma_start3A_423, %dma_start3A_424] : memref<2x10000x64xf32, #tpu.memory_space<hbm>> -> memref<1x10000x64xf32, #tpu.memory_space<hbm>>
    %dma_start3A_426 = tpu.memref_squeeze %dma_start3A_425 : memref<1x10000x64xf32, #tpu.memory_space<hbm>> -> memref<10000x64xf32, #tpu.memory_space<hbm>>
    %dma_start3A_427 = arith.constant 0 : i32
    %dma_start3A_428 = arith.constant 0 : i32
    %dma_start3A_429 = tpu.memref_slice %dma_start3A_426[%dma_start3A_427, %dma_start3A_428] : memref<10000x64xf32, #tpu.memory_space<hbm>> -> memref<10000x64xf32, #tpu.memory_space<hbm>>
    tpu.enqueue_indirect_dma source(%dma_start3A_429 : memref<10000x64xf32, #tpu.memory_space<hbm>>) target(%arg13 : memref<80x64xf32, #tpu.memory_space<vmem>>) offsets(%dma_start3A_422 : memref<80xi32, #tpu.memory_space<vmem>>) semaphore(%arg20 : memref<!tpu.dma_semaphore, #tpu.memory_space<semaphore_mem>>)
    %dma_wait3A_430 = arith.constant 1 : i32
    %dma_wait3A_431 = arith.constant 0 : i32
    %dma_wait3A_432 = arith.constant 0 : i32
    %dma_wait3A_433 = tpu.memref_slice %arg7[%dma_wait3A_431, %dma_wait3A_432] : memref<250x80xi32, #tpu.memory_space<vmem>> -> memref<1x80xi32, #tpu.memory_space<vmem>>
    %dma_wait3A_434 = tpu.memref_squeeze %dma_wait3A_433 : memref<1x80xi32, #tpu.memory_space<vmem>> -> memref<80xi32, #tpu.memory_space<vmem>>
    %dma_wait3A_435 = arith.constant 0 : i32
    %dma_wait3A_436 = arith.constant 0 : i32
    %dma_wait3A_437 = tpu.memref_slice %arg2[%dma_wait3A_430, %dma_wait3A_435, %dma_wait3A_436] : memref<2x10000x64xf32, #tpu.memory_space<hbm>> -> memref<1x10000x64xf32, #tpu.memory_space<hbm>>
    %dma_wait3A_438 = tpu.memref_squeeze %dma_wait3A_437 : memref<1x10000x64xf32, #tpu.memory_space<hbm>> -> memref<10000x64xf32, #tpu.memory_space<hbm>>
    %dma_wait3A_439 = arith.constant 0 : i32
    %dma_wait3A_440 = arith.constant 0 : i32
    %dma_wait3A_441 = tpu.memref_slice %dma_wait3A_438[%dma_wait3A_439, %dma_wait3A_440] : memref<10000x64xf32, #tpu.memory_space<hbm>> -> memref<10000x64xf32, #tpu.memory_space<hbm>>
    tpu.wait_indirect_dma semaphore(%arg20 : memref<!tpu.dma_semaphore, #tpu.memory_space<semaphore_mem>>) src(%dma_wait3A_441 : memref<10000x64xf32, #tpu.memory_space<hbm>>) dst(%arg9 : memref<80x64xf32, #tpu.memory_space<vmem>>)
    %dma_start3A_442 = arith.constant 0 : i32
    %dma_start3A_443 = arith.constant 0 : i32
    %dma_start3A_444 = tpu.memref_slice %arg8[%dma_start3A_442, %dma_start3A_443] : memref<250x80xi32, #tpu.memory_space<vmem>> -> memref<1x80xi32, #tpu.memory_space<vmem>>
    %dma_start3A_445 = tpu.memref_squeeze %dma_start3A_444 : memref<1x80xi32, #tpu.memory_space<vmem>> -> memref<80xi32, #tpu.memory_space<vmem>>
    %dma_start3A_446 = arith.constant 0 : i32
    %dma_start3A_447 = arith.constant 0 : i32
    %dma_start3A_448 = tpu.memref_slice %arg18[%dma_start3A_446, %dma_start3A_447] : memref<10240x64xf32, #tpu.memory_space<vmem_shared>> -> memref<10240x64xf32, #tpu.memory_space<vmem_shared>>
    tpu.enqueue_indirect_dma source(%arg9 : memref<80x64xf32, #tpu.memory_space<vmem>>) target(%dma_start3A_448 : memref<10240x64xf32, #tpu.memory_space<vmem_shared>>) offsets(%dma_start3A_445 : memref<80xi32, #tpu.memory_space<vmem>>) semaphore(%arg21 : memref<!tpu.dma_semaphore, #tpu.memory_space<semaphore_mem>>) {add = true}
    %dma_start3A_449 = arith.constant 1 : i32
    %dma_start3A_450 = arith.constant 5 : i32
    %dma_start3A_451 = arith.constant 0 : i32
    %dma_start3A_452 = tpu.memref_slice %arg7[%dma_start3A_450, %dma_start3A_451] : memref<250x80xi32, #tpu.memory_space<vmem>> -> memref<1x80xi32, #tpu.memory_space<vmem>>
    %dma_start3A_453 = tpu.memref_squeeze %dma_start3A_452 : memref<1x80xi32, #tpu.memory_space<vmem>> -> memref<80xi32, #tpu.memory_space<vmem>>
    %dma_start3A_454 = arith.constant 0 : i32
    %dma_start3A_455 = arith.constant 0 : i32
    %dma_start3A_456 = tpu.memref_slice %arg2[%dma_start3A_449, %dma_start3A_454, %dma_start3A_455] : memref<2x10000x64xf32, #tpu.memory_space<hbm>> -> memref<1x10000x64xf32, #tpu.memory_space<hbm>>
    %dma_start3A_457 = tpu.memref_squeeze %dma_start3A_456 : memref<1x10000x64xf32, #tpu.memory_space<hbm>> -> memref<10000x64xf32, #tpu.memory_space<hbm>>
    %dma_start3A_458 = arith.constant 0 : i32
    %dma_start3A_459 = arith.constant 0 : i32
    %dma_start3A_460 = tpu.memref_slice %dma_start3A_457[%dma_start3A_458, %dma_start3A_459] : memref<10000x64xf32, #tpu.memory_space<hbm>> -> memref<10000x64xf32, #tpu.memory_space<hbm>>
    tpu.enqueue_indirect_dma source(%dma_start3A_460 : memref<10000x64xf32, #tpu.memory_space<hbm>>) target(%arg14 : memref<80x64xf32, #tpu.memory_space<vmem>>) offsets(%dma_start3A_453 : memref<80xi32, #tpu.memory_space<vmem>>) semaphore(%arg20 : memref<!tpu.dma_semaphore, #tpu.memory_space<semaphore_mem>>)
    %dma_wait3A_461 = arith.constant 1 : i32
    %dma_wait3A_462 = arith.constant 0 : i32
    %dma_wait3A_463 = arith.constant 0 : i32
    %dma_wait3A_464 = tpu.memref_slice %arg7[%dma_wait3A_462, %dma_wait3A_463] : memref<250x80xi32, #tpu.memory_space<vmem>> -> memref<1x80xi32, #tpu.memory_space<vmem>>
    %dma_wait3A_465 = tpu.memref_squeeze %dma_wait3A_464 : memref<1x80xi32, #tpu.memory_space<vmem>> -> memref<80xi32, #tpu.memory_space<vmem>>
    %dma_wait3A_466 = arith.constant 0 : i32
    %dma_wait3A_467 = arith.constant 0 : i32
    %dma_wait3A_468 = tpu.memref_slice %arg2[%dma_wait3A_461, %dma_wait3A_466, %dma_wait3A_467] : memref<2x10000x64xf32, #tpu.memory_space<hbm>> -> memref<1x10000x64xf32, #tpu.memory_space<hbm>>
    %dma_wait3A_469 = tpu.memref_squeeze %dma_wait3A_468 : memref<1x10000x64xf32, #tpu.memory_space<hbm>> -> memref<10000x64xf32, #tpu.memory_space<hbm>>
    %dma_wait3A_470 = arith.constant 0 : i32
    %dma_wait3A_471 = arith.constant 0 : i32
    %dma_wait3A_472 = tpu.memref_slice %dma_wait3A_469[%dma_wait3A_470, %dma_wait3A_471] : memref<10000x64xf32, #tpu.memory_space<hbm>> -> memref<10000x64xf32, #tpu.memory_space<hbm>>
    tpu.wait_indirect_dma semaphore(%arg20 : memref<!tpu.dma_semaphore, #tpu.memory_space<semaphore_mem>>) src(%dma_wait3A_472 : memref<10000x64xf32, #tpu.memory_space<hbm>>) dst(%arg10 : memref<80x64xf32, #tpu.memory_space<vmem>>)
    %dma_start3A_473 = arith.constant 1 : i32
    %dma_start3A_474 = arith.constant 0 : i32
    %dma_start3A_475 = tpu.memref_slice %arg8[%dma_start3A_473, %dma_start3A_474] : memref<250x80xi32, #tpu.memory_space<vmem>> -> memref<1x80xi32, #tpu.memory_space<vmem>>
    %dma_start3A_476 = tpu.memref_squeeze %dma_start3A_475 : memref<1x80xi32, #tpu.memory_space<vmem>> -> memref<80xi32, #tpu.memory_space<vmem>>
    %dma_start3A_477 = arith.constant 0 : i32
    %dma_start3A_478 = arith.constant 0 : i32
    %dma_start3A_479 = tpu.memref_slice %arg18[%dma_start3A_477, %dma_start3A_478] : memref<10240x64xf32, #tpu.memory_space<vmem_shared>> -> memref<10240x64xf32, #tpu.memory_space<vmem_shared>>
    tpu.enqueue_indirect_dma source(%arg10 : memref<80x64xf32, #tpu.memory_space<vmem>>) target(%dma_start3A_479 : memref<10240x64xf32, #tpu.memory_space<vmem_shared>>) offsets(%dma_start3A_476 : memref<80xi32, #tpu.memory_space<vmem>>) semaphore(%arg21 : memref<!tpu.dma_semaphore, #tpu.memory_space<semaphore_mem>>) {add = true}
    %dma_wait3A_480 = arith.constant 1 : i32
    %dma_wait3A_481 = arith.constant 0 : i32
    %dma_wait3A_482 = arith.constant 0 : i32
    %dma_wait3A_483 = tpu.memref_slice %arg7[%dma_wait3A_481, %dma_wait3A_482] : memref<250x80xi32, #tpu.memory_space<vmem>> -> memref<1x80xi32, #tpu.memory_space<vmem>>
    %dma_wait3A_484 = tpu.memref_squeeze %dma_wait3A_483 : memref<1x80xi32, #tpu.memory_space<vmem>> -> memref<80xi32, #tpu.memory_space<vmem>>
    %dma_wait3A_485 = arith.constant 0 : i32
    %dma_wait3A_486 = arith.constant 0 : i32
    %dma_wait3A_487 = tpu.memref_slice %arg2[%dma_wait3A_480, %dma_wait3A_485, %dma_wait3A_486] : memref<2x10000x64xf32, #tpu.memory_space<hbm>> -> memref<1x10000x64xf32, #tpu.memory_space<hbm>>
    %dma_wait3A_488 = tpu.memref_squeeze %dma_wait3A_487 : memref<1x10000x64xf32, #tpu.memory_space<hbm>> -> memref<10000x64xf32, #tpu.memory_space<hbm>>
    %dma_wait3A_489 = arith.constant 0 : i32
    %dma_wait3A_490 = arith.constant 0 : i32
    %dma_wait3A_491 = tpu.memref_slice %dma_wait3A_488[%dma_wait3A_489, %dma_wait3A_490] : memref<10000x64xf32, #tpu.memory_space<hbm>> -> memref<10000x64xf32, #tpu.memory_space<hbm>>
    tpu.wait_indirect_dma semaphore(%arg21 : memref<!tpu.dma_semaphore, #tpu.memory_space<semaphore_mem>>) src(%dma_wait3A_491 : memref<10000x64xf32, #tpu.memory_space<hbm>>) dst(%arg10 : memref<80x64xf32, #tpu.memory_space<vmem>>)
    %dma_start3A_492 = arith.constant 1 : i32
    %dma_start3A_493 = arith.constant 6 : i32
    %dma_start3A_494 = arith.constant 0 : i32
    %dma_start3A_495 = tpu.memref_slice %arg7[%dma_start3A_493, %dma_start3A_494] : memref<250x80xi32, #tpu.memory_space<vmem>> -> memref<1x80xi32, #tpu.memory_space<vmem>>
    %dma_start3A_496 = tpu.memref_squeeze %dma_start3A_495 : memref<1x80xi32, #tpu.memory_space<vmem>> -> memref<80xi32, #tpu.memory_space<vmem>>
    %dma_start3A_497 = arith.constant 0 : i32
    %dma_start3A_498 = arith.constant 0 : i32
    %dma_start3A_499 = tpu.memref_slice %arg2[%dma_start3A_492, %dma_start3A_497, %dma_start3A_498] : memref<2x10000x64xf32, #tpu.memory_space<hbm>> -> memref<1x10000x64xf32, #tpu.memory_space<hbm>>
    %dma_start3A_500 = tpu.memref_squeeze %dma_start3A_499 : memref<1x10000x64xf32, #tpu.memory_space<hbm>> -> memref<10000x64xf32, #tpu.memory_space<hbm>>
    %dma_start3A_501 = arith.constant 0 : i32
    %dma_start3A_502 = arith.constant 0 : i32
    %dma_start3A_503 = tpu.memref_slice %dma_start3A_500[%dma_start3A_501, %dma_start3A_502] : memref<10000x64xf32, #tpu.memory_space<hbm>> -> memref<10000x64xf32, #tpu.memory_space<hbm>>
    tpu.enqueue_indirect_dma source(%dma_start3A_503 : memref<10000x64xf32, #tpu.memory_space<hbm>>) target(%arg9 : memref<80x64xf32, #tpu.memory_space<vmem>>) offsets(%dma_start3A_496 : memref<80xi32, #tpu.memory_space<vmem>>) semaphore(%arg20 : memref<!tpu.dma_semaphore, #tpu.memory_space<semaphore_mem>>)
    %dma_wait3A_504 = arith.constant 1 : i32
    %dma_wait3A_505 = arith.constant 0 : i32
    %dma_wait3A_506 = arith.constant 0 : i32
    %dma_wait3A_507 = tpu.memref_slice %arg7[%dma_wait3A_505, %dma_wait3A_506] : memref<250x80xi32, #tpu.memory_space<vmem>> -> memref<1x80xi32, #tpu.memory_space<vmem>>
    %dma_wait3A_508 = tpu.memref_squeeze %dma_wait3A_507 : memref<1x80xi32, #tpu.memory_space<vmem>> -> memref<80xi32, #tpu.memory_space<vmem>>
    %dma_wait3A_509 = arith.constant 0 : i32
    %dma_wait3A_510 = arith.constant 0 : i32
    %dma_wait3A_511 = tpu.memref_slice %arg2[%dma_wait3A_504, %dma_wait3A_509, %dma_wait3A_510] : memref<2x10000x64xf32, #tpu.memory_space<hbm>> -> memref<1x10000x64xf32, #tpu.memory_space<hbm>>
    %dma_wait3A_512 = tpu.memref_squeeze %dma_wait3A_511 : memref<1x10000x64xf32, #tpu.memory_space<hbm>> -> memref<10000x64xf32, #tpu.memory_space<hbm>>
    %dma_wait3A_513 = arith.constant 0 : i32
    %dma_wait3A_514 = arith.constant 0 : i32
    %dma_wait3A_515 = tpu.memref_slice %dma_wait3A_512[%dma_wait3A_513, %dma_wait3A_514] : memref<10000x64xf32, #tpu.memory_space<hbm>> -> memref<10000x64xf32, #tpu.memory_space<hbm>>
    tpu.wait_indirect_dma semaphore(%arg20 : memref<!tpu.dma_semaphore, #tpu.memory_space<semaphore_mem>>) src(%dma_wait3A_515 : memref<10000x64xf32, #tpu.memory_space<hbm>>) dst(%arg11 : memref<80x64xf32, #tpu.memory_space<vmem>>)
    %dma_start3A_516 = arith.constant 2 : i32
    %dma_start3A_517 = arith.constant 0 : i32
    %dma_start3A_518 = tpu.memref_slice %arg8[%dma_start3A_516, %dma_start3A_517] : memref<250x80xi32, #tpu.memory_space<vmem>> -> memref<1x80xi32, #tpu.memory_space<vmem>>
    %dma_start3A_519 = tpu.memref_squeeze %dma_start3A_518 : memref<1x80xi32, #tpu.memory_space<vmem>> -> memref<80xi32, #tpu.memory_space<vmem>>
    %dma_start3A_520 = arith.constant 0 : i32
    %dma_start3A_521 = arith.constant 0 : i32
    %dma_start3A_522 = tpu.memref_slice %arg18[%dma_start3A_520, %dma_start3A_521] : memref<10240x64xf32, #tpu.memory_space<vmem_shared>> -> memref<10240x64xf32, #tpu.memory_space<vmem_shared>>
    tpu.enqueue_indirect_dma source(%arg11 : memref<80x64xf32, #tpu.memory_space<vmem>>) target(%dma_start3A_522 : memref<10240x64xf32, #tpu.memory_space<vmem_shared>>) offsets(%dma_start3A_519 : memref<80xi32, #tpu.memory_space<vmem>>) semaphore(%arg21 : memref<!tpu.dma_semaphore, #tpu.memory_space<semaphore_mem>>) {add = true}
    %dma_wait3A_523 = arith.constant 1 : i32
    %dma_wait3A_524 = arith.constant 0 : i32
    %dma_wait3A_525 = arith.constant 0 : i32
    %dma_wait3A_526 = tpu.memref_slice %arg7[%dma_wait3A_524, %dma_wait3A_525] : memref<250x80xi32, #tpu.memory_space<vmem>> -> memref<1x80xi32, #tpu.memory_space<vmem>>
    %dma_wait3A_527 = tpu.memref_squeeze %dma_wait3A_526 : memref<1x80xi32, #tpu.memory_space<vmem>> -> memref<80xi32, #tpu.memory_space<vmem>>
    %dma_wait3A_528 = arith.constant 0 : i32
    %dma_wait3A_529 = arith.constant 0 : i32
    %dma_wait3A_530 = tpu.memref_slice %arg2[%dma_wait3A_523, %dma_wait3A_528, %dma_wait3A_529] : memref<2x10000x64xf32, #tpu.memory_space<hbm>> -> memref<1x10000x64xf32, #tpu.memory_space<hbm>>
    %dma_wait3A_531 = tpu.memref_squeeze %dma_wait3A_530 : memref<1x10000x64xf32, #tpu.memory_space<hbm>> -> memref<10000x64xf32, #tpu.memory_space<hbm>>
    %dma_wait3A_532 = arith.constant 0 : i32
    %dma_wait3A_533 = arith.constant 0 : i32
    %dma_wait3A_534 = tpu.memref_slice %dma_wait3A_531[%dma_wait3A_532, %dma_wait3A_533] : memref<10000x64xf32, #tpu.memory_space<hbm>> -> memref<10000x64xf32, #tpu.memory_space<hbm>>
    tpu.wait_indirect_dma semaphore(%arg21 : memref<!tpu.dma_semaphore, #tpu.memory_space<semaphore_mem>>) src(%dma_wait3A_534 : memref<10000x64xf32, #tpu.memory_space<hbm>>) dst(%arg11 : memref<80x64xf32, #tpu.memory_space<vmem>>)
    %dma_start3A_535 = arith.constant 1 : i32
    %dma_start3A_536 = arith.constant 7 : i32
    %dma_start3A_537 = arith.constant 0 : i32
    %dma_start3A_538 = tpu.memref_slice %arg7[%dma_start3A_536, %dma_start3A_537] : memref<250x80xi32, #tpu.memory_space<vmem>> -> memref<1x80xi32, #tpu.memory_space<vmem>>
    %dma_start3A_539 = tpu.memref_squeeze %dma_start3A_538 : memref<1x80xi32, #tpu.memory_space<vmem>> -> memref<80xi32, #tpu.memory_space<vmem>>
    %dma_start3A_540 = arith.constant 0 : i32
    %dma_start3A_541 = arith.constant 0 : i32
    %dma_start3A_542 = tpu.memref_slice %arg2[%dma_start3A_535, %dma_start3A_540, %dma_start3A_541] : memref<2x10000x64xf32, #tpu.memory_space<hbm>> -> memref<1x10000x64xf32, #tpu.memory_space<hbm>>
    %dma_start3A_543 = tpu.memref_squeeze %dma_start3A_542 : memref<1x10000x64xf32, #tpu.memory_space<hbm>> -> memref<10000x64xf32, #tpu.memory_space<hbm>>
    %dma_start3A_544 = arith.constant 0 : i32
    %dma_start3A_545 = arith.constant 0 : i32
    %dma_start3A_546 = tpu.memref_slice %dma_start3A_543[%dma_start3A_544, %dma_start3A_545] : memref<10000x64xf32, #tpu.memory_space<hbm>> -> memref<10000x64xf32, #tpu.memory_space<hbm>>
    tpu.enqueue_indirect_dma source(%dma_start3A_546 : memref<10000x64xf32, #tpu.memory_space<hbm>>) target(%arg10 : memref<80x64xf32, #tpu.memory_space<vmem>>) offsets(%dma_start3A_539 : memref<80xi32, #tpu.memory_space<vmem>>) semaphore(%arg20 : memref<!tpu.dma_semaphore, #tpu.memory_space<semaphore_mem>>)
    %dma_wait3A_547 = arith.constant 1 : i32
    %dma_wait3A_548 = arith.constant 0 : i32
    %dma_wait3A_549 = arith.constant 0 : i32
    %dma_wait3A_550 = tpu.memref_slice %arg7[%dma_wait3A_548, %dma_wait3A_549] : memref<250x80xi32, #tpu.memory_space<vmem>> -> memref<1x80xi32, #tpu.memory_space<vmem>>
    %dma_wait3A_551 = tpu.memref_squeeze %dma_wait3A_550 : memref<1x80xi32, #tpu.memory_space<vmem>> -> memref<80xi32, #tpu.memory_space<vmem>>
    %dma_wait3A_552 = arith.constant 0 : i32
    %dma_wait3A_553 = arith.constant 0 : i32
    %dma_wait3A_554 = tpu.memref_slice %arg2[%dma_wait3A_547, %dma_wait3A_552, %dma_wait3A_553] : memref<2x10000x64xf32, #tpu.memory_space<hbm>> -> memref<1x10000x64xf32, #tpu.memory_space<hbm>>
    %dma_wait3A_555 = tpu.memref_squeeze %dma_wait3A_554 : memref<1x10000x64xf32, #tpu.memory_space<hbm>> -> memref<10000x64xf32, #tpu.memory_space<hbm>>
    %dma_wait3A_556 = arith.constant 0 : i32
    %dma_wait3A_557 = arith.constant 0 : i32
    %dma_wait3A_558 = tpu.memref_slice %dma_wait3A_555[%dma_wait3A_556, %dma_wait3A_557] : memref<10000x64xf32, #tpu.memory_space<hbm>> -> memref<10000x64xf32, #tpu.memory_space<hbm>>
    tpu.wait_indirect_dma semaphore(%arg20 : memref<!tpu.dma_semaphore, #tpu.memory_space<semaphore_mem>>) src(%dma_wait3A_558 : memref<10000x64xf32, #tpu.memory_space<hbm>>) dst(%arg12 : memref<80x64xf32, #tpu.memory_space<vmem>>)
    %dma_start3A_559 = arith.constant 3 : i32
    %dma_start3A_560 = arith.constant 0 : i32
    %dma_start3A_561 = tpu.memref_slice %arg8[%dma_start3A_559, %dma_start3A_560] : memref<250x80xi32, #tpu.memory_space<vmem>> -> memref<1x80xi32, #tpu.memory_space<vmem>>
    %dma_start3A_562 = tpu.memref_squeeze %dma_start3A_561 : memref<1x80xi32, #tpu.memory_space<vmem>> -> memref<80xi32, #tpu.memory_space<vmem>>
    %dma_start3A_563 = arith.constant 0 : i32
    %dma_start3A_564 = arith.constant 0 : i32
    %dma_start3A_565 = tpu.memref_slice %arg18[%dma_start3A_563, %dma_start3A_564] : memref<10240x64xf32, #tpu.memory_space<vmem_shared>> -> memref<10240x64xf32, #tpu.memory_space<vmem_shared>>
    tpu.enqueue_indirect_dma source(%arg12 : memref<80x64xf32, #tpu.memory_space<vmem>>) target(%dma_start3A_565 : memref<10240x64xf32, #tpu.memory_space<vmem_shared>>) offsets(%dma_start3A_562 : memref<80xi32, #tpu.memory_space<vmem>>) semaphore(%arg21 : memref<!tpu.dma_semaphore, #tpu.memory_space<semaphore_mem>>) {add = true}
    %dma_wait3A_566 = arith.constant 1 : i32
    %dma_wait3A_567 = arith.constant 0 : i32
    %dma_wait3A_568 = arith.constant 0 : i32
    %dma_wait3A_569 = tpu.memref_slice %arg7[%dma_wait3A_567, %dma_wait3A_568] : memref<250x80xi32, #tpu.memory_space<vmem>> -> memref<1x80xi32, #tpu.memory_space<vmem>>
    %dma_wait3A_570 = tpu.memref_squeeze %dma_wait3A_569 : memref<1x80xi32, #tpu.memory_space<vmem>> -> memref<80xi32, #tpu.memory_space<vmem>>
    %dma_wait3A_571 = arith.constant 0 : i32
    %dma_wait3A_572 = arith.constant 0 : i32
    %dma_wait3A_573 = tpu.memref_slice %arg2[%dma_wait3A_566, %dma_wait3A_571, %dma_wait3A_572] : memref<2x10000x64xf32, #tpu.memory_space<hbm>> -> memref<1x10000x64xf32, #tpu.memory_space<hbm>>
    %dma_wait3A_574 = tpu.memref_squeeze %dma_wait3A_573 : memref<1x10000x64xf32, #tpu.memory_space<hbm>> -> memref<10000x64xf32, #tpu.memory_space<hbm>>
    %dma_wait3A_575 = arith.constant 0 : i32
    %dma_wait3A_576 = arith.constant 0 : i32
    %dma_wait3A_577 = tpu.memref_slice %dma_wait3A_574[%dma_wait3A_575, %dma_wait3A_576] : memref<10000x64xf32, #tpu.memory_space<hbm>> -> memref<10000x64xf32, #tpu.memory_space<hbm>>
    tpu.wait_indirect_dma semaphore(%arg21 : memref<!tpu.dma_semaphore, #tpu.memory_space<semaphore_mem>>) src(%dma_wait3A_577 : memref<10000x64xf32, #tpu.memory_space<hbm>>) dst(%arg12 : memref<80x64xf32, #tpu.memory_space<vmem>>)
    %dma_start3A_578 = arith.constant 1 : i32
    %dma_start3A_579 = arith.constant 8 : i32
    %dma_start3A_580 = arith.constant 0 : i32
    %dma_start3A_581 = tpu.memref_slice %arg7[%dma_start3A_579, %dma_start3A_580] : memref<250x80xi32, #tpu.memory_space<vmem>> -> memref<1x80xi32, #tpu.memory_space<vmem>>
    %dma_start3A_582 = tpu.memref_squeeze %dma_start3A_581 : memref<1x80xi32, #tpu.memory_space<vmem>> -> memref<80xi32, #tpu.memory_space<vmem>>
    %dma_start3A_583 = arith.constant 0 : i32
    %dma_start3A_584 = arith.constant 0 : i32
    %dma_start3A_585 = tpu.memref_slice %arg2[%dma_start3A_578, %dma_start3A_583, %dma_start3A_584] : memref<2x10000x64xf32, #tpu.memory_space<hbm>> -> memref<1x10000x64xf32, #tpu.memory_space<hbm>>
    %dma_start3A_586 = tpu.memref_squeeze %dma_start3A_585 : memref<1x10000x64xf32, #tpu.memory_space<hbm>> -> memref<10000x64xf32, #tpu.memory_space<hbm>>
    %dma_start3A_587 = arith.constant 0 : i32
    %dma_start3A_588 = arith.constant 0 : i32
    %dma_start3A_589 = tpu.memref_slice %dma_start3A_586[%dma_start3A_587, %dma_start3A_588] : memref<10000x64xf32, #tpu.memory_space<hbm>> -> memref<10000x64xf32, #tpu.memory_space<hbm>>
    tpu.enqueue_indirect_dma source(%dma_start3A_589 : memref<10000x64xf32, #tpu.memory_space<hbm>>) target(%arg11 : memref<80x64xf32, #tpu.memory_space<vmem>>) offsets(%dma_start3A_582 : memref<80xi32, #tpu.memory_space<vmem>>) semaphore(%arg20 : memref<!tpu.dma_semaphore, #tpu.memory_space<semaphore_mem>>)
    %scan3A_590 = arith.constant 1 : i32
    %scan3A_591 = arith.constant 0 : i32
    %scan3A_592 = arith.constant 0 : i32
    %scan3A_593 = arith.constant 41 : i32
    %scan3A_594 = arith.addi %scan3A_592, %scan3A_593 : i32
    %scan3A_595 = arith.constant 1 : i32
    %scan3A_596 = scf.for %scan3A_660 = %scan3A_592 to %scan3A_594 step %scan3A_595 iter_args(%scan3A_661 = %scan3A_591) -> (i32)  : i32 {
      %mul3A_662 = arith.constant 6 : i32
      %mul3A_663 = arith.muli %scan3A_660, %mul3A_662 : i32
      %add3A_664 = arith.constant 4 : i32
      %add3A_665 = arith.addi %add3A_664, %mul3A_663 : i32
      %add3A_666 = arith.constant 0 : i32
      %add3A_667 = arith.addi %add3A_665, %add3A_666 : i32
      %dma_wait3A_668 = arith.constant 0 : i32
      %dma_wait3A_669 = arith.constant 0 : i32
      %dma_wait3A_670 = tpu.memref_slice %arg7[%dma_wait3A_668, %dma_wait3A_669] : memref<250x80xi32, #tpu.memory_space<vmem>> -> memref<1x80xi32, #tpu.memory_space<vmem>>
      %dma_wait3A_671 = tpu.memref_squeeze %dma_wait3A_670 : memref<1x80xi32, #tpu.memory_space<vmem>> -> memref<80xi32, #tpu.memory_space<vmem>>
      %dma_wait3A_672 = arith.constant 0 : i32
      %dma_wait3A_673 = arith.constant 0 : i32
      %dma_wait3A_674 = tpu.memref_slice %arg2[%scan3A_590, %dma_wait3A_672, %dma_wait3A_673] : memref<2x10000x64xf32, #tpu.memory_space<hbm>> -> memref<1x10000x64xf32, #tpu.memory_space<hbm>>
      %dma_wait3A_675 = tpu.memref_squeeze %dma_wait3A_674 : memref<1x10000x64xf32, #tpu.memory_space<hbm>> -> memref<10000x64xf32, #tpu.memory_space<hbm>>
      %dma_wait3A_676 = arith.constant 0 : i32
      %dma_wait3A_677 = arith.constant 0 : i32
      %dma_wait3A_678 = tpu.memref_slice %dma_wait3A_675[%dma_wait3A_676, %dma_wait3A_677] : memref<10000x64xf32, #tpu.memory_space<hbm>> -> memref<10000x64xf32, #tpu.memory_space<hbm>>
      tpu.wait_indirect_dma semaphore(%arg20 : memref<!tpu.dma_semaphore, #tpu.memory_space<semaphore_mem>>) src(%dma_wait3A_678 : memref<10000x64xf32, #tpu.memory_space<hbm>>) dst(%arg13 : memref<80x64xf32, #tpu.memory_space<vmem>>)
      %dma_start3A_679 = arith.constant 0 : i32
      %dma_start3A_680 = tpu.memref_slice %arg8[%add3A_667, %dma_start3A_679] : memref<250x80xi32, #tpu.memory_space<vmem>> -> memref<1x80xi32, #tpu.memory_space<vmem>>
      %dma_start3A_681 = tpu.memref_squeeze %dma_start3A_680 : memref<1x80xi32, #tpu.memory_space<vmem>> -> memref<80xi32, #tpu.memory_space<vmem>>
      %dma_start3A_682 = arith.constant 0 : i32
      %dma_start3A_683 = arith.constant 0 : i32
      %dma_start3A_684 = tpu.memref_slice %arg18[%dma_start3A_682, %dma_start3A_683] : memref<10240x64xf32, #tpu.memory_space<vmem_shared>> -> memref<10240x64xf32, #tpu.memory_space<vmem_shared>>
      tpu.enqueue_indirect_dma source(%arg13 : memref<80x64xf32, #tpu.memory_space<vmem>>) target(%dma_start3A_684 : memref<10240x64xf32, #tpu.memory_space<vmem_shared>>) offsets(%dma_start3A_681 : memref<80xi32, #tpu.memory_space<vmem>>) semaphore(%arg21 : memref<!tpu.dma_semaphore, #tpu.memory_space<semaphore_mem>>) {add = true}
      %dma_wait3A_685 = arith.constant 0 : i32
      %dma_wait3A_686 = arith.constant 0 : i32
      %dma_wait3A_687 = tpu.memref_slice %arg7[%dma_wait3A_685, %dma_wait3A_686] : memref<250x80xi32, #tpu.memory_space<vmem>> -> memref<1x80xi32, #tpu.memory_space<vmem>>
      %dma_wait3A_688 = tpu.memref_squeeze %dma_wait3A_687 : memref<1x80xi32, #tpu.memory_space<vmem>> -> memref<80xi32, #tpu.memory_space<vmem>>
      %dma_wait3A_689 = arith.constant 0 : i32
      %dma_wait3A_690 = arith.constant 0 : i32
      %dma_wait3A_691 = tpu.memref_slice %arg2[%scan3A_590, %dma_wait3A_689, %dma_wait3A_690] : memref<2x10000x64xf32, #tpu.memory_space<hbm>> -> memref<1x10000x64xf32, #tpu.memory_space<hbm>>
      %dma_wait3A_692 = tpu.memref_squeeze %dma_wait3A_691 : memref<1x10000x64xf32, #tpu.memory_space<hbm>> -> memref<10000x64xf32, #tpu.memory_space<hbm>>
      %dma_wait3A_693 = arith.constant 0 : i32
      %dma_wait3A_694 = arith.constant 0 : i32
      %dma_wait3A_695 = tpu.memref_slice %dma_wait3A_692[%dma_wait3A_693, %dma_wait3A_694] : memref<10000x64xf32, #tpu.memory_space<hbm>> -> memref<10000x64xf32, #tpu.memory_space<hbm>>
      tpu.wait_indirect_dma semaphore(%arg21 : memref<!tpu.dma_semaphore, #tpu.memory_space<semaphore_mem>>) src(%dma_wait3A_695 : memref<10000x64xf32, #tpu.memory_space<hbm>>) dst(%arg13 : memref<80x64xf32, #tpu.memory_space<vmem>>)
      %add3A_696 = arith.constant 5 : i32
      %add3A_697 = arith.addi %add3A_667, %add3A_696 : i32
      %lt3A = arith.constant 250 : i32
      %lt3A_698 = arith.cmpi slt, %add3A_697, %lt3A : i32
      %convert_element_type3A = arith.extui %lt3A_698 : i1 to i32
      %cond3A = arith.constant 0 : i32
      %cond3A_699 = arith.cmpi ne, %convert_element_type3A, %cond3A : i32
      scf.if %cond3A_699 {
        %add3A_906 = arith.constant 5 : i32
        %add3A_907 = arith.addi %add3A_667, %add3A_906 : i32
        %dma_start3A_908 = arith.constant 0 : i32
        %dma_start3A_909 = tpu.memref_slice %arg7[%add3A_907, %dma_start3A_908] : memref<250x80xi32, #tpu.memory_space<vmem>> -> memref<1x80xi32, #tpu.memory_space<vmem>>
        %dma_start3A_910 = tpu.memref_squeeze %dma_start3A_909 : memref<1x80xi32, #tpu.memory_space<vmem>> -> memref<80xi32, #tpu.memory_space<vmem>>
        %dma_start3A_911 = arith.constant 0 : i32
        %dma_start3A_912 = arith.constant 0 : i32
        %dma_start3A_913 = tpu.memref_slice %arg2[%scan3A_590, %dma_start3A_911, %dma_start3A_912] : memref<2x10000x64xf32, #tpu.memory_space<hbm>> -> memref<1x10000x64xf32, #tpu.memory_space<hbm>>
        %dma_start3A_914 = tpu.memref_squeeze %dma_start3A_913 : memref<1x10000x64xf32, #tpu.memory_space<hbm>> -> memref<10000x64xf32, #tpu.memory_space<hbm>>
        %dma_start3A_915 = arith.constant 0 : i32
        %dma_start3A_916 = arith.constant 0 : i32
        %dma_start3A_917 = tpu.memref_slice %dma_start3A_914[%dma_start3A_915, %dma_start3A_916] : memref<10000x64xf32, #tpu.memory_space<hbm>> -> memref<10000x64xf32, #tpu.memory_space<hbm>>
        tpu.enqueue_indirect_dma source(%dma_start3A_917 : memref<10000x64xf32, #tpu.memory_space<hbm>>) target(%arg12 : memref<80x64xf32, #tpu.memory_space<vmem>>) offsets(%dma_start3A_910 : memref<80xi32, #tpu.memory_space<vmem>>) semaphore(%arg20 : memref<!tpu.dma_semaphore, #tpu.memory_space<semaphore_mem>>)
      } else {
      }
      %mul3A_700 = arith.constant 6 : i32
      %mul3A_701 = arith.muli %scan3A_660, %mul3A_700 : i32
      %add3A_702 = arith.constant 4 : i32
      %add3A_703 = arith.addi %add3A_702, %mul3A_701 : i32
      %add3A_704 = arith.constant 1 : i32
      %add3A_705 = arith.addi %add3A_703, %add3A_704 : i32
      %dma_wait3A_706 = arith.constant 0 : i32
      %dma_wait3A_707 = arith.constant 0 : i32
      %dma_wait3A_708 = tpu.memref_slice %arg7[%dma_wait3A_706, %dma_wait3A_707] : memref<250x80xi32, #tpu.memory_space<vmem>> -> memref<1x80xi32, #tpu.memory_space<vmem>>
      %dma_wait3A_709 = tpu.memref_squeeze %dma_wait3A_708 : memref<1x80xi32, #tpu.memory_space<vmem>> -> memref<80xi32, #tpu.memory_space<vmem>>
      %dma_wait3A_710 = arith.constant 0 : i32
      %dma_wait3A_711 = arith.constant 0 : i32
      %dma_wait3A_712 = tpu.memref_slice %arg2[%scan3A_590, %dma_wait3A_710, %dma_wait3A_711] : memref<2x10000x64xf32, #tpu.memory_space<hbm>> -> memref<1x10000x64xf32, #tpu.memory_space<hbm>>
      %dma_wait3A_713 = tpu.memref_squeeze %dma_wait3A_712 : memref<1x10000x64xf32, #tpu.memory_space<hbm>> -> memref<10000x64xf32, #tpu.memory_space<hbm>>
      %dma_wait3A_714 = arith.constant 0 : i32
      %dma_wait3A_715 = arith.constant 0 : i32
      %dma_wait3A_716 = tpu.memref_slice %dma_wait3A_713[%dma_wait3A_714, %dma_wait3A_715] : memref<10000x64xf32, #tpu.memory_space<hbm>> -> memref<10000x64xf32, #tpu.memory_space<hbm>>
      tpu.wait_indirect_dma semaphore(%arg20 : memref<!tpu.dma_semaphore, #tpu.memory_space<semaphore_mem>>) src(%dma_wait3A_716 : memref<10000x64xf32, #tpu.memory_space<hbm>>) dst(%arg14 : memref<80x64xf32, #tpu.memory_space<vmem>>)
      %dma_start3A_717 = arith.constant 0 : i32
      %dma_start3A_718 = tpu.memref_slice %arg8[%add3A_705, %dma_start3A_717] : memref<250x80xi32, #tpu.memory_space<vmem>> -> memref<1x80xi32, #tpu.memory_space<vmem>>
      %dma_start3A_719 = tpu.memref_squeeze %dma_start3A_718 : memref<1x80xi32, #tpu.memory_space<vmem>> -> memref<80xi32, #tpu.memory_space<vmem>>
      %dma_start3A_720 = arith.constant 0 : i32
      %dma_start3A_721 = arith.constant 0 : i32
      %dma_start3A_722 = tpu.memref_slice %arg18[%dma_start3A_720, %dma_start3A_721] : memref<10240x64xf32, #tpu.memory_space<vmem_shared>> -> memref<10240x64xf32, #tpu.memory_space<vmem_shared>>
      tpu.enqueue_indirect_dma source(%arg14 : memref<80x64xf32, #tpu.memory_space<vmem>>) target(%dma_start3A_722 : memref<10240x64xf32, #tpu.memory_space<vmem_shared>>) offsets(%dma_start3A_719 : memref<80xi32, #tpu.memory_space<vmem>>) semaphore(%arg21 : memref<!tpu.dma_semaphore, #tpu.memory_space<semaphore_mem>>) {add = true}
      %dma_wait3A_723 = arith.constant 0 : i32
      %dma_wait3A_724 = arith.constant 0 : i32
      %dma_wait3A_725 = tpu.memref_slice %arg7[%dma_wait3A_723, %dma_wait3A_724] : memref<250x80xi32, #tpu.memory_space<vmem>> -> memref<1x80xi32, #tpu.memory_space<vmem>>
      %dma_wait3A_726 = tpu.memref_squeeze %dma_wait3A_725 : memref<1x80xi32, #tpu.memory_space<vmem>> -> memref<80xi32, #tpu.memory_space<vmem>>
      %dma_wait3A_727 = arith.constant 0 : i32
      %dma_wait3A_728 = arith.constant 0 : i32
      %dma_wait3A_729 = tpu.memref_slice %arg2[%scan3A_590, %dma_wait3A_727, %dma_wait3A_728] : memref<2x10000x64xf32, #tpu.memory_space<hbm>> -> memref<1x10000x64xf32, #tpu.memory_space<hbm>>
      %dma_wait3A_730 = tpu.memref_squeeze %dma_wait3A_729 : memref<1x10000x64xf32, #tpu.memory_space<hbm>> -> memref<10000x64xf32, #tpu.memory_space<hbm>>
      %dma_wait3A_731 = arith.constant 0 : i32
      %dma_wait3A_732 = arith.constant 0 : i32
      %dma_wait3A_733 = tpu.memref_slice %dma_wait3A_730[%dma_wait3A_731, %dma_wait3A_732] : memref<10000x64xf32, #tpu.memory_space<hbm>> -> memref<10000x64xf32, #tpu.memory_space<hbm>>
      tpu.wait_indirect_dma semaphore(%arg21 : memref<!tpu.dma_semaphore, #tpu.memory_space<semaphore_mem>>) src(%dma_wait3A_733 : memref<10000x64xf32, #tpu.memory_space<hbm>>) dst(%arg14 : memref<80x64xf32, #tpu.memory_space<vmem>>)
      %add3A_734 = arith.constant 5 : i32
      %add3A_735 = arith.addi %add3A_705, %add3A_734 : i32
      %lt3A_736 = arith.constant 250 : i32
      %lt3A_737 = arith.cmpi slt, %add3A_735, %lt3A_736 : i32
      %convert_element_type3A_738 = arith.extui %lt3A_737 : i1 to i32
      %cond3A_739 = arith.constant 0 : i32
      %cond3A_740 = arith.cmpi ne, %convert_element_type3A_738, %cond3A_739 : i32
      scf.if %cond3A_740 {
        %add3A_906 = arith.constant 5 : i32
        %add3A_907 = arith.addi %add3A_705, %add3A_906 : i32
        %dma_start3A_908 = arith.constant 0 : i32
        %dma_start3A_909 = tpu.memref_slice %arg7[%add3A_907, %dma_start3A_908] : memref<250x80xi32, #tpu.memory_space<vmem>> -> memref<1x80xi32, #tpu.memory_space<vmem>>
        %dma_start3A_910 = tpu.memref_squeeze %dma_start3A_909 : memref<1x80xi32, #tpu.memory_space<vmem>> -> memref<80xi32, #tpu.memory_space<vmem>>
        %dma_start3A_911 = arith.constant 0 : i32
        %dma_start3A_912 = arith.constant 0 : i32
        %dma_start3A_913 = tpu.memref_slice %arg2[%scan3A_590, %dma_start3A_911, %dma_start3A_912] : memref<2x10000x64xf32, #tpu.memory_space<hbm>> -> memref<1x10000x64xf32, #tpu.memory_space<hbm>>
        %dma_start3A_914 = tpu.memref_squeeze %dma_start3A_913 : memref<1x10000x64xf32, #tpu.memory_space<hbm>> -> memref<10000x64xf32, #tpu.memory_space<hbm>>
        %dma_start3A_915 = arith.constant 0 : i32
        %dma_start3A_916 = arith.constant 0 : i32
        %dma_start3A_917 = tpu.memref_slice %dma_start3A_914[%dma_start3A_915, %dma_start3A_916] : memref<10000x64xf32, #tpu.memory_space<hbm>> -> memref<10000x64xf32, #tpu.memory_space<hbm>>
        tpu.enqueue_indirect_dma source(%dma_start3A_917 : memref<10000x64xf32, #tpu.memory_space<hbm>>) target(%arg13 : memref<80x64xf32, #tpu.memory_space<vmem>>) offsets(%dma_start3A_910 : memref<80xi32, #tpu.memory_space<vmem>>) semaphore(%arg20 : memref<!tpu.dma_semaphore, #tpu.memory_space<semaphore_mem>>)
      } else {
      }
      %mul3A_741 = arith.constant 6 : i32
      %mul3A_742 = arith.muli %scan3A_660, %mul3A_741 : i32
      %add3A_743 = arith.constant 4 : i32
      %add3A_744 = arith.addi %add3A_743, %mul3A_742 : i32
      %add3A_745 = arith.constant 2 : i32
      %add3A_746 = arith.addi %add3A_744, %add3A_745 : i32
      %dma_wait3A_747 = arith.constant 0 : i32
      %dma_wait3A_748 = arith.constant 0 : i32
      %dma_wait3A_749 = tpu.memref_slice %arg7[%dma_wait3A_747, %dma_wait3A_748] : memref<250x80xi32, #tpu.memory_space<vmem>> -> memref<1x80xi32, #tpu.memory_space<vmem>>
      %dma_wait3A_750 = tpu.memref_squeeze %dma_wait3A_749 : memref<1x80xi32, #tpu.memory_space<vmem>> -> memref<80xi32, #tpu.memory_space<vmem>>
      %dma_wait3A_751 = arith.constant 0 : i32
      %dma_wait3A_752 = arith.constant 0 : i32
      %dma_wait3A_753 = tpu.memref_slice %arg2[%scan3A_590, %dma_wait3A_751, %dma_wait3A_752] : memref<2x10000x64xf32, #tpu.memory_space<hbm>> -> memref<1x10000x64xf32, #tpu.memory_space<hbm>>
      %dma_wait3A_754 = tpu.memref_squeeze %dma_wait3A_753 : memref<1x10000x64xf32, #tpu.memory_space<hbm>> -> memref<10000x64xf32, #tpu.memory_space<hbm>>
      %dma_wait3A_755 = arith.constant 0 : i32
      %dma_wait3A_756 = arith.constant 0 : i32
      %dma_wait3A_757 = tpu.memref_slice %dma_wait3A_754[%dma_wait3A_755, %dma_wait3A_756] : memref<10000x64xf32, #tpu.memory_space<hbm>> -> memref<10000x64xf32, #tpu.memory_space<hbm>>
      tpu.wait_indirect_dma semaphore(%arg20 : memref<!tpu.dma_semaphore, #tpu.memory_space<semaphore_mem>>) src(%dma_wait3A_757 : memref<10000x64xf32, #tpu.memory_space<hbm>>) dst(%arg9 : memref<80x64xf32, #tpu.memory_space<vmem>>)
      %dma_start3A_758 = arith.constant 0 : i32
      %dma_start3A_759 = tpu.memref_slice %arg8[%add3A_746, %dma_start3A_758] : memref<250x80xi32, #tpu.memory_space<vmem>> -> memref<1x80xi32, #tpu.memory_space<vmem>>
      %dma_start3A_760 = tpu.memref_squeeze %dma_start3A_759 : memref<1x80xi32, #tpu.memory_space<vmem>> -> memref<80xi32, #tpu.memory_space<vmem>>
      %dma_start3A_761 = arith.constant 0 : i32
      %dma_start3A_762 = arith.constant 0 : i32
      %dma_start3A_763 = tpu.memref_slice %arg18[%dma_start3A_761, %dma_start3A_762] : memref<10240x64xf32, #tpu.memory_space<vmem_shared>> -> memref<10240x64xf32, #tpu.memory_space<vmem_shared>>
      tpu.enqueue_indirect_dma source(%arg9 : memref<80x64xf32, #tpu.memory_space<vmem>>) target(%dma_start3A_763 : memref<10240x64xf32, #tpu.memory_space<vmem_shared>>) offsets(%dma_start3A_760 : memref<80xi32, #tpu.memory_space<vmem>>) semaphore(%arg21 : memref<!tpu.dma_semaphore, #tpu.memory_space<semaphore_mem>>) {add = true}
      %dma_wait3A_764 = arith.constant 0 : i32
      %dma_wait3A_765 = arith.constant 0 : i32
      %dma_wait3A_766 = tpu.memref_slice %arg7[%dma_wait3A_764, %dma_wait3A_765] : memref<250x80xi32, #tpu.memory_space<vmem>> -> memref<1x80xi32, #tpu.memory_space<vmem>>
      %dma_wait3A_767 = tpu.memref_squeeze %dma_wait3A_766 : memref<1x80xi32, #tpu.memory_space<vmem>> -> memref<80xi32, #tpu.memory_space<vmem>>
      %dma_wait3A_768 = arith.constant 0 : i32
      %dma_wait3A_769 = arith.constant 0 : i32
      %dma_wait3A_770 = tpu.memref_slice %arg2[%scan3A_590, %dma_wait3A_768, %dma_wait3A_769] : memref<2x10000x64xf32, #tpu.memory_space<hbm>> -> memref<1x10000x64xf32, #tpu.memory_space<hbm>>
      %dma_wait3A_771 = tpu.memref_squeeze %dma_wait3A_770 : memref<1x10000x64xf32, #tpu.memory_space<hbm>> -> memref<10000x64xf32, #tpu.memory_space<hbm>>
      %dma_wait3A_772 = arith.constant 0 : i32
      %dma_wait3A_773 = arith.constant 0 : i32
      %dma_wait3A_774 = tpu.memref_slice %dma_wait3A_771[%dma_wait3A_772, %dma_wait3A_773] : memref<10000x64xf32, #tpu.memory_space<hbm>> -> memref<10000x64xf32, #tpu.memory_space<hbm>>
      tpu.wait_indirect_dma semaphore(%arg21 : memref<!tpu.dma_semaphore, #tpu.memory_space<semaphore_mem>>) src(%dma_wait3A_774 : memref<10000x64xf32, #tpu.memory_space<hbm>>) dst(%arg9 : memref<80x64xf32, #tpu.memory_space<vmem>>)
      %add3A_775 = arith.constant 5 : i32
      %add3A_776 = arith.addi %add3A_746, %add3A_775 : i32
      %lt3A_777 = arith.constant 250 : i32
      %lt3A_778 = arith.cmpi slt, %add3A_776, %lt3A_777 : i32
      %convert_element_type3A_779 = arith.extui %lt3A_778 : i1 to i32
      %cond3A_780 = arith.constant 0 : i32
      %cond3A_781 = arith.cmpi ne, %convert_element_type3A_779, %cond3A_780 : i32
      scf.if %cond3A_781 {
        %add3A_906 = arith.constant 5 : i32
        %add3A_907 = arith.addi %add3A_746, %add3A_906 : i32
        %dma_start3A_908 = arith.constant 0 : i32
        %dma_start3A_909 = tpu.memref_slice %arg7[%add3A_907, %dma_start3A_908] : memref<250x80xi32, #tpu.memory_space<vmem>> -> memref<1x80xi32, #tpu.memory_space<vmem>>
        %dma_start3A_910 = tpu.memref_squeeze %dma_start3A_909 : memref<1x80xi32, #tpu.memory_space<vmem>> -> memref<80xi32, #tpu.memory_space<vmem>>
        %dma_start3A_911 = arith.constant 0 : i32
        %dma_start3A_912 = arith.constant 0 : i32
        %dma_start3A_913 = tpu.memref_slice %arg2[%scan3A_590, %dma_start3A_911, %dma_start3A_912] : memref<2x10000x64xf32, #tpu.memory_space<hbm>> -> memref<1x10000x64xf32, #tpu.memory_space<hbm>>
        %dma_start3A_914 = tpu.memref_squeeze %dma_start3A_913 : memref<1x10000x64xf32, #tpu.memory_space<hbm>> -> memref<10000x64xf32, #tpu.memory_space<hbm>>
        %dma_start3A_915 = arith.constant 0 : i32
        %dma_start3A_916 = arith.constant 0 : i32
        %dma_start3A_917 = tpu.memref_slice %dma_start3A_914[%dma_start3A_915, %dma_start3A_916] : memref<10000x64xf32, #tpu.memory_space<hbm>> -> memref<10000x64xf32, #tpu.memory_space<hbm>>
        tpu.enqueue_indirect_dma source(%dma_start3A_917 : memref<10000x64xf32, #tpu.memory_space<hbm>>) target(%arg14 : memref<80x64xf32, #tpu.memory_space<vmem>>) offsets(%dma_start3A_910 : memref<80xi32, #tpu.memory_space<vmem>>) semaphore(%arg20 : memref<!tpu.dma_semaphore, #tpu.memory_space<semaphore_mem>>)
      } else {
      }
      %mul3A_782 = arith.constant 6 : i32
      %mul3A_783 = arith.muli %scan3A_660, %mul3A_782 : i32
      %add3A_784 = arith.constant 4 : i32
      %add3A_785 = arith.addi %add3A_784, %mul3A_783 : i32
      %add3A_786 = arith.constant 3 : i32
      %add3A_787 = arith.addi %add3A_785, %add3A_786 : i32
      %dma_wait3A_788 = arith.constant 0 : i32
      %dma_wait3A_789 = arith.constant 0 : i32
      %dma_wait3A_790 = tpu.memref_slice %arg7[%dma_wait3A_788, %dma_wait3A_789] : memref<250x80xi32, #tpu.memory_space<vmem>> -> memref<1x80xi32, #tpu.memory_space<vmem>>
      %dma_wait3A_791 = tpu.memref_squeeze %dma_wait3A_790 : memref<1x80xi32, #tpu.memory_space<vmem>> -> memref<80xi32, #tpu.memory_space<vmem>>
      %dma_wait3A_792 = arith.constant 0 : i32
      %dma_wait3A_793 = arith.constant 0 : i32
      %dma_wait3A_794 = tpu.memref_slice %arg2[%scan3A_590, %dma_wait3A_792, %dma_wait3A_793] : memref<2x10000x64xf32, #tpu.memory_space<hbm>> -> memref<1x10000x64xf32, #tpu.memory_space<hbm>>
      %dma_wait3A_795 = tpu.memref_squeeze %dma_wait3A_794 : memref<1x10000x64xf32, #tpu.memory_space<hbm>> -> memref<10000x64xf32, #tpu.memory_space<hbm>>
      %dma_wait3A_796 = arith.constant 0 : i32
      %dma_wait3A_797 = arith.constant 0 : i32
      %dma_wait3A_798 = tpu.memref_slice %dma_wait3A_795[%dma_wait3A_796, %dma_wait3A_797] : memref<10000x64xf32, #tpu.memory_space<hbm>> -> memref<10000x64xf32, #tpu.memory_space<hbm>>
      tpu.wait_indirect_dma semaphore(%arg20 : memref<!tpu.dma_semaphore, #tpu.memory_space<semaphore_mem>>) src(%dma_wait3A_798 : memref<10000x64xf32, #tpu.memory_space<hbm>>) dst(%arg10 : memref<80x64xf32, #tpu.memory_space<vmem>>)
      %dma_start3A_799 = arith.constant 0 : i32
      %dma_start3A_800 = tpu.memref_slice %arg8[%add3A_787, %dma_start3A_799] : memref<250x80xi32, #tpu.memory_space<vmem>> -> memref<1x80xi32, #tpu.memory_space<vmem>>
      %dma_start3A_801 = tpu.memref_squeeze %dma_start3A_800 : memref<1x80xi32, #tpu.memory_space<vmem>> -> memref<80xi32, #tpu.memory_space<vmem>>
      %dma_start3A_802 = arith.constant 0 : i32
      %dma_start3A_803 = arith.constant 0 : i32
      %dma_start3A_804 = tpu.memref_slice %arg18[%dma_start3A_802, %dma_start3A_803] : memref<10240x64xf32, #tpu.memory_space<vmem_shared>> -> memref<10240x64xf32, #tpu.memory_space<vmem_shared>>
      tpu.enqueue_indirect_dma source(%arg10 : memref<80x64xf32, #tpu.memory_space<vmem>>) target(%dma_start3A_804 : memref<10240x64xf32, #tpu.memory_space<vmem_shared>>) offsets(%dma_start3A_801 : memref<80xi32, #tpu.memory_space<vmem>>) semaphore(%arg21 : memref<!tpu.dma_semaphore, #tpu.memory_space<semaphore_mem>>) {add = true}
      %dma_wait3A_805 = arith.constant 0 : i32
      %dma_wait3A_806 = arith.constant 0 : i32
      %dma_wait3A_807 = tpu.memref_slice %arg7[%dma_wait3A_805, %dma_wait3A_806] : memref<250x80xi32, #tpu.memory_space<vmem>> -> memref<1x80xi32, #tpu.memory_space<vmem>>
      %dma_wait3A_808 = tpu.memref_squeeze %dma_wait3A_807 : memref<1x80xi32, #tpu.memory_space<vmem>> -> memref<80xi32, #tpu.memory_space<vmem>>
      %dma_wait3A_809 = arith.constant 0 : i32
      %dma_wait3A_810 = arith.constant 0 : i32
      %dma_wait3A_811 = tpu.memref_slice %arg2[%scan3A_590, %dma_wait3A_809, %dma_wait3A_810] : memref<2x10000x64xf32, #tpu.memory_space<hbm>> -> memref<1x10000x64xf32, #tpu.memory_space<hbm>>
      %dma_wait3A_812 = tpu.memref_squeeze %dma_wait3A_811 : memref<1x10000x64xf32, #tpu.memory_space<hbm>> -> memref<10000x64xf32, #tpu.memory_space<hbm>>
      %dma_wait3A_813 = arith.constant 0 : i32
      %dma_wait3A_814 = arith.constant 0 : i32
      %dma_wait3A_815 = tpu.memref_slice %dma_wait3A_812[%dma_wait3A_813, %dma_wait3A_814] : memref<10000x64xf32, #tpu.memory_space<hbm>> -> memref<10000x64xf32, #tpu.memory_space<hbm>>
      tpu.wait_indirect_dma semaphore(%arg21 : memref<!tpu.dma_semaphore, #tpu.memory_space<semaphore_mem>>) src(%dma_wait3A_815 : memref<10000x64xf32, #tpu.memory_space<hbm>>) dst(%arg10 : memref<80x64xf32, #tpu.memory_space<vmem>>)
      %add3A_816 = arith.constant 5 : i32
      %add3A_817 = arith.addi %add3A_787, %add3A_816 : i32
      %lt3A_818 = arith.constant 250 : i32
      %lt3A_819 = arith.cmpi slt, %add3A_817, %lt3A_818 : i32
      %convert_element_type3A_820 = arith.extui %lt3A_819 : i1 to i32
      %cond3A_821 = arith.constant 0 : i32
      %cond3A_822 = arith.cmpi ne, %convert_element_type3A_820, %cond3A_821 : i32
      scf.if %cond3A_822 {
        %add3A_906 = arith.constant 5 : i32
        %add3A_907 = arith.addi %add3A_787, %add3A_906 : i32
        %dma_start3A_908 = arith.constant 0 : i32
        %dma_start3A_909 = tpu.memref_slice %arg7[%add3A_907, %dma_start3A_908] : memref<250x80xi32, #tpu.memory_space<vmem>> -> memref<1x80xi32, #tpu.memory_space<vmem>>
        %dma_start3A_910 = tpu.memref_squeeze %dma_start3A_909 : memref<1x80xi32, #tpu.memory_space<vmem>> -> memref<80xi32, #tpu.memory_space<vmem>>
        %dma_start3A_911 = arith.constant 0 : i32
        %dma_start3A_912 = arith.constant 0 : i32
        %dma_start3A_913 = tpu.memref_slice %arg2[%scan3A_590, %dma_start3A_911, %dma_start3A_912] : memref<2x10000x64xf32, #tpu.memory_space<hbm>> -> memref<1x10000x64xf32, #tpu.memory_space<hbm>>
        %dma_start3A_914 = tpu.memref_squeeze %dma_start3A_913 : memref<1x10000x64xf32, #tpu.memory_space<hbm>> -> memref<10000x64xf32, #tpu.memory_space<hbm>>
        %dma_start3A_915 = arith.constant 0 : i32
        %dma_start3A_916 = arith.constant 0 : i32
        %dma_start3A_917 = tpu.memref_slice %dma_start3A_914[%dma_start3A_915, %dma_start3A_916] : memref<10000x64xf32, #tpu.memory_space<hbm>> -> memref<10000x64xf32, #tpu.memory_space<hbm>>
        tpu.enqueue_indirect_dma source(%dma_start3A_917 : memref<10000x64xf32, #tpu.memory_space<hbm>>) target(%arg9 : memref<80x64xf32, #tpu.memory_space<vmem>>) offsets(%dma_start3A_910 : memref<80xi32, #tpu.memory_space<vmem>>) semaphore(%arg20 : memref<!tpu.dma_semaphore, #tpu.memory_space<semaphore_mem>>)
      } else {
      }
      %mul3A_823 = arith.constant 6 : i32
      %mul3A_824 = arith.muli %scan3A_660, %mul3A_823 : i32
      %add3A_825 = arith.constant 4 : i32
      %add3A_826 = arith.addi %add3A_825, %mul3A_824 : i32
      %add3A_827 = arith.constant 4 : i32
      %add3A_828 = arith.addi %add3A_826, %add3A_827 : i32
      %dma_wait3A_829 = arith.constant 0 : i32
      %dma_wait3A_830 = arith.constant 0 : i32
      %dma_wait3A_831 = tpu.memref_slice %arg7[%dma_wait3A_829, %dma_wait3A_830] : memref<250x80xi32, #tpu.memory_space<vmem>> -> memref<1x80xi32, #tpu.memory_space<vmem>>
      %dma_wait3A_832 = tpu.memref_squeeze %dma_wait3A_831 : memref<1x80xi32, #tpu.memory_space<vmem>> -> memref<80xi32, #tpu.memory_space<vmem>>
      %dma_wait3A_833 = arith.constant 0 : i32
      %dma_wait3A_834 = arith.constant 0 : i32
      %dma_wait3A_835 = tpu.memref_slice %arg2[%scan3A_590, %dma_wait3A_833, %dma_wait3A_834] : memref<2x10000x64xf32, #tpu.memory_space<hbm>> -> memref<1x10000x64xf32, #tpu.memory_space<hbm>>
      %dma_wait3A_836 = tpu.memref_squeeze %dma_wait3A_835 : memref<1x10000x64xf32, #tpu.memory_space<hbm>> -> memref<10000x64xf32, #tpu.memory_space<hbm>>
      %dma_wait3A_837 = arith.constant 0 : i32
      %dma_wait3A_838 = arith.constant 0 : i32
      %dma_wait3A_839 = tpu.memref_slice %dma_wait3A_836[%dma_wait3A_837, %dma_wait3A_838] : memref<10000x64xf32, #tpu.memory_space<hbm>> -> memref<10000x64xf32, #tpu.memory_space<hbm>>
      tpu.wait_indirect_dma semaphore(%arg20 : memref<!tpu.dma_semaphore, #tpu.memory_space<semaphore_mem>>) src(%dma_wait3A_839 : memref<10000x64xf32, #tpu.memory_space<hbm>>) dst(%arg11 : memref<80x64xf32, #tpu.memory_space<vmem>>)
      %dma_start3A_840 = arith.constant 0 : i32
      %dma_start3A_841 = tpu.memref_slice %arg8[%add3A_828, %dma_start3A_840] : memref<250x80xi32, #tpu.memory_space<vmem>> -> memref<1x80xi32, #tpu.memory_space<vmem>>
      %dma_start3A_842 = tpu.memref_squeeze %dma_start3A_841 : memref<1x80xi32, #tpu.memory_space<vmem>> -> memref<80xi32, #tpu.memory_space<vmem>>
      %dma_start3A_843 = arith.constant 0 : i32
      %dma_start3A_844 = arith.constant 0 : i32
      %dma_start3A_845 = tpu.memref_slice %arg18[%dma_start3A_843, %dma_start3A_844] : memref<10240x64xf32, #tpu.memory_space<vmem_shared>> -> memref<10240x64xf32, #tpu.memory_space<vmem_shared>>
      tpu.enqueue_indirect_dma source(%arg11 : memref<80x64xf32, #tpu.memory_space<vmem>>) target(%dma_start3A_845 : memref<10240x64xf32, #tpu.memory_space<vmem_shared>>) offsets(%dma_start3A_842 : memref<80xi32, #tpu.memory_space<vmem>>) semaphore(%arg21 : memref<!tpu.dma_semaphore, #tpu.memory_space<semaphore_mem>>) {add = true}
      %dma_wait3A_846 = arith.constant 0 : i32
      %dma_wait3A_847 = arith.constant 0 : i32
      %dma_wait3A_848 = tpu.memref_slice %arg7[%dma_wait3A_846, %dma_wait3A_847] : memref<250x80xi32, #tpu.memory_space<vmem>> -> memref<1x80xi32, #tpu.memory_space<vmem>>
      %dma_wait3A_849 = tpu.memref_squeeze %dma_wait3A_848 : memref<1x80xi32, #tpu.memory_space<vmem>> -> memref<80xi32, #tpu.memory_space<vmem>>
      %dma_wait3A_850 = arith.constant 0 : i32
      %dma_wait3A_851 = arith.constant 0 : i32
      %dma_wait3A_852 = tpu.memref_slice %arg2[%scan3A_590, %dma_wait3A_850, %dma_wait3A_851] : memref<2x10000x64xf32, #tpu.memory_space<hbm>> -> memref<1x10000x64xf32, #tpu.memory_space<hbm>>
      %dma_wait3A_853 = tpu.memref_squeeze %dma_wait3A_852 : memref<1x10000x64xf32, #tpu.memory_space<hbm>> -> memref<10000x64xf32, #tpu.memory_space<hbm>>
      %dma_wait3A_854 = arith.constant 0 : i32
      %dma_wait3A_855 = arith.constant 0 : i32
      %dma_wait3A_856 = tpu.memref_slice %dma_wait3A_853[%dma_wait3A_854, %dma_wait3A_855] : memref<10000x64xf32, #tpu.memory_space<hbm>> -> memref<10000x64xf32, #tpu.memory_space<hbm>>
      tpu.wait_indirect_dma semaphore(%arg21 : memref<!tpu.dma_semaphore, #tpu.memory_space<semaphore_mem>>) src(%dma_wait3A_856 : memref<10000x64xf32, #tpu.memory_space<hbm>>) dst(%arg11 : memref<80x64xf32, #tpu.memory_space<vmem>>)
      %add3A_857 = arith.constant 5 : i32
      %add3A_858 = arith.addi %add3A_828, %add3A_857 : i32
      %lt3A_859 = arith.constant 250 : i32
      %lt3A_860 = arith.cmpi slt, %add3A_858, %lt3A_859 : i32
      %convert_element_type3A_861 = arith.extui %lt3A_860 : i1 to i32
      %cond3A_862 = arith.constant 0 : i32
      %cond3A_863 = arith.cmpi ne, %convert_element_type3A_861, %cond3A_862 : i32
      scf.if %cond3A_863 {
        %add3A_906 = arith.constant 5 : i32
        %add3A_907 = arith.addi %add3A_828, %add3A_906 : i32
        %dma_start3A_908 = arith.constant 0 : i32
        %dma_start3A_909 = tpu.memref_slice %arg7[%add3A_907, %dma_start3A_908] : memref<250x80xi32, #tpu.memory_space<vmem>> -> memref<1x80xi32, #tpu.memory_space<vmem>>
        %dma_start3A_910 = tpu.memref_squeeze %dma_start3A_909 : memref<1x80xi32, #tpu.memory_space<vmem>> -> memref<80xi32, #tpu.memory_space<vmem>>
        %dma_start3A_911 = arith.constant 0 : i32
        %dma_start3A_912 = arith.constant 0 : i32
        %dma_start3A_913 = tpu.memref_slice %arg2[%scan3A_590, %dma_start3A_911, %dma_start3A_912] : memref<2x10000x64xf32, #tpu.memory_space<hbm>> -> memref<1x10000x64xf32, #tpu.memory_space<hbm>>
        %dma_start3A_914 = tpu.memref_squeeze %dma_start3A_913 : memref<1x10000x64xf32, #tpu.memory_space<hbm>> -> memref<10000x64xf32, #tpu.memory_space<hbm>>
        %dma_start3A_915 = arith.constant 0 : i32
        %dma_start3A_916 = arith.constant 0 : i32
        %dma_start3A_917 = tpu.memref_slice %dma_start3A_914[%dma_start3A_915, %dma_start3A_916] : memref<10000x64xf32, #tpu.memory_space<hbm>> -> memref<10000x64xf32, #tpu.memory_space<hbm>>
        tpu.enqueue_indirect_dma source(%dma_start3A_917 : memref<10000x64xf32, #tpu.memory_space<hbm>>) target(%arg10 : memref<80x64xf32, #tpu.memory_space<vmem>>) offsets(%dma_start3A_910 : memref<80xi32, #tpu.memory_space<vmem>>) semaphore(%arg20 : memref<!tpu.dma_semaphore, #tpu.memory_space<semaphore_mem>>)
      } else {
      }
      %mul3A_864 = arith.constant 6 : i32
      %mul3A_865 = arith.muli %scan3A_660, %mul3A_864 : i32
      %add3A_866 = arith.constant 4 : i32
      %add3A_867 = arith.addi %add3A_866, %mul3A_865 : i32
      %add3A_868 = arith.constant 5 : i32
      %add3A_869 = arith.addi %add3A_867, %add3A_868 : i32
      %dma_wait3A_870 = arith.constant 0 : i32
      %dma_wait3A_871 = arith.constant 0 : i32
      %dma_wait3A_872 = tpu.memref_slice %arg7[%dma_wait3A_870, %dma_wait3A_871] : memref<250x80xi32, #tpu.memory_space<vmem>> -> memref<1x80xi32, #tpu.memory_space<vmem>>
      %dma_wait3A_873 = tpu.memref_squeeze %dma_wait3A_872 : memref<1x80xi32, #tpu.memory_space<vmem>> -> memref<80xi32, #tpu.memory_space<vmem>>
      %dma_wait3A_874 = arith.constant 0 : i32
      %dma_wait3A_875 = arith.constant 0 : i32
      %dma_wait3A_876 = tpu.memref_slice %arg2[%scan3A_590, %dma_wait3A_874, %dma_wait3A_875] : memref<2x10000x64xf32, #tpu.memory_space<hbm>> -> memref<1x10000x64xf32, #tpu.memory_space<hbm>>
      %dma_wait3A_877 = tpu.memref_squeeze %dma_wait3A_876 : memref<1x10000x64xf32, #tpu.memory_space<hbm>> -> memref<10000x64xf32, #tpu.memory_space<hbm>>
      %dma_wait3A_878 = arith.constant 0 : i32
      %dma_wait3A_879 = arith.constant 0 : i32
      %dma_wait3A_880 = tpu.memref_slice %dma_wait3A_877[%dma_wait3A_878, %dma_wait3A_879] : memref<10000x64xf32, #tpu.memory_space<hbm>> -> memref<10000x64xf32, #tpu.memory_space<hbm>>
      tpu.wait_indirect_dma semaphore(%arg20 : memref<!tpu.dma_semaphore, #tpu.memory_space<semaphore_mem>>) src(%dma_wait3A_880 : memref<10000x64xf32, #tpu.memory_space<hbm>>) dst(%arg12 : memref<80x64xf32, #tpu.memory_space<vmem>>)
      %dma_start3A_881 = arith.constant 0 : i32
      %dma_start3A_882 = tpu.memref_slice %arg8[%add3A_869, %dma_start3A_881] : memref<250x80xi32, #tpu.memory_space<vmem>> -> memref<1x80xi32, #tpu.memory_space<vmem>>
      %dma_start3A_883 = tpu.memref_squeeze %dma_start3A_882 : memref<1x80xi32, #tpu.memory_space<vmem>> -> memref<80xi32, #tpu.memory_space<vmem>>
      %dma_start3A_884 = arith.constant 0 : i32
      %dma_start3A_885 = arith.constant 0 : i32
      %dma_start3A_886 = tpu.memref_slice %arg18[%dma_start3A_884, %dma_start3A_885] : memref<10240x64xf32, #tpu.memory_space<vmem_shared>> -> memref<10240x64xf32, #tpu.memory_space<vmem_shared>>
      tpu.enqueue_indirect_dma source(%arg12 : memref<80x64xf32, #tpu.memory_space<vmem>>) target(%dma_start3A_886 : memref<10240x64xf32, #tpu.memory_space<vmem_shared>>) offsets(%dma_start3A_883 : memref<80xi32, #tpu.memory_space<vmem>>) semaphore(%arg21 : memref<!tpu.dma_semaphore, #tpu.memory_space<semaphore_mem>>) {add = true}
      %dma_wait3A_887 = arith.constant 0 : i32
      %dma_wait3A_888 = arith.constant 0 : i32
      %dma_wait3A_889 = tpu.memref_slice %arg7[%dma_wait3A_887, %dma_wait3A_888] : memref<250x80xi32, #tpu.memory_space<vmem>> -> memref<1x80xi32, #tpu.memory_space<vmem>>
      %dma_wait3A_890 = tpu.memref_squeeze %dma_wait3A_889 : memref<1x80xi32, #tpu.memory_space<vmem>> -> memref<80xi32, #tpu.memory_space<vmem>>
      %dma_wait3A_891 = arith.constant 0 : i32
      %dma_wait3A_892 = arith.constant 0 : i32
      %dma_wait3A_893 = tpu.memref_slice %arg2[%scan3A_590, %dma_wait3A_891, %dma_wait3A_892] : memref<2x10000x64xf32, #tpu.memory_space<hbm>> -> memref<1x10000x64xf32, #tpu.memory_space<hbm>>
      %dma_wait3A_894 = tpu.memref_squeeze %dma_wait3A_893 : memref<1x10000x64xf32, #tpu.memory_space<hbm>> -> memref<10000x64xf32, #tpu.memory_space<hbm>>
      %dma_wait3A_895 = arith.constant 0 : i32
      %dma_wait3A_896 = arith.constant 0 : i32
      %dma_wait3A_897 = tpu.memref_slice %dma_wait3A_894[%dma_wait3A_895, %dma_wait3A_896] : memref<10000x64xf32, #tpu.memory_space<hbm>> -> memref<10000x64xf32, #tpu.memory_space<hbm>>
      tpu.wait_indirect_dma semaphore(%arg21 : memref<!tpu.dma_semaphore, #tpu.memory_space<semaphore_mem>>) src(%dma_wait3A_897 : memref<10000x64xf32, #tpu.memory_space<hbm>>) dst(%arg12 : memref<80x64xf32, #tpu.memory_space<vmem>>)
      %add3A_898 = arith.constant 5 : i32
      %add3A_899 = arith.addi %add3A_869, %add3A_898 : i32
      %lt3A_900 = arith.constant 250 : i32
      %lt3A_901 = arith.cmpi slt, %add3A_899, %lt3A_900 : i32
      %convert_element_type3A_902 = arith.extui %lt3A_901 : i1 to i32
      %cond3A_903 = arith.constant 0 : i32
      %cond3A_904 = arith.cmpi ne, %convert_element_type3A_902, %cond3A_903 : i32
      scf.if %cond3A_904 {
        %add3A_906 = arith.constant 5 : i32
        %add3A_907 = arith.addi %add3A_869, %add3A_906 : i32
        %dma_start3A_908 = arith.constant 0 : i32
        %dma_start3A_909 = tpu.memref_slice %arg7[%add3A_907, %dma_start3A_908] : memref<250x80xi32, #tpu.memory_space<vmem>> -> memref<1x80xi32, #tpu.memory_space<vmem>>
        %dma_start3A_910 = tpu.memref_squeeze %dma_start3A_909 : memref<1x80xi32, #tpu.memory_space<vmem>> -> memref<80xi32, #tpu.memory_space<vmem>>
        %dma_start3A_911 = arith.constant 0 : i32
        %dma_start3A_912 = arith.constant 0 : i32
        %dma_start3A_913 = tpu.memref_slice %arg2[%scan3A_590, %dma_start3A_911, %dma_start3A_912] : memref<2x10000x64xf32, #tpu.memory_space<hbm>> -> memref<1x10000x64xf32, #tpu.memory_space<hbm>>
        %dma_start3A_914 = tpu.memref_squeeze %dma_start3A_913 : memref<1x10000x64xf32, #tpu.memory_space<hbm>> -> memref<10000x64xf32, #tpu.memory_space<hbm>>
        %dma_start3A_915 = arith.constant 0 : i32
        %dma_start3A_916 = arith.constant 0 : i32
        %dma_start3A_917 = tpu.memref_slice %dma_start3A_914[%dma_start3A_915, %dma_start3A_916] : memref<10000x64xf32, #tpu.memory_space<hbm>> -> memref<10000x64xf32, #tpu.memory_space<hbm>>
        tpu.enqueue_indirect_dma source(%dma_start3A_917 : memref<10000x64xf32, #tpu.memory_space<hbm>>) target(%arg11 : memref<80x64xf32, #tpu.memory_space<vmem>>) offsets(%dma_start3A_910 : memref<80xi32, #tpu.memory_space<vmem>>) semaphore(%arg20 : memref<!tpu.dma_semaphore, #tpu.memory_space<semaphore_mem>>)
      } else {
      }
      %scan3A_905 = arith.constant 0 : i32
      scf.yield %scan3A_905 : i32
    }
    %scan3A_597 = arith.constant 41 : i32
    %dma_wait3A_598 = arith.constant 1 : i32
    %dma_wait3A_599 = arith.constant 0 : i32
    %dma_wait3A_600 = arith.constant 0 : i32
    %dma_wait3A_601 = tpu.memref_slice %arg7[%dma_wait3A_599, %dma_wait3A_600] : memref<250x80xi32, #tpu.memory_space<vmem>> -> memref<1x80xi32, #tpu.memory_space<vmem>>
    %dma_wait3A_602 = tpu.memref_squeeze %dma_wait3A_601 : memref<1x80xi32, #tpu.memory_space<vmem>> -> memref<80xi32, #tpu.memory_space<vmem>>
    %dma_wait3A_603 = arith.constant 0 : i32
    %dma_wait3A_604 = arith.constant 0 : i32
    %dma_wait3A_605 = tpu.memref_slice %arg2[%dma_wait3A_598, %dma_wait3A_603, %dma_wait3A_604] : memref<2x10000x64xf32, #tpu.memory_space<hbm>> -> memref<1x10000x64xf32, #tpu.memory_space<hbm>>
    %dma_wait3A_606 = tpu.memref_squeeze %dma_wait3A_605 : memref<1x10000x64xf32, #tpu.memory_space<hbm>> -> memref<10000x64xf32, #tpu.memory_space<hbm>>
    %dma_wait3A_607 = arith.constant 0 : i32
    %dma_wait3A_608 = arith.constant 0 : i32
    %dma_wait3A_609 = tpu.memref_slice %dma_wait3A_606[%dma_wait3A_607, %dma_wait3A_608] : memref<10000x64xf32, #tpu.memory_space<hbm>> -> memref<10000x64xf32, #tpu.memory_space<hbm>>
    tpu.wait_indirect_dma semaphore(%arg21 : memref<!tpu.dma_semaphore, #tpu.memory_space<semaphore_mem>>) src(%dma_wait3A_609 : memref<10000x64xf32, #tpu.memory_space<hbm>>) dst(%arg9 : memref<80x64xf32, #tpu.memory_space<vmem>>)
    %barrier3A_610 = arith.constant 0 : index
    tpu.barrier barrier_id(%barrier3A_610)
    %mul3A_611 = arith.constant 640 : i32
    %mul3A_612 = arith.muli %arg1, %mul3A_611 : i32
    %add3A_613 = arith.constant 0 : i32
    %add3A_614 = arith.addi %mul3A_612, %add3A_613 : i32
    "tpu.region"() ({
      %run_scoped3A_660 = tpu.sem_alloc : memref<!tpu.dma_semaphore, #tpu.memory_space<semaphore_mem>>
      %dma_start3A_661 = arith.constant 0 : i32
      %dma_start3A_662 = tpu.memref_slice %arg18[%add3A_614, %dma_start3A_661] : memref<10240x64xf32, #tpu.memory_space<vmem_shared>> -> memref<128x64xf32, #tpu.memory_space<vmem_shared>>
      %dma_start3A_663 = arith.constant 0 : i32
      %dma_start3A_664 = tpu.memref_slice %arg18[%add3A_614, %dma_start3A_663] : memref<10240x64xf32, #tpu.memory_space<vmem_shared>> -> memref<128x64xf32, #tpu.memory_space<vmem_shared>>
      tpu.enqueue_dma source(%dma_start3A_664 : memref<128x64xf32, #tpu.memory_space<vmem_shared>>) target(%arg16 : memref<128x64xf32, #tpu.memory_space<vmem>>) target_semaphore(%run_scoped3A_660 : memref<!tpu.dma_semaphore, #tpu.memory_space<semaphore_mem>>)
      %dma_wait3A_665 = arith.constant 0 : i32
      %dma_wait3A_666 = tpu.memref_slice %arg18[%add3A_614, %dma_wait3A_665] : memref<10240x64xf32, #tpu.memory_space<vmem_shared>> -> memref<128x64xf32, #tpu.memory_space<vmem_shared>>
      %dma_wait3A_667 = arith.constant 0 : i32
      %dma_wait3A_668 = tpu.memref_slice %arg18[%add3A_614, %dma_wait3A_667] : memref<10240x64xf32, #tpu.memory_space<vmem_shared>> -> memref<128x64xf32, #tpu.memory_space<vmem_shared>>
      tpu.wait_dma2 semaphore(%run_scoped3A_660 : memref<!tpu.dma_semaphore, #tpu.memory_space<semaphore_mem>>) src(%dma_wait3A_668 : memref<128x64xf32, #tpu.memory_space<vmem_shared>>) dst(%arg16 : memref<128x64xf32, #tpu.memory_space<vmem>>)
      tpu.yield
    }) : () -> ()
    %mul3A_615 = arith.constant 640 : i32
    %mul3A_616 = arith.muli %arg1, %mul3A_615 : i32
    %add3A_617 = arith.constant 0 : i32
    %add3A_618 = arith.addi %mul3A_616, %add3A_617 : i32
    %run_scoped3A_619 = arith.constant 1 : i32
    "tpu.region"() ({
      %run_scoped3A_660 = tpu.sem_alloc : memref<!tpu.dma_semaphore, #tpu.memory_space<semaphore_mem>>
      %dma_start3A_661 = arith.constant 0 : i32
      %dma_start3A_662 = tpu.memref_slice %arg5[%arg0, %run_scoped3A_619, %add3A_618, %dma_start3A_661] : memref<2x2x10240x64xf32, #tpu.memory_space<hbm>> -> memref<1x1x128x64xf32, #tpu.memory_space<hbm>>
      %dma_start3A_663 = tpu.memref_squeeze %dma_start3A_662 : memref<1x1x128x64xf32, #tpu.memory_space<hbm>> -> memref<128x64xf32, #tpu.memory_space<hbm>>
      %dma_start3A_664 = arith.constant 0 : i32
      %dma_start3A_665 = tpu.memref_slice %arg5[%arg0, %run_scoped3A_619, %add3A_618, %dma_start3A_664] : memref<2x2x10240x64xf32, #tpu.memory_space<hbm>> -> memref<1x1x128x64xf32, #tpu.memory_space<hbm>>
      %dma_start3A_666 = tpu.memref_squeeze %dma_start3A_665 : memref<1x1x128x64xf32, #tpu.memory_space<hbm>> -> memref<128x64xf32, #tpu.memory_space<hbm>>
      tpu.enqueue_dma source(%arg16 : memref<128x64xf32, #tpu.memory_space<vmem>>) target(%dma_start3A_666 : memref<128x64xf32, #tpu.memory_space<hbm>>) target_semaphore(%run_scoped3A_660 : memref<!tpu.dma_semaphore, #tpu.memory_space<semaphore_mem>>)
      %dma_wait3A_667 = arith.constant 0 : i32
      %dma_wait3A_668 = tpu.memref_slice %arg5[%arg0, %run_scoped3A_619, %add3A_618, %dma_wait3A_667] : memref<2x2x10240x64xf32, #tpu.memory_space<hbm>> -> memref<1x1x128x64xf32, #tpu.memory_space<hbm>>
      %dma_wait3A_669 = tpu.memref_squeeze %dma_wait3A_668 : memref<1x1x128x64xf32, #tpu.memory_space<hbm>> -> memref<128x64xf32, #tpu.memory_space<hbm>>
      %dma_wait3A_670 = arith.constant 0 : i32
      %dma_wait3A_671 = tpu.memref_slice %arg5[%arg0, %run_scoped3A_619, %add3A_618, %dma_wait3A_670] : memref<2x2x10240x64xf32, #tpu.memory_space<hbm>> -> memref<1x1x128x64xf32, #tpu.memory_space<hbm>>
      %dma_wait3A_672 = tpu.memref_squeeze %dma_wait3A_671 : memref<1x1x128x64xf32, #tpu.memory_space<hbm>> -> memref<128x64xf32, #tpu.memory_space<hbm>>
      tpu.wait_dma2 semaphore(%run_scoped3A_660 : memref<!tpu.dma_semaphore, #tpu.memory_space<semaphore_mem>>) src(%arg16 : memref<128x64xf32, #tpu.memory_space<vmem>>) dst(%dma_wait3A_672 : memref<128x64xf32, #tpu.memory_space<hbm>>)
      tpu.yield
    }) : () -> ()
    %mul3A_620 = arith.constant 640 : i32
    %mul3A_621 = arith.muli %arg1, %mul3A_620 : i32
    %add3A_622 = arith.constant 128 : i32
    %add3A_623 = arith.addi %mul3A_621, %add3A_622 : i32
    "tpu.region"() ({
      %run_scoped3A_660 = tpu.sem_alloc : memref<!tpu.dma_semaphore, #tpu.memory_space<semaphore_mem>>
      %dma_start3A_661 = arith.constant 0 : i32
      %dma_start3A_662 = tpu.memref_slice %arg18[%add3A_623, %dma_start3A_661] : memref<10240x64xf32, #tpu.memory_space<vmem_shared>> -> memref<128x64xf32, #tpu.memory_space<vmem_shared>>
      %dma_start3A_663 = arith.constant 0 : i32
      %dma_start3A_664 = tpu.memref_slice %arg18[%add3A_623, %dma_start3A_663] : memref<10240x64xf32, #tpu.memory_space<vmem_shared>> -> memref<128x64xf32, #tpu.memory_space<vmem_shared>>
      tpu.enqueue_dma source(%dma_start3A_664 : memref<128x64xf32, #tpu.memory_space<vmem_shared>>) target(%arg16 : memref<128x64xf32, #tpu.memory_space<vmem>>) target_semaphore(%run_scoped3A_660 : memref<!tpu.dma_semaphore, #tpu.memory_space<semaphore_mem>>)
      %dma_wait3A_665 = arith.constant 0 : i32
      %dma_wait3A_666 = tpu.memref_slice %arg18[%add3A_623, %dma_wait3A_665] : memref<10240x64xf32, #tpu.memory_space<vmem_shared>> -> memref<128x64xf32, #tpu.memory_space<vmem_shared>>
      %dma_wait3A_667 = arith.constant 0 : i32
      %dma_wait3A_668 = tpu.memref_slice %arg18[%add3A_623, %dma_wait3A_667] : memref<10240x64xf32, #tpu.memory_space<vmem_shared>> -> memref<128x64xf32, #tpu.memory_space<vmem_shared>>
      tpu.wait_dma2 semaphore(%run_scoped3A_660 : memref<!tpu.dma_semaphore, #tpu.memory_space<semaphore_mem>>) src(%dma_wait3A_668 : memref<128x64xf32, #tpu.memory_space<vmem_shared>>) dst(%arg16 : memref<128x64xf32, #tpu.memory_space<vmem>>)
      tpu.yield
    }) : () -> ()
    %mul3A_624 = arith.constant 640 : i32
    %mul3A_625 = arith.muli %arg1, %mul3A_624 : i32
    %add3A_626 = arith.constant 128 : i32
    %add3A_627 = arith.addi %mul3A_625, %add3A_626 : i32
    %run_scoped3A_628 = arith.constant 1 : i32
    "tpu.region"() ({
      %run_scoped3A_660 = tpu.sem_alloc : memref<!tpu.dma_semaphore, #tpu.memory_space<semaphore_mem>>
      %dma_start3A_661 = arith.constant 0 : i32
      %dma_start3A_662 = tpu.memref_slice %arg5[%arg0, %run_scoped3A_628, %add3A_627, %dma_start3A_661] : memref<2x2x10240x64xf32, #tpu.memory_space<hbm>> -> memref<1x1x128x64xf32, #tpu.memory_space<hbm>>
      %dma_start3A_663 = tpu.memref_squeeze %dma_start3A_662 : memref<1x1x128x64xf32, #tpu.memory_space<hbm>> -> memref<128x64xf32, #tpu.memory_space<hbm>>
      %dma_start3A_664 = arith.constant 0 : i32
      %dma_start3A_665 = tpu.memref_slice %arg5[%arg0, %run_scoped3A_628, %add3A_627, %dma_start3A_664] : memref<2x2x10240x64xf32, #tpu.memory_space<hbm>> -> memref<1x1x128x64xf32, #tpu.memory_space<hbm>>
      %dma_start3A_666 = tpu.memref_squeeze %dma_start3A_665 : memref<1x1x128x64xf32, #tpu.memory_space<hbm>> -> memref<128x64xf32, #tpu.memory_space<hbm>>
      tpu.enqueue_dma source(%arg16 : memref<128x64xf32, #tpu.memory_space<vmem>>) target(%dma_start3A_666 : memref<128x64xf32, #tpu.memory_space<hbm>>) target_semaphore(%run_scoped3A_660 : memref<!tpu.dma_semaphore, #tpu.memory_space<semaphore_mem>>)
      %dma_wait3A_667 = arith.constant 0 : i32
      %dma_wait3A_668 = tpu.memref_slice %arg5[%arg0, %run_scoped3A_628, %add3A_627, %dma_wait3A_667] : memref<2x2x10240x64xf32, #tpu.memory_space<hbm>> -> memref<1x1x128x64xf32, #tpu.memory_space<hbm>>
      %dma_wait3A_669 = tpu.memref_squeeze %dma_wait3A_668 : memref<1x1x128x64xf32, #tpu.memory_space<hbm>> -> memref<128x64xf32, #tpu.memory_space<hbm>>
      %dma_wait3A_670 = arith.constant 0 : i32
      %dma_wait3A_671 = tpu.memref_slice %arg5[%arg0, %run_scoped3A_628, %add3A_627, %dma_wait3A_670] : memref<2x2x10240x64xf32, #tpu.memory_space<hbm>> -> memref<1x1x128x64xf32, #tpu.memory_space<hbm>>
      %dma_wait3A_672 = tpu.memref_squeeze %dma_wait3A_671 : memref<1x1x128x64xf32, #tpu.memory_space<hbm>> -> memref<128x64xf32, #tpu.memory_space<hbm>>
      tpu.wait_dma2 semaphore(%run_scoped3A_660 : memref<!tpu.dma_semaphore, #tpu.memory_space<semaphore_mem>>) src(%arg16 : memref<128x64xf32, #tpu.memory_space<vmem>>) dst(%dma_wait3A_672 : memref<128x64xf32, #tpu.memory_space<hbm>>)
      tpu.yield
    }) : () -> ()
    %mul3A_629 = arith.constant 640 : i32
    %mul3A_630 = arith.muli %arg1, %mul3A_629 : i32
    %add3A_631 = arith.constant 256 : i32
    %add3A_632 = arith.addi %mul3A_630, %add3A_631 : i32
    "tpu.region"() ({
      %run_scoped3A_660 = tpu.sem_alloc : memref<!tpu.dma_semaphore, #tpu.memory_space<semaphore_mem>>
      %dma_start3A_661 = arith.constant 0 : i32
      %dma_start3A_662 = tpu.memref_slice %arg18[%add3A_632, %dma_start3A_661] : memref<10240x64xf32, #tpu.memory_space<vmem_shared>> -> memref<128x64xf32, #tpu.memory_space<vmem_shared>>
      %dma_start3A_663 = arith.constant 0 : i32
      %dma_start3A_664 = tpu.memref_slice %arg18[%add3A_632, %dma_start3A_663] : memref<10240x64xf32, #tpu.memory_space<vmem_shared>> -> memref<128x64xf32, #tpu.memory_space<vmem_shared>>
      tpu.enqueue_dma source(%dma_start3A_664 : memref<128x64xf32, #tpu.memory_space<vmem_shared>>) target(%arg16 : memref<128x64xf32, #tpu.memory_space<vmem>>) target_semaphore(%run_scoped3A_660 : memref<!tpu.dma_semaphore, #tpu.memory_space<semaphore_mem>>)
      %dma_wait3A_665 = arith.constant 0 : i32
      %dma_wait3A_666 = tpu.memref_slice %arg18[%add3A_632, %dma_wait3A_665] : memref<10240x64xf32, #tpu.memory_space<vmem_shared>> -> memref<128x64xf32, #tpu.memory_space<vmem_shared>>
      %dma_wait3A_667 = arith.constant 0 : i32
      %dma_wait3A_668 = tpu.memref_slice %arg18[%add3A_632, %dma_wait3A_667] : memref<10240x64xf32, #tpu.memory_space<vmem_shared>> -> memref<128x64xf32, #tpu.memory_space<vmem_shared>>
      tpu.wait_dma2 semaphore(%run_scoped3A_660 : memref<!tpu.dma_semaphore, #tpu.memory_space<semaphore_mem>>) src(%dma_wait3A_668 : memref<128x64xf32, #tpu.memory_space<vmem_shared>>) dst(%arg16 : memref<128x64xf32, #tpu.memory_space<vmem>>)
      tpu.yield
    }) : () -> ()
    %mul3A_633 = arith.constant 640 : i32
    %mul3A_634 = arith.muli %arg1, %mul3A_633 : i32
    %add3A_635 = arith.constant 256 : i32
    %add3A_636 = arith.addi %mul3A_634, %add3A_635 : i32
    %run_scoped3A_637 = arith.constant 1 : i32
    "tpu.region"() ({
      %run_scoped3A_660 = tpu.sem_alloc : memref<!tpu.dma_semaphore, #tpu.memory_space<semaphore_mem>>
      %dma_start3A_661 = arith.constant 0 : i32
      %dma_start3A_662 = tpu.memref_slice %arg5[%arg0, %run_scoped3A_637, %add3A_636, %dma_start3A_661] : memref<2x2x10240x64xf32, #tpu.memory_space<hbm>> -> memref<1x1x128x64xf32, #tpu.memory_space<hbm>>
      %dma_start3A_663 = tpu.memref_squeeze %dma_start3A_662 : memref<1x1x128x64xf32, #tpu.memory_space<hbm>> -> memref<128x64xf32, #tpu.memory_space<hbm>>
      %dma_start3A_664 = arith.constant 0 : i32
      %dma_start3A_665 = tpu.memref_slice %arg5[%arg0, %run_scoped3A_637, %add3A_636, %dma_start3A_664] : memref<2x2x10240x64xf32, #tpu.memory_space<hbm>> -> memref<1x1x128x64xf32, #tpu.memory_space<hbm>>
      %dma_start3A_666 = tpu.memref_squeeze %dma_start3A_665 : memref<1x1x128x64xf32, #tpu.memory_space<hbm>> -> memref<128x64xf32, #tpu.memory_space<hbm>>
      tpu.enqueue_dma source(%arg16 : memref<128x64xf32, #tpu.memory_space<vmem>>) target(%dma_start3A_666 : memref<128x64xf32, #tpu.memory_space<hbm>>) target_semaphore(%run_scoped3A_660 : memref<!tpu.dma_semaphore, #tpu.memory_space<semaphore_mem>>)
      %dma_wait3A_667 = arith.constant 0 : i32
      %dma_wait3A_668 = tpu.memref_slice %arg5[%arg0, %run_scoped3A_637, %add3A_636, %dma_wait3A_667] : memref<2x2x10240x64xf32, #tpu.memory_space<hbm>> -> memref<1x1x128x64xf32, #tpu.memory_space<hbm>>
      %dma_wait3A_669 = tpu.memref_squeeze %dma_wait3A_668 : memref<1x1x128x64xf32, #tpu.memory_space<hbm>> -> memref<128x64xf32, #tpu.memory_space<hbm>>
      %dma_wait3A_670 = arith.constant 0 : i32
      %dma_wait3A_671 = tpu.memref_slice %arg5[%arg0, %run_scoped3A_637, %add3A_636, %dma_wait3A_670] : memref<2x2x10240x64xf32, #tpu.memory_space<hbm>> -> memref<1x1x128x64xf32, #tpu.memory_space<hbm>>
      %dma_wait3A_672 = tpu.memref_squeeze %dma_wait3A_671 : memref<1x1x128x64xf32, #tpu.memory_space<hbm>> -> memref<128x64xf32, #tpu.memory_space<hbm>>
      tpu.wait_dma2 semaphore(%run_scoped3A_660 : memref<!tpu.dma_semaphore, #tpu.memory_space<semaphore_mem>>) src(%arg16 : memref<128x64xf32, #tpu.memory_space<vmem>>) dst(%dma_wait3A_672 : memref<128x64xf32, #tpu.memory_space<hbm>>)
      tpu.yield
    }) : () -> ()
    %mul3A_638 = arith.constant 640 : i32
    %mul3A_639 = arith.muli %arg1, %mul3A_638 : i32
    %add3A_640 = arith.constant 384 : i32
    %add3A_641 = arith.addi %mul3A_639, %add3A_640 : i32
    "tpu.region"() ({
      %run_scoped3A_660 = tpu.sem_alloc : memref<!tpu.dma_semaphore, #tpu.memory_space<semaphore_mem>>
      %dma_start3A_661 = arith.constant 0 : i32
      %dma_start3A_662 = tpu.memref_slice %arg18[%add3A_641, %dma_start3A_661] : memref<10240x64xf32, #tpu.memory_space<vmem_shared>> -> memref<128x64xf32, #tpu.memory_space<vmem_shared>>
      %dma_start3A_663 = arith.constant 0 : i32
      %dma_start3A_664 = tpu.memref_slice %arg18[%add3A_641, %dma_start3A_663] : memref<10240x64xf32, #tpu.memory_space<vmem_shared>> -> memref<128x64xf32, #tpu.memory_space<vmem_shared>>
      tpu.enqueue_dma source(%dma_start3A_664 : memref<128x64xf32, #tpu.memory_space<vmem_shared>>) target(%arg16 : memref<128x64xf32, #tpu.memory_space<vmem>>) target_semaphore(%run_scoped3A_660 : memref<!tpu.dma_semaphore, #tpu.memory_space<semaphore_mem>>)
      %dma_wait3A_665 = arith.constant 0 : i32
      %dma_wait3A_666 = tpu.memref_slice %arg18[%add3A_641, %dma_wait3A_665] : memref<10240x64xf32, #tpu.memory_space<vmem_shared>> -> memref<128x64xf32, #tpu.memory_space<vmem_shared>>
      %dma_wait3A_667 = arith.constant 0 : i32
      %dma_wait3A_668 = tpu.memref_slice %arg18[%add3A_641, %dma_wait3A_667] : memref<10240x64xf32, #tpu.memory_space<vmem_shared>> -> memref<128x64xf32, #tpu.memory_space<vmem_shared>>
      tpu.wait_dma2 semaphore(%run_scoped3A_660 : memref<!tpu.dma_semaphore, #tpu.memory_space<semaphore_mem>>) src(%dma_wait3A_668 : memref<128x64xf32, #tpu.memory_space<vmem_shared>>) dst(%arg16 : memref<128x64xf32, #tpu.memory_space<vmem>>)
      tpu.yield
    }) : () -> ()
    %mul3A_642 = arith.constant 640 : i32
    %mul3A_643 = arith.muli %arg1, %mul3A_642 : i32
    %add3A_644 = arith.constant 384 : i32
    %add3A_645 = arith.addi %mul3A_643, %add3A_644 : i32
    %run_scoped3A_646 = arith.constant 1 : i32
    "tpu.region"() ({
      %run_scoped3A_660 = tpu.sem_alloc : memref<!tpu.dma_semaphore, #tpu.memory_space<semaphore_mem>>
      %dma_start3A_661 = arith.constant 0 : i32
      %dma_start3A_662 = tpu.memref_slice %arg5[%arg0, %run_scoped3A_646, %add3A_645, %dma_start3A_661] : memref<2x2x10240x64xf32, #tpu.memory_space<hbm>> -> memref<1x1x128x64xf32, #tpu.memory_space<hbm>>
      %dma_start3A_663 = tpu.memref_squeeze %dma_start3A_662 : memref<1x1x128x64xf32, #tpu.memory_space<hbm>> -> memref<128x64xf32, #tpu.memory_space<hbm>>
      %dma_start3A_664 = arith.constant 0 : i32
      %dma_start3A_665 = tpu.memref_slice %arg5[%arg0, %run_scoped3A_646, %add3A_645, %dma_start3A_664] : memref<2x2x10240x64xf32, #tpu.memory_space<hbm>> -> memref<1x1x128x64xf32, #tpu.memory_space<hbm>>
      %dma_start3A_666 = tpu.memref_squeeze %dma_start3A_665 : memref<1x1x128x64xf32, #tpu.memory_space<hbm>> -> memref<128x64xf32, #tpu.memory_space<hbm>>
      tpu.enqueue_dma source(%arg16 : memref<128x64xf32, #tpu.memory_space<vmem>>) target(%dma_start3A_666 : memref<128x64xf32, #tpu.memory_space<hbm>>) target_semaphore(%run_scoped3A_660 : memref<!tpu.dma_semaphore, #tpu.memory_space<semaphore_mem>>)
      %dma_wait3A_667 = arith.constant 0 : i32
      %dma_wait3A_668 = tpu.memref_slice %arg5[%arg0, %run_scoped3A_646, %add3A_645, %dma_wait3A_667] : memref<2x2x10240x64xf32, #tpu.memory_space<hbm>> -> memref<1x1x128x64xf32, #tpu.memory_space<hbm>>
      %dma_wait3A_669 = tpu.memref_squeeze %dma_wait3A_668 : memref<1x1x128x64xf32, #tpu.memory_space<hbm>> -> memref<128x64xf32, #tpu.memory_space<hbm>>
      %dma_wait3A_670 = arith.constant 0 : i32
      %dma_wait3A_671 = tpu.memref_slice %arg5[%arg0, %run_scoped3A_646, %add3A_645, %dma_wait3A_670] : memref<2x2x10240x64xf32, #tpu.memory_space<hbm>> -> memref<1x1x128x64xf32, #tpu.memory_space<hbm>>
      %dma_wait3A_672 = tpu.memref_squeeze %dma_wait3A_671 : memref<1x1x128x64xf32, #tpu.memory_space<hbm>> -> memref<128x64xf32, #tpu.memory_space<hbm>>
      tpu.wait_dma2 semaphore(%run_scoped3A_660 : memref<!tpu.dma_semaphore, #tpu.memory_space<semaphore_mem>>) src(%arg16 : memref<128x64xf32, #tpu.memory_space<vmem>>) dst(%dma_wait3A_672 : memref<128x64xf32, #tpu.memory_space<hbm>>)
      tpu.yield
    }) : () -> ()
    %mul3A_647 = arith.constant 640 : i32
    %mul3A_648 = arith.muli %arg1, %mul3A_647 : i32
    %add3A_649 = arith.constant 512 : i32
    %add3A_650 = arith.addi %mul3A_648, %add3A_649 : i32
    "tpu.region"() ({
      %run_scoped3A_660 = tpu.sem_alloc : memref<!tpu.dma_semaphore, #tpu.memory_space<semaphore_mem>>
      %dma_start3A_661 = arith.constant 0 : i32
      %dma_start3A_662 = tpu.memref_slice %arg18[%add3A_650, %dma_start3A_661] : memref<10240x64xf32, #tpu.memory_space<vmem_shared>> -> memref<128x64xf32, #tpu.memory_space<vmem_shared>>
      %dma_start3A_663 = arith.constant 0 : i32
      %dma_start3A_664 = tpu.memref_slice %arg18[%add3A_650, %dma_start3A_663] : memref<10240x64xf32, #tpu.memory_space<vmem_shared>> -> memref<128x64xf32, #tpu.memory_space<vmem_shared>>
      tpu.enqueue_dma source(%dma_start3A_664 : memref<128x64xf32, #tpu.memory_space<vmem_shared>>) target(%arg16 : memref<128x64xf32, #tpu.memory_space<vmem>>) target_semaphore(%run_scoped3A_660 : memref<!tpu.dma_semaphore, #tpu.memory_space<semaphore_mem>>)
      %dma_wait3A_665 = arith.constant 0 : i32
      %dma_wait3A_666 = tpu.memref_slice %arg18[%add3A_650, %dma_wait3A_665] : memref<10240x64xf32, #tpu.memory_space<vmem_shared>> -> memref<128x64xf32, #tpu.memory_space<vmem_shared>>
      %dma_wait3A_667 = arith.constant 0 : i32
      %dma_wait3A_668 = tpu.memref_slice %arg18[%add3A_650, %dma_wait3A_667] : memref<10240x64xf32, #tpu.memory_space<vmem_shared>> -> memref<128x64xf32, #tpu.memory_space<vmem_shared>>
      tpu.wait_dma2 semaphore(%run_scoped3A_660 : memref<!tpu.dma_semaphore, #tpu.memory_space<semaphore_mem>>) src(%dma_wait3A_668 : memref<128x64xf32, #tpu.memory_space<vmem_shared>>) dst(%arg16 : memref<128x64xf32, #tpu.memory_space<vmem>>)
      tpu.yield
    }) : () -> ()
    %mul3A_651 = arith.constant 640 : i32
    %mul3A_652 = arith.muli %arg1, %mul3A_651 : i32
    %add3A_653 = arith.constant 512 : i32
    %add3A_654 = arith.addi %mul3A_652, %add3A_653 : i32
    %run_scoped3A_655 = arith.constant 1 : i32
    "tpu.region"() ({
      %run_scoped3A_660 = tpu.sem_alloc : memref<!tpu.dma_semaphore, #tpu.memory_space<semaphore_mem>>
      %dma_start3A_661 = arith.constant 0 : i32
      %dma_start3A_662 = tpu.memref_slice %arg5[%arg0, %run_scoped3A_655, %add3A_654, %dma_start3A_661] : memref<2x2x10240x64xf32, #tpu.memory_space<hbm>> -> memref<1x1x128x64xf32, #tpu.memory_space<hbm>>
      %dma_start3A_663 = tpu.memref_squeeze %dma_start3A_662 : memref<1x1x128x64xf32, #tpu.memory_space<hbm>> -> memref<128x64xf32, #tpu.memory_space<hbm>>
      %dma_start3A_664 = arith.constant 0 : i32
      %dma_start3A_665 = tpu.memref_slice %arg5[%arg0, %run_scoped3A_655, %add3A_654, %dma_start3A_664] : memref<2x2x10240x64xf32, #tpu.memory_space<hbm>> -> memref<1x1x128x64xf32, #tpu.memory_space<hbm>>
      %dma_start3A_666 = tpu.memref_squeeze %dma_start3A_665 : memref<1x1x128x64xf32, #tpu.memory_space<hbm>> -> memref<128x64xf32, #tpu.memory_space<hbm>>
      tpu.enqueue_dma source(%arg16 : memref<128x64xf32, #tpu.memory_space<vmem>>) target(%dma_start3A_666 : memref<128x64xf32, #tpu.memory_space<hbm>>) target_semaphore(%run_scoped3A_660 : memref<!tpu.dma_semaphore, #tpu.memory_space<semaphore_mem>>)
      %dma_wait3A_667 = arith.constant 0 : i32
      %dma_wait3A_668 = tpu.memref_slice %arg5[%arg0, %run_scoped3A_655, %add3A_654, %dma_wait3A_667] : memref<2x2x10240x64xf32, #tpu.memory_space<hbm>> -> memref<1x1x128x64xf32, #tpu.memory_space<hbm>>
      %dma_wait3A_669 = tpu.memref_squeeze %dma_wait3A_668 : memref<1x1x128x64xf32, #tpu.memory_space<hbm>> -> memref<128x64xf32, #tpu.memory_space<hbm>>
      %dma_wait3A_670 = arith.constant 0 : i32
      %dma_wait3A_671 = tpu.memref_slice %arg5[%arg0, %run_scoped3A_655, %add3A_654, %dma_wait3A_670] : memref<2x2x10240x64xf32, #tpu.memory_space<hbm>> -> memref<1x1x128x64xf32, #tpu.memory_space<hbm>>
      %dma_wait3A_672 = tpu.memref_squeeze %dma_wait3A_671 : memref<1x1x128x64xf32, #tpu.memory_space<hbm>> -> memref<128x64xf32, #tpu.memory_space<hbm>>
      tpu.wait_dma2 semaphore(%run_scoped3A_660 : memref<!tpu.dma_semaphore, #tpu.memory_space<semaphore_mem>>) src(%arg16 : memref<128x64xf32, #tpu.memory_space<vmem>>) dst(%dma_wait3A_672 : memref<128x64xf32, #tpu.memory_space<hbm>>)
      tpu.yield
    }) : () -> ()
    %mul3A_656 = arith.constant 640 : i32
    %mul3A_657 = arith.muli %arg1, %mul3A_656 : i32
    "tpu.region"() ({
      %run_scoped3A_660 = tpu.sem_alloc : memref<!tpu.dma_semaphore, #tpu.memory_space<semaphore_mem>>
      %dma_start3A_661 = tpu.memref_slice %arg19[%mul3A_657] : memref<10240xf32, #tpu.memory_space<vmem_shared>> -> memref<640xf32, #tpu.memory_space<vmem_shared>>
      %dma_start3A_662 = tpu.memref_slice %arg19[%mul3A_657] : memref<10240xf32, #tpu.memory_space<vmem_shared>> -> memref<640xf32, #tpu.memory_space<vmem_shared>>
      tpu.enqueue_dma source(%dma_start3A_662 : memref<640xf32, #tpu.memory_space<vmem_shared>>) target(%arg17 : memref<640xf32, #tpu.memory_space<vmem>>) target_semaphore(%run_scoped3A_660 : memref<!tpu.dma_semaphore, #tpu.memory_space<semaphore_mem>>)
      %dma_wait3A_663 = tpu.memref_slice %arg19[%mul3A_657] : memref<10240xf32, #tpu.memory_space<vmem_shared>> -> memref<640xf32, #tpu.memory_space<vmem_shared>>
      %dma_wait3A_664 = tpu.memref_slice %arg19[%mul3A_657] : memref<10240xf32, #tpu.memory_space<vmem_shared>> -> memref<640xf32, #tpu.memory_space<vmem_shared>>
      tpu.wait_dma2 semaphore(%run_scoped3A_660 : memref<!tpu.dma_semaphore, #tpu.memory_space<semaphore_mem>>) src(%dma_wait3A_664 : memref<640xf32, #tpu.memory_space<vmem_shared>>) dst(%arg17 : memref<640xf32, #tpu.memory_space<vmem>>)
      tpu.yield
    }) : () -> ()
    %mul3A_658 = arith.constant 640 : i32
    %mul3A_659 = arith.muli %arg1, %mul3A_658 : i32
    "tpu.region"() ({
      %run_scoped3A_660 = tpu.sem_alloc : memref<!tpu.dma_semaphore, #tpu.memory_space<semaphore_mem>>
      %dma_start3A_661 = tpu.memref_slice %arg6[%arg0, %mul3A_659] : memref<2x10240xf32, #tpu.memory_space<hbm>> -> memref<1x640xf32, #tpu.memory_space<hbm>>
      %dma_start3A_662 = tpu.memref_squeeze %dma_start3A_661 : memref<1x640xf32, #tpu.memory_space<hbm>> -> memref<640xf32, #tpu.memory_space<hbm>>
      %dma_start3A_663 = tpu.memref_slice %arg6[%arg0, %mul3A_659] : memref<2x10240xf32, #tpu.memory_space<hbm>> -> memref<1x640xf32, #tpu.memory_space<hbm>>
      %dma_start3A_664 = tpu.memref_squeeze %dma_start3A_663 : memref<1x640xf32, #tpu.memory_space<hbm>> -> memref<640xf32, #tpu.memory_space<hbm>>
      tpu.enqueue_dma source(%arg17 : memref<640xf32, #tpu.memory_space<vmem>>) target(%dma_start3A_664 : memref<640xf32, #tpu.memory_space<hbm>>) target_semaphore(%run_scoped3A_660 : memref<!tpu.dma_semaphore, #tpu.memory_space<semaphore_mem>>)
      %dma_wait3A_665 = tpu.memref_slice %arg6[%arg0, %mul3A_659] : memref<2x10240xf32, #tpu.memory_space<hbm>> -> memref<1x640xf32, #tpu.memory_space<hbm>>
      %dma_wait3A_666 = tpu.memref_squeeze %dma_wait3A_665 : memref<1x640xf32, #tpu.memory_space<hbm>> -> memref<640xf32, #tpu.memory_space<hbm>>
      %dma_wait3A_667 = tpu.memref_slice %arg6[%arg0, %mul3A_659] : memref<2x10240xf32, #tpu.memory_space<hbm>> -> memref<1x640xf32, #tpu.memory_space<hbm>>
      %dma_wait3A_668 = tpu.memref_squeeze %dma_wait3A_667 : memref<1x640xf32, #tpu.memory_space<hbm>> -> memref<640xf32, #tpu.memory_space<hbm>>
      tpu.wait_dma2 semaphore(%run_scoped3A_660 : memref<!tpu.dma_semaphore, #tpu.memory_space<semaphore_mem>>) src(%arg17 : memref<640xf32, #tpu.memory_space<vmem>>) dst(%dma_wait3A_668 : memref<640xf32, #tpu.memory_space<hbm>>)
      tpu.yield
    }) : () -> ()
    return
  }
}

module attributes {stable_mosaic.version = 14 : i64} {
  func.func @_tc_dense_body(%arg0: i32, %arg1: memref<200x128xf32, #tpu.memory_space<vmem>>, %arg2: memref<200x128xf32, #tpu.memory_space<vmem>>, %arg3: memref<200x128xf32, #tpu.memory_space<vmem>>, %arg4: memref<200x1xf32, #tpu.memory_space<vmem>>, %arg5: memref<200x1xf32, #tpu.memory_space<vmem>>, %arg6: memref<200x256xf32, #tpu.memory_space<vmem>>, %arg7: memref<200x256xf32, #tpu.memory_space<vmem>>, %arg8: memref<200x256xf32, #tpu.memory_space<vmem>>, %arg9: memref<128x256xf32, #tpu.memory_space<vmem>>, %arg10: memref<128x256xf32, #tpu.memory_space<vmem>>, %arg11: memref<1x256xf32, #tpu.memory_space<vmem>>, %arg12: memref<128x256xf32, #tpu.memory_space<vmem>>, %arg13: memref<128x256xf32, #tpu.memory_space<vmem>>, %arg14: memref<1x256xf32, #tpu.memory_space<vmem>>, %arg15: memref<256x768xf32, #tpu.memory_space<vmem>>, %arg16: memref<256x768xf32, #tpu.memory_space<vmem>>, %arg17: memref<1x768xf32, #tpu.memory_space<vmem>>, %arg18: memref<1x768xf32, #tpu.memory_space<vmem>>, %arg19: memref<256x768xf32, #tpu.memory_space<vmem>>, %arg20: memref<256x768xf32, #tpu.memory_space<vmem>>, %arg21: memref<1x768xf32, #tpu.memory_space<vmem>>, %arg22: memref<1x768xf32, #tpu.memory_space<vmem>>, %arg23: memref<256x768xf32, #tpu.memory_space<vmem>>, %arg24: memref<256x768xf32, #tpu.memory_space<vmem>>, %arg25: memref<1x768xf32, #tpu.memory_space<vmem>>, %arg26: memref<1x768xf32, #tpu.memory_space<vmem>>, %arg27: memref<200x256xf32, #tpu.memory_space<vmem>>, %arg28: memref<200x256xf32, #tpu.memory_space<vmem>>, %arg29: memref<200x256xf32, #tpu.memory_space<vmem>>) attributes {dimension_semantics = [#tpu.dimension_semantics<arbitrary>], iteration_bounds = array<i64: 50>, scalar_prefetch = 0 : i64, scratch_operands = 0 : i64, tpu.core_type = #tpu.core_type<tc>, window_params = [{transform_indices = @transform_0, window_bounds = array<i64: 200, 128>}, {transform_indices = @transform_1, window_bounds = array<i64: 200, 128>}, {transform_indices = @transform_2, window_bounds = array<i64: 200, 128>}, {transform_indices = @transform_3, window_bounds = array<i64: 200, 1>}, {transform_indices = @transform_4, window_bounds = array<i64: 200, 1>}, {transform_indices = @transform_5, window_bounds = array<i64: 200, 256>}, {transform_indices = @transform_6, window_bounds = array<i64: 200, 256>}, {transform_indices = @transform_7, window_bounds = array<i64: 200, 256>}, {pipeline_mode = #tpu.pipeline_mode<synchronous>, transform_indices = @transform_8, window_bounds = array<i64: 128, 256>}, {pipeline_mode = #tpu.pipeline_mode<synchronous>, transform_indices = @transform_9, window_bounds = array<i64: 128, 256>}, {pipeline_mode = #tpu.pipeline_mode<synchronous>, transform_indices = @transform_10, window_bounds = array<i64: 1, 256>}, {pipeline_mode = #tpu.pipeline_mode<synchronous>, transform_indices = @transform_11, window_bounds = array<i64: 128, 256>}, {pipeline_mode = #tpu.pipeline_mode<synchronous>, transform_indices = @transform_12, window_bounds = array<i64: 128, 256>}, {pipeline_mode = #tpu.pipeline_mode<synchronous>, transform_indices = @transform_13, window_bounds = array<i64: 1, 256>}, {pipeline_mode = #tpu.pipeline_mode<synchronous>, transform_indices = @transform_14, window_bounds = array<i64: 256, 768>}, {pipeline_mode = #tpu.pipeline_mode<synchronous>, transform_indices = @transform_15, window_bounds = array<i64: 256, 768>}, {pipeline_mode = #tpu.pipeline_mode<synchronous>, transform_indices = @transform_16, window_bounds = array<i64: 1, 768>}, {pipeline_mode = #tpu.pipeline_mode<synchronous>, transform_indices = @transform_17, window_bounds = array<i64: 1, 768>}, {pipeline_mode = #tpu.pipeline_mode<synchronous>, transform_indices = @transform_18, window_bounds = array<i64: 256, 768>}, {pipeline_mode = #tpu.pipeline_mode<synchronous>, transform_indices = @transform_19, window_bounds = array<i64: 256, 768>}, {pipeline_mode = #tpu.pipeline_mode<synchronous>, transform_indices = @transform_20, window_bounds = array<i64: 1, 768>}, {pipeline_mode = #tpu.pipeline_mode<synchronous>, transform_indices = @transform_21, window_bounds = array<i64: 1, 768>}, {pipeline_mode = #tpu.pipeline_mode<synchronous>, transform_indices = @transform_22, window_bounds = array<i64: 256, 768>}, {pipeline_mode = #tpu.pipeline_mode<synchronous>, transform_indices = @transform_23, window_bounds = array<i64: 256, 768>}, {pipeline_mode = #tpu.pipeline_mode<synchronous>, transform_indices = @transform_24, window_bounds = array<i64: 1, 768>}, {pipeline_mode = #tpu.pipeline_mode<synchronous>, transform_indices = @transform_25, window_bounds = array<i64: 1, 768>}, {transform_indices = @transform_26, window_bounds = array<i64: 200, 256>}, {transform_indices = @transform_27, window_bounds = array<i64: 200, 256>}, {transform_indices = @transform_28, window_bounds = array<i64: 200, 256>}]} {
    %get3A = arith.constant 0 : index
    %get3A_0 = arith.constant 0 : index
    %get3A_1 = vector.load %arg1[%get3A, %get3A_0] : memref<200x128xf32, #tpu.memory_space<vmem>>, vector<200x128xf32>
    %get3A_2 = arith.constant 0 : index
    %get3A_3 = arith.constant 0 : index
    %get3A_4 = vector.load %arg4[%get3A_2, %get3A_3] : memref<200x1xf32, #tpu.memory_space<vmem>>, vector<200x1xf32>
    %max3A = arith.constant 1.000000e+00 : f32
    %max3A_5 = vector.broadcast %max3A : f32 to vector<200x1xf32>
    %max3A_6 = arith.maximumf %get3A_4, %max3A_5 : vector<200x1xf32>
    %div3A = arith.constant 1.000000e+00 : f32
    %div3A_7 = vector.broadcast %div3A : f32 to vector<200x1xf32>
    %div3A_8 = arith.divf %div3A_7, %max3A_6 : vector<200x1xf32>
    %get3A_9 = arith.constant 0 : index
    %get3A_10 = arith.constant 0 : index
    %get3A_11 = vector.load %arg5[%get3A_9, %get3A_10] : memref<200x1xf32, #tpu.memory_space<vmem>>, vector<200x1xf32>
    %max3A_12 = arith.constant 1.000000e+00 : f32
    %max3A_13 = vector.broadcast %max3A_12 : f32 to vector<200x1xf32>
    %max3A_14 = arith.maximumf %get3A_11, %max3A_13 : vector<200x1xf32>
    %div3A_15 = arith.constant 1.000000e+00 : f32
    %div3A_16 = vector.broadcast %div3A_15 : f32 to vector<200x1xf32>
    %div3A_17 = arith.divf %div3A_16, %max3A_14 : vector<200x1xf32>
    %get3A_18 = arith.constant 0 : index
    %get3A_19 = arith.constant 0 : index
    %get3A_20 = vector.load %arg2[%get3A_18, %get3A_19] : memref<200x128xf32, #tpu.memory_space<vmem>>, vector<200x128xf32>
    %mul3A = vector.broadcast %div3A_8 : vector<200x1xf32> to vector<200x128xf32>
    %mul3A_21 = arith.mulf %get3A_20, %mul3A : vector<200x128xf32>
    %get3A_22 = arith.constant 0 : index
    %get3A_23 = arith.constant 0 : index
    %get3A_24 = vector.load %arg3[%get3A_22, %get3A_23] : memref<200x128xf32, #tpu.memory_space<vmem>>, vector<200x128xf32>
    %mul3A_25 = vector.broadcast %div3A_17 : vector<200x1xf32> to vector<200x128xf32>
    %mul3A_26 = arith.mulf %get3A_24, %mul3A_25 : vector<200x128xf32>
    %get3A_27 = arith.constant 0 : index
    %get3A_28 = arith.constant 0 : index
    %get3A_29 = vector.load %arg9[%get3A_27, %get3A_28] : memref<128x256xf32, #tpu.memory_space<vmem>>, vector<128x256xf32>
    %dot_general3A = arith.constant dense<0.000000e+00> : vector<200x256xf32>
    %dot_general3A_30 = tpu.matmul %mul3A_21, %get3A_29, %dot_general3A {dimension_numbers = #tpu.dot_dimension_numbers<[1], [0], [0], [1], [0, 0, 1, 1], [], []>, transpose_lhs_hint = false} : vector<200x128xf32>, vector<128x256xf32>, vector<200x256xf32> -> vector<200x256xf32>
    %get3A_31 = arith.constant 0 : index
    %get3A_32 = arith.constant 0 : index
    %get3A_33 = vector.load %arg12[%get3A_31, %get3A_32] : memref<128x256xf32, #tpu.memory_space<vmem>>, vector<128x256xf32>
    %dot_general3A_34 = arith.constant dense<0.000000e+00> : vector<200x256xf32>
    %dot_general3A_35 = tpu.matmul %mul3A_26, %get3A_33, %dot_general3A_34 {dimension_numbers = #tpu.dot_dimension_numbers<[1], [0], [0], [1], [0, 0, 1, 1], [], []>, transpose_lhs_hint = false} : vector<200x128xf32>, vector<128x256xf32>, vector<200x256xf32> -> vector<200x256xf32>
    %add3A = arith.addf %dot_general3A_30, %dot_general3A_35 : vector<200x256xf32>
    %get3A_36 = arith.constant 0 : index
    %get3A_37 = arith.constant 0 : index
    %get3A_38 = vector.load %arg10[%get3A_36, %get3A_37] : memref<128x256xf32, #tpu.memory_space<vmem>>, vector<128x256xf32>
    %get3A_39 = arith.constant 0 : index
    %get3A_40 = arith.constant 0 : index
    %get3A_41 = vector.load %arg13[%get3A_39, %get3A_40] : memref<128x256xf32, #tpu.memory_space<vmem>>, vector<128x256xf32>
    %add3A_42 = arith.addf %get3A_38, %get3A_41 : vector<128x256xf32>
    %dot_general3A_43 = arith.constant dense<0.000000e+00> : vector<200x256xf32>
    %dot_general3A_44 = tpu.matmul %get3A_1, %add3A_42, %dot_general3A_43 {dimension_numbers = #tpu.dot_dimension_numbers<[1], [0], [0], [1], [0, 0, 1, 1], [], []>, transpose_lhs_hint = false} : vector<200x128xf32>, vector<128x256xf32>, vector<200x256xf32> -> vector<200x256xf32>
    %add3A_45 = arith.addf %add3A, %dot_general3A_44 : vector<200x256xf32>
    %get3A_46 = arith.constant 0 : index
    %get3A_47 = arith.constant 0 : index
    %get3A_48 = vector.load %arg11[%get3A_46, %get3A_47] : memref<1x256xf32, #tpu.memory_space<vmem>>, vector<1x256xf32>
    %add3A_49 = vector.broadcast %get3A_48 : vector<1x256xf32> to vector<200x256xf32>
    %add3A_50 = arith.addf %add3A_45, %add3A_49 : vector<200x256xf32>
    %get3A_51 = arith.constant 0 : index
    %get3A_52 = arith.constant 0 : index
    %get3A_53 = vector.load %arg14[%get3A_51, %get3A_52] : memref<1x256xf32, #tpu.memory_space<vmem>>, vector<1x256xf32>
    %add3A_54 = vector.broadcast %get3A_53 : vector<1x256xf32> to vector<200x256xf32>
    %add3A_55 = arith.addf %add3A_50, %add3A_54 : vector<200x256xf32>
    %max3A_56 = arith.constant 0.000000e+00 : f32
    %max3A_57 = vector.broadcast %max3A_56 : f32 to vector<200x256xf32>
    %max3A_58 = arith.maximumf %add3A_55, %max3A_57 : vector<200x256xf32>
    %get3A_59 = arith.constant 0 : index
    %get3A_60 = arith.constant 0 : index
    %get3A_61 = vector.load %arg6[%get3A_59, %get3A_60] : memref<200x256xf32, #tpu.memory_space<vmem>>, vector<200x256xf32>
    %get3A_62 = arith.constant 0 : index
    %get3A_63 = arith.constant 0 : index
    %get3A_64 = vector.load %arg15[%get3A_62, %get3A_63] : memref<256x768xf32, #tpu.memory_space<vmem>>, vector<256x768xf32>
    %get3A_65 = arith.constant 0 : index
    %get3A_66 = arith.constant 0 : index
    %get3A_67 = vector.load %arg16[%get3A_65, %get3A_66] : memref<256x768xf32, #tpu.memory_space<vmem>>, vector<256x768xf32>
    %get3A_68 = arith.constant 0 : index
    %get3A_69 = arith.constant 0 : index
    %get3A_70 = vector.load %arg17[%get3A_68, %get3A_69] : memref<1x768xf32, #tpu.memory_space<vmem>>, vector<1x768xf32>
    %get3A_71 = arith.constant 0 : index
    %get3A_72 = arith.constant 0 : index
    %get3A_73 = vector.load %arg18[%get3A_71, %get3A_72] : memref<1x768xf32, #tpu.memory_space<vmem>>, vector<1x768xf32>
    %dot_general3A_74 = arith.constant dense<0.000000e+00> : vector<200x768xf32>
    %dot_general3A_75 = tpu.matmul %max3A_58, %get3A_64, %dot_general3A_74 {dimension_numbers = #tpu.dot_dimension_numbers<[1], [0], [0], [1], [0, 0, 1, 1], [], []>, transpose_lhs_hint = false} : vector<200x256xf32>, vector<256x768xf32>, vector<200x768xf32> -> vector<200x768xf32>
    %add3A_76 = vector.broadcast %get3A_70 : vector<1x768xf32> to vector<200x768xf32>
    %add3A_77 = arith.addf %dot_general3A_75, %add3A_76 : vector<200x768xf32>
    %dot_general3A_78 = arith.constant dense<0.000000e+00> : vector<200x768xf32>
    %dot_general3A_79 = tpu.matmul %get3A_61, %get3A_67, %dot_general3A_78 {dimension_numbers = #tpu.dot_dimension_numbers<[1], [0], [0], [1], [0, 0, 1, 1], [], []>, transpose_lhs_hint = false} : vector<200x256xf32>, vector<256x768xf32>, vector<200x768xf32> -> vector<200x768xf32>
    %add3A_80 = vector.broadcast %get3A_73 : vector<1x768xf32> to vector<200x768xf32>
    %add3A_81 = arith.addf %dot_general3A_79, %add3A_80 : vector<200x768xf32>
    %slice3A = vector.extract_strided_slice %add3A_77 {offsets = [0, 0], sizes = [200, 256], strides = [1, 1]} : vector<200x768xf32> to vector<200x256xf32>
    %slice3A_82 = vector.extract_strided_slice %add3A_81 {offsets = [0, 0], sizes = [200, 256], strides = [1, 1]} : vector<200x768xf32> to vector<200x256xf32>
    %add3A_83 = arith.addf %slice3A, %slice3A_82 : vector<200x256xf32>
    %logistic3A = arith.negf %add3A_83 : vector<200x256xf32>
    %logistic3A_84 = math.exp %logistic3A : vector<200x256xf32>
    %logistic3A_85 = arith.constant 1.000000e+00 : f32
    %logistic3A_86 = vector.broadcast %logistic3A_85 : f32 to vector<200x256xf32>
    %logistic3A_87 = arith.addf %logistic3A_86, %logistic3A_84 : vector<200x256xf32>
    %logistic3A_88 = arith.divf %logistic3A_86, %logistic3A_87 : vector<200x256xf32>
    %slice3A_89 = vector.extract_strided_slice %add3A_77 {offsets = [0, 256], sizes = [200, 256], strides = [1, 1]} : vector<200x768xf32> to vector<200x256xf32>
    %slice3A_90 = vector.extract_strided_slice %add3A_81 {offsets = [0, 256], sizes = [200, 256], strides = [1, 1]} : vector<200x768xf32> to vector<200x256xf32>
    %add3A_91 = arith.addf %slice3A_89, %slice3A_90 : vector<200x256xf32>
    %logistic3A_92 = arith.negf %add3A_91 : vector<200x256xf32>
    %logistic3A_93 = math.exp %logistic3A_92 : vector<200x256xf32>
    %logistic3A_94 = arith.constant 1.000000e+00 : f32
    %logistic3A_95 = vector.broadcast %logistic3A_94 : f32 to vector<200x256xf32>
    %logistic3A_96 = arith.addf %logistic3A_95, %logistic3A_93 : vector<200x256xf32>
    %logistic3A_97 = arith.divf %logistic3A_95, %logistic3A_96 : vector<200x256xf32>
    %slice3A_98 = vector.extract_strided_slice %add3A_77 {offsets = [0, 512], sizes = [200, 256], strides = [1, 1]} : vector<200x768xf32> to vector<200x256xf32>
    %slice3A_99 = vector.extract_strided_slice %add3A_81 {offsets = [0, 512], sizes = [200, 256], strides = [1, 1]} : vector<200x768xf32> to vector<200x256xf32>
    %mul3A_100 = arith.mulf %logistic3A_88, %slice3A_99 : vector<200x256xf32>
    %add3A_101 = arith.addf %slice3A_98, %mul3A_100 : vector<200x256xf32>
    %tanh3A = math.tanh %add3A_101 : vector<200x256xf32>
    %sub3A = arith.constant 1.000000e+00 : f32
    %sub3A_102 = vector.broadcast %sub3A : f32 to vector<200x256xf32>
    %sub3A_103 = arith.subf %sub3A_102, %logistic3A_97 : vector<200x256xf32>
    %mul3A_104 = arith.mulf %sub3A_103, %tanh3A : vector<200x256xf32>
    %mul3A_105 = arith.mulf %logistic3A_97, %get3A_61 : vector<200x256xf32>
    %add3A_106 = arith.addf %mul3A_104, %mul3A_105 : vector<200x256xf32>
    %get3A_107 = arith.constant 0 : index
    %get3A_108 = arith.constant 0 : index
    %get3A_109 = vector.load %arg7[%get3A_107, %get3A_108] : memref<200x256xf32, #tpu.memory_space<vmem>>, vector<200x256xf32>
    %get3A_110 = arith.constant 0 : index
    %get3A_111 = arith.constant 0 : index
    %get3A_112 = vector.load %arg19[%get3A_110, %get3A_111] : memref<256x768xf32, #tpu.memory_space<vmem>>, vector<256x768xf32>
    %get3A_113 = arith.constant 0 : index
    %get3A_114 = arith.constant 0 : index
    %get3A_115 = vector.load %arg20[%get3A_113, %get3A_114] : memref<256x768xf32, #tpu.memory_space<vmem>>, vector<256x768xf32>
    %get3A_116 = arith.constant 0 : index
    %get3A_117 = arith.constant 0 : index
    %get3A_118 = vector.load %arg21[%get3A_116, %get3A_117] : memref<1x768xf32, #tpu.memory_space<vmem>>, vector<1x768xf32>
    %get3A_119 = arith.constant 0 : index
    %get3A_120 = arith.constant 0 : index
    %get3A_121 = vector.load %arg22[%get3A_119, %get3A_120] : memref<1x768xf32, #tpu.memory_space<vmem>>, vector<1x768xf32>
    %dot_general3A_122 = arith.constant dense<0.000000e+00> : vector<200x768xf32>
    %dot_general3A_123 = tpu.matmul %add3A_106, %get3A_112, %dot_general3A_122 {dimension_numbers = #tpu.dot_dimension_numbers<[1], [0], [0], [1], [0, 0, 1, 1], [], []>, transpose_lhs_hint = false} : vector<200x256xf32>, vector<256x768xf32>, vector<200x768xf32> -> vector<200x768xf32>
    %add3A_124 = vector.broadcast %get3A_118 : vector<1x768xf32> to vector<200x768xf32>
    %add3A_125 = arith.addf %dot_general3A_123, %add3A_124 : vector<200x768xf32>
    %dot_general3A_126 = arith.constant dense<0.000000e+00> : vector<200x768xf32>
    %dot_general3A_127 = tpu.matmul %get3A_109, %get3A_115, %dot_general3A_126 {dimension_numbers = #tpu.dot_dimension_numbers<[1], [0], [0], [1], [0, 0, 1, 1], [], []>, transpose_lhs_hint = false} : vector<200x256xf32>, vector<256x768xf32>, vector<200x768xf32> -> vector<200x768xf32>
    %add3A_128 = vector.broadcast %get3A_121 : vector<1x768xf32> to vector<200x768xf32>
    %add3A_129 = arith.addf %dot_general3A_127, %add3A_128 : vector<200x768xf32>
    %slice3A_130 = vector.extract_strided_slice %add3A_125 {offsets = [0, 0], sizes = [200, 256], strides = [1, 1]} : vector<200x768xf32> to vector<200x256xf32>
    %slice3A_131 = vector.extract_strided_slice %add3A_129 {offsets = [0, 0], sizes = [200, 256], strides = [1, 1]} : vector<200x768xf32> to vector<200x256xf32>
    %add3A_132 = arith.addf %slice3A_130, %slice3A_131 : vector<200x256xf32>
    %logistic3A_133 = arith.negf %add3A_132 : vector<200x256xf32>
    %logistic3A_134 = math.exp %logistic3A_133 : vector<200x256xf32>
    %logistic3A_135 = arith.constant 1.000000e+00 : f32
    %logistic3A_136 = vector.broadcast %logistic3A_135 : f32 to vector<200x256xf32>
    %logistic3A_137 = arith.addf %logistic3A_136, %logistic3A_134 : vector<200x256xf32>
    %logistic3A_138 = arith.divf %logistic3A_136, %logistic3A_137 : vector<200x256xf32>
    %slice3A_139 = vector.extract_strided_slice %add3A_125 {offsets = [0, 256], sizes = [200, 256], strides = [1, 1]} : vector<200x768xf32> to vector<200x256xf32>
    %slice3A_140 = vector.extract_strided_slice %add3A_129 {offsets = [0, 256], sizes = [200, 256], strides = [1, 1]} : vector<200x768xf32> to vector<200x256xf32>
    %add3A_141 = arith.addf %slice3A_139, %slice3A_140 : vector<200x256xf32>
    %logistic3A_142 = arith.negf %add3A_141 : vector<200x256xf32>
    %logistic3A_143 = math.exp %logistic3A_142 : vector<200x256xf32>
    %logistic3A_144 = arith.constant 1.000000e+00 : f32
    %logistic3A_145 = vector.broadcast %logistic3A_144 : f32 to vector<200x256xf32>
    %logistic3A_146 = arith.addf %logistic3A_145, %logistic3A_143 : vector<200x256xf32>
    %logistic3A_147 = arith.divf %logistic3A_145, %logistic3A_146 : vector<200x256xf32>
    %slice3A_148 = vector.extract_strided_slice %add3A_125 {offsets = [0, 512], sizes = [200, 256], strides = [1, 1]} : vector<200x768xf32> to vector<200x256xf32>
    %slice3A_149 = vector.extract_strided_slice %add3A_129 {offsets = [0, 512], sizes = [200, 256], strides = [1, 1]} : vector<200x768xf32> to vector<200x256xf32>
    %mul3A_150 = arith.mulf %logistic3A_138, %slice3A_149 : vector<200x256xf32>
    %add3A_151 = arith.addf %slice3A_148, %mul3A_150 : vector<200x256xf32>
    %tanh3A_152 = math.tanh %add3A_151 : vector<200x256xf32>
    %sub3A_153 = arith.constant 1.000000e+00 : f32
    %sub3A_154 = vector.broadcast %sub3A_153 : f32 to vector<200x256xf32>
    %sub3A_155 = arith.subf %sub3A_154, %logistic3A_147 : vector<200x256xf32>
    %mul3A_156 = arith.mulf %sub3A_155, %tanh3A_152 : vector<200x256xf32>
    %mul3A_157 = arith.mulf %logistic3A_147, %get3A_109 : vector<200x256xf32>
    %add3A_158 = arith.addf %mul3A_156, %mul3A_157 : vector<200x256xf32>
    %get3A_159 = arith.constant 0 : index
    %get3A_160 = arith.constant 0 : index
    %get3A_161 = vector.load %arg8[%get3A_159, %get3A_160] : memref<200x256xf32, #tpu.memory_space<vmem>>, vector<200x256xf32>
    %get3A_162 = arith.constant 0 : index
    %get3A_163 = arith.constant 0 : index
    %get3A_164 = vector.load %arg23[%get3A_162, %get3A_163] : memref<256x768xf32, #tpu.memory_space<vmem>>, vector<256x768xf32>
    %get3A_165 = arith.constant 0 : index
    %get3A_166 = arith.constant 0 : index
    %get3A_167 = vector.load %arg24[%get3A_165, %get3A_166] : memref<256x768xf32, #tpu.memory_space<vmem>>, vector<256x768xf32>
    %get3A_168 = arith.constant 0 : index
    %get3A_169 = arith.constant 0 : index
    %get3A_170 = vector.load %arg25[%get3A_168, %get3A_169] : memref<1x768xf32, #tpu.memory_space<vmem>>, vector<1x768xf32>
    %get3A_171 = arith.constant 0 : index
    %get3A_172 = arith.constant 0 : index
    %get3A_173 = vector.load %arg26[%get3A_171, %get3A_172] : memref<1x768xf32, #tpu.memory_space<vmem>>, vector<1x768xf32>
    %dot_general3A_174 = arith.constant dense<0.000000e+00> : vector<200x768xf32>
    %dot_general3A_175 = tpu.matmul %add3A_158, %get3A_164, %dot_general3A_174 {dimension_numbers = #tpu.dot_dimension_numbers<[1], [0], [0], [1], [0, 0, 1, 1], [], []>, transpose_lhs_hint = false} : vector<200x256xf32>, vector<256x768xf32>, vector<200x768xf32> -> vector<200x768xf32>
    %add3A_176 = vector.broadcast %get3A_170 : vector<1x768xf32> to vector<200x768xf32>
    %add3A_177 = arith.addf %dot_general3A_175, %add3A_176 : vector<200x768xf32>
    %dot_general3A_178 = arith.constant dense<0.000000e+00> : vector<200x768xf32>
    %dot_general3A_179 = tpu.matmul %get3A_161, %get3A_167, %dot_general3A_178 {dimension_numbers = #tpu.dot_dimension_numbers<[1], [0], [0], [1], [0, 0, 1, 1], [], []>, transpose_lhs_hint = false} : vector<200x256xf32>, vector<256x768xf32>, vector<200x768xf32> -> vector<200x768xf32>
    %add3A_180 = vector.broadcast %get3A_173 : vector<1x768xf32> to vector<200x768xf32>
    %add3A_181 = arith.addf %dot_general3A_179, %add3A_180 : vector<200x768xf32>
    %slice3A_182 = vector.extract_strided_slice %add3A_177 {offsets = [0, 0], sizes = [200, 256], strides = [1, 1]} : vector<200x768xf32> to vector<200x256xf32>
    %slice3A_183 = vector.extract_strided_slice %add3A_181 {offsets = [0, 0], sizes = [200, 256], strides = [1, 1]} : vector<200x768xf32> to vector<200x256xf32>
    %add3A_184 = arith.addf %slice3A_182, %slice3A_183 : vector<200x256xf32>
    %logistic3A_185 = arith.negf %add3A_184 : vector<200x256xf32>
    %logistic3A_186 = math.exp %logistic3A_185 : vector<200x256xf32>
    %logistic3A_187 = arith.constant 1.000000e+00 : f32
    %logistic3A_188 = vector.broadcast %logistic3A_187 : f32 to vector<200x256xf32>
    %logistic3A_189 = arith.addf %logistic3A_188, %logistic3A_186 : vector<200x256xf32>
    %logistic3A_190 = arith.divf %logistic3A_188, %logistic3A_189 : vector<200x256xf32>
    %slice3A_191 = vector.extract_strided_slice %add3A_177 {offsets = [0, 256], sizes = [200, 256], strides = [1, 1]} : vector<200x768xf32> to vector<200x256xf32>
    %slice3A_192 = vector.extract_strided_slice %add3A_181 {offsets = [0, 256], sizes = [200, 256], strides = [1, 1]} : vector<200x768xf32> to vector<200x256xf32>
    %add3A_193 = arith.addf %slice3A_191, %slice3A_192 : vector<200x256xf32>
    %logistic3A_194 = arith.negf %add3A_193 : vector<200x256xf32>
    %logistic3A_195 = math.exp %logistic3A_194 : vector<200x256xf32>
    %logistic3A_196 = arith.constant 1.000000e+00 : f32
    %logistic3A_197 = vector.broadcast %logistic3A_196 : f32 to vector<200x256xf32>
    %logistic3A_198 = arith.addf %logistic3A_197, %logistic3A_195 : vector<200x256xf32>
    %logistic3A_199 = arith.divf %logistic3A_197, %logistic3A_198 : vector<200x256xf32>
    %slice3A_200 = vector.extract_strided_slice %add3A_177 {offsets = [0, 512], sizes = [200, 256], strides = [1, 1]} : vector<200x768xf32> to vector<200x256xf32>
    %slice3A_201 = vector.extract_strided_slice %add3A_181 {offsets = [0, 512], sizes = [200, 256], strides = [1, 1]} : vector<200x768xf32> to vector<200x256xf32>
    %mul3A_202 = arith.mulf %logistic3A_190, %slice3A_201 : vector<200x256xf32>
    %add3A_203 = arith.addf %slice3A_200, %mul3A_202 : vector<200x256xf32>
    %tanh3A_204 = math.tanh %add3A_203 : vector<200x256xf32>
    %sub3A_205 = arith.constant 1.000000e+00 : f32
    %sub3A_206 = vector.broadcast %sub3A_205 : f32 to vector<200x256xf32>
    %sub3A_207 = arith.subf %sub3A_206, %logistic3A_199 : vector<200x256xf32>
    %mul3A_208 = arith.mulf %sub3A_207, %tanh3A_204 : vector<200x256xf32>
    %mul3A_209 = arith.mulf %logistic3A_199, %get3A_161 : vector<200x256xf32>
    %add3A_210 = arith.addf %mul3A_208, %mul3A_209 : vector<200x256xf32>
    %swap3A = arith.constant 0 : index
    %swap3A_211 = arith.constant 0 : index
    %swap3A_212 = vector.load %arg27[%swap3A, %swap3A_211] : memref<200x256xf32, #tpu.memory_space<vmem>>, vector<200x256xf32>
    tpu.vector_store %arg27[%swap3A, %swap3A_211], %add3A_106 {strides = array<i32>} : memref<200x256xf32, #tpu.memory_space<vmem>>, vector<200x256xf32>,
    %swap3A_213 = arith.constant 0 : index
    %swap3A_214 = arith.constant 0 : index
    %swap3A_215 = vector.load %arg28[%swap3A_213, %swap3A_214] : memref<200x256xf32, #tpu.memory_space<vmem>>, vector<200x256xf32>
    tpu.vector_store %arg28[%swap3A_213, %swap3A_214], %add3A_158 {strides = array<i32>} : memref<200x256xf32, #tpu.memory_space<vmem>>, vector<200x256xf32>,
    %swap3A_216 = arith.constant 0 : index
    %swap3A_217 = arith.constant 0 : index
    %swap3A_218 = vector.load %arg29[%swap3A_216, %swap3A_217] : memref<200x256xf32, #tpu.memory_space<vmem>>, vector<200x256xf32>
    tpu.vector_store %arg29[%swap3A_216, %swap3A_217], %add3A_210 {strides = array<i32>} : memref<200x256xf32, #tpu.memory_space<vmem>>, vector<200x256xf32>,
    return
  }
  func.func @transform_0(%arg0: i32) -> (i32, i32) {
    %c0_i32 = arith.constant 0 : i32
    %c0_i32_0 = arith.constant 0 : i32
    return %arg0, %c0_i32 : i32, i32
  }
  func.func @transform_1(%arg0: i32) -> (i32, i32) {
    %c0_i32 = arith.constant 0 : i32
    %c0_i32_0 = arith.constant 0 : i32
    return %arg0, %c0_i32 : i32, i32
  }
  func.func @transform_2(%arg0: i32) -> (i32, i32) {
    %c0_i32 = arith.constant 0 : i32
    %c0_i32_0 = arith.constant 0 : i32
    return %arg0, %c0_i32 : i32, i32
  }
  func.func @transform_3(%arg0: i32) -> (i32, i32) {
    %c0_i32 = arith.constant 0 : i32
    %c0_i32_0 = arith.constant 0 : i32
    return %arg0, %c0_i32 : i32, i32
  }
  func.func @transform_4(%arg0: i32) -> (i32, i32) {
    %c0_i32 = arith.constant 0 : i32
    %c0_i32_0 = arith.constant 0 : i32
    return %arg0, %c0_i32 : i32, i32
  }
  func.func @transform_5(%arg0: i32) -> (i32, i32) {
    %c0_i32 = arith.constant 0 : i32
    %c0_i32_0 = arith.constant 0 : i32
    return %arg0, %c0_i32 : i32, i32
  }
  func.func @transform_6(%arg0: i32) -> (i32, i32) {
    %c0_i32 = arith.constant 0 : i32
    %c0_i32_0 = arith.constant 0 : i32
    return %arg0, %c0_i32 : i32, i32
  }
  func.func @transform_7(%arg0: i32) -> (i32, i32) {
    %c0_i32 = arith.constant 0 : i32
    %c0_i32_0 = arith.constant 0 : i32
    return %arg0, %c0_i32 : i32, i32
  }
  func.func @transform_8(%arg0: i32) -> (i32, i32) {
    %c0_i32 = arith.constant 0 : i32
    %c0_i32_0 = arith.constant 0 : i32
    %c0_i32_1 = arith.constant 0 : i32
    return %c0_i32, %c0_i32_0 : i32, i32
  }
  func.func @transform_9(%arg0: i32) -> (i32, i32) {
    %c0_i32 = arith.constant 0 : i32
    %c0_i32_0 = arith.constant 0 : i32
    %c0_i32_1 = arith.constant 0 : i32
    return %c0_i32, %c0_i32_0 : i32, i32
  }
  func.func @transform_10(%arg0: i32) -> (i32, i32) {
    %c0_i32 = arith.constant 0 : i32
    %c0_i32_0 = arith.constant 0 : i32
    %c0_i32_1 = arith.constant 0 : i32
    return %c0_i32, %c0_i32_0 : i32, i32
  }
  func.func @transform_11(%arg0: i32) -> (i32, i32) {
    %c0_i32 = arith.constant 0 : i32
    %c0_i32_0 = arith.constant 0 : i32
    %c0_i32_1 = arith.constant 0 : i32
    return %c0_i32, %c0_i32_0 : i32, i32
  }
  func.func @transform_12(%arg0: i32) -> (i32, i32) {
    %c0_i32 = arith.constant 0 : i32
    %c0_i32_0 = arith.constant 0 : i32
    %c0_i32_1 = arith.constant 0 : i32
    return %c0_i32, %c0_i32_0 : i32, i32
  }
  func.func @transform_13(%arg0: i32) -> (i32, i32) {
    %c0_i32 = arith.constant 0 : i32
    %c0_i32_0 = arith.constant 0 : i32
    %c0_i32_1 = arith.constant 0 : i32
    return %c0_i32, %c0_i32_0 : i32, i32
  }
  func.func @transform_14(%arg0: i32) -> (i32, i32) {
    %c0_i32 = arith.constant 0 : i32
    %c0_i32_0 = arith.constant 0 : i32
    %c0_i32_1 = arith.constant 0 : i32
    return %c0_i32, %c0_i32_0 : i32, i32
  }
  func.func @transform_15(%arg0: i32) -> (i32, i32) {
    %c0_i32 = arith.constant 0 : i32
    %c0_i32_0 = arith.constant 0 : i32
    %c0_i32_1 = arith.constant 0 : i32
    return %c0_i32, %c0_i32_0 : i32, i32
  }
  func.func @transform_16(%arg0: i32) -> (i32, i32) {
    %c0_i32 = arith.constant 0 : i32
    %c0_i32_0 = arith.constant 0 : i32
    %c0_i32_1 = arith.constant 0 : i32
    return %c0_i32, %c0_i32_0 : i32, i32
  }
  func.func @transform_17(%arg0: i32) -> (i32, i32) {
    %c0_i32 = arith.constant 0 : i32
    %c0_i32_0 = arith.constant 0 : i32
    %c0_i32_1 = arith.constant 0 : i32
    return %c0_i32, %c0_i32_0 : i32, i32
  }
  func.func @transform_18(%arg0: i32) -> (i32, i32) {
    %c0_i32 = arith.constant 0 : i32
    %c0_i32_0 = arith.constant 0 : i32
    %c0_i32_1 = arith.constant 0 : i32
    return %c0_i32, %c0_i32_0 : i32, i32
  }
  func.func @transform_19(%arg0: i32) -> (i32, i32) {
    %c0_i32 = arith.constant 0 : i32
    %c0_i32_0 = arith.constant 0 : i32
    %c0_i32_1 = arith.constant 0 : i32
    return %c0_i32, %c0_i32_0 : i32, i32
  }
  func.func @transform_20(%arg0: i32) -> (i32, i32) {
    %c0_i32 = arith.constant 0 : i32
    %c0_i32_0 = arith.constant 0 : i32
    %c0_i32_1 = arith.constant 0 : i32
    return %c0_i32, %c0_i32_0 : i32, i32
  }
  func.func @transform_21(%arg0: i32) -> (i32, i32) {
    %c0_i32 = arith.constant 0 : i32
    %c0_i32_0 = arith.constant 0 : i32
    %c0_i32_1 = arith.constant 0 : i32
    return %c0_i32, %c0_i32_0 : i32, i32
  }
  func.func @transform_22(%arg0: i32) -> (i32, i32) {
    %c0_i32 = arith.constant 0 : i32
    %c0_i32_0 = arith.constant 0 : i32
    %c0_i32_1 = arith.constant 0 : i32
    return %c0_i32, %c0_i32_0 : i32, i32
  }
  func.func @transform_23(%arg0: i32) -> (i32, i32) {
    %c0_i32 = arith.constant 0 : i32
    %c0_i32_0 = arith.constant 0 : i32
    %c0_i32_1 = arith.constant 0 : i32
    return %c0_i32, %c0_i32_0 : i32, i32
  }
  func.func @transform_24(%arg0: i32) -> (i32, i32) {
    %c0_i32 = arith.constant 0 : i32
    %c0_i32_0 = arith.constant 0 : i32
    %c0_i32_1 = arith.constant 0 : i32
    return %c0_i32, %c0_i32_0 : i32, i32
  }
  func.func @transform_25(%arg0: i32) -> (i32, i32) {
    %c0_i32 = arith.constant 0 : i32
    %c0_i32_0 = arith.constant 0 : i32
    %c0_i32_1 = arith.constant 0 : i32
    return %c0_i32, %c0_i32_0 : i32, i32
  }
  func.func @transform_26(%arg0: i32) -> (i32, i32) {
    %c0_i32 = arith.constant 0 : i32
    %c0_i32_0 = arith.constant 0 : i32
    return %arg0, %c0_i32 : i32, i32
  }
  func.func @transform_27(%arg0: i32) -> (i32, i32) {
    %c0_i32 = arith.constant 0 : i32
    %c0_i32_0 = arith.constant 0 : i32
    return %arg0, %c0_i32 : i32, i32
  }
  func.func @transform_28(%arg0: i32) -> (i32, i32) {
    %c0_i32 = arith.constant 0 : i32
    %c0_i32_0 = arith.constant 0 : i32
    return %arg0, %c0_i32 : i32, i32
  }
}

</mosaic_0001>

<sc_bundles>
// kernel: kernel.4.cloned.1.call-start
scs
__scs_entry_jumppad:
0x0: {  	(pc) =	sbr.rel $0x88, $3  }
0x1: {  	(tag) =	ssettag $0x0;
	lr =	simm.s32 $0x1  }
0x2: {  	[smem:$0x3F89] =	sst lr;
	_ =	strace $0xD0000000  }
0x3: {  	_ = 	snop  }
0x4: {  	_ = 	snop  }
0x5: {  	_ = 	snop  }
0x6: {  	_ = 	snop  }
0x7: {  	_ = 	snop  }
__scs_overlays_trampoline_lowered:
0x8: {  	[smem:$0x3F98] =	sst s0  }
0x9: {  	[smem:$0x3F99] =	sst s1  }
0xa: {  	[smem:$0x3F9A] =	sst s2  }
0xb: {  	[smem:$0x3F9B] =	sst s3  }
0xc: {  	[smem:$0x3F9C] =	sst s4  }
0xd: {  	[smem:$0x3F9D] =	sst s5  }
0xe: {  	[smem:$0x3F9E] =	sst s6  }
0xf: {  	[smem:$0x3F9F] =	sst s7  }
0x10: {  	[smem:$0x3FA0] =	sst s8  }
0x11: {  	[smem:$0x3FA1] =	sst s9;
	s0 =	simm.s32 @!p0 $0x0  }
0x12: {  	s1 =	sld [smem:$0x3F87];
	s0 =	simm.s32 @p0 $0x1  }
0x13: {  	[smem:$0x3FA2] =	sst s0;
	s0 =	simm.s32 @!p1 $0x0  }
0x14: {  	s2 =	sld [smem:$0x3F86];
	s0 =	simm.s32 @p1 $0x1  }
0x15: {  	[smem:$0x3FA3] =	sst s0;
	s0 =	simm.s32 @!p2 $0x0  }
0x16: {  	s3 =	sld [smem:$0x3FDB];
	s0 =	simm.s32 @p2 $0x1  }
0x17: {  	s4 =	simm.s32 $0x1BF5;
	[smem:$0x3FA5] =	sst s0  }
0x18: {  	s0 =	sld [smem:$0x3F88];
	_ =	swait.ge [sflag:s4], $0x0  }
0x19: {  	s7 =	sld [smem:$0x3F89]  }
0x1a: {  	s8 =	sadd.s32 $0xFFFFE003, lr  }
0x1b: {  	s9 =	sadd.s32 $0xFFFFFEF7, lr;
	s5 =	simm.s32 $0xFFFFFFFF;
	p2 =	slt.u32 s8, $0xFFFFF086  }
0x1c: {  	p1 =	slt.u32 s9, $0xF7A;
	s5 =	simm.s32 @!p2 $0x0  }
0x1d: {  	s5 =	simm.s32 @p1 $0x1;
	p0 =	seq.s32 s7, s2  }
0x1e: {  	s7 =	smul.u32 @!p0 $0xF7A, s2;
	p2 =	seq.s32 @!p0 s5, $0x0  }
0x1f: {  	s9 =	smul.u32 $0xF7A, s1;
	s8 =	simm.s32 @!p0 $0x1BF5;
	p2 =	por !p2, p0  }
0x20: {  	[sflag:s8] =	ssyncset.s32 @!p0 $0xFFFFF086;
	s6 =	sadd.s32 @!p0 s3, s7;
	s7 =	simm.s32 @!p0 $0x108  }
0x21: {  	s3 =	sadd.s32 s3, s9;
	s6 =	sadd.s32 @!p0 $0x88, s6;
	s7 =	simm.s32 @p2 $0x1082  }
0x22: {  	[simem:s7], [sflag:s8] =	dma.local @!p0 [hbm:s6], $0xF7A  }
0x23: {  	s9 =	sor.u32 $0xD0000000, s2;
	s6 =	simm.s32 $0x108;
	_ =	swait.ge @!p0 [sflag:s8], $0x0  }
0x24: {  	s3 =	sadd.s32 $0x88, s3;
	s6 =	simm.s32 @!p1 $0x1082;
	[sflag:s4] =	ssyncset.s32 $0xFFFFF086  }
0x25: {  	[simem:s6], [sflag:s4] =	dma.local [hbm:s3], $0xF7A  }
0x26: {  	[smem:$0x3F89] =	sst s1;
	(tag) =	ssettag s2;
	_ =	strace s9  }
0x27: {  	s1 =	sld [smem:$0x3F99]  }
0x28: {  	s2 =	sld [smem:$0x3F9A]  }
0x29: {  	s4 =	sld [smem:$0x3F9C]  }
0x2a: {  	p0 =	seq.s32 s5, $0x0;
	s5 =	sld [smem:$0x3F9D]  }
0x2b: {  	s6 =	sld [smem:$0x3F9E]  }
0x2c: {  	s7 =	sld [smem:$0x3F9F]  }
0x2d: {  	s3 =	simm.s32 $0x108;
	s8 =	sld [smem:$0x3FA0]  }
0x2e: {  	s3 =	simm.s32 @!p0 $0x1082;
	s9 =	sld [smem:$0x3FA1]  }
0x2f: {  	lr =	sadd.s32 s0, s3;
	s0 =	sld [smem:$0x3F98]  }
0x30: {  	s3 =	sld [smem:$0x3F9B]  }
0x31: {  	[smem:$0x3FA4] =	sst s10  }
0x32: {  	s10 =	sld [smem:$0x3FA2];
	_ =	sdelay $0x3  }
0x33: {  	p0 =	seq.s32 s10, $0x1;
	s10 =	sld [smem:$0x3FA4];
	_ =	sdelay $0x3  }
0x34: {  	[smem:$0x3FA4] =	sst s10  }
0x35: {  	s10 =	sld [smem:$0x3FA3];
	_ =	sdelay $0x3  }
0x36: {  	p1 =	seq.s32 s10, $0x1;
	s10 =	sld [smem:$0x3FA4];
	_ =	sdelay $0x3  }
0x37: {  	[smem:$0x3FA4] =	sst s10  }
0x38: {  	s10 =	sld [smem:$0x3FA5]  }
0x39: {  	_ = 	snop;
	(pc) =	sbr.ind lr, $3  }
0x3a: {  	_ = 	snop  }
0x3b: {  	_ = 	snop  }
0x3c: {  	p2 =	seq.s32 s10, $0x1;
	s10 =	sld [smem:$0x3FA4]  }
0x3d: {  	_ =	shalt  }
0x3e: {  	_ =	shalt  }
0x3f: {  	_ =	shalt  }
0x40: {  	_ =	shalt  }
0x41: {  	_ =	shalt  }
0x42: {  	_ =	shalt  }
0x43: {  	_ =	shalt  }
0x44: {  	_ =	shalt  }
0x45: {  	_ =	shalt  }
0x46: {  	_ =	shalt  }
0x47: {  	_ =	shalt  }
0x48: {  	_ =	shalt  }
0x49: {  	_ =	shalt  }
0x4a: {  	_ =	shalt  }
0x4b: {  	_ =	shalt  }
0x4c: {  	_ =	shalt  }
0x4d: {  	_ =	shalt  }
0x4e: {  	_ =	shalt  }
0x4f: {  	_ =	shalt  }
0x50: {  	_ =	shalt  }
0x51: {  	_ =	shalt  }
0x52: {  	_ =	shalt  }
0x53: {  	_ =	shalt  }
0x54: {  	_ =	shalt  }
0x55: {  	_ =	shalt  }
0x56: {  	_ =	shalt  }
0x57: {  	_ =	shalt  }
0x58: {  	_ =	shalt  }
0x59: {  	_ =	shalt  }
0x5a: {  	_ =	shalt  }
0x5b: {  	_ =	shalt  }
0x5c: {  	_ =	shalt  }
0x5d: {  	_ =	shalt  }
0x5e: {  	_ =	shalt  }
0x5f: {  	_ =	shalt  }
0x60: {  	_ =	shalt  }
0x61: {  	_ =	shalt  }
0x62: {  	_ =	shalt  }
0x63: {  	_ =	shalt  }
0x64: {  	_ =	shalt  }
0x65: {  	_ =	shalt  }
0x66: {  	_ =	shalt  }
0x67: {  	_ =	shalt  }
0x68: {  	_ =	shalt  }
0x69: {  	_ =	shalt  }
0x6a: {  	_ =	shalt  }
0x6b: {  	_ =	shalt  }
0x6c: {  	_ =	shalt  }
0x6d: {  	_ =	shalt  }
0x6e: {  	_ =	shalt  }
0x6f: {  	_ =	shalt  }
0x70: {  	_ =	shalt  }
0x71: {  	_ =	shalt  }
0x72: {  	_ =	shalt  }
0x73: {  	_ =	shalt  }
0x74: {  	_ =	shalt  }
0x75: {  	_ =	shalt  }
0x76: {  	_ =	shalt  }
0x77: {  	_ =	shalt  }
0x78: {  	_ =	shalt  }
0x79: {  	_ =	shalt  }
0x7a: {  	_ =	shalt  }
0x7b: {  	_ =	shalt  }
0x7c: {  	_ =	shalt  }
0x7d: {  	_ =	shalt  }
0x7e: {  	_ =	shalt  }
0x7f: {  	_ =	shalt  }
0x80: {  	_ =	shalt  }
0x81: {  	_ =	shalt  }
0x82: {  	_ =	shalt  }
0x83: {  	_ =	shalt  }
0x84: {  	_ =	shalt  }
0x85: {  	_ =	shalt  }
0x86: {  	_ =	shalt  }
0x87: {  	_ =	shalt  }
.Lfunc_end0:
.L_simem_size_0:
called_computation_lowered:
.L_overlay_start_0:
0x88: {  	s2 =	sld [smem:$0x3FD9]  }
0x89: {  	s3 =	sld [smem:$0x3FFE];
	_ =	sdelay $0x1  }
0x8a: {  	s1 =	srdreg.scid  }
0x8b: {  	s0 =	sand.u32 $0x1, s1  }
0x8c: {  	s14 =	sshll.u32 s0, $0xA;
	s2 =	sadd.s32 s3, s2  }
0x8d: {  	s2 =	sadd.s32 s2, s14  }
0x8e: {  	[smem:$0x3FB0] =	sst s2  }
0x8f: {  	_ = 	snop  }
0x90: {  	s2 =	sld [smem:$0x3FD0];
	_ =	sdelay $0x2  }
0x91: {  	s15 =	simm.s32 $0xA;
	s4 =	simm.s32 $0x10  }
0x92: {  	[smem:s4], [sflag:s15] =	dma.local [hbm:s2], $0x1  }
0x93: {  	_ =	swait.eq [sflag:s15], $0x1  }
0x94: {  	s16 =	sld [smem:$0x10];
	[sflag:s15] =	ssyncset.done $0x0  }
0x95: {  	s17 =	sld [smem:$0x11];
	[sflag:s15] =	ssyncadd.s32 $0xFFFFFFFF  }
0x96: {  	s18 =	sld [smem:$0x12];
	(tm) =	ssettm $0x1  }
0x97: {  	s5 =	sld [smem:$0x3FFB];
	_ =	sdelay $0x3  }
0x98: {  	_ =	strace s5  }
0x99: {  	s5 =	sld [smem:$0x3FFC];
	_ =	sdelay $0x3  }
0x9a: {  	_ =	strace s5  }
0x9b: {  	s5 =	sld [smem:$0x3FFD];
	_ =	sdelay $0x3  }
0x9c: {  	_ =	strace s5  }
0x9d: {  	_ =	strace $0x8FFFFFFF  }
0x9e: {  	s19 =	sld [smem:$0x3FDB];
	_ =	sdelay $0x1  }
0x9f: {  	s6 =	simm.s32 $_scs_section_size  }
0xa0: {  	s7 =	simm.s32 $_size__tile_overlayer_lowered;
	s8 =	simm.s32 $_tile_overlayer_lowered  }
0xa1: {  	s22 =	simm.s32 $0x1BFF;
	s21 =	sshll.u32 s8, $0x1;
	s5 =	sadd.s32 s6, s19  }
0xa2: {  	s9 =	simm.s32 $0x0;
	s20 =	sshll.u32 s7, $0x1;
	s7 =	sadd.s32 s21, s5  }
0xa3: {  	[timem:s9], [sflag:s22] =	dma.local [hbm:s7], s20  }
0xa4: {  	_ =	swait.ge [sflag:s22], s20  }
0xa5: {  	s6 =	ssub.s32 $0x0, s20;
	[sflag:s22] =	ssyncset.done $0x0  }
0xa6: {  	[sflag:s22] =	ssyncadd.s32 s6;
	_ =	sdelay $0x1  }
0xa7: {  	s23 =	simm.s32 $0x1B8B  }
0xa8: {  	_ =	swait.ge [sflag:s23], $0x1  }
0xa9: {  	[sflag:s23] =	ssyncset.done $0x0  }
0xaa: {  	s25 =	simm.s32 $0x1B8E;
	s24 =	sld [smem:$0x3FFE];
	[sflag:s23] =	ssyncadd.s32 $0xFFFFFFFF  }
0xab: {  	s26 =	simm.s32 $execute0_lowered;
	[smem:$0x3FD2] =	sst s25  }
0xac: {  	s7 =	sshll.u32 s26, $0x1;
	_ =	strace $0x80000046;
	[dreg:$0x1] =	wrdreg $0xFFFFFFFF  }
0xad: {  	s28 =	simm.s32 $_size_execute0_lowered;
	s5 =	sadd.s32 s5, s7;
	[dreg:$0x0] =	wrdreg $0x0  }
0xae: {  	s7 =	sshll.u32 s28, $0x1;
	[dreg:$0x2] =	wrdreg s5  }
0xaf: {  	[dreg:$0x3] =	wrdreg s7  }
0xb0: {  	[dreg:$0x4] =	wrdreg $0xC0  }
0xb1: {  	_ =	task [dreg:s9], $0x5FFFF  }
0xb2: {  	[dreg:$0x1] =	wrdreg $0xFFFFFFFF  }
0xb3: {  	[dreg:$0x0] =	wrdreg $0x60  }
0xb4: {  	[dreg:$0x2] =	wrdreg s18  }
0xb5: {  	[dreg:$0x3] =	wrdreg s17  }
0xb6: {  	[dreg:$0x4] =	wrdreg s16  }
0xb7: {  	[dreg:$0x5] =	wrdreg s24  }
0xb8: {  	[dreg:$0x6] =	wrdreg $0x1D7100  }
0xb9: {  	[dreg:$0x7] =	wrdreg $0x137100  }
0xba: {  	[dreg:$0x8] =	wrdreg $0x9  }
0xbb: {  	_ =	task.clear_ibuf [dreg:s9], $0x9FFFF;
	_ =	strace $0x90000046  }
0xbc: {  	s29 =	simm.s32 $0x9;
	_ =	strace $0x80000048  }
0xbd: {  	_ =	swait.ge [sflag:s29], $0x1  }
0xbe: {  	[sflag:s29] =	ssyncadd.s32 $0xFFFFFFFF  }
0xbf: {  	_ =	strace $0x90000048  }
0xc0: {  	_ =	sfence  }
0xc1: {  	s30 =	sld [smem:$0x0];
	_ =	sdelay $0x2  }
0xc2: {  	s31 =	sshll.u32 s1, $0xD;
	s1 =	sshrl.u32 s1, $0x2  }
0xc3: {  	s3 =	sand.u32 $0x4000, s31;
	s1 =	sadd.s32 s1, s30  }
0xc4: {  	s0 =	sor.u32 s3, s0;
	s1 =	sshll.u32 s1, $0x11  }
0xc5: {  	s0 =	sor.u32 s1, s0  }
0xc6: {  	s0 =	sadd.s32 $0x8F2B, s0  }
0xc7: {  	[sflag:s0] =	ssyncadd.remote.s32 $0x1  }
0xc8: {  	_ =	sfence.sel $0xFFFF  }
0xc9: {  	[dreg:$0x0] =	wrdreg $0xFFFFFFFF;
	(pc) =	sbr.abs _section_cstart, $3  }
0xca: {  	[dreg:$0x1] =	wrdreg $0xFFFFFFFF  }
0xcb: {  	_ =	task.clear_ibuf [dreg:s9], $0x2FFFF;
	_ =	strace $0x9FFFFFFF  }
0xcc: {  	(tm) =	ssettm $0x7FFFFFFF  }
0xcd: {  	_ =	shalt  }
tec
execute0_lowered:
.L_overlay_start_1:
0x0: {  	(tag) =	ssettag $0x1  }
0x1: {  	s0 =	rddreg [dreg:$0x0]  }
0x2: {  	s1 =	rddreg [dreg:$0x1]  }
0x3: {  	s2 =	rddreg [dreg:$0x2]  }
0x4: {  	s6 =	rddreg [dreg:$0x3]  }
0x5: {  	s4 =	srdreg.scid;
	s5 =	stileid.u32  }
0x6: {  	s3 =	rddreg [dreg:$0x4];
	s8 =	smul.u32 $0x280, s5  }
0x7: {  	s12 =	simm.s32 $0x0;
	s29 =	simm.s32 $0x3;
	s11 =	smul.u32 $0x4E20, s5  }
0x8: {  	s7 =	sand.u32 $0x1, s4;
	s4 =	rddreg [dreg:$0x5];
	s13 =	smul.u32 $0xA000, s5  }
0x9: {  	s31 =	simm.s32 $0x11490;
	[smem:$0x7FF] =	sst s12;
	s9 =	smul.u32 $0x2800, s7  }
0xa: {  	s14 =	sadd.s32 $0x5C00, s6;
	s10 =	smul.u32 $0x4E200, s7;
	s25 =	ssub.s32 $0x2, s7  }
0xb: {  	_ =	strace $0x80000047;
	s7 =	smul.u32 $0x140000, s7;
	s26 =	sshrl.u32 s25, $0x1  }
0xc: {  	s5 =	sadd.s32 s8, s3;
	s19 =	sadd.s32 $0x6000, s13;
	s18 =	sadd.s32 $0x8000, s13  }
0xd: {  	s9 =	sadd.s32 s8, s9;
	s10 =	sadd.s32 s11, s10;
	s16 =	ssub.s32 s25, s26  }
0xe: {  	s8 =	sadd.s32 $0x4000, s13;
	s17 =	sadd.s32 s13, s7;
	s22 =	sadd.s32 s7, s19  }
0xf: {  	[dreg:$0x7] =	wrdreg s5;
	s9 =	sshrl.u32 s9, $0x3;
	s28 =	sshrl.u32 s10, $0x3  }
0x10: {  	s11 =	sadd.s32 s8, s4;
	s17 =	sshrl.u32 s17, $0x3;
	s21 =	sadd.s32 s7, s8  }
0x11: {  	s15 =	sadd.s32 s9, s6;
	s1 =	sadd.s32 s1, s28;
	s30 =	sadd.s32 s2, s28  }
0x12: {  	s9 =	sadd.s32 s13, s4;
	s2 =	sadd.s32 $0x2000, s13;
	s6 =	sadd.s32 s19, s4  }
0x13: {  	s13 =	sadd.s32 s18, s4;
	s17 =	sadd.s32 s14, s17;
	[dreg:$0xa] =	wrdreg s11  }
0x14: {  	s19 =	sadd.s32 $0x13880, s0;
	s28 =	smax.u32 s16, $0x1;
	[dreg:$0x8] =	wrdreg s1  }
0x15: {  	[dreg:$0x9] =	wrdreg s30;
	s10 =	sadd.s32 s2, s4;
	s1 =	sadd.s32 s7, s2  }
0x16: {  	s7 =	sadd.s32 s7, s18;
	s2 =	sshrl.u32 s22, $0x3;
	[dreg:$0xd] =	wrdreg s17  }
0x17: {  	s23 =	sadd.s32 $0x14000, s17;
	s26 =	sadd.s32 $0x55C00, s15;
	[dreg:$0x17] =	wrdreg s28  }
0x18: {  	s22 =	simm.s32 $0xD840;
	s15 =	simm.s32 $0x0;
	[dreg:$0xb] =	wrdreg s6  }
0x19: {  	s1 =	sshrl.u32 s1, $0x3;
	s7 =	sshrl.u32 s7, $0x3;
	[dreg:$0x12] =	wrdreg s23  }
0x1a: {  	s2 =	sadd.s32 s14, s2;
	[dreg:$0x16] =	wrdreg s26;
	s23 =	simm.s32 $0xEC40  }
0x1b: {  	s26 =	simm.s32 $0x11440;
	[dreg:$0xc] =	wrdreg s10;
	s20 =	sadd.s32 s14, s1  }
0x1c: {  	s1 =	sshrl.u32 s21, $0x3;
	s7 =	sadd.s32 s14, s7;
	[dreg:$0x10] =	wrdreg s2  }
0x1d: {  	s25 =	sadd.s32 $0x14000, s2;
	s2 =	simm.s32 $0x50;
	[dreg:$0xe] =	wrdreg s20  }
0x1e: {  	s21 =	simm.s32 $0x2;
	s1 =	sadd.s32 s14, s1;
	[dreg:$0x15] =	wrdreg s25  }
.Ltmp0:
0x1f: {  	s24 =	sadd.s32 $0x14000, s20;
	[dreg:$0x11] =	wrdreg s7;
	(pc) =	sbr.rel .LBB2_1-.Ltmp0, $4  }
0x20: {  	s30 =	sadd.s32 $0x14000, s7;
	s14 =	simm.s32 $0x13490;
	[dreg:$0x13] =	wrdreg s24  }
0x21: {  	s7 =	simm.s32 $0xB040;
	s20 =	simm.s32 $0xC440;
	[dreg:$0xf] =	wrdreg s1  }
0x22: {  	s25 =	simm.s32 $0x10040;
	s1 =	sadd.s32 $0x14000, s1;
	[dreg:$0x18] =	wrdreg s30  }
0x23: {  	v0 =	vimm.f32 $1.000000000e+00;
	v1 =	vimm.f32 $0.0e+00;
	s24 =	simm.s32 $0x1;
	[dreg:$0x14] =	wrdreg s1;
	s1 =	simm.s32 $0x9C40  }
.LBB2_10:
0x24: {  	_ =	swait.ge [sflag:s21], $0x1400  }
0x25: {  	[sflag:s21] =	ssyncset.done $0x0  }
0x26: {  	[sflag:s21] =	ssyncadd.s32 $0xFFFFEC00  }
0x27: {  	[bflag:$0x0] =	sbarrier.arrive $0xFFFF  }
0x28: {  	[tilespmem:s31], [sflag:$0x3] =	stream.linear.gather [spmem:s13], $0x2000, $0x38;
	[tilespmem:$0x1D990] =	vst v63  }
0x29: {  	_ =	swait.ge [sflag:s29], $0x2000  }
0x2a: {  	[sflag:s29] =	ssyncset.done $0x0  }
0x2b: {  	s12 =	simm.s32 $0x0;
	s5 =	rddreg [dreg:$0x12];
	[sflag:s29] =	ssyncadd.s32 $0xFFFFE000  }
0x2c: {  	[hbm4b:s5+s12] =	stream.linear.scatter [tilespmem:s31], [sflag:$0x3], $0x2000, $0x38;
	[tilespmem:$0x1D990] =	vst v63  }
0x2d: {  	_ =	swait.ge [sflag:s29], $0x2000  }
0x2e: {  	[sflag:s29] =	ssyncset.done $0x0  }
0x2f: {  	s10 =	rddreg [dreg:$0xc];
	[sflag:s29] =	ssyncadd.s32 $0xFFFFE000  }
0x30: {  	[tilespmem:s31], [sflag:$0x3] =	stream.linear.gather [spmem:s10], $0x2000, $0x38;
	[tilespmem:$0x1D990] =	vst v63  }
0x31: {  	_ =	swait.ge [sflag:s29], $0x2000  }
0x32: {  	[sflag:s29] =	ssyncset.done $0x0  }
0x33: {  	s15 =	rddreg [dreg:$0x13];
	[sflag:s29] =	ssyncadd.s32 $0xFFFFE000  }
0x34: {  	[hbm4b:s15+s12] =	stream.linear.scatter [tilespmem:s31], [sflag:$0x3], $0x2000, $0x38;
	[tilespmem:$0x1D990] =	vst v63  }
0x35: {  	_ =	swait.ge [sflag:s29], $0x2000  }
0x36: {  	[sflag:s29] =	ssyncset.done $0x0  }
0x37: {  	s11 =	rddreg [dreg:$0xa];
	[sflag:s29] =	ssyncadd.s32 $0xFFFFE000  }
0x38: {  	[tilespmem:s31], [sflag:$0x3] =	stream.linear.gather [spmem:s11], $0x2000, $0x38;
	[tilespmem:$0x1D990] =	vst v63  }
0x39: {  	_ =	swait.ge [sflag:s29], $0x2000  }
0x3a: {  	[sflag:s29] =	ssyncset.done $0x0  }
0x3b: {  	s16 =	rddreg [dreg:$0x14];
	[sflag:s29] =	ssyncadd.s32 $0xFFFFE000  }
0x3c: {  	[hbm4b:s16+s12] =	stream.linear.scatter [tilespmem:s31], [sflag:$0x3], $0x2000, $0x38;
	[tilespmem:$0x1D990] =	vst v63  }
0x3d: {  	_ =	swait.ge [sflag:s29], $0x2000  }
0x3e: {  	[sflag:s29] =	ssyncset.done $0x0  }
0x3f: {  	s6 =	rddreg [dreg:$0xb];
	[sflag:s29] =	ssyncadd.s32 $0xFFFFE000  }
0x40: {  	[tilespmem:s31], [sflag:$0x3] =	stream.linear.gather [spmem:s6], $0x2000, $0x38;
	[tilespmem:$0x1D990] =	vst v63  }
0x41: {  	_ =	swait.ge [sflag:s29], $0x2000  }
0x42: {  	[sflag:s29] =	ssyncset.done $0x0  }
0x43: {  	s18 =	rddreg [dreg:$0x15];
	[sflag:s29] =	ssyncadd.s32 $0xFFFFE000  }
0x44: {  	[hbm4b:s18+s12] =	stream.linear.scatter [tilespmem:s31], [sflag:$0x3], $0x2000, $0x38;
	[tilespmem:$0x1D990] =	vst v63  }
0x45: {  	_ =	swait.ge [sflag:s29], $0x2000  }
0x46: {  	[sflag:s29] =	ssyncset.done $0x0  }
0x47: {  	[sflag:s29] =	ssyncadd.s32 $0xFFFFE000  }
0x48: {  	[tilespmem:s31], [sflag:$0x3] =	stream.linear.gather [spmem:s17], $0x2000, $0x38;
	[tilespmem:$0x1D990] =	vst v63  }
0x49: {  	_ =	swait.ge [sflag:s29], $0x2000  }
0x4a: {  	[sflag:s29] =	ssyncset.done $0x0  }
0x4b: {  	s28 =	rddreg [dreg:$0x18];
	[sflag:s29] =	ssyncadd.s32 $0xFFFFE000  }
0x4c: {  	[hbm4b:s28+s12] =	stream.linear.scatter [tilespmem:s31], [sflag:$0x3], $0x2000, $0x38;
	[tilespmem:$0x1D990] =	vst v63  }
0x4d: {  	_ =	swait.ge [sflag:s29], $0x2000  }
0x4e: {  	[sflag:s29] =	ssyncset.done $0x0  }
0x4f: {  	s14 =	simm.s32 $0x13490;
	s5 =	rddreg [dreg:$0x7];
	[sflag:s29] =	ssyncadd.s32 $0xFFFFE000  }
0x50: {  	[tilespmem:s14], [sflag:$0x3] =	stream.linear.gather [spmem:s5], $0x280, $0x38;
	[tilespmem:$0x1D990] =	vst v63  }
0x51: {  	_ =	swait.ge [sflag:s29], $0x280  }
0x52: {  	[sflag:s29] =	ssyncset.done $0x0  }
0x53: {  	s8 =	rddreg [dreg:$0x16];
	[sflag:s29] =	ssyncadd.s32 $0xFFFFFD80  }
0x54: {  	[hbm4b:s8+s12] =	stream.linear.scatter [tilespmem:s14], [sflag:$0x3], $0x280, $0x38;
	[tilespmem:$0x1D990] =	vst v63  }
0x55: {  	_ =	swait.ge [sflag:s29], $0x280  }
0x56: {  	s15 =	rddreg [dreg:$0x19]  }
0x57: {  	s30 =	rddreg [dreg:$0x17];
	s15 =	sadd.s32 $0x1, s15  }
0x58: {  	p0 =	sne.s32 s15, s30  }
.Ltmp1:
0x59: {  	_ = 	snop;
	(pc) =	sbr.rel @!p0 .LBB2_11-.Ltmp1, $3  }
0x5a: {  	_ =	sdelay $0x1  }
0x5b: {  	[sflag:s29] =	ssyncset.done $0x0  }
0x5c: {  	s9 =	smov.u32 s13;
	s13 =	smov.u32 s17;
	[sflag:s29] =	ssyncadd.s32 $0xFFFFFD80  }
.LBB2_1:
0x5d: {  	[tilespmem:$0x11440] =	vst v0  }
0x5e: {  	[tilespmem:$0x11450] =	vst v0  }
0x5f: {  	[tilespmem:$0x11460] =	vst v0  }
0x60: {  	[tilespmem:$0x11470] =	vst v0  }
0x61: {  	[tilespmem:$0x11480] =	vst v0  }
0x62: {  	[tilespmem:$0x13490] =	vst v1  }
0x63: {  	[tilespmem:$0x134A0] =	vst v1  }
0x64: {  	[tilespmem:$0x134B0] =	vst v1  }
0x65: {  	[tilespmem:$0x134C0] =	vst v1  }
0x66: {  	[tilespmem:$0x134D0] =	vst v1  }
0x67: {  	[tilespmem:$0x134E0] =	vst v1  }
0x68: {  	[tilespmem:$0x134F0] =	vst v1  }
0x69: {  	[tilespmem:$0x13500] =	vst v1  }
0x6a: {  	[tilespmem:$0x13510] =	vst v1  }
0x6b: {  	[tilespmem:$0x13520] =	vst v1  }
0x6c: {  	[tilespmem:$0x13530] =	vst v1  }
0x6d: {  	[tilespmem:$0x13540] =	vst v1  }
0x6e: {  	[tilespmem:$0x13550] =	vst v1  }
0x6f: {  	[tilespmem:$0x13560] =	vst v1  }
0x70: {  	[tilespmem:$0x13570] =	vst v1  }
0x71: {  	[tilespmem:$0x13580] =	vst v1  }
0x72: {  	[tilespmem:$0x13590] =	vst v1  }
0x73: {  	[tilespmem:$0x135A0] =	vst v1  }
0x74: {  	[tilespmem:$0x135B0] =	vst v1  }
0x75: {  	[tilespmem:$0x135C0] =	vst v1  }
0x76: {  	[tilespmem:$0x135D0] =	vst v1  }
0x77: {  	[tilespmem:$0x135E0] =	vst v1  }
0x78: {  	[tilespmem:$0x135F0] =	vst v1  }
0x79: {  	[tilespmem:$0x13600] =	vst v1  }
0x7a: {  	[tilespmem:$0x13610] =	vst v1  }
0x7b: {  	[tilespmem:$0x13620] =	vst v1  }
0x7c: {  	[tilespmem:$0x13630] =	vst v1  }
0x7d: {  	[tilespmem:$0x13640] =	vst v1  }
0x7e: {  	[tilespmem:$0x13650] =	vst v1  }
0x7f: {  	[tilespmem:$0x13660] =	vst v1  }
0x80: {  	[tilespmem:$0x13670] =	vst v1  }
0x81: {  	[tilespmem:$0x13680] =	vst v1  }
0x82: {  	[tilespmem:$0x13690] =	vst v1  }
0x83: {  	[tilespmem:$0x136A0] =	vst v1  }
0x84: {  	[tilespmem:$0x136B0] =	vst v1  }
0x85: {  	[tilespmem:$0x136C0] =	vst v1  }
0x86: {  	[tilespmem:$0x136D0] =	vst v1  }
0x87: {  	[tilespmem:$0x136E0] =	vst v1  }
0x88: {  	[tilespmem:$0x136F0] =	vst v1  }
0x89: {  	[dreg:$0x19] =	wrdreg s15;
	[tilespmem:$0x13700] =	vst v1  }
0x8a: {  	[spmem:s5] =	stream.linear.scatter [tilespmem:s14], [sflag:$0x3], $0x280, $0x38;
	[tilespmem:$0x1D990] =	vst v63  }
0x8b: {  	_ =	swait.ge [sflag:s29], $0x280  }
0x8c: {  	[sflag:s29] =	ssyncset.done $0x0  }
0x8d: {  	s28 =	rddreg [dreg:$0x8];
	[sflag:s29] =	ssyncadd.s32 $0xFFFFFD80  }
0x8e: {  	[tilespmem:s12], [sflag:$0x3] =	stream.linear.gather [hbm4b:s28+s12], $0x4E20, $0x38;
	[tilespmem:$0x1D990] =	vst v63  }
0x8f: {  	_ =	swait.ge [sflag:s29], $0x4E20  }
0x90: {  	[sflag:s29] =	ssyncset.done $0x0  }
0x91: {  	s8 =	simm.s32 $0x4E20;
	s30 =	rddreg [dreg:$0x9];
	[sflag:s29] =	ssyncadd.s32 $0xFFFFB1E0  }
0x92: {  	[tilespmem:s8], [sflag:$0x3] =	stream.linear.gather [hbm4b:s30+s12], $0x4E20, $0x38;
	[tilespmem:$0x1D990] =	vst v63  }
0x93: {  	_ =	swait.ge [sflag:s29], $0x4E20  }
0x94: {  	s15 =	simm.s32 $0x100;
	[sflag:s29] =	ssyncset.done $0x0  }
0x95: {  	s12 =	simm.s32 $0x4E20;
	s8 =	simm.s32 $0x0;
	[sflag:s29] =	ssyncadd.s32 $0xFFFFB1E0  }
.LBB2_2:
0x96: {  	p0 =	sne.s32 s15, $0x7F00;
	[tilespmem:s8+$0x114C0] =	vst v1;
	s16 =	smov.u32 s15;
	s15 =	sadd.s32 $0x100, s15  }
.Ltmp2:
0x97: {  	[tilespmem:s8+$0x114B0] =	vst v1;
	(pc) =	sbr.rel @p0 .LBB2_2-.Ltmp2, $3  }
0x98: {  	[tilespmem:s8+$0x11490] =	vst v1  }
0x99: {  	[tilespmem:s8+$0x114A0] =	vst v1;
	_ =	sdelay $0x1  }
0x9a: {  	s8 =	sshra.s32 s16, $0x2  }
0x9b: {  	[tilespmem:s8+$0x114C0] =	vst v1  }
0x9c: {  	[tilespmem:s8+$0x114B0] =	vst v1  }
0x9d: {  	[tilespmem:s8+$0x11490] =	vst v1  }
0x9e: {  	[tilespmem:s8+$0x114A0] =	vst v1  }
0x9f: {  	[spmem:s9] =	stream.linear.scatter [tilespmem:s31], [sflag:$0x3], $0x2000, $0x38;
	[tilespmem:$0x1D990] =	vst v63  }
0xa0: {  	_ =	swait.ge [sflag:s29], $0x2000  }
0xa1: {  	[sflag:s29] =	ssyncset.done $0x0  }
0xa2: {  	[sflag:s29] =	ssyncadd.s32 $0xFFFFE000  }
0xa3: {  	[spmem:s10] =	stream.linear.scatter [tilespmem:s31], [sflag:$0x3], $0x2000, $0x38;
	[tilespmem:$0x1D990] =	vst v63  }
0xa4: {  	_ =	swait.ge [sflag:s29], $0x2000  }
0xa5: {  	[sflag:s29] =	ssyncset.done $0x0  }
0xa6: {  	[sflag:s29] =	ssyncadd.s32 $0xFFFFE000  }
0xa7: {  	[spmem:s11] =	stream.linear.scatter [tilespmem:s31], [sflag:$0x3], $0x2000, $0x38;
	[tilespmem:$0x1D990] =	vst v63  }
0xa8: {  	_ =	swait.ge [sflag:s29], $0x2000  }
0xa9: {  	[sflag:s29] =	ssyncset.done $0x0  }
0xaa: {  	[sflag:s29] =	ssyncadd.s32 $0xFFFFE000  }
0xab: {  	[spmem:s6] =	stream.linear.scatter [tilespmem:s31], [sflag:$0x3], $0x2000, $0x38;
	[tilespmem:$0x1D990] =	vst v63  }
0xac: {  	_ =	swait.ge [sflag:s29], $0x2000  }
0xad: {  	[sflag:s29] =	ssyncset.done $0x0  }
0xae: {  	[sflag:s29] =	ssyncadd.s32 $0xFFFFE000  }
0xaf: {  	[spmem:s13] =	stream.linear.scatter [tilespmem:s31], [sflag:$0x3], $0x2000, $0x38;
	[tilespmem:$0x1D990] =	vst v63  }
0xb0: {  	_ =	swait.ge [sflag:s29], $0x2000  }
0xb1: {  	[sflag:s29] =	ssyncset.done $0x0  }
0xb2: {  	[sflag:s29] =	ssyncadd.s32 $0xFFFFE000  }
0xb3: {  	s5 =	simm.s32 $0x0;
	[bflag:$0x0] =	sbarrier.arrive $0xFFFF  }
0xb4: {  	[tilespmem:s1], [sflag:$0x1] =	stream.indirect.gather [hbm4b:s0+s2], $0x40, s5, s2, $0xb8;
	[tilespmem:$0x1D990] =	vst v63  }
0xb5: {  	_ = 	snop  }
0xb6: {  	[tilespmem:s7], [sflag:$0x1] =	stream.indirect.gather [hbm4b:s0+s2], $0x40, s2, s2, $0xb8;
	[tilespmem:$0x1D990] =	vst v63  }
0xb7: {  	s5 =	simm.s32 $0xA0  }
0xb8: {  	[tilespmem:s20], [sflag:$0x1] =	stream.indirect.gather [hbm4b:s0+s2], $0x40, s5, s2, $0xb8;
	[tilespmem:$0x1D990] =	vst v63  }
0xb9: {  	s6 =	simm.s32 $0xF0  }
0xba: {  	[tilespmem:s22], [sflag:$0x1] =	stream.indirect.gather [hbm4b:s0+s2], $0x40, s6, s2, $0xb8;
	[tilespmem:$0x1D990] =	vst v63  }
0xbb: {  	s8 =	simm.s32 $0x140  }
0xbc: {  	[tilespmem:s23], [sflag:$0x1] =	stream.indirect.gather [hbm4b:s0+s2], $0x40, s8, s2, $0xb8;
	[tilespmem:$0x1D990] =	vst v63  }
0xbd: {  	_ =	swait.ge [sflag:s24], $0x1400  }
0xbe: {  	[sflag:s24] =	ssyncset.done $0x0  }
0xbf: {  	[sflag:s24] =	ssyncadd.s32 $0xFFFFEC00  }
0xc0: {  	[spmem:s4] =	stream.indirect.scatter.add.f32 [tilespmem:s1], [sflag:$0x2], $0x40, s12, s2, $0xb8;
	[tilespmem:$0x1D990] =	vst v63  }
0xc1: {  	s14 =	simm.s32 $0x190  }
0xc2: {  	[tilespmem:s25], [sflag:$0x1] =	stream.indirect.gather [hbm4b:s0+s2], $0x40, s14, s2, $0xb8;
	[tilespmem:$0x1D990] =	vst v63  }
0xc3: {  	_ = 	snop  }
0xc4: {  	[spmem:s3] =	stream.indirect.scatter.add.f32 [tilespmem:s26], [sflag:$0x3], $0x1, s12, s2, $0xb8;
	[tilespmem:$0x1D990] =	vst v63  }
0xc5: {  	_ =	swait.ge [sflag:s29], $0x50  }
0xc6: {  	[sflag:s29] =	ssyncset.done $0x0  }
0xc7: {  	[sflag:s29] =	ssyncadd.s32 $0xFFFFFFB0  }
0xc8: {  	_ =	swait.ge [sflag:s24], $0x1400  }
0xc9: {  	[sflag:s24] =	ssyncset.done $0x0  }
0xca: {  	s15 =	simm.s32 $0x4E70;
	[sflag:s24] =	ssyncadd.s32 $0xFFFFEC00  }
0xcb: {  	[spmem:s4] =	stream.indirect.scatter.add.f32 [tilespmem:s7], [sflag:$0x2], $0x40, s15, s2, $0xb8;
	[tilespmem:$0x1D990] =	vst v63  }
0xcc: {  	_ =	swait.ge [sflag:s21], $0x1400  }
0xcd: {  	[sflag:s21] =	ssyncset.done $0x0  }
0xce: {  	s16 =	simm.s32 $0x1E0;
	[sflag:s21] =	ssyncadd.s32 $0xFFFFEC00  }
0xcf: {  	[tilespmem:s1], [sflag:$0x1] =	stream.indirect.gather [hbm4b:s0+s2], $0x40, s16, s2, $0xb8;
	[tilespmem:$0x1D990] =	vst v63  }
0xd0: {  	_ = 	snop  }
0xd1: {  	[spmem:s3] =	stream.indirect.scatter.add.f32 [tilespmem:s26], [sflag:$0x3], $0x1, s15, s2, $0xb8;
	[tilespmem:$0x1D990] =	vst v63  }
0xd2: {  	_ =	swait.ge [sflag:s29], $0x50  }
0xd3: {  	[sflag:s29] =	ssyncset.done $0x0  }
0xd4: {  	[sflag:s29] =	ssyncadd.s32 $0xFFFFFFB0  }
0xd5: {  	_ =	swait.ge [sflag:s24], $0x1400  }
0xd6: {  	[sflag:s24] =	ssyncset.done $0x0  }
0xd7: {  	s17 =	simm.s32 $0x4EC0;
	[sflag:s24] =	ssyncadd.s32 $0xFFFFEC00  }
0xd8: {  	[spmem:s4] =	stream.indirect.scatter.add.f32 [tilespmem:s20], [sflag:$0x2], $0x40, s17, s2, $0xb8;
	[tilespmem:$0x1D990] =	vst v63  }
0xd9: {  	_ =	swait.ge [sflag:s21], $0x1400  }
0xda: {  	[sflag:s21] =	ssyncset.done $0x0  }
0xdb: {  	s18 =	simm.s32 $0x230;
	[sflag:s21] =	ssyncadd.s32 $0xFFFFEC00  }
0xdc: {  	[tilespmem:s7], [sflag:$0x1] =	stream.indirect.gather [hbm4b:s0+s2], $0x40, s18, s2, $0xb8;
	[tilespmem:$0x1D990] =	vst v63  }
0xdd: {  	_ = 	snop  }
0xde: {  	[spmem:s3] =	stream.indirect.scatter.add.f32 [tilespmem:s26], [sflag:$0x3], $0x1, s17, s2, $0xb8;
	[tilespmem:$0x1D990] =	vst v63  }
0xdf: {  	_ =	swait.ge [sflag:s29], $0x50  }
0xe0: {  	[sflag:s29] =	ssyncset.done $0x0  }
0xe1: {  	[sflag:s29] =	ssyncadd.s32 $0xFFFFFFB0  }
0xe2: {  	_ =	swait.ge [sflag:s24], $0x1400  }
0xe3: {  	[sflag:s24] =	ssyncset.done $0x0  }
0xe4: {  	s28 =	simm.s32 $0x4F10;
	[sflag:s24] =	ssyncadd.s32 $0xFFFFEC00  }
0xe5: {  	[spmem:s4] =	stream.indirect.scatter.add.f32 [tilespmem:s22], [sflag:$0x2], $0x40, s28, s2, $0xb8;
	[tilespmem:$0x1D990] =	vst v63  }
0xe6: {  	_ =	swait.ge [sflag:s21], $0x1400  }
0xe7: {  	[sflag:s21] =	ssyncset.done $0x0  }
0xe8: {  	s30 =	simm.s32 $0x280;
	[sflag:s21] =	ssyncadd.s32 $0xFFFFEC00  }
0xe9: {  	[tilespmem:s20], [sflag:$0x1] =	stream.indirect.gather [hbm4b:s0+s2], $0x40, s30, s2, $0xb8;
	[tilespmem:$0x1D990] =	vst v63  }
0xea: {  	_ = 	snop  }
0xeb: {  	[spmem:s3] =	stream.indirect.scatter.add.f32 [tilespmem:s26], [sflag:$0x3], $0x1, s28, s2, $0xb8;
	[tilespmem:$0x1D990] =	vst v63  }
0xec: {  	_ =	swait.ge [sflag:s29], $0x50  }
0xed: {  	[sflag:s29] =	ssyncset.done $0x0  }
0xee: {  	[sflag:s29] =	ssyncadd.s32 $0xFFFFFFB0  }
0xef: {  	_ =	swait.ge [sflag:s24], $0x1400  }
0xf0: {  	[sflag:s24] =	ssyncset.done $0x0  }
0xf1: {  	s5 =	simm.s32 $0x4F60;
	[sflag:s24] =	ssyncadd.s32 $0xFFFFEC00  }
0xf2: {  	[spmem:s4] =	stream.indirect.scatter.add.f32 [tilespmem:s23], [sflag:$0x2], $0x40, s5, s2, $0xb8;
	[tilespmem:$0x1D990] =	vst v63  }
0xf3: {  	_ =	swait.ge [sflag:s21], $0x1400  }
0xf4: {  	[sflag:s21] =	ssyncset.done $0x0  }
0xf5: {  	s15 =	simm.s32 $0x2D0;
	[sflag:s21] =	ssyncadd.s32 $0xFFFFEC00  }
0xf6: {  	[tilespmem:s22], [sflag:$0x1] =	stream.indirect.gather [hbm4b:s0+s2], $0x40, s15, s2, $0xb8;
	[tilespmem:$0x1D990] =	vst v63  }
0xf7: {  	_ = 	snop  }
0xf8: {  	[spmem:s3] =	stream.indirect.scatter.add.f32 [tilespmem:s26], [sflag:$0x3], $0x1, s5, s2, $0xb8;
	[tilespmem:$0x1D990] =	vst v63  }
0xf9: {  	_ =	swait.ge [sflag:s29], $0x50  }
0xfa: {  	[sflag:s29] =	ssyncset.done $0x0  }
0xfb: {  	[sflag:s29] =	ssyncadd.s32 $0xFFFFFFB0  }
0xfc: {  	_ =	swait.ge [sflag:s24], $0x1400  }
0xfd: {  	[sflag:s24] =	ssyncset.done $0x0  }
0xfe: {  	s6 =	simm.s32 $0x4FB0;
	[sflag:s24] =	ssyncadd.s32 $0xFFFFEC00  }
0xff: {  	[spmem:s4] =	stream.indirect.scatter.add.f32 [tilespmem:s25], [sflag:$0x2], $0x40, s6, s2, $0xb8;
	[tilespmem:$0x1D990] =	vst v63  }
0x100: {  	p0 =	por $0x0, $0x0;
	_ =	swait.ge [sflag:s21], $0x1400  }
0x101: {  	s16 =	simm.s32 @!p0 $0x320;
	[sflag:s21] =	ssyncset.done $0x0  }
0x102: {  	s18 =	simm.s32 @!p0 $0x50;
	s15 =	simm.s32 @!p0 $0xEC40;
	[sflag:s21] =	ssyncadd.s32 $0xFFFFEC00  }
0x103: {  	[tilespmem:s15], [sflag:$0x1] =	stream.indirect.gather @!p0 [hbm4b:s0+s18], $0x40, s16, s18, $0xb8;
	[tilespmem:$0x1D990] =	vst v63  }
0x104: {  	_ = 	snop  }
0x105: {  	[spmem:s3] =	stream.indirect.scatter.add.f32 [tilespmem:s26], [sflag:$0x3], $0x1, s6, s2, $0xb8;
	[tilespmem:$0x1D990] =	vst v63  }
0x106: {  	_ =	swait.ge [sflag:s29], $0x50  }
0x107: {  	[sflag:s29] =	ssyncset.done $0x0  }
0x108: {  	[sflag:s29] =	ssyncadd.s32 $0xFFFFFFB0  }
0x109: {  	_ =	swait.ge [sflag:s24], $0x1400  }
0x10a: {  	[sflag:s24] =	ssyncset.done $0x0  }
0x10b: {  	s14 =	simm.s32 $0x5000;
	[sflag:s24] =	ssyncadd.s32 $0xFFFFEC00  }
0x10c: {  	[spmem:s4] =	stream.indirect.scatter.add.f32 [tilespmem:s1], [sflag:$0x2], $0x40, s14, s2, $0xb8;
	[tilespmem:$0x1D990] =	vst v63  }
0x10d: {  	_ =	swait.ge [sflag:s21], $0x1400  }
0x10e: {  	[sflag:s21] =	ssyncset.done $0x0  }
0x10f: {  	s15 =	simm.s32 @!p0 $0x370;
	s16 =	simm.s32 @!p0 $0x10040;
	[sflag:s21] =	ssyncadd.s32 $0xFFFFEC00  }
0x110: {  	[tilespmem:s16], [sflag:$0x1] =	stream.indirect.gather @!p0 [hbm4b:s0+s18], $0x40, s15, s18, $0xb8;
	[tilespmem:$0x1D990] =	vst v63  }
0x111: {  	_ = 	snop  }
0x112: {  	[spmem:s3] =	stream.indirect.scatter.add.f32 [tilespmem:s26], [sflag:$0x3], $0x1, s14, s2, $0xb8;
	[tilespmem:$0x1D990] =	vst v63  }
0x113: {  	_ =	swait.ge [sflag:s29], $0x50  }
0x114: {  	[sflag:s29] =	ssyncset.done $0x0  }
0x115: {  	[sflag:s29] =	ssyncadd.s32 $0xFFFFFFB0  }
0x116: {  	_ =	swait.ge [sflag:s24], $0x1400  }
0x117: {  	[sflag:s24] =	ssyncset.done $0x0  }
0x118: {  	s17 =	simm.s32 $0x5050;
	[sflag:s24] =	ssyncadd.s32 $0xFFFFEC00  }
0x119: {  	[spmem:s4] =	stream.indirect.scatter.add.f32 [tilespmem:s7], [sflag:$0x2], $0x40, s17, s2, $0xb8;
	[tilespmem:$0x1D990] =	vst v63  }
0x11a: {  	_ =	swait.ge [sflag:s21], $0x1400  }
0x11b: {  	[sflag:s21] =	ssyncset.done $0x0  }
0x11c: {  	s15 =	simm.s32 @!p0 $0x3C0;
	s16 =	simm.s32 @!p0 $0x9C40;
	[sflag:s21] =	ssyncadd.s32 $0xFFFFEC00  }
0x11d: {  	[tilespmem:s16], [sflag:$0x1] =	stream.indirect.gather @!p0 [hbm4b:s0+s18], $0x40, s15, s18, $0xb8;
	[tilespmem:$0x1D990] =	vst v63  }
0x11e: {  	_ = 	snop  }
0x11f: {  	[spmem:s3] =	stream.indirect.scatter.add.f32 [tilespmem:s26], [sflag:$0x3], $0x1, s17, s2, $0xb8;
	[tilespmem:$0x1D990] =	vst v63  }
0x120: {  	_ =	swait.ge [sflag:s29], $0x50  }
0x121: {  	[sflag:s29] =	ssyncset.done $0x0  }
0x122: {  	[sflag:s29] =	ssyncadd.s32 $0xFFFFFFB0  }
0x123: {  	_ =	swait.ge [sflag:s24], $0x1400  }
0x124: {  	[sflag:s24] =	ssyncset.done $0x0  }
0x125: {  	s28 =	simm.s32 $0x50A0;
	[sflag:s24] =	ssyncadd.s32 $0xFFFFEC00  }
0x126: {  	[spmem:s4] =	stream.indirect.scatter.add.f32 [tilespmem:s20], [sflag:$0x2], $0x40, s28, s2, $0xb8;
	[tilespmem:$0x1D990] =	vst v63  }
0x127: {  	_ =	swait.ge [sflag:s21], $0x1400  }
0x128: {  	[sflag:s21] =	ssyncset.done $0x0  }
0x129: {  	s15 =	simm.s32 @!p0 $0x410;
	s16 =	simm.s32 @!p0 $0xB040;
	[sflag:s21] =	ssyncadd.s32 $0xFFFFEC00  }
0x12a: {  	[tilespmem:s16], [sflag:$0x1] =	stream.indirect.gather @!p0 [hbm4b:s0+s18], $0x40, s15, s18, $0xb8;
	[tilespmem:$0x1D990] =	vst v63  }
0x12b: {  	_ = 	snop  }
0x12c: {  	[spmem:s3] =	stream.indirect.scatter.add.f32 [tilespmem:s26], [sflag:$0x3], $0x1, s28, s2, $0xb8;
	[tilespmem:$0x1D990] =	vst v63  }
0x12d: {  	_ =	swait.ge [sflag:s29], $0x50  }
0x12e: {  	[sflag:s29] =	ssyncset.done $0x0  }
0x12f: {  	[sflag:s29] =	ssyncadd.s32 $0xFFFFFFB0  }
0x130: {  	_ =	swait.ge [sflag:s24], $0x1400  }
0x131: {  	[sflag:s24] =	ssyncset.done $0x0  }
0x132: {  	s30 =	simm.s32 $0x50F0;
	[sflag:s24] =	ssyncadd.s32 $0xFFFFEC00  }
0x133: {  	[spmem:s4] =	stream.indirect.scatter.add.f32 [tilespmem:s22], [sflag:$0x2], $0x40, s30, s2, $0xb8;
	[tilespmem:$0x1D990] =	vst v63  }
0x134: {  	_ =	swait.ge [sflag:s21], $0x1400  }
0x135: {  	[sflag:s21] =	ssyncset.done $0x0  }
0x136: {  	s15 =	simm.s32 @!p0 $0x460;
	s16 =	simm.s32 @!p0 $0xC440;
	[sflag:s21] =	ssyncadd.s32 $0xFFFFEC00  }
0x137: {  	[tilespmem:s16], [sflag:$0x1] =	stream.indirect.gather @!p0 [hbm4b:s0+s18], $0x40, s15, s18, $0xb8;
	[tilespmem:$0x1D990] =	vst v63  }
0x138: {  	_ = 	snop  }
0x139: {  	[spmem:s3] =	stream.indirect.scatter.add.f32 [tilespmem:s26], [sflag:$0x3], $0x1, s30, s2, $0xb8;
	[tilespmem:$0x1D990] =	vst v63  }
0x13a: {  	_ =	swait.ge [sflag:s29], $0x50  }
0x13b: {  	s18 =	simm.s32 $0x780;
	[sflag:s29] =	ssyncset.done $0x0  }
.LBB2_4:
0x13c: {  	[sflag:s29] =	ssyncadd.s32 $0xFFFFFFB0;
	s8 =	smov.u32 s18;
	s18 =	sadd.s32 $0x780, s18  }
0x13d: {  	p0 =	sne.s32 s18, $0x13380  }
0x13e: {  	_ =	swait.ge [sflag:s24], $0x1400  }
0x13f: {  	s16 =	sshra.s32 s8, $0x2;
	[sflag:s24] =	ssyncset.done $0x0  }
0x140: {  	s15 =	sadd.s32 $0x4F60, s16;
	[sflag:s24] =	ssyncadd.s32 $0xFFFFEC00  }
0x141: {  	[spmem:s4] =	stream.indirect.scatter.add.f32 [tilespmem:s23], [sflag:$0x2], $0x40, s15, s2, $0xb8;
	[tilespmem:$0x1D990] =	vst v63  }
0x142: {  	_ =	swait.ge [sflag:s21], $0x1400  }
0x143: {  	[sflag:s21] =	ssyncset.done $0x0  }
0x144: {  	s28 =	sadd.s32 $0x2D0, s16;
	[sflag:s21] =	ssyncadd.s32 $0xFFFFEC00  }
0x145: {  	[tilespmem:s22], [sflag:$0x1] =	stream.indirect.gather [hbm4b:s0+s2], $0x40, s28, s2, $0xb8;
	[tilespmem:$0x1D990] =	vst v63  }
0x146: {  	_ = 	snop  }
0x147: {  	[spmem:s3] =	stream.indirect.scatter.add.f32 [tilespmem:s26], [sflag:$0x3], $0x1, s15, s2, $0xb8;
	[tilespmem:$0x1D990] =	vst v63  }
0x148: {  	_ =	swait.ge [sflag:s29], $0x50  }
0x149: {  	[sflag:s29] =	ssyncset.done $0x0  }
0x14a: {  	[sflag:s29] =	ssyncadd.s32 $0xFFFFFFB0  }
0x14b: {  	_ =	swait.ge [sflag:s24], $0x1400  }
0x14c: {  	[sflag:s24] =	ssyncset.done $0x0  }
0x14d: {  	s14 =	sadd.s32 $0x4FB0, s16;
	[sflag:s24] =	ssyncadd.s32 $0xFFFFEC00  }
0x14e: {  	[spmem:s4] =	stream.indirect.scatter.add.f32 [tilespmem:s25], [sflag:$0x2], $0x40, s14, s2, $0xb8;
	[tilespmem:$0x1D990] =	vst v63  }
0x14f: {  	p1 =	seq.s32 s8, $0x12C00;
	_ =	swait.ge [sflag:s21], $0x1400  }
0x150: {  	s8 =	sshra.s32 @!p1 s8, $0x2;
	s15 =	simm.s32 @!p1 $0xEC40;
	[sflag:s21] =	ssyncset.done $0x0  }
0x151: {  	s6 =	sadd.s32 @!p1 $0x320, s8;
	s28 =	simm.s32 @!p1 $0x50;
	[sflag:s21] =	ssyncadd.s32 $0xFFFFEC00  }
0x152: {  	[tilespmem:s15], [sflag:$0x1] =	stream.indirect.gather @!p1 [hbm4b:s0+s28], $0x40, s6, s28, $0xb8;
	[tilespmem:$0x1D990] =	vst v63  }
0x153: {  	s30 =	sadd.s32 @!p1 $0x3C0, s8;
	s6 =	sadd.s32 @!p1 $0x370, s8;
	s15 =	sadd.s32 @!p1 $0x410, s8  }
0x154: {  	[spmem:s3] =	stream.indirect.scatter.add.f32 [tilespmem:s26], [sflag:$0x3], $0x1, s14, s2, $0xb8;
	[tilespmem:$0x1D990] =	vst v63  }
0x155: {  	s8 =	sadd.s32 @!p1 $0x460, s8;
	_ =	swait.ge [sflag:s29], $0x50  }
0x156: {  	[sflag:s29] =	ssyncset.done $0x0  }
0x157: {  	[sflag:s29] =	ssyncadd.s32 $0xFFFFFFB0  }
0x158: {  	_ =	swait.ge [sflag:s24], $0x1400  }
0x159: {  	[sflag:s24] =	ssyncset.done $0x0  }
0x15a: {  	s14 =	sadd.s32 $0x5000, s16;
	[sflag:s24] =	ssyncadd.s32 $0xFFFFEC00  }
0x15b: {  	[spmem:s4] =	stream.indirect.scatter.add.f32 [tilespmem:s1], [sflag:$0x2], $0x40, s14, s2, $0xb8;
	[tilespmem:$0x1D990] =	vst v63  }
0x15c: {  	_ =	swait.ge [sflag:s21], $0x1400  }
0x15d: {  	[sflag:s21] =	ssyncset.done $0x0  }
0x15e: {  	s5 =	simm.s32 @!p1 $0x10040;
	[sflag:s21] =	ssyncadd.s32 $0xFFFFEC00  }
0x15f: {  	[tilespmem:s5], [sflag:$0x1] =	stream.indirect.gather @!p1 [hbm4b:s0+s28], $0x40, s6, s28, $0xb8;
	[tilespmem:$0x1D990] =	vst v63  }
0x160: {  	_ = 	snop  }
0x161: {  	[spmem:s3] =	stream.indirect.scatter.add.f32 [tilespmem:s26], [sflag:$0x3], $0x1, s14, s2, $0xb8;
	[tilespmem:$0x1D990] =	vst v63  }
0x162: {  	_ =	swait.ge [sflag:s29], $0x50  }
0x163: {  	[sflag:s29] =	ssyncset.done $0x0  }
0x164: {  	[sflag:s29] =	ssyncadd.s32 $0xFFFFFFB0  }
0x165: {  	_ =	swait.ge [sflag:s24], $0x1400  }
0x166: {  	[sflag:s24] =	ssyncset.done $0x0  }
0x167: {  	s5 =	sadd.s32 $0x5050, s16;
	[sflag:s24] =	ssyncadd.s32 $0xFFFFEC00  }
0x168: {  	[spmem:s4] =	stream.indirect.scatter.add.f32 [tilespmem:s7], [sflag:$0x2], $0x40, s5, s2, $0xb8;
	[tilespmem:$0x1D990] =	vst v63  }
0x169: {  	_ =	swait.ge [sflag:s21], $0x1400  }
0x16a: {  	[sflag:s21] =	ssyncset.done $0x0  }
0x16b: {  	s6 =	simm.s32 @!p1 $0x9C40;
	[sflag:s21] =	ssyncadd.s32 $0xFFFFEC00  }
0x16c: {  	[tilespmem:s6], [sflag:$0x1] =	stream.indirect.gather @!p1 [hbm4b:s0+s28], $0x40, s30, s28, $0xb8;
	[tilespmem:$0x1D990] =	vst v63  }
0x16d: {  	_ = 	snop  }
0x16e: {  	[spmem:s3] =	stream.indirect.scatter.add.f32 [tilespmem:s26], [sflag:$0x3], $0x1, s5, s2, $0xb8;
	[tilespmem:$0x1D990] =	vst v63  }
0x16f: {  	_ =	swait.ge [sflag:s29], $0x50  }
0x170: {  	[sflag:s29] =	ssyncset.done $0x0  }
0x171: {  	[sflag:s29] =	ssyncadd.s32 $0xFFFFFFB0  }
0x172: {  	_ =	swait.ge [sflag:s24], $0x1400  }
0x173: {  	[sflag:s24] =	ssyncset.done $0x0  }
0x174: {  	s5 =	sadd.s32 $0x50A0, s16;
	[sflag:s24] =	ssyncadd.s32 $0xFFFFEC00  }
0x175: {  	[spmem:s4] =	stream.indirect.scatter.add.f32 [tilespmem:s20], [sflag:$0x2], $0x40, s5, s2, $0xb8;
	[tilespmem:$0x1D990] =	vst v63  }
0x176: {  	_ =	swait.ge [sflag:s21], $0x1400  }
0x177: {  	[sflag:s21] =	ssyncset.done $0x0  }
0x178: {  	s6 =	simm.s32 @!p1 $0xB040;
	[sflag:s21] =	ssyncadd.s32 $0xFFFFEC00  }
0x179: {  	[tilespmem:s6], [sflag:$0x1] =	stream.indirect.gather @!p1 [hbm4b:s0+s28], $0x40, s15, s28, $0xb8;
	[tilespmem:$0x1D990] =	vst v63  }
0x17a: {  	_ = 	snop  }
0x17b: {  	[spmem:s3] =	stream.indirect.scatter.add.f32 [tilespmem:s26], [sflag:$0x3], $0x1, s5, s2, $0xb8;
	[tilespmem:$0x1D990] =	vst v63  }
0x17c: {  	_ =	swait.ge [sflag:s29], $0x50  }
0x17d: {  	[sflag:s29] =	ssyncset.done $0x0  }
0x17e: {  	[sflag:s29] =	ssyncadd.s32 $0xFFFFFFB0  }
0x17f: {  	_ =	swait.ge [sflag:s24], $0x1400  }
0x180: {  	[sflag:s24] =	ssyncset.done $0x0  }
0x181: {  	s5 =	sadd.s32 $0x50F0, s16;
	[sflag:s24] =	ssyncadd.s32 $0xFFFFEC00  }
0x182: {  	[spmem:s4] =	stream.indirect.scatter.add.f32 [tilespmem:s22], [sflag:$0x2], $0x40, s5, s2, $0xb8;
	[tilespmem:$0x1D990] =	vst v63  }
0x183: {  	_ =	swait.ge [sflag:s21], $0x1400  }
0x184: {  	[sflag:s21] =	ssyncset.done $0x0  }
0x185: {  	s6 =	simm.s32 @!p1 $0xC440;
	[sflag:s21] =	ssyncadd.s32 $0xFFFFEC00  }
0x186: {  	[tilespmem:s6], [sflag:$0x1] =	stream.indirect.gather @!p1 [hbm4b:s0+s28], $0x40, s8, s28, $0xb8;
	[tilespmem:$0x1D990] =	vst v63  }
.Ltmp3:
0x187: {  	_ = 	snop;
	(pc) =	sbr.rel @p0 .LBB2_4-.Ltmp3, $4  }
0x188: {  	_ = 	snop  }
0x189: {  	[spmem:s3] =	stream.indirect.scatter.add.f32 [tilespmem:s26], [sflag:$0x3], $0x1, s5, s2, $0xb8;
	[tilespmem:$0x1D990] =	vst v63  }
0x18a: {  	_ =	swait.ge [sflag:s29], $0x50  }
0x18b: {  	[sflag:s29] =	ssyncset.done $0x0  }
0x18c: {  	[sflag:s29] =	ssyncadd.s32 $0xFFFFFFB0  }
0x18d: {  	_ =	swait.ge [sflag:s21], $0x1400  }
0x18e: {  	[sflag:s21] =	ssyncset.done $0x0  }
0x18f: {  	[sflag:s21] =	ssyncadd.s32 $0xFFFFEC00  }
0x190: {  	[bflag:$0x0] =	sbarrier.arrive $0xFFFF  }
0x191: {  	[tilespmem:s31], [sflag:$0x3] =	stream.linear.gather [spmem:s9], $0x2000, $0x38;
	[tilespmem:$0x1D990] =	vst v63  }
0x192: {  	_ =	swait.ge [sflag:s29], $0x2000  }
0x193: {  	[sflag:s29] =	ssyncset.done $0x0  }
0x194: {  	s5 =	simm.s32 $0x0;
	s6 =	rddreg [dreg:$0xd];
	[sflag:s29] =	ssyncadd.s32 $0xFFFFE000  }
0x195: {  	[hbm4b:s6+s5] =	stream.linear.scatter [tilespmem:s31], [sflag:$0x3], $0x2000, $0x38;
	[tilespmem:$0x1D990] =	vst v63  }
0x196: {  	_ =	swait.ge [sflag:s29], $0x2000  }
0x197: {  	[sflag:s29] =	ssyncset.done $0x0  }
0x198: {  	[sflag:s29] =	ssyncadd.s32 $0xFFFFE000  }
0x199: {  	[tilespmem:s31], [sflag:$0x3] =	stream.linear.gather [spmem:s10], $0x2000, $0x38;
	[tilespmem:$0x1D990] =	vst v63  }
0x19a: {  	_ =	swait.ge [sflag:s29], $0x2000  }
0x19b: {  	[sflag:s29] =	ssyncset.done $0x0  }
0x19c: {  	s18 =	rddreg [dreg:$0xe];
	[sflag:s29] =	ssyncadd.s32 $0xFFFFE000  }
0x19d: {  	[hbm4b:s18+s5] =	stream.linear.scatter [tilespmem:s31], [sflag:$0x3], $0x2000, $0x38;
	[tilespmem:$0x1D990] =	vst v63  }
0x19e: {  	_ =	swait.ge [sflag:s29], $0x2000  }
0x19f: {  	[sflag:s29] =	ssyncset.done $0x0  }
0x1a0: {  	[sflag:s29] =	ssyncadd.s32 $0xFFFFE000  }
0x1a1: {  	[tilespmem:s31], [sflag:$0x3] =	stream.linear.gather [spmem:s11], $0x2000, $0x38;
	[tilespmem:$0x1D990] =	vst v63  }
0x1a2: {  	_ =	swait.ge [sflag:s29], $0x2000  }
0x1a3: {  	[sflag:s29] =	ssyncset.done $0x0  }
0x1a4: {  	s28 =	rddreg [dreg:$0xf];
	[sflag:s29] =	ssyncadd.s32 $0xFFFFE000  }
0x1a5: {  	[hbm4b:s28+s5] =	stream.linear.scatter [tilespmem:s31], [sflag:$0x3], $0x2000, $0x38;
	[tilespmem:$0x1D990] =	vst v63  }
0x1a6: {  	_ =	swait.ge [sflag:s29], $0x2000  }
0x1a7: {  	[sflag:s29] =	ssyncset.done $0x0  }
0x1a8: {  	s6 =	rddreg [dreg:$0xb];
	[sflag:s29] =	ssyncadd.s32 $0xFFFFE000  }
0x1a9: {  	[tilespmem:s31], [sflag:$0x3] =	stream.linear.gather [spmem:s6], $0x2000, $0x38;
	[tilespmem:$0x1D990] =	vst v63  }
0x1aa: {  	_ =	swait.ge [sflag:s29], $0x2000  }
0x1ab: {  	[sflag:s29] =	ssyncset.done $0x0  }
0x1ac: {  	s8 =	rddreg [dreg:$0x10];
	[sflag:s29] =	ssyncadd.s32 $0xFFFFE000  }
0x1ad: {  	[hbm4b:s8+s5] =	stream.linear.scatter [tilespmem:s31], [sflag:$0x3], $0x2000, $0x38;
	[tilespmem:$0x1D990] =	vst v63  }
0x1ae: {  	_ =	swait.ge [sflag:s29], $0x2000  }
0x1af: {  	[sflag:s29] =	ssyncset.done $0x0  }
0x1b0: {  	[sflag:s29] =	ssyncadd.s32 $0xFFFFE000  }
0x1b1: {  	[tilespmem:s31], [sflag:$0x3] =	stream.linear.gather [spmem:s13], $0x2000, $0x38;
	[tilespmem:$0x1D990] =	vst v63  }
0x1b2: {  	_ =	swait.ge [sflag:s29], $0x2000  }
0x1b3: {  	[sflag:s29] =	ssyncset.done $0x0  }
0x1b4: {  	s30 =	rddreg [dreg:$0x11];
	[sflag:s29] =	ssyncadd.s32 $0xFFFFE000  }
0x1b5: {  	[hbm4b:s30+s5] =	stream.linear.scatter [tilespmem:s31], [sflag:$0x3], $0x2000, $0x38;
	[tilespmem:$0x1D990] =	vst v63  }
0x1b6: {  	_ =	swait.ge [sflag:s29], $0x2000  }
0x1b7: {  	s17 =	smov.u32 s13;
	[sflag:s29] =	ssyncset.done $0x0  }
0x1b8: {  	s15 =	simm.s32 $0x100;
	s8 =	simm.s32 $0x0;
	[sflag:s29] =	ssyncadd.s32 $0xFFFFE000  }
.LBB2_6:
0x1b9: {  	p0 =	sne.s32 s15, $0x7F00;
	[tilespmem:s8+$0x114C0] =	vst v1;
	s5 =	smov.u32 s15;
	s15 =	sadd.s32 $0x100, s15  }
.Ltmp4:
0x1ba: {  	[tilespmem:s8+$0x114B0] =	vst v1;
	(pc) =	sbr.rel @p0 .LBB2_6-.Ltmp4, $3  }
0x1bb: {  	[tilespmem:s8+$0x11490] =	vst v1  }
0x1bc: {  	[tilespmem:s8+$0x114A0] =	vst v1;
	_ =	sdelay $0x1  }
0x1bd: {  	s8 =	sshra.s32 s5, $0x2  }
0x1be: {  	[tilespmem:s8+$0x114C0] =	vst v1  }
0x1bf: {  	[tilespmem:s8+$0x114B0] =	vst v1  }
0x1c0: {  	[tilespmem:s8+$0x11490] =	vst v1  }
0x1c1: {  	[tilespmem:s8+$0x114A0] =	vst v1  }
0x1c2: {  	[spmem:s9] =	stream.linear.scatter [tilespmem:s31], [sflag:$0x3], $0x2000, $0x38;
	[tilespmem:$0x1D990] =	vst v63  }
0x1c3: {  	_ =	swait.ge [sflag:s29], $0x2000  }
0x1c4: {  	[sflag:s29] =	ssyncset.done $0x0  }
0x1c5: {  	[sflag:s29] =	ssyncadd.s32 $0xFFFFE000  }
0x1c6: {  	[spmem:s10] =	stream.linear.scatter [tilespmem:s31], [sflag:$0x3], $0x2000, $0x38;
	[tilespmem:$0x1D990] =	vst v63  }
0x1c7: {  	_ =	swait.ge [sflag:s29], $0x2000  }
0x1c8: {  	[sflag:s29] =	ssyncset.done $0x0  }
0x1c9: {  	[sflag:s29] =	ssyncadd.s32 $0xFFFFE000  }
0x1ca: {  	[spmem:s11] =	stream.linear.scatter [tilespmem:s31], [sflag:$0x3], $0x2000, $0x38;
	[tilespmem:$0x1D990] =	vst v63  }
0x1cb: {  	_ =	swait.ge [sflag:s29], $0x2000  }
0x1cc: {  	[sflag:s29] =	ssyncset.done $0x0  }
0x1cd: {  	[sflag:s29] =	ssyncadd.s32 $0xFFFFE000  }
0x1ce: {  	[spmem:s6] =	stream.linear.scatter [tilespmem:s31], [sflag:$0x3], $0x2000, $0x38;
	[tilespmem:$0x1D990] =	vst v63  }
0x1cf: {  	_ =	swait.ge [sflag:s29], $0x2000  }
0x1d0: {  	[sflag:s29] =	ssyncset.done $0x0  }
0x1d1: {  	[sflag:s29] =	ssyncadd.s32 $0xFFFFE000  }
0x1d2: {  	[spmem:s17] =	stream.linear.scatter [tilespmem:s31], [sflag:$0x3], $0x2000, $0x38;
	[tilespmem:$0x1D990] =	vst v63  }
0x1d3: {  	_ =	swait.ge [sflag:s29], $0x2000  }
0x1d4: {  	[sflag:s29] =	ssyncset.done $0x0  }
0x1d5: {  	[sflag:s29] =	ssyncadd.s32 $0xFFFFE000  }
0x1d6: {  	s16 =	simm.s32 $0x0;
	[bflag:$0x0] =	sbarrier.arrive $0xFFFF  }
0x1d7: {  	[tilespmem:s1], [sflag:$0x1] =	stream.indirect.gather [hbm4b:s19+s2], $0x40, s16, s2, $0xb8;
	[tilespmem:$0x1D990] =	vst v63  }
0x1d8: {  	_ = 	snop  }
0x1d9: {  	[tilespmem:s7], [sflag:$0x1] =	stream.indirect.gather [hbm4b:s19+s2], $0x40, s2, s2, $0xb8;
	[tilespmem:$0x1D990] =	vst v63  }
0x1da: {  	s5 =	simm.s32 $0xA0  }
0x1db: {  	[tilespmem:s20], [sflag:$0x1] =	stream.indirect.gather [hbm4b:s19+s2], $0x40, s5, s2, $0xb8;
	[tilespmem:$0x1D990] =	vst v63  }
0x1dc: {  	s13 =	smov.u32 s9;
	s9 =	simm.s32 $0xF0  }
0x1dd: {  	[tilespmem:s22], [sflag:$0x1] =	stream.indirect.gather [hbm4b:s19+s2], $0x40, s9, s2, $0xb8;
	[tilespmem:$0x1D990] =	vst v63  }
0x1de: {  	s10 =	simm.s32 $0x140  }
0x1df: {  	[tilespmem:s23], [sflag:$0x1] =	stream.indirect.gather [hbm4b:s19+s2], $0x40, s10, s2, $0xb8;
	[tilespmem:$0x1D990] =	vst v63  }
0x1e0: {  	_ =	swait.ge [sflag:s24], $0x1400  }
0x1e1: {  	[sflag:s24] =	ssyncset.done $0x0  }
0x1e2: {  	[sflag:s24] =	ssyncadd.s32 $0xFFFFEC00  }
0x1e3: {  	[spmem:s4] =	stream.indirect.scatter.add.f32 [tilespmem:s1], [sflag:$0x2], $0x40, s12, s2, $0xb8;
	[tilespmem:$0x1D990] =	vst v63  }
0x1e4: {  	s11 =	simm.s32 $0x190  }
0x1e5: {  	[tilespmem:s25], [sflag:$0x1] =	stream.indirect.gather [hbm4b:s19+s2], $0x40, s11, s2, $0xb8;
	[tilespmem:$0x1D990] =	vst v63  }
0x1e6: {  	_ =	swait.ge [sflag:s24], $0x1400  }
0x1e7: {  	[sflag:s24] =	ssyncset.done $0x0  }
0x1e8: {  	s12 =	simm.s32 $0x4E70;
	[sflag:s24] =	ssyncadd.s32 $0xFFFFEC00  }
0x1e9: {  	[spmem:s4] =	stream.indirect.scatter.add.f32 [tilespmem:s7], [sflag:$0x2], $0x40, s12, s2, $0xb8;
	[tilespmem:$0x1D990] =	vst v63  }
0x1ea: {  	_ =	swait.ge [sflag:s21], $0x1400  }
0x1eb: {  	[sflag:s21] =	ssyncset.done $0x0  }
0x1ec: {  	s14 =	simm.s32 $0x1E0;
	[sflag:s21] =	ssyncadd.s32 $0xFFFFEC00  }
0x1ed: {  	[tilespmem:s1], [sflag:$0x1] =	stream.indirect.gather [hbm4b:s19+s2], $0x40, s14, s2, $0xb8;
	[tilespmem:$0x1D990] =	vst v63  }
0x1ee: {  	_ =	swait.ge [sflag:s24], $0x1400  }
0x1ef: {  	[sflag:s24] =	ssyncset.done $0x0  }
0x1f0: {  	s15 =	simm.s32 $0x4EC0;
	[sflag:s24] =	ssyncadd.s32 $0xFFFFEC00  }
0x1f1: {  	[spmem:s4] =	stream.indirect.scatter.add.f32 [tilespmem:s20], [sflag:$0x2], $0x40, s15, s2, $0xb8;
	[tilespmem:$0x1D990] =	vst v63  }
0x1f2: {  	_ =	swait.ge [sflag:s21], $0x1400  }
0x1f3: {  	[sflag:s21] =	ssyncset.done $0x0  }
0x1f4: {  	s18 =	simm.s32 $0x230;
	[sflag:s21] =	ssyncadd.s32 $0xFFFFEC00  }
0x1f5: {  	[tilespmem:s7], [sflag:$0x1] =	stream.indirect.gather [hbm4b:s19+s2], $0x40, s18, s2, $0xb8;
	[tilespmem:$0x1D990] =	vst v63  }
0x1f6: {  	_ =	swait.ge [sflag:s24], $0x1400  }
0x1f7: {  	[sflag:s24] =	ssyncset.done $0x0  }
0x1f8: {  	s28 =	simm.s32 $0x4F10;
	[sflag:s24] =	ssyncadd.s32 $0xFFFFEC00  }
0x1f9: {  	[spmem:s4] =	stream.indirect.scatter.add.f32 [tilespmem:s22], [sflag:$0x2], $0x40, s28, s2, $0xb8;
	[tilespmem:$0x1D990] =	vst v63  }
0x1fa: {  	_ =	swait.ge [sflag:s21], $0x1400  }
0x1fb: {  	[sflag:s21] =	ssyncset.done $0x0  }
0x1fc: {  	s30 =	simm.s32 $0x280;
	[sflag:s21] =	ssyncadd.s32 $0xFFFFEC00  }
0x1fd: {  	[tilespmem:s20], [sflag:$0x1] =	stream.indirect.gather [hbm4b:s19+s2], $0x40, s30, s2, $0xb8;
	[tilespmem:$0x1D990] =	vst v63  }
.LBB2_8:
0x1fe: {  	_ =	swait.ge [sflag:s24], $0x1400  }
0x1ff: {  	s8 =	sshra.s32 s16, $0x2;
	[sflag:s24] =	ssyncset.done $0x0  }
0x200: {  	s5 =	sadd.s32 $0x4F60, s8;
	[sflag:s24] =	ssyncadd.s32 $0xFFFFEC00  }
0x201: {  	[spmem:s4] =	stream.indirect.scatter.add.f32 [tilespmem:s23], [sflag:$0x2], $0x40, s5, s2, $0xb8;
	[tilespmem:$0x1D990] =	vst v63  }
0x202: {  	_ =	swait.ge [sflag:s21], $0x1400  }
0x203: {  	[sflag:s21] =	ssyncset.done $0x0  }
0x204: {  	s10 =	sadd.s32 $0x2D0, s8;
	[sflag:s21] =	ssyncadd.s32 $0xFFFFEC00  }
0x205: {  	[tilespmem:s22], [sflag:$0x1] =	stream.indirect.gather [hbm4b:s19+s2], $0x40, s10, s2, $0xb8;
	[tilespmem:$0x1D990] =	vst v63  }
0x206: {  	_ =	swait.ge [sflag:s24], $0x1400  }
0x207: {  	[sflag:s24] =	ssyncset.done $0x0  }
0x208: {  	s11 =	sadd.s32 $0x4FB0, s8;
	[sflag:s24] =	ssyncadd.s32 $0xFFFFEC00  }
0x209: {  	[spmem:s4] =	stream.indirect.scatter.add.f32 [tilespmem:s25], [sflag:$0x2], $0x40, s11, s2, $0xb8;
	[tilespmem:$0x1D990] =	vst v63  }
0x20a: {  	_ =	swait.ge [sflag:s21], $0x1400  }
0x20b: {  	p0 =	seq.s32 s16, $0x12C00;
	[sflag:s21] =	ssyncset.done $0x0  }
0x20c: {  	s5 =	simm.s32 @p0 $0x1;
	[sflag:s21] =	ssyncadd.s32 $0xFFFFEC00  }
0x20d: {  	_ =	swait.ge @p0 [sflag:s5], $0x1400  }
0x20e: {  	s6 =	sshra.s32 @p0 s16, $0x2;
	s15 =	simm.s32 @p0 $0x50;
	[sflag:s5] =	ssyncset.done @p0 $0x0  }
0x20f: {  	s18 =	simm.s32 @p0 $0x9C40;
	s14 =	sadd.s32 @p0 $0x5000, s6;
	[sflag:s5] =	ssyncadd.s32 @p0 $0xFFFFEC00  }
0x210: {  	[spmem:s4] =	stream.indirect.scatter.add.f32 @p0 [tilespmem:s18], [sflag:$0x2], $0x40, s14, s15, $0xb8;
	[tilespmem:$0x1D990] =	vst v63  }
0x211: {  	s14 =	simm.s32 @p0 $0x2  }
0x212: {  	_ =	swait.ge @p0 [sflag:s14], $0x1400  }
0x213: {  	s30 =	simm.s32 @!p0 $0x50;
	s18 =	sshra.s32 @!p0 s16, $0x2;
	[sflag:s14] =	ssyncset.done @p0 $0x0  }
0x214: {  	s9 =	simm.s32 @!p0 $0xEC40;
	s28 =	sadd.s32 @!p0 $0x320, s18;
	[sflag:s14] =	ssyncadd.s32 @p0 $0xFFFFEC00  }
0x215: {  	[tilespmem:s9], [sflag:$0x1] =	stream.indirect.gather @!p0 [hbm4b:s19+s30], $0x40, s28, s30, $0xb8;
	[tilespmem:$0x1D990] =	vst v63  }
0x216: {  	s9 =	simm.s32 @!p0 $0x1  }
0x217: {  	_ =	swait.ge @!p0 [sflag:s9], $0x1400  }
0x218: {  	[sflag:s9] =	ssyncset.done @!p0 $0x0  }
0x219: {  	s10 =	simm.s32 @!p0 $0x9C40;
	s28 =	sadd.s32 @!p0 $0x5000, s18;
	[sflag:s9] =	ssyncadd.s32 @!p0 $0xFFFFEC00  }
0x21a: {  	[spmem:s4] =	stream.indirect.scatter.add.f32 @!p0 [tilespmem:s10], [sflag:$0x2], $0x40, s28, s30, $0xb8;
	[tilespmem:$0x1D990] =	vst v63  }
0x21b: {  	s28 =	simm.s32 @!p0 $0x2  }
0x21c: {  	_ =	swait.ge @!p0 [sflag:s28], $0x1400  }
0x21d: {  	[sflag:s28] =	ssyncset.done @!p0 $0x0  }
0x21e: {  	s12 =	simm.s32 @!p0 $0x10040;
	s11 =	sadd.s32 @!p0 $0x370, s18;
	[sflag:s28] =	ssyncadd.s32 @!p0 $0xFFFFEC00  }
0x21f: {  	[tilespmem:s12], [sflag:$0x1] =	stream.indirect.gather @!p0 [hbm4b:s19+s30], $0x40, s11, s30, $0xb8;
	[tilespmem:$0x1D990] =	vst v63  }
0x220: {  	_ =	swait.ge [sflag:s24], $0x1400  }
0x221: {  	[sflag:s24] =	ssyncset.done $0x0  }
0x222: {  	s12 =	sadd.s32 $0x5050, s8;
	[sflag:s24] =	ssyncadd.s32 $0xFFFFEC00  }
0x223: {  	[spmem:s4] =	stream.indirect.scatter.add.f32 [tilespmem:s7], [sflag:$0x2], $0x40, s12, s2, $0xb8;
	[tilespmem:$0x1D990] =	vst v63  }
0x224: {  	_ =	swait.ge [sflag:s21], $0x1400  }
0x225: {  	[sflag:s21] =	ssyncset.done $0x0  }
0x226: {  	[sflag:s21] =	ssyncadd.s32 $0xFFFFEC00  }
0x227: {  	_ =	swait.ge @p0 [sflag:s5], $0x1400  }
0x228: {  	[sflag:s5] =	ssyncset.done @p0 $0x0  }
0x229: {  	[sflag:s5] =	ssyncadd.s32 @p0 $0xFFFFEC00;
	s5 =	sadd.s32 @p0 $0x50A0, s6;
	s6 =	simm.s32 @p0 $0xC440  }
0x22a: {  	[spmem:s4] =	stream.indirect.scatter.add.f32 @p0 [tilespmem:s6], [sflag:$0x2], $0x40, s5, s15, $0xb8;
	[tilespmem:$0x1D990] =	vst v63  }
0x22b: {  	_ =	swait.ge @p0 [sflag:s14], $0x1400  }
0x22c: {  	[sflag:s14] =	ssyncset.done @p0 $0x0  }
0x22d: {  	s5 =	sadd.s32 @!p0 $0x3C0, s18;
	[sflag:s14] =	ssyncadd.s32 @p0 $0xFFFFEC00  }
0x22e: {  	[tilespmem:s10], [sflag:$0x1] =	stream.indirect.gather @!p0 [hbm4b:s19+s30], $0x40, s5, s30, $0xb8;
	[tilespmem:$0x1D990] =	vst v63  }
0x22f: {  	_ =	swait.ge @!p0 [sflag:s9], $0x1400  }
0x230: {  	[sflag:s9] =	ssyncset.done @!p0 $0x0  }
0x231: {  	s6 =	simm.s32 @!p0 $0xC440;
	s5 =	sadd.s32 @!p0 $0x50A0, s18;
	[sflag:s9] =	ssyncadd.s32 @!p0 $0xFFFFEC00  }
0x232: {  	[spmem:s4] =	stream.indirect.scatter.add.f32 @!p0 [tilespmem:s6], [sflag:$0x2], $0x40, s5, s30, $0xb8;
	[tilespmem:$0x1D990] =	vst v63  }
0x233: {  	_ =	swait.ge @!p0 [sflag:s28], $0x1400  }
0x234: {  	[sflag:s28] =	ssyncset.done @!p0 $0x0  }
0x235: {  	s5 =	sadd.s32 @!p0 $0x410, s18;
	s6 =	simm.s32 @!p0 $0xB040;
	[sflag:s28] =	ssyncadd.s32 @!p0 $0xFFFFEC00  }
0x236: {  	[tilespmem:s6], [sflag:$0x1] =	stream.indirect.gather @!p0 [hbm4b:s19+s30], $0x40, s5, s30, $0xb8;
	[tilespmem:$0x1D990] =	vst v63  }
0x237: {  	_ =	swait.ge [sflag:s24], $0x1400  }
0x238: {  	[sflag:s24] =	ssyncset.done $0x0  }
.Ltmp5:
0x239: {  	s30 =	sadd.s32 $0x50F0, s8;
	[sflag:s24] =	ssyncadd.s32 $0xFFFFEC00;
	(pc) =	sbr.rel @p0 .LBB2_10-.Ltmp5, $4  }
0x23a: {  	[spmem:s4] =	stream.indirect.scatter.add.f32 [tilespmem:s22], [sflag:$0x2], $0x40, s30, s2, $0xb8;
	[tilespmem:$0x1D990] =	vst v63  }
0x23b: {  	_ =	swait.ge [sflag:s21], $0x1400  }
0x23c: {  	[sflag:s21] =	ssyncset.done $0x0  }
0x23d: {  	[sflag:s21] =	ssyncadd.s32 $0xFFFFEC00  }
.Ltmp6:
0x23e: {  	(pc) =	sbr.rel .LBB2_8-.Ltmp6, $3  }
0x23f: {  	_ =	sdelay $0x1  }
0x240: {  	s5 =	sadd.s32 $0x460, s8;
	s16 =	sadd.s32 $0x780, s16  }
0x241: {  	[tilespmem:s20], [sflag:$0x1] =	stream.indirect.gather [hbm4b:s19+s2], $0x40, s5, s2, $0xb8;
	[tilespmem:$0x1D990] =	vst v63  }
.LBB2_11:
0x242: {  	_ =	sfence.sel $0x180000  }
0x243: {  	[bflag:$0x0] =	sbarrier.arrive $0xFFFF  }
0x244: {  	_ =	strace $0x90000047  }
0x245: {  	s0 =	stileid.u32;
	[bflag:$0x2] =	sbarrier.arrive $0xFFFF  }
0x246: {  	p0 =	sne.s32 s0, $0x0;
	s0 =	rddreg [dreg:$0x6]  }
0x247: {  	s0 =	sadd.s32 @!p0 $0x100000, s0  }
0x248: {  	[sflag:s0] =	ssyncadd.tile.s32 @!p0 $0x1;
	_ =	shalt  }
.Lfunc_end2:
_tile_overlayer_lowered:
.L_overlay_start_2:
0x249: {  	(tag) =	ssettag $0x2  }
0x24a: {  	s0 =	rddreg [dreg:$0x0];
	s2 =	stileid.u32  }
0x24b: {  	s1 =	rddreg [dreg:$0x1];
	p0 =	sne.s32 s2, $0x0  }
0x24c: {  	s3 =	rddreg [dreg:$0x2];
	[bflag:$0x3] =	sbarrier.arrive $0xFFFF;
	s2 =	simm.s32 @!p0 $0x1C03  }
0x24d: {  	[timem:s3], [sflag:s2] =	dma.local @!p0 [hbm:s0], s1  }
0x24e: {  	s0 =	simm.s32 @!p0 $0x3  }
0x24f: {  	_ =	swait.ge @!p0 [sflag:s0], s1  }
0x250: {  	s1 =	ssub.s32 @!p0 $0x0, s1;
	[sflag:s0] =	ssyncset.done @!p0 $0x0  }
0x251: {  	[sflag:s0] =	ssyncadd.s32 @!p0 s1  }
0x252: {  	[bflag:$0x3] =	sbarrier.arrive $0xFFFF  }
0x253: {  	_ =	shalt  }

</sc_bundles>
